<compile_context>
chip_gen: v7x
topology: tpu7x:2x2x1
jax: 0.10.2.dev20260603
libtpu: 0.0.44.dev20260713+nightly
codegen_flags: <defaults>
</compile_context>

<pallas_src>
import functools

import jax
import jax.numpy as jnp
from jax import lax
from jax.experimental import pallas as pl
from jax.experimental.pallas import tpu as pltpu
from jax.experimental.pallas import tpu_sc as plsc

BEAM = 4
VOCAB = 100000
PAD = 1
ROWS = 512
BSZ = ROWS // BEAM
K2 = 2 * BEAM

NC, NS, L = 2, 16, 16
NW = NC * NS
HA = 48000
HB = VOCAB - HA
UNITS = ROWS * 2
UNITS_PER_W = UNITS // NW
PAIRS = UNITS_PER_W // 2
GROUP = 5
UNROLL = 5

CAPJ = 32
NCAND = GROUP * CAPJ * L

NEG = float("-inf")


def _merge_slice(x, iv, V, I):
    xd, xid = plsc.sort_key_val(x, iv, descending=True)
    keep = xd > V
    V2 = jnp.where(keep, xd, V)
    I2 = jnp.where(keep, xid, I)
    Vn, In = plsc.sort_key_val(V2, I2, descending=False)
    return (Vn, In)


def _sc_body(logits_hbm, stat_hbm, idx_hbm,
             buf0, buf1, candi, vstage, istage, sem0, sem1):
    wid = lax.axis_index("s") * NC + lax.axis_index("c")
    lane = lax.iota(jnp.int32, L)
    ubase = wid * UNITS_PER_W

    def zi(j, _):
        candi[pl.ds(j * L, L)] = jnp.zeros((L,), jnp.int32)
        return 0

    lax.fori_loop(0, NCAND // L, zi, 0)

    def process(rowbuf, u, ulen, even):
        neg = jnp.full((L,), NEG, jnp.float32)

        def a_body(base, ms):
            ma, mb = ms
            xs = [rowbuf[pl.ds(base + j * L, L)] for j in range(GROUP)]
            ta = jnp.maximum(jnp.maximum(xs[0], xs[1]),
                             jnp.maximum(xs[2], xs[3]))
            return (jnp.maximum(ma, ta), jnp.maximum(mb, xs[4]))

        ma, mb = plsc.parallel_loop(
            0, ulen // 2, step=GROUP * L, unroll=UNROLL,
            carry=(neg, neg))(a_body)
        mh = jnp.maximum(ma, mb)

        t = mh
        for k in (8, 4, 2, 1):
            perm = (lane + k) & (L - 1)
            t = jnp.minimum(t, t.at[perm].get(mode="promise_in_bounds"))
        thr = t

        wrap = CAPJ * L - 1

        def b_body(base, carry):
            sacc = list(carry[:GROUP])
            cnts = list(carry[GROUP:])
            for j in range(GROUP):
                x = rowbuf[pl.ds(base + j * L, L)]
                sacc[j] = sacc[j] + jnp.exp(x - mh)
                hitm = x >= thr
                idxv = base + j * L + lane
                pos = (cnts[j] & wrap) + j * (CAPJ * L)
                plsc.store_scatter(candi, [pos], idxv, mask=hitm)
                cnts[j] = cnts[j] + jnp.where(hitm, L, 0)
            return (*sacc, *cnts)

        z = jnp.zeros((L,), jnp.float32)
        out = plsc.parallel_loop(
            0, ulen, step=GROUP * L, unroll=UNROLL,
            carry=(z,) * GROUP + (lane,) * GROUP)(b_body)
        sacc = out[:GROUP]
        cnts = out[GROUP:]
        s = (sacc[0] + sacc[1]) + (sacc[2] + sacc[3]) + sacc[4]

        cmax = cnts[0]
        for j in range(1, GROUP):
            cmax = jnp.maximum(cmax, cnts[j])
        overflow = jnp.any(cmax - lane > wrap)

        padloc = PAD if even else -1

        def fast(ops):
            V, I = ops
            for j in range(GROUP):
                nslots = jnp.max(cnts[j] - lane) // L
                rb = j * (CAPJ * L)

                def mbody(q, VI, j=j, rb=rb):
                    V, I = VI
                    iv = candi[pl.ds(rb + q * L, L)]
                    valid = (cnts[j] - lane) > q * L
                    xv = plsc.load_gather(rowbuf, [iv])
                    x = jnp.where(valid & (iv != padloc), xv, NEG)
                    return _merge_slice(x, iv, V, I)

                V, I = lax.fori_loop(0, nslots, mbody, (V, I))
            return (V, I)

        def slow(ops):
            def mslice(ti, VI):
                V, I = VI
                x = rowbuf[pl.ds(ti * L, L)]
                iv = ti * L + lane
                x = jnp.where(iv == padloc, NEG, x)
                return _merge_slice(x, iv, V, I)

            return lax.fori_loop(0, ulen // L, mslice, ops)

        vinit = (jnp.full((L,), NEG, jnp.float32), jnp.zeros((L,), jnp.int32))
        V, I = lax.cond(overflow, slow, fast, vinit)

        vstage[0] = mh
        vstage[1] = s
        vstage[2] = V
        istage[...] = I if even else I + HA
        pltpu.sync_copy(vstage, stat_hbm.at[u])
        pltpu.sync_copy(istage, idx_hbm.at[u])

    def src_even(u):
        return logits_hbm.at[u // 2, pl.ds(0, HA)]

    def src_odd(u):
        return logits_hbm.at[u // 2, pl.ds(HA, HB)]

    pltpu.make_async_copy(src_even(ubase), buf0, sem0).start()

    def pair_body(p, _):
        ue = ubase + 2 * p
        pltpu.make_async_copy(src_odd(ue + 1), buf1, sem1).start()
        pltpu.make_async_copy(src_even(ue), buf0, sem0).wait()
        process(buf0, ue, HA, True)

        @pl.when(p < PAIRS - 1)
        def _prefetch():
            pltpu.make_async_copy(src_even(ue + 2), buf0, sem0).start()

        pltpu.make_async_copy(src_odd(ue + 1), buf1, sem1).wait()
        process(buf1, ue + 1, HB, False)
        return 0

    lax.fori_loop(0, PAIRS, pair_body, 0)


_sc_topk = functools.partial(
    pl.kernel,
    out_type=[
        jax.ShapeDtypeStruct((UNITS, 3, L), jnp.float32),
        jax.ShapeDtypeStruct((UNITS, L), jnp.int32),
    ],
    mesh=plsc.VectorSubcoreMesh(
        core_axis_name="c", subcore_axis_name="s",
        num_cores=NC, num_subcores=NS),
    scratch_types=[
        pltpu.VMEM((HA,), jnp.float32),
        pltpu.VMEM((HB,), jnp.float32),
        pltpu.VMEM((NCAND,), jnp.int32),
        pltpu.VMEM((3, L), jnp.float32),
        pltpu.VMEM((L,), jnp.int32),
        pltpu.SemaphoreType.DMA,
        pltpu.SemaphoreType.DMA,
    ],
    compiler_params=pltpu.CompilerParams(needs_layout_passes=False),
)(_sc_body)


NLANE = 2 * BEAM * L


def _tc_merge_body(m_ref, s_ref, v_ref, i_ref, sc_ref, os_ref, ot_ref, ob_ref):
    m = m_ref[...]
    s = s_ref[...]
    V = v_ref[...]
    I = i_ref[...]
    sc = sc_ref[...]

    pos = lax.broadcasted_iota(jnp.int32, (BSZ, NLANE), 1)
    seg = pos // (2 * L)
    offs = jnp.zeros((BSZ, NLANE), jnp.float32)
    for j in range(BEAM):
        maskj = seg == j
        mj = jnp.max(jnp.where(maskj, m, NEG), axis=1, keepdims=True)
        sj = jnp.sum(jnp.where(maskj, s * jnp.exp(m - mj), 0.0),
                     axis=1, keepdims=True)
        offj = sc[:, j:j + 1] - (mj + jnp.log(sj))
        offs = jnp.where(maskj, offj, offs)

    cand = V + offs
    flat = I + seg * VOCAB
    big = jnp.int32(2**31 - 1)
    vals, flats = [], []
    for _ in range(K2):
        cur = jnp.max(cand, axis=1, keepdims=True)
        cf = jnp.min(jnp.where(cand == cur, flat, big), axis=1, keepdims=True)
        vals.append(cur)
        flats.append(cf)
        cand = jnp.where(flat == cf, NEG, cand)
    ts = jnp.concatenate(vals, axis=1)
    tf = jnp.concatenate(flats, axis=1)
    os_ref[...] = ts
    ot_ref[...] = tf % VOCAB
    ob_ref[...] = tf // VOCAB


_tc_merge = pl.pallas_call(
    _tc_merge_body,
    out_shape=(
        jax.ShapeDtypeStruct((BSZ, K2), jnp.float32),
        jax.ShapeDtypeStruct((BSZ, K2), jnp.int32),
        jax.ShapeDtypeStruct((BSZ, K2), jnp.int32),
    ),
)


def kernel(logits, scores):
    stat, idx = _sc_topk(logits)
    m4 = stat[:, 0, :].reshape(BSZ, NLANE)
    s4 = stat[:, 1, :].reshape(BSZ, NLANE)
    v4 = stat[:, 2, :].reshape(BSZ, NLANE)
    i4 = idx.reshape(BSZ, NLANE)
    sc4 = scores.reshape(BSZ, BEAM)
    return _tc_merge(m4, s4, v4, i4, sc4)

# --- scband reference (transcript-rebuilt; emitter-appended) ---
"""Pipeline reference for scband-simple-sequence-generator-84679575208425 (READ-ONLY COPY).

The authoritative reference and input builder live on the scoring server;
editing this copy changes nothing except your own understanding.
"""

import jax, jax.numpy as jnp
import numpy as np

BEAM = 4
VOCAB = 100000
PAD = 1
EOS = 2
UNK = 3
TEMPERATURE = 1.0
UNK_PENALTY = 0.0


def setup_inputs(seed: int = 0) -> dict:
    key = jax.random.key(seed)
    k1, k2 = jax.random.split(key)
    logits = jax.random.normal(k1, (512, VOCAB), dtype=jnp.float32)
    scores = jax.random.normal(k2, (512,), dtype=jnp.float32)
    return {"logits": logits, "scores": scores}


def reference(logits, scores):
    # One decoding step of SimpleSequenceGenerator / EnsembleModel.forward_decoder
    # with a single model: get_normalized_probs -> log_softmax(logits / temperature)
    lprobs = jax.nn.log_softmax(logits / TEMPERATURE, axis=-1)
    # unk penalty: lprobs[:, unk] -= unk_penalty
    unk_mask = jax.nn.one_hot(UNK, VOCAB, dtype=lprobs.dtype)
    lprobs = lprobs - UNK_PENALTY * unk_mask
    # never select pad: lprobs[:, pad] = -inf
    col = jnp.arange(VOCAB)
    lprobs = jnp.where(col[None, :] == PAD, -jnp.inf, lprobs)
    # BeamSearch.step: add cumulative beam scores, flatten beam x vocab, take top 2*beam
    bsz = logits.shape[0] // BEAM
    cand = lprobs + scores[:, None]
    cand = cand.reshape(bsz, BEAM * VOCAB)
    top_scores, top_idx = jax.lax.top_k(cand, 2 * BEAM)
    beams = top_idx // VOCAB
    tokens = top_idx % VOCAB
    return top_scores, tokens.astype(jnp.int32), beams.astype(jnp.int32)

if __name__ == "__main__":
    import jax
    _d = setup_inputs()
    print(jax.jit(kernel)(*tuple(_d.values())))

</pallas_src>

<mosaic_0001>
#map = affine_map<(d0, d1) -> (0, 0)>
#map1 = affine_map<(d0, d1) -> (0, 0, 0)>
module attributes {stable_mosaic.version = 14 : i64} {
  func.func @_sc_body(%arg0: i32, %arg1: i32, %arg2: memref<512x100000xf32, #tpu.memory_space<hbm>>, %arg3: memref<1024x3x16xf32, #tpu.memory_space<hbm>>, %arg4: memref<1024x16xi32, #tpu.memory_space<hbm>>, %arg5: memref<48000xf32, #tpu.memory_space<vmem>>, %arg6: memref<52000xf32, #tpu.memory_space<vmem>>, %arg7: memref<2560xi32, #tpu.memory_space<vmem>>, %arg8: memref<3x16xf32, #tpu.memory_space<vmem>>, %arg9: memref<16xi32, #tpu.memory_space<vmem>>, %arg10: memref<!tpu.dma_semaphore, #tpu.memory_space<semaphore_mem>>, %arg11: memref<!tpu.dma_semaphore, #tpu.memory_space<semaphore_mem>>) attributes {dimension_semantics = [#tpu.dimension_semantics<core_parallel>, #tpu.dimension_semantics<subcore_parallel>], iteration_bounds = array<i64: 2, 16>, scalar_prefetch = 0 : i64, scratch_operands = 7 : i64, tpu.core_type = #tpu.core_type<sc_vector_subcore>, window_params = [{transform_indices = #map}, {transform_indices = #map1}, {transform_indices = #map}]} {
    %mul3A = arith.constant 2 : i32
    %mul3A_0 = arith.muli %arg1, %mul3A : i32
    %add3A = arith.addi %mul3A_0, %arg0 : i32
    %iota3A = tpu.iota {dimensions = array<i32: 0>} : vector<16xi32>
    %mul3A_1 = arith.constant 32 : i32
    %mul3A_2 = arith.muli %add3A, %mul3A_1 : i32
    %scan3A = arith.constant 0 : i32
    %scan3A_3 = arith.constant 0 : i32
    %scan3A_4 = arith.constant 160 : i32
    %scan3A_5 = arith.addi %scan3A_3, %scan3A_4 : i32
    %scan3A_6 = arith.constant 1 : i32
    %scan3A_7 = scf.for %scan3A_37 = %scan3A_3 to %scan3A_5 step %scan3A_6 iter_args(%scan3A_38 = %scan3A) -> (i32)  : i32 {
      %broadcast_in_dim3A = arith.constant 0 : i32
      %broadcast_in_dim3A_39 = vector.broadcast %broadcast_in_dim3A : i32 to vector<16xi32>
      %mul3A_40 = arith.constant 16 : i32
      %mul3A_41 = arith.muli %scan3A_37, %mul3A_40 : i32
      %swap3A = arith.index_cast %mul3A_41 : i32 to index
      %swap3A_42 = tpu.vector_load %arg7[%swap3A] {strides = array<i32>} : memref<2560xi32, #tpu.memory_space<vmem>>, vector<16xi32>,
      tpu.vector_store %arg7[%swap3A], %broadcast_in_dim3A_39 {strides = array<i32>} : memref<2560xi32, #tpu.memory_space<vmem>>, vector<16xi32>,
      %scan3A_43 = arith.constant 0 : i32
      scf.yield %scan3A_43 : i32
    }
    %scan3A_8 = arith.constant 160 : i32
    %jit3A = arith.constant 2 : i32
    %div3A = arith.divsi %mul3A_2, %jit3A : i32
    %sign3A = arith.constant 0 : i32
    %sign3A_9 = arith.cmpi sgt, %mul3A_2, %sign3A : i32
    %sign3A_10 = arith.extui %sign3A_9 : i1 to i32
    %sign3A_11 = arith.constant 0 : i32
    %sign3A_12 = arith.cmpi slt, %mul3A_2, %sign3A_11 : i32
    %sign3A_13 = arith.extui %sign3A_12 : i1 to i32
    %sign3A_14 = arith.subi %sign3A_10, %sign3A_13 : i32
    %sign3A_15 = arith.constant 0 : i32
    %sign3A_16 = arith.cmpi sgt, %jit3A, %sign3A_15 : i32
    %sign3A_17 = arith.extui %sign3A_16 : i1 to i32
    %sign3A_18 = arith.constant 0 : i32
    %sign3A_19 = arith.cmpi slt, %jit3A, %sign3A_18 : i32
    %sign3A_20 = arith.extui %sign3A_19 : i1 to i32
    %sign3A_21 = arith.subi %sign3A_17, %sign3A_20 : i32
    %ne3A = arith.cmpi ne, %sign3A_14, %sign3A_21 : i32
    %rem3A = arith.remsi %mul3A_2, %jit3A : i32
    %ne3A_22 = arith.constant 0 : i32
    %ne3A_23 = arith.cmpi ne, %rem3A, %ne3A_22 : i32
    %and3A = arith.andi %ne3A, %ne3A_23 : i1
    %sub3A = arith.constant 1 : i32
    %sub3A_24 = arith.subi %div3A, %sub3A : i32
    %select_n3A = arith.select %and3A, %sub3A_24, %div3A : i32
    %dma_start3A = arith.constant 0 : i32
    %dma_start3A_25 = tpu.memref_slice %arg2[%select_n3A, %dma_start3A] : memref<512x100000xf32, #tpu.memory_space<hbm>> -> memref<1x48000xf32, #tpu.memory_space<hbm>>
    %dma_start3A_26 = tpu.memref_squeeze %dma_start3A_25 : memref<1x48000xf32, #tpu.memory_space<hbm>> -> memref<48000xf32, #tpu.memory_space<hbm>>
    %dma_start3A_27 = arith.constant 0 : i32
    %dma_start3A_28 = tpu.memref_slice %arg2[%select_n3A, %dma_start3A_27] : memref<512x100000xf32, #tpu.memory_space<hbm>> -> memref<1x48000xf32, #tpu.memory_space<hbm>>
    %dma_start3A_29 = tpu.memref_squeeze %dma_start3A_28 : memref<1x48000xf32, #tpu.memory_space<hbm>> -> memref<48000xf32, #tpu.memory_space<hbm>>
    tpu.enqueue_dma source(%dma_start3A_29 : memref<48000xf32, #tpu.memory_space<hbm>>) target(%arg5 : memref<48000xf32, #tpu.memory_space<vmem>>) target_semaphore(%arg10 : memref<!tpu.dma_semaphore, #tpu.memory_space<semaphore_mem>>)
    %scan3A_30 = arith.constant 0 : i32
    %scan3A_31 = arith.constant 0 : i32
    %scan3A_32 = arith.constant 16 : i32
    %scan3A_33 = arith.addi %scan3A_31, %scan3A_32 : i32
    %scan3A_34 = arith.constant 1 : i32
    %scan3A_35 = scf.for %scan3A_37 = %scan3A_31 to %scan3A_33 step %scan3A_34 iter_args(%scan3A_38 = %scan3A_30) -> (i32)  : i32 {
      %mul3A_39 = arith.constant 2 : i32
      %mul3A_40 = arith.muli %mul3A_39, %scan3A_37 : i32
      %add3A_41 = arith.addi %mul3A_2, %mul3A_40 : i32
      %add3A_42 = arith.constant 1 : i32
      %add3A_43 = arith.addi %add3A_41, %add3A_42 : i32
      %jit3A_44 = arith.constant 2 : i32
      %div3A_45 = arith.divsi %add3A_43, %jit3A_44 : i32
      %sign3A_46 = arith.constant 0 : i32
      %sign3A_47 = arith.cmpi sgt, %add3A_43, %sign3A_46 : i32
      %sign3A_48 = arith.extui %sign3A_47 : i1 to i32
      %sign3A_49 = arith.constant 0 : i32
      %sign3A_50 = arith.cmpi slt, %add3A_43, %sign3A_49 : i32
      %sign3A_51 = arith.extui %sign3A_50 : i1 to i32
      %sign3A_52 = arith.subi %sign3A_48, %sign3A_51 : i32
      %sign3A_53 = arith.constant 0 : i32
      %sign3A_54 = arith.cmpi sgt, %jit3A_44, %sign3A_53 : i32
      %sign3A_55 = arith.extui %sign3A_54 : i1 to i32
      %sign3A_56 = arith.constant 0 : i32
      %sign3A_57 = arith.cmpi slt, %jit3A_44, %sign3A_56 : i32
      %sign3A_58 = arith.extui %sign3A_57 : i1 to i32
      %sign3A_59 = arith.subi %sign3A_55, %sign3A_58 : i32
      %ne3A_60 = arith.cmpi ne, %sign3A_52, %sign3A_59 : i32
      %rem3A_61 = arith.remsi %add3A_43, %jit3A_44 : i32
      %ne3A_62 = arith.constant 0 : i32
      %ne3A_63 = arith.cmpi ne, %rem3A_61, %ne3A_62 : i32
      %and3A_64 = arith.andi %ne3A_60, %ne3A_63 : i1
      %sub3A_65 = arith.constant 1 : i32
      %sub3A_66 = arith.subi %div3A_45, %sub3A_65 : i32
      %select_n3A_67 = arith.select %and3A_64, %sub3A_66, %div3A_45 : i32
      %dma_start3A_68 = arith.constant 48000 : i32
      %dma_start3A_69 = tpu.memref_slice %arg2[%select_n3A_67, %dma_start3A_68] : memref<512x100000xf32, #tpu.memory_space<hbm>> -> memref<1x52000xf32, #tpu.memory_space<hbm>>
      %dma_start3A_70 = tpu.memref_squeeze %dma_start3A_69 : memref<1x52000xf32, #tpu.memory_space<hbm>> -> memref<52000xf32, #tpu.memory_space<hbm>>
      %dma_start3A_71 = arith.constant 48000 : i32
      %dma_start3A_72 = tpu.memref_slice %arg2[%select_n3A_67, %dma_start3A_71] : memref<512x100000xf32, #tpu.memory_space<hbm>> -> memref<1x52000xf32, #tpu.memory_space<hbm>>
      %dma_start3A_73 = tpu.memref_squeeze %dma_start3A_72 : memref<1x52000xf32, #tpu.memory_space<hbm>> -> memref<52000xf32, #tpu.memory_space<hbm>>
      tpu.enqueue_dma source(%dma_start3A_73 : memref<52000xf32, #tpu.memory_space<hbm>>) target(%arg6 : memref<52000xf32, #tpu.memory_space<vmem>>) target_semaphore(%arg11 : memref<!tpu.dma_semaphore, #tpu.memory_space<semaphore_mem>>)
      %jit3A_74 = arith.constant 2 : i32
      %div3A_75 = arith.divsi %add3A_41, %jit3A_74 : i32
      %sign3A_76 = arith.constant 0 : i32
      %sign3A_77 = arith.cmpi sgt, %add3A_41, %sign3A_76 : i32
      %sign3A_78 = arith.extui %sign3A_77 : i1 to i32
      %sign3A_79 = arith.constant 0 : i32
      %sign3A_80 = arith.cmpi slt, %add3A_41, %sign3A_79 : i32
      %sign3A_81 = arith.extui %sign3A_80 : i1 to i32
      %sign3A_82 = arith.subi %sign3A_78, %sign3A_81 : i32
      %sign3A_83 = arith.constant 0 : i32
      %sign3A_84 = arith.cmpi sgt, %jit3A_74, %sign3A_83 : i32
      %sign3A_85 = arith.extui %sign3A_84 : i1 to i32
      %sign3A_86 = arith.constant 0 : i32
      %sign3A_87 = arith.cmpi slt, %jit3A_74, %sign3A_86 : i32
      %sign3A_88 = arith.extui %sign3A_87 : i1 to i32
      %sign3A_89 = arith.subi %sign3A_85, %sign3A_88 : i32
      %ne3A_90 = arith.cmpi ne, %sign3A_82, %sign3A_89 : i32
      %rem3A_91 = arith.remsi %add3A_41, %jit3A_74 : i32
      %ne3A_92 = arith.constant 0 : i32
      %ne3A_93 = arith.cmpi ne, %rem3A_91, %ne3A_92 : i32
      %and3A_94 = arith.andi %ne3A_90, %ne3A_93 : i1
      %sub3A_95 = arith.constant 1 : i32
      %sub3A_96 = arith.subi %div3A_75, %sub3A_95 : i32
      %select_n3A_97 = arith.select %and3A_94, %sub3A_96, %div3A_75 : i32
      %dma_wait3A = arith.constant 0 : i32
      %dma_wait3A_98 = tpu.memref_slice %arg2[%select_n3A_97, %dma_wait3A] : memref<512x100000xf32, #tpu.memory_space<hbm>> -> memref<1x48000xf32, #tpu.memory_space<hbm>>
      %dma_wait3A_99 = tpu.memref_squeeze %dma_wait3A_98 : memref<1x48000xf32, #tpu.memory_space<hbm>> -> memref<48000xf32, #tpu.memory_space<hbm>>
      %dma_wait3A_100 = arith.constant 0 : i32
      %dma_wait3A_101 = tpu.memref_slice %arg2[%select_n3A_97, %dma_wait3A_100] : memref<512x100000xf32, #tpu.memory_space<hbm>> -> memref<1x48000xf32, #tpu.memory_space<hbm>>
      %dma_wait3A_102 = tpu.memref_squeeze %dma_wait3A_101 : memref<1x48000xf32, #tpu.memory_space<hbm>> -> memref<48000xf32, #tpu.memory_space<hbm>>
      tpu.wait_dma2 semaphore(%arg10 : memref<!tpu.dma_semaphore, #tpu.memory_space<semaphore_mem>>) src(%dma_wait3A_102 : memref<48000xf32, #tpu.memory_space<hbm>>) dst(%arg5 : memref<48000xf32, #tpu.memory_space<vmem>>)
      %broadcast_in_dim3A = arith.constant 0xFF800000 : f32
      %broadcast_in_dim3A_103 = vector.broadcast %broadcast_in_dim3A : f32 to vector<16xf32>
      %parallel_loop3A = arith.constant 0 : i32
      %parallel_loop3A_104 = arith.constant 24000 : i32
      %parallel_loop3A_105 = arith.constant 80 : i32
      %parallel_loop3A_106:2 = scf.for %parallel_loop3A_387 = %parallel_loop3A to %parallel_loop3A_104 step %parallel_loop3A_105 iter_args(%parallel_loop3A_388 = %broadcast_in_dim3A_103, %parallel_loop3A_389 = %broadcast_in_dim3A_103) -> (vector<16xf32>, vector<16xf32>)  : i32 {
        %parallel_loop3A_390 = arith.constant 0 : i32
        %parallel_loop3A_391 = arith.addi %parallel_loop3A_387, %parallel_loop3A_390 : i32
        %parallel_loop3A_392 = arith.index_cast %parallel_loop3A_391 : i32 to index
        %parallel_loop3A_393 = tpu.vector_load %arg5[%parallel_loop3A_392] {strides = array<i32>} : memref<48000xf32, #tpu.memory_space<vmem>>, vector<16xf32>,
        %parallel_loop3A_394 = arith.constant 16 : i32
        %parallel_loop3A_395 = arith.addi %parallel_loop3A_387, %parallel_loop3A_394 : i32
        %parallel_loop3A_396 = arith.index_cast %parallel_loop3A_395 : i32 to index
        %parallel_loop3A_397 = tpu.vector_load %arg5[%parallel_loop3A_396] {strides = array<i32>} : memref<48000xf32, #tpu.memory_space<vmem>>, vector<16xf32>,
        %parallel_loop3A_398 = arith.constant 32 : i32
        %parallel_loop3A_399 = arith.addi %parallel_loop3A_387, %parallel_loop3A_398 : i32
        %parallel_loop3A_400 = arith.index_cast %parallel_loop3A_399 : i32 to index
        %parallel_loop3A_401 = tpu.vector_load %arg5[%parallel_loop3A_400] {strides = array<i32>} : memref<48000xf32, #tpu.memory_space<vmem>>, vector<16xf32>,
        %parallel_loop3A_402 = arith.constant 48 : i32
        %parallel_loop3A_403 = arith.addi %parallel_loop3A_387, %parallel_loop3A_402 : i32
        %parallel_loop3A_404 = arith.index_cast %parallel_loop3A_403 : i32 to index
        %parallel_loop3A_405 = tpu.vector_load %arg5[%parallel_loop3A_404] {strides = array<i32>} : memref<48000xf32, #tpu.memory_space<vmem>>, vector<16xf32>,
        %parallel_loop3A_406 = arith.constant 64 : i32
        %parallel_loop3A_407 = arith.addi %parallel_loop3A_387, %parallel_loop3A_406 : i32
        %parallel_loop3A_408 = arith.index_cast %parallel_loop3A_407 : i32 to index
        %parallel_loop3A_409 = tpu.vector_load %arg5[%parallel_loop3A_408] {strides = array<i32>} : memref<48000xf32, #tpu.memory_space<vmem>>, vector<16xf32>,
        %parallel_loop3A_410 = arith.maximumf %parallel_loop3A_393, %parallel_loop3A_397 : vector<16xf32>
        %parallel_loop3A_411 = arith.maximumf %parallel_loop3A_401, %parallel_loop3A_405 : vector<16xf32>
        %parallel_loop3A_412 = arith.maximumf %parallel_loop3A_410, %parallel_loop3A_411 : vector<16xf32>
        %parallel_loop3A_413 = arith.maximumf %parallel_loop3A_388, %parallel_loop3A_412 : vector<16xf32>
        %parallel_loop3A_414 = arith.maximumf %parallel_loop3A_389, %parallel_loop3A_409 : vector<16xf32>
        scf.yield %parallel_loop3A_413, %parallel_loop3A_414 : vector<16xf32>, vector<16xf32>
      } {sc.loop_unroll_factor = 5 : i64, sc.parallel_access}
      %max3A = arith.maximumf %parallel_loop3A_106#0, %parallel_loop3A_106#1 : vector<16xf32>
      %add3A_107 = arith.constant 8 : i32
      %add3A_108 = vector.broadcast %add3A_107 : i32 to vector<16xi32>
      %add3A_109 = arith.addi %iota3A, %add3A_108 : vector<16xi32>
      %and3A_110 = arith.constant 15 : i32
      %and3A_111 = vector.broadcast %and3A_110 : i32 to vector<16xi32>
      %and3A_112 = arith.andi %add3A_109, %and3A_111 : vector<16xi32>
      %lt3A = arith.constant 0 : i32
      %lt3A_113 = vector.broadcast %lt3A : i32 to vector<16xi32>
      %lt3A_114 = arith.cmpi slt, %and3A_112, %lt3A_113 : vector<16xi32>
      %add3A_115 = arith.constant 16 : i32
      %add3A_116 = vector.broadcast %add3A_115 : i32 to vector<16xi32>
      %add3A_117 = arith.addi %and3A_112, %add3A_116 : vector<16xi32>
      %select_n3A_118 = arith.select %lt3A_114, %add3A_117, %and3A_112 : vector<16xi1>, vector<16xi32>
      %broadcast_in_dim3A_119 = vector.shape_cast %select_n3A_118 : vector<16xi32> to vector<16x1xi32>
      %gather3A = vector.shape_cast %broadcast_in_dim3A_119 : vector<16x1xi32> to vector<16xi32>
      %gather3A_120 = tpu.dynamic_gather %max3A[%gather3A] in [0] : vector<16xf32>, vector<16xi32> -> vector<16xf32>
      %min3A = arith.minimumf %max3A, %gather3A_120 : vector<16xf32>
      %add3A_121 = arith.constant 4 : i32
      %add3A_122 = vector.broadcast %add3A_121 : i32 to vector<16xi32>
      %add3A_123 = arith.addi %iota3A, %add3A_122 : vector<16xi32>
      %and3A_124 = arith.constant 15 : i32
      %and3A_125 = vector.broadcast %and3A_124 : i32 to vector<16xi32>
      %and3A_126 = arith.andi %add3A_123, %and3A_125 : vector<16xi32>
      %lt3A_127 = arith.constant 0 : i32
      %lt3A_128 = vector.broadcast %lt3A_127 : i32 to vector<16xi32>
      %lt3A_129 = arith.cmpi slt, %and3A_126, %lt3A_128 : vector<16xi32>
      %add3A_130 = arith.constant 16 : i32
      %add3A_131 = vector.broadcast %add3A_130 : i32 to vector<16xi32>
      %add3A_132 = arith.addi %and3A_126, %add3A_131 : vector<16xi32>
      %select_n3A_133 = arith.select %lt3A_129, %add3A_132, %and3A_126 : vector<16xi1>, vector<16xi32>
      %broadcast_in_dim3A_134 = vector.shape_cast %select_n3A_133 : vector<16xi32> to vector<16x1xi32>
      %gather3A_135 = vector.shape_cast %broadcast_in_dim3A_134 : vector<16x1xi32> to vector<16xi32>
      %gather3A_136 = tpu.dynamic_gather %min3A[%gather3A_135] in [0] : vector<16xf32>, vector<16xi32> -> vector<16xf32>
      %min3A_137 = arith.minimumf %min3A, %gather3A_136 : vector<16xf32>
      %add3A_138 = arith.constant 2 : i32
      %add3A_139 = vector.broadcast %add3A_138 : i32 to vector<16xi32>
      %add3A_140 = arith.addi %iota3A, %add3A_139 : vector<16xi32>
      %and3A_141 = arith.constant 15 : i32
      %and3A_142 = vector.broadcast %and3A_141 : i32 to vector<16xi32>
      %and3A_143 = arith.andi %add3A_140, %and3A_142 : vector<16xi32>
      %lt3A_144 = arith.constant 0 : i32
      %lt3A_145 = vector.broadcast %lt3A_144 : i32 to vector<16xi32>
      %lt3A_146 = arith.cmpi slt, %and3A_143, %lt3A_145 : vector<16xi32>
      %add3A_147 = arith.constant 16 : i32
      %add3A_148 = vector.broadcast %add3A_147 : i32 to vector<16xi32>
      %add3A_149 = arith.addi %and3A_143, %add3A_148 : vector<16xi32>
      %select_n3A_150 = arith.select %lt3A_146, %add3A_149, %and3A_143 : vector<16xi1>, vector<16xi32>
      %broadcast_in_dim3A_151 = vector.shape_cast %select_n3A_150 : vector<16xi32> to vector<16x1xi32>
      %gather3A_152 = vector.shape_cast %broadcast_in_dim3A_151 : vector<16x1xi32> to vector<16xi32>
      %gather3A_153 = tpu.dynamic_gather %min3A_137[%gather3A_152] in [0] : vector<16xf32>, vector<16xi32> -> vector<16xf32>
      %min3A_154 = arith.minimumf %min3A_137, %gather3A_153 : vector<16xf32>
      %add3A_155 = arith.constant 1 : i32
      %add3A_156 = vector.broadcast %add3A_155 : i32 to vector<16xi32>
      %add3A_157 = arith.addi %iota3A, %add3A_156 : vector<16xi32>
      %and3A_158 = arith.constant 15 : i32
      %and3A_159 = vector.broadcast %and3A_158 : i32 to vector<16xi32>
      %and3A_160 = arith.andi %add3A_157, %and3A_159 : vector<16xi32>
      %lt3A_161 = arith.constant 0 : i32
      %lt3A_162 = vector.broadcast %lt3A_161 : i32 to vector<16xi32>
      %lt3A_163 = arith.cmpi slt, %and3A_160, %lt3A_162 : vector<16xi32>
      %add3A_164 = arith.constant 16 : i32
      %add3A_165 = vector.broadcast %add3A_164 : i32 to vector<16xi32>
      %add3A_166 = arith.addi %and3A_160, %add3A_165 : vector<16xi32>
      %select_n3A_167 = arith.select %lt3A_163, %add3A_166, %and3A_160 : vector<16xi1>, vector<16xi32>
      %broadcast_in_dim3A_168 = vector.shape_cast %select_n3A_167 : vector<16xi32> to vector<16x1xi32>
      %gather3A_169 = vector.shape_cast %broadcast_in_dim3A_168 : vector<16x1xi32> to vector<16xi32>
      %gather3A_170 = tpu.dynamic_gather %min3A_154[%gather3A_169] in [0] : vector<16xf32>, vector<16xi32> -> vector<16xf32>
      %min3A_171 = arith.minimumf %min3A_154, %gather3A_170 : vector<16xf32>
      %broadcast_in_dim3A_172 = arith.constant 0.000000e+00 : f32
      %broadcast_in_dim3A_173 = vector.broadcast %broadcast_in_dim3A_172 : f32 to vector<16xf32>
      %parallel_loop3A_174 = arith.constant 0 : i32
      %parallel_loop3A_175 = arith.constant 48000 : i32
      %parallel_loop3A_176 = arith.constant 80 : i32
      %parallel_loop3A_177:10 = scf.for %parallel_loop3A_387 = %parallel_loop3A_174 to %parallel_loop3A_175 step %parallel_loop3A_176 iter_args(%parallel_loop3A_388 = %broadcast_in_dim3A_173, %parallel_loop3A_389 = %broadcast_in_dim3A_173, %parallel_loop3A_390 = %broadcast_in_dim3A_173, %parallel_loop3A_391 = %broadcast_in_dim3A_173, %parallel_loop3A_392 = %broadcast_in_dim3A_173, %parallel_loop3A_393 = %iota3A, %parallel_loop3A_394 = %iota3A, %parallel_loop3A_395 = %iota3A, %parallel_loop3A_396 = %iota3A, %parallel_loop3A_397 = %iota3A) -> (vector<16xf32>, vector<16xf32>, vector<16xf32>, vector<16xf32>, vector<16xf32>, vector<16xi32>, vector<16xi32>, vector<16xi32>, vector<16xi32>, vector<16xi32>)  : i32 {
        %parallel_loop3A_398 = arith.constant 0 : i32
        %parallel_loop3A_399 = arith.addi %parallel_loop3A_387, %parallel_loop3A_398 : i32
        %parallel_loop3A_400 = arith.index_cast %parallel_loop3A_399 : i32 to index
        %parallel_loop3A_401 = tpu.vector_load %arg5[%parallel_loop3A_400] {strides = array<i32>} : memref<48000xf32, #tpu.memory_space<vmem>>, vector<16xf32>,
        %parallel_loop3A_402 = arith.subf %parallel_loop3A_401, %max3A : vector<16xf32>
        %parallel_loop3A_403 = math.exp %parallel_loop3A_402 : vector<16xf32>
        %parallel_loop3A_404 = arith.addf %parallel_loop3A_388, %parallel_loop3A_403 : vector<16xf32>
        %parallel_loop3A_405 = arith.cmpf oge, %parallel_loop3A_401, %min3A_171 : vector<16xf32>
        %parallel_loop3A_406 = arith.constant 0 : i32
        %parallel_loop3A_407 = arith.addi %parallel_loop3A_387, %parallel_loop3A_406 : i32
        %parallel_loop3A_408 = vector.broadcast %parallel_loop3A_407 : i32 to vector<16xi32>
        %parallel_loop3A_409 = arith.addi %parallel_loop3A_408, %iota3A : vector<16xi32>
        %parallel_loop3A_410 = arith.constant 511 : i32
        %parallel_loop3A_411 = vector.broadcast %parallel_loop3A_410 : i32 to vector<16xi32>
        %parallel_loop3A_412 = arith.andi %parallel_loop3A_393, %parallel_loop3A_411 : vector<16xi32>
        %parallel_loop3A_413 = arith.constant 0 : i32
        %parallel_loop3A_414 = vector.broadcast %parallel_loop3A_413 : i32 to vector<16xi32>
        %parallel_loop3A_415 = arith.addi %parallel_loop3A_412, %parallel_loop3A_414 : vector<16xi32>
        tpu.vector_store_idx %arg7[%parallel_loop3A_415], %parallel_loop3A_409 masked %parallel_loop3A_405 : memref<2560xi32, #tpu.memory_space<vmem>>[vector<16xi32>], vector<16xi32>, vector<16xi1>
        %parallel_loop3A_416 = arith.constant 16 : i32
        %parallel_loop3A_417 = arith.constant 0 : i32
        %parallel_loop3A_418 = vector.broadcast %parallel_loop3A_416 : i32 to vector<16xi32>
        %parallel_loop3A_419 = vector.broadcast %parallel_loop3A_417 : i32 to vector<16xi32>
        %parallel_loop3A_420 = arith.select %parallel_loop3A_405, %parallel_loop3A_418, %parallel_loop3A_419 : vector<16xi1>, vector<16xi32>
        %parallel_loop3A_421 = arith.addi %parallel_loop3A_393, %parallel_loop3A_420 : vector<16xi32>
        %parallel_loop3A_422 = arith.constant 16 : i32
        %parallel_loop3A_423 = arith.addi %parallel_loop3A_387, %parallel_loop3A_422 : i32
        %parallel_loop3A_424 = arith.index_cast %parallel_loop3A_423 : i32 to index
        %parallel_loop3A_425 = tpu.vector_load %arg5[%parallel_loop3A_424] {strides = array<i32>} : memref<48000xf32, #tpu.memory_space<vmem>>, vector<16xf32>,
        %parallel_loop3A_426 = arith.subf %parallel_loop3A_425, %max3A : vector<16xf32>
        %parallel_loop3A_427 = math.exp %parallel_loop3A_426 : vector<16xf32>
        %parallel_loop3A_428 = arith.addf %parallel_loop3A_389, %parallel_loop3A_427 : vector<16xf32>
        %parallel_loop3A_429 = arith.cmpf oge, %parallel_loop3A_425, %min3A_171 : vector<16xf32>
        %parallel_loop3A_430 = arith.constant 16 : i32
        %parallel_loop3A_431 = arith.addi %parallel_loop3A_387, %parallel_loop3A_430 : i32
        %parallel_loop3A_432 = vector.broadcast %parallel_loop3A_431 : i32 to vector<16xi32>
        %parallel_loop3A_433 = arith.addi %parallel_loop3A_432, %iota3A : vector<16xi32>
        %parallel_loop3A_434 = arith.constant 511 : i32
        %parallel_loop3A_435 = vector.broadcast %parallel_loop3A_434 : i32 to vector<16xi32>
        %parallel_loop3A_436 = arith.andi %parallel_loop3A_394, %parallel_loop3A_435 : vector<16xi32>
        %parallel_loop3A_437 = arith.constant 512 : i32
        %parallel_loop3A_438 = vector.broadcast %parallel_loop3A_437 : i32 to vector<16xi32>
        %parallel_loop3A_439 = arith.addi %parallel_loop3A_436, %parallel_loop3A_438 : vector<16xi32>
        tpu.vector_store_idx %arg7[%parallel_loop3A_439], %parallel_loop3A_433 masked %parallel_loop3A_429 : memref<2560xi32, #tpu.memory_space<vmem>>[vector<16xi32>], vector<16xi32>, vector<16xi1>
        %parallel_loop3A_440 = arith.constant 16 : i32
        %parallel_loop3A_441 = arith.constant 0 : i32
        %parallel_loop3A_442 = vector.broadcast %parallel_loop3A_440 : i32 to vector<16xi32>
        %parallel_loop3A_443 = vector.broadcast %parallel_loop3A_441 : i32 to vector<16xi32>
        %parallel_loop3A_444 = arith.select %parallel_loop3A_429, %parallel_loop3A_442, %parallel_loop3A_443 : vector<16xi1>, vector<16xi32>
        %parallel_loop3A_445 = arith.addi %parallel_loop3A_394, %parallel_loop3A_444 : vector<16xi32>
        %parallel_loop3A_446 = arith.constant 32 : i32
        %parallel_loop3A_447 = arith.addi %parallel_loop3A_387, %parallel_loop3A_446 : i32
        %parallel_loop3A_448 = arith.index_cast %parallel_loop3A_447 : i32 to index
        %parallel_loop3A_449 = tpu.vector_load %arg5[%parallel_loop3A_448] {strides = array<i32>} : memref<48000xf32, #tpu.memory_space<vmem>>, vector<16xf32>,
        %parallel_loop3A_450 = arith.subf %parallel_loop3A_449, %max3A : vector<16xf32>
        %parallel_loop3A_451 = math.exp %parallel_loop3A_450 : vector<16xf32>
        %parallel_loop3A_452 = arith.addf %parallel_loop3A_390, %parallel_loop3A_451 : vector<16xf32>
        %parallel_loop3A_453 = arith.cmpf oge, %parallel_loop3A_449, %min3A_171 : vector<16xf32>
        %parallel_loop3A_454 = arith.constant 32 : i32
        %parallel_loop3A_455 = arith.addi %parallel_loop3A_387, %parallel_loop3A_454 : i32
        %parallel_loop3A_456 = vector.broadcast %parallel_loop3A_455 : i32 to vector<16xi32>
        %parallel_loop3A_457 = arith.addi %parallel_loop3A_456, %iota3A : vector<16xi32>
        %parallel_loop3A_458 = arith.constant 511 : i32
        %parallel_loop3A_459 = vector.broadcast %parallel_loop3A_458 : i32 to vector<16xi32>
        %parallel_loop3A_460 = arith.andi %parallel_loop3A_395, %parallel_loop3A_459 : vector<16xi32>
        %parallel_loop3A_461 = arith.constant 1024 : i32
        %parallel_loop3A_462 = vector.broadcast %parallel_loop3A_461 : i32 to vector<16xi32>
        %parallel_loop3A_463 = arith.addi %parallel_loop3A_460, %parallel_loop3A_462 : vector<16xi32>
        tpu.vector_store_idx %arg7[%parallel_loop3A_463], %parallel_loop3A_457 masked %parallel_loop3A_453 : memref<2560xi32, #tpu.memory_space<vmem>>[vector<16xi32>], vector<16xi32>, vector<16xi1>
        %parallel_loop3A_464 = arith.constant 16 : i32
        %parallel_loop3A_465 = arith.constant 0 : i32
        %parallel_loop3A_466 = vector.broadcast %parallel_loop3A_464 : i32 to vector<16xi32>
        %parallel_loop3A_467 = vector.broadcast %parallel_loop3A_465 : i32 to vector<16xi32>
        %parallel_loop3A_468 = arith.select %parallel_loop3A_453, %parallel_loop3A_466, %parallel_loop3A_467 : vector<16xi1>, vector<16xi32>
        %parallel_loop3A_469 = arith.addi %parallel_loop3A_395, %parallel_loop3A_468 : vector<16xi32>
        %parallel_loop3A_470 = arith.constant 48 : i32
        %parallel_loop3A_471 = arith.addi %parallel_loop3A_387, %parallel_loop3A_470 : i32
        %parallel_loop3A_472 = arith.index_cast %parallel_loop3A_471 : i32 to index
        %parallel_loop3A_473 = tpu.vector_load %arg5[%parallel_loop3A_472] {strides = array<i32>} : memref<48000xf32, #tpu.memory_space<vmem>>, vector<16xf32>,
        %parallel_loop3A_474 = arith.subf %parallel_loop3A_473, %max3A : vector<16xf32>
        %parallel_loop3A_475 = math.exp %parallel_loop3A_474 : vector<16xf32>
        %parallel_loop3A_476 = arith.addf %parallel_loop3A_391, %parallel_loop3A_475 : vector<16xf32>
        %parallel_loop3A_477 = arith.cmpf oge, %parallel_loop3A_473, %min3A_171 : vector<16xf32>
        %parallel_loop3A_478 = arith.constant 48 : i32
        %parallel_loop3A_479 = arith.addi %parallel_loop3A_387, %parallel_loop3A_478 : i32
        %parallel_loop3A_480 = vector.broadcast %parallel_loop3A_479 : i32 to vector<16xi32>
        %parallel_loop3A_481 = arith.addi %parallel_loop3A_480, %iota3A : vector<16xi32>
        %parallel_loop3A_482 = arith.constant 511 : i32
        %parallel_loop3A_483 = vector.broadcast %parallel_loop3A_482 : i32 to vector<16xi32>
        %parallel_loop3A_484 = arith.andi %parallel_loop3A_396, %parallel_loop3A_483 : vector<16xi32>
        %parallel_loop3A_485 = arith.constant 1536 : i32
        %parallel_loop3A_486 = vector.broadcast %parallel_loop3A_485 : i32 to vector<16xi32>
        %parallel_loop3A_487 = arith.addi %parallel_loop3A_484, %parallel_loop3A_486 : vector<16xi32>
        tpu.vector_store_idx %arg7[%parallel_loop3A_487], %parallel_loop3A_481 masked %parallel_loop3A_477 : memref<2560xi32, #tpu.memory_space<vmem>>[vector<16xi32>], vector<16xi32>, vector<16xi1>
        %parallel_loop3A_488 = arith.constant 16 : i32
        %parallel_loop3A_489 = arith.constant 0 : i32
        %parallel_loop3A_490 = vector.broadcast %parallel_loop3A_488 : i32 to vector<16xi32>
        %parallel_loop3A_491 = vector.broadcast %parallel_loop3A_489 : i32 to vector<16xi32>
        %parallel_loop3A_492 = arith.select %parallel_loop3A_477, %parallel_loop3A_490, %parallel_loop3A_491 : vector<16xi1>, vector<16xi32>
        %parallel_loop3A_493 = arith.addi %parallel_loop3A_396, %parallel_loop3A_492 : vector<16xi32>
        %parallel_loop3A_494 = arith.constant 64 : i32
        %parallel_loop3A_495 = arith.addi %parallel_loop3A_387, %parallel_loop3A_494 : i32
        %parallel_loop3A_496 = arith.index_cast %parallel_loop3A_495 : i32 to index
        %parallel_loop3A_497 = tpu.vector_load %arg5[%parallel_loop3A_496] {strides = array<i32>} : memref<48000xf32, #tpu.memory_space<vmem>>, vector<16xf32>,
        %parallel_loop3A_498 = arith.subf %parallel_loop3A_497, %max3A : vector<16xf32>
        %parallel_loop3A_499 = math.exp %parallel_loop3A_498 : vector<16xf32>
        %parallel_loop3A_500 = arith.addf %parallel_loop3A_392, %parallel_loop3A_499 : vector<16xf32>
        %parallel_loop3A_501 = arith.cmpf oge, %parallel_loop3A_497, %min3A_171 : vector<16xf32>
        %parallel_loop3A_502 = arith.constant 64 : i32
        %parallel_loop3A_503 = arith.addi %parallel_loop3A_387, %parallel_loop3A_502 : i32
        %parallel_loop3A_504 = vector.broadcast %parallel_loop3A_503 : i32 to vector<16xi32>
        %parallel_loop3A_505 = arith.addi %parallel_loop3A_504, %iota3A : vector<16xi32>
        %parallel_loop3A_506 = arith.constant 511 : i32
        %parallel_loop3A_507 = vector.broadcast %parallel_loop3A_506 : i32 to vector<16xi32>
        %parallel_loop3A_508 = arith.andi %parallel_loop3A_397, %parallel_loop3A_507 : vector<16xi32>
        %parallel_loop3A_509 = arith.constant 2048 : i32
        %parallel_loop3A_510 = vector.broadcast %parallel_loop3A_509 : i32 to vector<16xi32>
        %parallel_loop3A_511 = arith.addi %parallel_loop3A_508, %parallel_loop3A_510 : vector<16xi32>
        tpu.vector_store_idx %arg7[%parallel_loop3A_511], %parallel_loop3A_505 masked %parallel_loop3A_501 : memref<2560xi32, #tpu.memory_space<vmem>>[vector<16xi32>], vector<16xi32>, vector<16xi1>
        %parallel_loop3A_512 = arith.constant 16 : i32
        %parallel_loop3A_513 = arith.constant 0 : i32
        %parallel_loop3A_514 = vector.broadcast %parallel_loop3A_512 : i32 to vector<16xi32>
        %parallel_loop3A_515 = vector.broadcast %parallel_loop3A_513 : i32 to vector<16xi32>
        %parallel_loop3A_516 = arith.select %parallel_loop3A_501, %parallel_loop3A_514, %parallel_loop3A_515 : vector<16xi1>, vector<16xi32>
        %parallel_loop3A_517 = arith.addi %parallel_loop3A_397, %parallel_loop3A_516 : vector<16xi32>
        scf.yield %parallel_loop3A_404, %parallel_loop3A_428, %parallel_loop3A_452, %parallel_loop3A_476, %parallel_loop3A_500, %parallel_loop3A_421, %parallel_loop3A_445, %parallel_loop3A_469, %parallel_loop3A_493, %parallel_loop3A_517 : vector<16xf32>, vector<16xf32>, vector<16xf32>, vector<16xf32>, vector<16xf32>, vector<16xi32>, vector<16xi32>, vector<16xi32>, vector<16xi32>, vector<16xi32>
      } {sc.loop_unroll_factor = 5 : i64, sc.parallel_access}
      %add3A_178 = arith.addf %parallel_loop3A_177#0, %parallel_loop3A_177#1 : vector<16xf32>
      %add3A_179 = arith.addf %parallel_loop3A_177#2, %parallel_loop3A_177#3 : vector<16xf32>
      %add3A_180 = arith.addf %add3A_178, %add3A_179 : vector<16xf32>
      %add3A_181 = arith.addf %add3A_180, %parallel_loop3A_177#4 : vector<16xf32>
      %max3A_182 = arith.maxsi %parallel_loop3A_177#5, %parallel_loop3A_177#6 : vector<16xi32>
      %max3A_183 = arith.maxsi %max3A_182, %parallel_loop3A_177#7 : vector<16xi32>
      %max3A_184 = arith.maxsi %max3A_183, %parallel_loop3A_177#8 : vector<16xi32>
      %max3A_185 = arith.maxsi %max3A_184, %parallel_loop3A_177#9 : vector<16xi32>
      %sub3A_186 = arith.subi %max3A_185, %iota3A : vector<16xi32>
      %gt3A = arith.constant 511 : i32
      %gt3A_187 = vector.broadcast %gt3A : i32 to vector<16xi32>
      %gt3A_188 = arith.cmpi sgt, %sub3A_186, %gt3A_187 : vector<16xi32>
      %reduce_or3A = arith.constant 1.000000e+00 : f32
      %reduce_or3A_189 = arith.constant 0.000000e+00 : f32
      %reduce_or3A_190 = vector.broadcast %reduce_or3A : f32 to vector<16xf32>
      %reduce_or3A_191 = vector.broadcast %reduce_or3A_189 : f32 to vector<16xf32>
      %reduce_or3A_192 = arith.select %gt3A_188, %reduce_or3A_190, %reduce_or3A_191 : vector<16xi1>, vector<16xf32>
      %reduce_or3A_193 = arith.constant true
      %reduce_or3A_194 = vector.broadcast %reduce_or3A_193 : i1 to vector<16xi1>
      %reduce_or3A_195 = tpu.scan <max>, %reduce_or3A_192 masked %reduce_or3A_194 : vector<16xf32>, vector<16xi1> -> vector<16xf32>
      %reduce_or3A_196 = vector.extract %reduce_or3A_195[15] : f32 from vector<16xf32>
      %reduce_or3A_197 = arith.constant 0.000000e+00 : f32
      %reduce_or3A_198 = arith.cmpf ogt, %reduce_or3A_196, %reduce_or3A_197 : f32
      %broadcast_in_dim3A_199 = arith.constant 0xFF800000 : f32
      %broadcast_in_dim3A_200 = vector.broadcast %broadcast_in_dim3A_199 : f32 to vector<16xf32>
      %broadcast_in_dim3A_201 = arith.constant 0 : i32
      %broadcast_in_dim3A_202 = vector.broadcast %broadcast_in_dim3A_201 : i32 to vector<16xi32>
      %convert_element_type3A = arith.extui %reduce_or3A_198 : i1 to i32
      %cond3A = arith.constant 0 : i32
      %cond3A_203 = arith.cmpi ne, %convert_element_type3A, %cond3A : i32
      %cond3A_204:2 = scf.if %cond3A_203 -> (vector<16xf32>, vector<16xi32>) {
        %scan3A_387 = arith.constant 0 : i32
        %scan3A_388 = arith.constant 3000 : i32
        %scan3A_389 = arith.addi %scan3A_387, %scan3A_388 : i32
        %scan3A_390 = arith.constant 1 : i32
        %scan3A_391:2 = scf.for %scan3A_393 = %scan3A_387 to %scan3A_389 step %scan3A_390 iter_args(%scan3A_394 = %broadcast_in_dim3A_200, %scan3A_395 = %broadcast_in_dim3A_202) -> (vector<16xf32>, vector<16xi32>)  : i32 {
          %mul3A_396 = arith.constant 16 : i32
          %mul3A_397 = arith.muli %scan3A_393, %mul3A_396 : i32
          %get3A = arith.index_cast %mul3A_397 : i32 to index
          %get3A_398 = tpu.vector_load %arg5[%get3A] {strides = array<i32>} : memref<48000xf32, #tpu.memory_space<vmem>>, vector<16xf32>,
          %mul3A_399 = arith.constant 16 : i32
          %mul3A_400 = arith.muli %scan3A_393, %mul3A_399 : i32
          %add3A_401 = vector.broadcast %mul3A_400 : i32 to vector<16xi32>
          %add3A_402 = arith.addi %add3A_401, %iota3A : vector<16xi32>
          %eq3A = arith.constant 1 : i32
          %eq3A_403 = vector.broadcast %eq3A : i32 to vector<16xi32>
          %eq3A_404 = arith.cmpi eq, %add3A_402, %eq3A_403 : vector<16xi32>
          %jit3A_405 = arith.constant 0xFF800000 : f32
          %broadcast_in_dim3A_406 = vector.broadcast %jit3A_405 : f32 to vector<16xf32>
          %select_n3A_407 = arith.select %eq3A_404, %broadcast_in_dim3A_406, %get3A_398 : vector<16xi1>, vector<16xf32>
          %masked_sort3A = arith.constant dense<true> : vector<16xi1>
          %masked_sort3A_408, %masked_sort3A_409, %masked_sort3A_410 = tpu.sort %select_n3A_407, %add3A_402 masked %masked_sort3A {descending = true} : (vector<16xf32>, vector<16xi32>, vector<16xi1>) -> (vector<16xi1>, vector<16xf32>, vector<16xi32>)
          %gt3A_411 = arith.cmpf ogt, %masked_sort3A_409, %scan3A_394 : vector<16xf32>
          %select_n3A_412 = arith.select %gt3A_411, %masked_sort3A_409, %scan3A_394 : vector<16xi1>, vector<16xf32>
          %select_n3A_413 = arith.select %gt3A_411, %masked_sort3A_410, %scan3A_395 : vector<16xi1>, vector<16xi32>
          %masked_sort3A_414 = arith.constant dense<true> : vector<16xi1>
          %masked_sort3A_415, %masked_sort3A_416, %masked_sort3A_417 = tpu.sort %select_n3A_412, %select_n3A_413 masked %masked_sort3A_414 : (vector<16xf32>, vector<16xi32>, vector<16xi1>) -> (vector<16xi1>, vector<16xf32>, vector<16xi32>)
          scf.yield %masked_sort3A_416, %masked_sort3A_417 : vector<16xf32>, vector<16xi32>
        }
        %scan3A_392 = arith.constant 3000 : i32
        scf.yield %scan3A_391#0, %scan3A_391#1 : vector<16xf32>, vector<16xi32>
      } else {
        %sub3A_387 = arith.subi %parallel_loop3A_177#5, %iota3A : vector<16xi32>
        %reduce_max3A = arith.constant true
        %reduce_max3A_388 = vector.broadcast %reduce_max3A : i1 to vector<16xi1>
        %reduce_max3A_389 = arith.constant -2147483648 : i32
        %reduce_max3A_390 = vector.broadcast %reduce_max3A_389 : i32 to vector<16xi32>
        %reduce_max3A_391 = arith.xori %sub3A_387, %reduce_max3A_390 : vector<16xi32>
        %reduce_max3A_392 = tpu.scan <max>, %reduce_max3A_391 masked %reduce_max3A_388 : vector<16xi32>, vector<16xi1> -> vector<16xi32>
        %reduce_max3A_393 = arith.xori %reduce_max3A_392, %reduce_max3A_390 : vector<16xi32>
        %reduce_max3A_394 = vector.extract %reduce_max3A_393[15] : i32 from vector<16xi32>
        %jit3A_395 = arith.constant 16 : i32
        %div3A_396 = arith.divsi %reduce_max3A_394, %jit3A_395 : i32
        %sign3A_397 = arith.constant 0 : i32
        %sign3A_398 = arith.cmpi sgt, %reduce_max3A_394, %sign3A_397 : i32
        %sign3A_399 = arith.extui %sign3A_398 : i1 to i32
        %sign3A_400 = arith.constant 0 : i32
        %sign3A_401 = arith.cmpi slt, %reduce_max3A_394, %sign3A_400 : i32
        %sign3A_402 = arith.extui %sign3A_401 : i1 to i32
        %sign3A_403 = arith.subi %sign3A_399, %sign3A_402 : i32
        %sign3A_404 = arith.constant 0 : i32
        %sign3A_405 = arith.cmpi sgt, %jit3A_395, %sign3A_404 : i32
        %sign3A_406 = arith.extui %sign3A_405 : i1 to i32
        %sign3A_407 = arith.constant 0 : i32
        %sign3A_408 = arith.cmpi slt, %jit3A_395, %sign3A_407 : i32
        %sign3A_409 = arith.extui %sign3A_408 : i1 to i32
        %sign3A_410 = arith.subi %sign3A_406, %sign3A_409 : i32
        %ne3A_411 = arith.cmpi ne, %sign3A_403, %sign3A_410 : i32
        %rem3A_412 = arith.remsi %reduce_max3A_394, %jit3A_395 : i32
        %ne3A_413 = arith.constant 0 : i32
        %ne3A_414 = arith.cmpi ne, %rem3A_412, %ne3A_413 : i32
        %and3A_415 = arith.andi %ne3A_411, %ne3A_414 : i1
        %sub3A_416 = arith.constant 1 : i32
        %sub3A_417 = arith.subi %div3A_396, %sub3A_416 : i32
        %select_n3A_418 = arith.select %and3A_415, %sub3A_417, %div3A_396 : i32
        %while3A = arith.constant 0 : i32
        %while3A_419 = arith.subi %select_n3A_418, %while3A : i32
        %while3A_420 = arith.addi %while3A, %while3A_419 : i32
        %while3A_421 = arith.constant 1 : i32
        %while3A_422 = arith.divsi %while3A_419, %while3A_421 : i32
        %while3A_423 = arith.muli %while3A_422, %while3A_421 : i32
        %while3A_424 = arith.addi %while3A, %while3A_423 : i32
        %while3A_425 = arith.constant 1 : i32
        %while3A_426:2 = scf.for %while3A_605 = %while3A to %while3A_424 step %while3A_425 iter_args(%while3A_606 = %broadcast_in_dim3A_200, %while3A_607 = %broadcast_in_dim3A_202) -> (vector<16xf32>, vector<16xi32>)  : i32 {
          %mul3A_608 = arith.constant 16 : i32
          %mul3A_609 = arith.muli %while3A_605, %mul3A_608 : i32
          %add3A_610 = arith.constant 0 : i32
          %add3A_611 = arith.addi %add3A_610, %mul3A_609 : i32
          %get3A = arith.index_cast %add3A_611 : i32 to index
          %get3A_612 = tpu.vector_load %arg7[%get3A] {strides = array<i32>} : memref<2560xi32, #tpu.memory_space<vmem>>, vector<16xi32>,
          %sub3A_613 = arith.subi %parallel_loop3A_177#5, %iota3A : vector<16xi32>
          %mul3A_614 = arith.constant 16 : i32
          %mul3A_615 = arith.muli %while3A_605, %mul3A_614 : i32
          %gt3A_616 = vector.broadcast %mul3A_615 : i32 to vector<16xi32>
          %gt3A_617 = arith.cmpi sgt, %sub3A_613, %gt3A_616 : vector<16xi32>
          %gather3A_618 = tpu.vector_load_idx %arg5[%get3A_612] : memref<48000xf32, #tpu.memory_space<vmem>>[vector<16xi32>], vector<16xf32>,
          %ne3A_619 = arith.constant 1 : i32
          %ne3A_620 = vector.broadcast %ne3A_619 : i32 to vector<16xi32>
          %ne3A_621 = arith.cmpi ne, %get3A_612, %ne3A_620 : vector<16xi32>
          %and3A_622 = arith.andi %gt3A_617, %ne3A_621 : vector<16xi1>
          %jit3A_623 = arith.constant 0xFF800000 : f32
          %broadcast_in_dim3A_624 = vector.broadcast %jit3A_623 : f32 to vector<16xf32>
          %select_n3A_625 = arith.select %and3A_622, %gather3A_618, %broadcast_in_dim3A_624 : vector<16xi1>, vector<16xf32>
          %masked_sort3A = arith.constant dense<true> : vector<16xi1>
          %masked_sort3A_626, %masked_sort3A_627, %masked_sort3A_628 = tpu.sort %select_n3A_625, %get3A_612 masked %masked_sort3A {descending = true} : (vector<16xf32>, vector<16xi32>, vector<16xi1>) -> (vector<16xi1>, vector<16xf32>, vector<16xi32>)
          %gt3A_629 = arith.cmpf ogt, %masked_sort3A_627, %while3A_606 : vector<16xf32>
          %select_n3A_630 = arith.select %gt3A_629, %masked_sort3A_627, %while3A_606 : vector<16xi1>, vector<16xf32>
          %select_n3A_631 = arith.select %gt3A_629, %masked_sort3A_628, %while3A_607 : vector<16xi1>, vector<16xi32>
          %masked_sort3A_632 = arith.constant dense<true> : vector<16xi1>
          %masked_sort3A_633, %masked_sort3A_634, %masked_sort3A_635 = tpu.sort %select_n3A_630, %select_n3A_631 masked %masked_sort3A_632 : (vector<16xf32>, vector<16xi32>, vector<16xi1>) -> (vector<16xi1>, vector<16xf32>, vector<16xi32>)
          scf.yield %masked_sort3A_634, %masked_sort3A_635 : vector<16xf32>, vector<16xi32>
        }
        %while3A_427 = arith.constant 1 : i32
        %while3A_428:2 = scf.for %while3A_605 = %while3A_424 to %while3A_420 step %while3A_427 iter_args(%while3A_606 = %while3A_426#0, %while3A_607 = %while3A_426#1) -> (vector<16xf32>, vector<16xi32>)  : i32 {
          %mul3A_608 = arith.constant 16 : i32
          %mul3A_609 = arith.muli %while3A_605, %mul3A_608 : i32
          %add3A_610 = arith.constant 0 : i32
          %add3A_611 = arith.addi %add3A_610, %mul3A_609 : i32
          %get3A = arith.index_cast %add3A_611 : i32 to index
          %get3A_612 = tpu.vector_load %arg7[%get3A] {strides = array<i32>} : memref<2560xi32, #tpu.memory_space<vmem>>, vector<16xi32>,
          %sub3A_613 = arith.subi %parallel_loop3A_177#5, %iota3A : vector<16xi32>
          %mul3A_614 = arith.constant 16 : i32
          %mul3A_615 = arith.muli %while3A_605, %mul3A_614 : i32
          %gt3A_616 = vector.broadcast %mul3A_615 : i32 to vector<16xi32>
          %gt3A_617 = arith.cmpi sgt, %sub3A_613, %gt3A_616 : vector<16xi32>
          %gather3A_618 = tpu.vector_load_idx %arg5[%get3A_612] : memref<48000xf32, #tpu.memory_space<vmem>>[vector<16xi32>], vector<16xf32>,
          %ne3A_619 = arith.constant 1 : i32
          %ne3A_620 = vector.broadcast %ne3A_619 : i32 to vector<16xi32>
          %ne3A_621 = arith.cmpi ne, %get3A_612, %ne3A_620 : vector<16xi32>
          %and3A_622 = arith.andi %gt3A_617, %ne3A_621 : vector<16xi1>
          %jit3A_623 = arith.constant 0xFF800000 : f32
          %broadcast_in_dim3A_624 = vector.broadcast %jit3A_623 : f32 to vector<16xf32>
          %select_n3A_625 = arith.select %and3A_622, %gather3A_618, %broadcast_in_dim3A_624 : vector<16xi1>, vector<16xf32>
          %masked_sort3A = arith.constant dense<true> : vector<16xi1>
          %masked_sort3A_626, %masked_sort3A_627, %masked_sort3A_628 = tpu.sort %select_n3A_625, %get3A_612 masked %masked_sort3A {descending = true} : (vector<16xf32>, vector<16xi32>, vector<16xi1>) -> (vector<16xi1>, vector<16xf32>, vector<16xi32>)
          %gt3A_629 = arith.cmpf ogt, %masked_sort3A_627, %while3A_606 : vector<16xf32>
          %select_n3A_630 = arith.select %gt3A_629, %masked_sort3A_627, %while3A_606 : vector<16xi1>, vector<16xf32>
          %select_n3A_631 = arith.select %gt3A_629, %masked_sort3A_628, %while3A_607 : vector<16xi1>, vector<16xi32>
          %masked_sort3A_632 = arith.constant dense<true> : vector<16xi1>
          %masked_sort3A_633, %masked_sort3A_634, %masked_sort3A_635 = tpu.sort %select_n3A_630, %select_n3A_631 masked %masked_sort3A_632 : (vector<16xf32>, vector<16xi32>, vector<16xi1>) -> (vector<16xi1>, vector<16xf32>, vector<16xi32>)
          scf.yield %masked_sort3A_634, %masked_sort3A_635 : vector<16xf32>, vector<16xi32>
        }
        %sub3A_429 = arith.subi %parallel_loop3A_177#6, %iota3A : vector<16xi32>
        %reduce_max3A_430 = arith.constant true
        %reduce_max3A_431 = vector.broadcast %reduce_max3A_430 : i1 to vector<16xi1>
        %reduce_max3A_432 = arith.constant -2147483648 : i32
        %reduce_max3A_433 = vector.broadcast %reduce_max3A_432 : i32 to vector<16xi32>
        %reduce_max3A_434 = arith.xori %sub3A_429, %reduce_max3A_433 : vector<16xi32>
        %reduce_max3A_435 = tpu.scan <max>, %reduce_max3A_434 masked %reduce_max3A_431 : vector<16xi32>, vector<16xi1> -> vector<16xi32>
        %reduce_max3A_436 = arith.xori %reduce_max3A_435, %reduce_max3A_433 : vector<16xi32>
        %reduce_max3A_437 = vector.extract %reduce_max3A_436[15] : i32 from vector<16xi32>
        %jit3A_438 = arith.constant 16 : i32
        %div3A_439 = arith.divsi %reduce_max3A_437, %jit3A_438 : i32
        %sign3A_440 = arith.constant 0 : i32
        %sign3A_441 = arith.cmpi sgt, %reduce_max3A_437, %sign3A_440 : i32
        %sign3A_442 = arith.extui %sign3A_441 : i1 to i32
        %sign3A_443 = arith.constant 0 : i32
        %sign3A_444 = arith.cmpi slt, %reduce_max3A_437, %sign3A_443 : i32
        %sign3A_445 = arith.extui %sign3A_444 : i1 to i32
        %sign3A_446 = arith.subi %sign3A_442, %sign3A_445 : i32
        %sign3A_447 = arith.constant 0 : i32
        %sign3A_448 = arith.cmpi sgt, %jit3A_438, %sign3A_447 : i32
        %sign3A_449 = arith.extui %sign3A_448 : i1 to i32
        %sign3A_450 = arith.constant 0 : i32
        %sign3A_451 = arith.cmpi slt, %jit3A_438, %sign3A_450 : i32
        %sign3A_452 = arith.extui %sign3A_451 : i1 to i32
        %sign3A_453 = arith.subi %sign3A_449, %sign3A_452 : i32
        %ne3A_454 = arith.cmpi ne, %sign3A_446, %sign3A_453 : i32
        %rem3A_455 = arith.remsi %reduce_max3A_437, %jit3A_438 : i32
        %ne3A_456 = arith.constant 0 : i32
        %ne3A_457 = arith.cmpi ne, %rem3A_455, %ne3A_456 : i32
        %and3A_458 = arith.andi %ne3A_454, %ne3A_457 : i1
        %sub3A_459 = arith.constant 1 : i32
        %sub3A_460 = arith.subi %div3A_439, %sub3A_459 : i32
        %select_n3A_461 = arith.select %and3A_458, %sub3A_460, %div3A_439 : i32
        %while3A_462 = arith.constant 0 : i32
        %while3A_463 = arith.subi %select_n3A_461, %while3A_462 : i32
        %while3A_464 = arith.addi %while3A_462, %while3A_463 : i32
        %while3A_465 = arith.constant 1 : i32
        %while3A_466 = arith.divsi %while3A_463, %while3A_465 : i32
        %while3A_467 = arith.muli %while3A_466, %while3A_465 : i32
        %while3A_468 = arith.addi %while3A_462, %while3A_467 : i32
        %while3A_469 = arith.constant 1 : i32
        %while3A_470:2 = scf.for %while3A_605 = %while3A_462 to %while3A_468 step %while3A_469 iter_args(%while3A_606 = %while3A_428#0, %while3A_607 = %while3A_428#1) -> (vector<16xf32>, vector<16xi32>)  : i32 {
          %mul3A_608 = arith.constant 16 : i32
          %mul3A_609 = arith.muli %while3A_605, %mul3A_608 : i32
          %add3A_610 = arith.constant 512 : i32
          %add3A_611 = arith.addi %add3A_610, %mul3A_609 : i32
          %get3A = arith.index_cast %add3A_611 : i32 to index
          %get3A_612 = tpu.vector_load %arg7[%get3A] {strides = array<i32>} : memref<2560xi32, #tpu.memory_space<vmem>>, vector<16xi32>,
          %sub3A_613 = arith.subi %parallel_loop3A_177#6, %iota3A : vector<16xi32>
          %mul3A_614 = arith.constant 16 : i32
          %mul3A_615 = arith.muli %while3A_605, %mul3A_614 : i32
          %gt3A_616 = vector.broadcast %mul3A_615 : i32 to vector<16xi32>
          %gt3A_617 = arith.cmpi sgt, %sub3A_613, %gt3A_616 : vector<16xi32>
          %gather3A_618 = tpu.vector_load_idx %arg5[%get3A_612] : memref<48000xf32, #tpu.memory_space<vmem>>[vector<16xi32>], vector<16xf32>,
          %ne3A_619 = arith.constant 1 : i32
          %ne3A_620 = vector.broadcast %ne3A_619 : i32 to vector<16xi32>
          %ne3A_621 = arith.cmpi ne, %get3A_612, %ne3A_620 : vector<16xi32>
          %and3A_622 = arith.andi %gt3A_617, %ne3A_621 : vector<16xi1>
          %jit3A_623 = arith.constant 0xFF800000 : f32
          %broadcast_in_dim3A_624 = vector.broadcast %jit3A_623 : f32 to vector<16xf32>
          %select_n3A_625 = arith.select %and3A_622, %gather3A_618, %broadcast_in_dim3A_624 : vector<16xi1>, vector<16xf32>
          %masked_sort3A = arith.constant dense<true> : vector<16xi1>
          %masked_sort3A_626, %masked_sort3A_627, %masked_sort3A_628 = tpu.sort %select_n3A_625, %get3A_612 masked %masked_sort3A {descending = true} : (vector<16xf32>, vector<16xi32>, vector<16xi1>) -> (vector<16xi1>, vector<16xf32>, vector<16xi32>)
          %gt3A_629 = arith.cmpf ogt, %masked_sort3A_627, %while3A_606 : vector<16xf32>
          %select_n3A_630 = arith.select %gt3A_629, %masked_sort3A_627, %while3A_606 : vector<16xi1>, vector<16xf32>
          %select_n3A_631 = arith.select %gt3A_629, %masked_sort3A_628, %while3A_607 : vector<16xi1>, vector<16xi32>
          %masked_sort3A_632 = arith.constant dense<true> : vector<16xi1>
          %masked_sort3A_633, %masked_sort3A_634, %masked_sort3A_635 = tpu.sort %select_n3A_630, %select_n3A_631 masked %masked_sort3A_632 : (vector<16xf32>, vector<16xi32>, vector<16xi1>) -> (vector<16xi1>, vector<16xf32>, vector<16xi32>)
          scf.yield %masked_sort3A_634, %masked_sort3A_635 : vector<16xf32>, vector<16xi32>
        }
        %while3A_471 = arith.constant 1 : i32
        %while3A_472:2 = scf.for %while3A_605 = %while3A_468 to %while3A_464 step %while3A_471 iter_args(%while3A_606 = %while3A_470#0, %while3A_607 = %while3A_470#1) -> (vector<16xf32>, vector<16xi32>)  : i32 {
          %mul3A_608 = arith.constant 16 : i32
          %mul3A_609 = arith.muli %while3A_605, %mul3A_608 : i32
          %add3A_610 = arith.constant 512 : i32
          %add3A_611 = arith.addi %add3A_610, %mul3A_609 : i32
          %get3A = arith.index_cast %add3A_611 : i32 to index
          %get3A_612 = tpu.vector_load %arg7[%get3A] {strides = array<i32>} : memref<2560xi32, #tpu.memory_space<vmem>>, vector<16xi32>,
          %sub3A_613 = arith.subi %parallel_loop3A_177#6, %iota3A : vector<16xi32>
          %mul3A_614 = arith.constant 16 : i32
          %mul3A_615 = arith.muli %while3A_605, %mul3A_614 : i32
          %gt3A_616 = vector.broadcast %mul3A_615 : i32 to vector<16xi32>
          %gt3A_617 = arith.cmpi sgt, %sub3A_613, %gt3A_616 : vector<16xi32>
          %gather3A_618 = tpu.vector_load_idx %arg5[%get3A_612] : memref<48000xf32, #tpu.memory_space<vmem>>[vector<16xi32>], vector<16xf32>,
          %ne3A_619 = arith.constant 1 : i32
          %ne3A_620 = vector.broadcast %ne3A_619 : i32 to vector<16xi32>
          %ne3A_621 = arith.cmpi ne, %get3A_612, %ne3A_620 : vector<16xi32>
          %and3A_622 = arith.andi %gt3A_617, %ne3A_621 : vector<16xi1>
          %jit3A_623 = arith.constant 0xFF800000 : f32
          %broadcast_in_dim3A_624 = vector.broadcast %jit3A_623 : f32 to vector<16xf32>
          %select_n3A_625 = arith.select %and3A_622, %gather3A_618, %broadcast_in_dim3A_624 : vector<16xi1>, vector<16xf32>
          %masked_sort3A = arith.constant dense<true> : vector<16xi1>
          %masked_sort3A_626, %masked_sort3A_627, %masked_sort3A_628 = tpu.sort %select_n3A_625, %get3A_612 masked %masked_sort3A {descending = true} : (vector<16xf32>, vector<16xi32>, vector<16xi1>) -> (vector<16xi1>, vector<16xf32>, vector<16xi32>)
          %gt3A_629 = arith.cmpf ogt, %masked_sort3A_627, %while3A_606 : vector<16xf32>
          %select_n3A_630 = arith.select %gt3A_629, %masked_sort3A_627, %while3A_606 : vector<16xi1>, vector<16xf32>
          %select_n3A_631 = arith.select %gt3A_629, %masked_sort3A_628, %while3A_607 : vector<16xi1>, vector<16xi32>
          %masked_sort3A_632 = arith.constant dense<true> : vector<16xi1>
          %masked_sort3A_633, %masked_sort3A_634, %masked_sort3A_635 = tpu.sort %select_n3A_630, %select_n3A_631 masked %masked_sort3A_632 : (vector<16xf32>, vector<16xi32>, vector<16xi1>) -> (vector<16xi1>, vector<16xf32>, vector<16xi32>)
          scf.yield %masked_sort3A_634, %masked_sort3A_635 : vector<16xf32>, vector<16xi32>
        }
        %sub3A_473 = arith.subi %parallel_loop3A_177#7, %iota3A : vector<16xi32>
        %reduce_max3A_474 = arith.constant true
        %reduce_max3A_475 = vector.broadcast %reduce_max3A_474 : i1 to vector<16xi1>
        %reduce_max3A_476 = arith.constant -2147483648 : i32
        %reduce_max3A_477 = vector.broadcast %reduce_max3A_476 : i32 to vector<16xi32>
        %reduce_max3A_478 = arith.xori %sub3A_473, %reduce_max3A_477 : vector<16xi32>
        %reduce_max3A_479 = tpu.scan <max>, %reduce_max3A_478 masked %reduce_max3A_475 : vector<16xi32>, vector<16xi1> -> vector<16xi32>
        %reduce_max3A_480 = arith.xori %reduce_max3A_479, %reduce_max3A_477 : vector<16xi32>
        %reduce_max3A_481 = vector.extract %reduce_max3A_480[15] : i32 from vector<16xi32>
        %jit3A_482 = arith.constant 16 : i32
        %div3A_483 = arith.divsi %reduce_max3A_481, %jit3A_482 : i32
        %sign3A_484 = arith.constant 0 : i32
        %sign3A_485 = arith.cmpi sgt, %reduce_max3A_481, %sign3A_484 : i32
        %sign3A_486 = arith.extui %sign3A_485 : i1 to i32
        %sign3A_487 = arith.constant 0 : i32
        %sign3A_488 = arith.cmpi slt, %reduce_max3A_481, %sign3A_487 : i32
        %sign3A_489 = arith.extui %sign3A_488 : i1 to i32
        %sign3A_490 = arith.subi %sign3A_486, %sign3A_489 : i32
        %sign3A_491 = arith.constant 0 : i32
        %sign3A_492 = arith.cmpi sgt, %jit3A_482, %sign3A_491 : i32
        %sign3A_493 = arith.extui %sign3A_492 : i1 to i32
        %sign3A_494 = arith.constant 0 : i32
        %sign3A_495 = arith.cmpi slt, %jit3A_482, %sign3A_494 : i32
        %sign3A_496 = arith.extui %sign3A_495 : i1 to i32
        %sign3A_497 = arith.subi %sign3A_493, %sign3A_496 : i32
        %ne3A_498 = arith.cmpi ne, %sign3A_490, %sign3A_497 : i32
        %rem3A_499 = arith.remsi %reduce_max3A_481, %jit3A_482 : i32
        %ne3A_500 = arith.constant 0 : i32
        %ne3A_501 = arith.cmpi ne, %rem3A_499, %ne3A_500 : i32
        %and3A_502 = arith.andi %ne3A_498, %ne3A_501 : i1
        %sub3A_503 = arith.constant 1 : i32
        %sub3A_504 = arith.subi %div3A_483, %sub3A_503 : i32
        %select_n3A_505 = arith.select %and3A_502, %sub3A_504, %div3A_483 : i32
        %while3A_506 = arith.constant 0 : i32
        %while3A_507 = arith.subi %select_n3A_505, %while3A_506 : i32
        %while3A_508 = arith.addi %while3A_506, %while3A_507 : i32
        %while3A_509 = arith.constant 1 : i32
        %while3A_510 = arith.divsi %while3A_507, %while3A_509 : i32
        %while3A_511 = arith.muli %while3A_510, %while3A_509 : i32
        %while3A_512 = arith.addi %while3A_506, %while3A_511 : i32
        %while3A_513 = arith.constant 1 : i32
        %while3A_514:2 = scf.for %while3A_605 = %while3A_506 to %while3A_512 step %while3A_513 iter_args(%while3A_606 = %while3A_472#0, %while3A_607 = %while3A_472#1) -> (vector<16xf32>, vector<16xi32>)  : i32 {
          %mul3A_608 = arith.constant 16 : i32
          %mul3A_609 = arith.muli %while3A_605, %mul3A_608 : i32
          %add3A_610 = arith.constant 1024 : i32
          %add3A_611 = arith.addi %add3A_610, %mul3A_609 : i32
          %get3A = arith.index_cast %add3A_611 : i32 to index
          %get3A_612 = tpu.vector_load %arg7[%get3A] {strides = array<i32>} : memref<2560xi32, #tpu.memory_space<vmem>>, vector<16xi32>,
          %sub3A_613 = arith.subi %parallel_loop3A_177#7, %iota3A : vector<16xi32>
          %mul3A_614 = arith.constant 16 : i32
          %mul3A_615 = arith.muli %while3A_605, %mul3A_614 : i32
          %gt3A_616 = vector.broadcast %mul3A_615 : i32 to vector<16xi32>
          %gt3A_617 = arith.cmpi sgt, %sub3A_613, %gt3A_616 : vector<16xi32>
          %gather3A_618 = tpu.vector_load_idx %arg5[%get3A_612] : memref<48000xf32, #tpu.memory_space<vmem>>[vector<16xi32>], vector<16xf32>,
          %ne3A_619 = arith.constant 1 : i32
          %ne3A_620 = vector.broadcast %ne3A_619 : i32 to vector<16xi32>
          %ne3A_621 = arith.cmpi ne, %get3A_612, %ne3A_620 : vector<16xi32>
          %and3A_622 = arith.andi %gt3A_617, %ne3A_621 : vector<16xi1>
          %jit3A_623 = arith.constant 0xFF800000 : f32
          %broadcast_in_dim3A_624 = vector.broadcast %jit3A_623 : f32 to vector<16xf32>
          %select_n3A_625 = arith.select %and3A_622, %gather3A_618, %broadcast_in_dim3A_624 : vector<16xi1>, vector<16xf32>
          %masked_sort3A = arith.constant dense<true> : vector<16xi1>
          %masked_sort3A_626, %masked_sort3A_627, %masked_sort3A_628 = tpu.sort %select_n3A_625, %get3A_612 masked %masked_sort3A {descending = true} : (vector<16xf32>, vector<16xi32>, vector<16xi1>) -> (vector<16xi1>, vector<16xf32>, vector<16xi32>)
          %gt3A_629 = arith.cmpf ogt, %masked_sort3A_627, %while3A_606 : vector<16xf32>
          %select_n3A_630 = arith.select %gt3A_629, %masked_sort3A_627, %while3A_606 : vector<16xi1>, vector<16xf32>
          %select_n3A_631 = arith.select %gt3A_629, %masked_sort3A_628, %while3A_607 : vector<16xi1>, vector<16xi32>
          %masked_sort3A_632 = arith.constant dense<true> : vector<16xi1>
          %masked_sort3A_633, %masked_sort3A_634, %masked_sort3A_635 = tpu.sort %select_n3A_630, %select_n3A_631 masked %masked_sort3A_632 : (vector<16xf32>, vector<16xi32>, vector<16xi1>) -> (vector<16xi1>, vector<16xf32>, vector<16xi32>)
          scf.yield %masked_sort3A_634, %masked_sort3A_635 : vector<16xf32>, vector<16xi32>
        }
        %while3A_515 = arith.constant 1 : i32
        %while3A_516:2 = scf.for %while3A_605 = %while3A_512 to %while3A_508 step %while3A_515 iter_args(%while3A_606 = %while3A_514#0, %while3A_607 = %while3A_514#1) -> (vector<16xf32>, vector<16xi32>)  : i32 {
          %mul3A_608 = arith.constant 16 : i32
          %mul3A_609 = arith.muli %while3A_605, %mul3A_608 : i32
          %add3A_610 = arith.constant 1024 : i32
          %add3A_611 = arith.addi %add3A_610, %mul3A_609 : i32
          %get3A = arith.index_cast %add3A_611 : i32 to index
          %get3A_612 = tpu.vector_load %arg7[%get3A] {strides = array<i32>} : memref<2560xi32, #tpu.memory_space<vmem>>, vector<16xi32>,
          %sub3A_613 = arith.subi %parallel_loop3A_177#7, %iota3A : vector<16xi32>
          %mul3A_614 = arith.constant 16 : i32
          %mul3A_615 = arith.muli %while3A_605, %mul3A_614 : i32
          %gt3A_616 = vector.broadcast %mul3A_615 : i32 to vector<16xi32>
          %gt3A_617 = arith.cmpi sgt, %sub3A_613, %gt3A_616 : vector<16xi32>
          %gather3A_618 = tpu.vector_load_idx %arg5[%get3A_612] : memref<48000xf32, #tpu.memory_space<vmem>>[vector<16xi32>], vector<16xf32>,
          %ne3A_619 = arith.constant 1 : i32
          %ne3A_620 = vector.broadcast %ne3A_619 : i32 to vector<16xi32>
          %ne3A_621 = arith.cmpi ne, %get3A_612, %ne3A_620 : vector<16xi32>
          %and3A_622 = arith.andi %gt3A_617, %ne3A_621 : vector<16xi1>
          %jit3A_623 = arith.constant 0xFF800000 : f32
          %broadcast_in_dim3A_624 = vector.broadcast %jit3A_623 : f32 to vector<16xf32>
          %select_n3A_625 = arith.select %and3A_622, %gather3A_618, %broadcast_in_dim3A_624 : vector<16xi1>, vector<16xf32>
          %masked_sort3A = arith.constant dense<true> : vector<16xi1>
          %masked_sort3A_626, %masked_sort3A_627, %masked_sort3A_628 = tpu.sort %select_n3A_625, %get3A_612 masked %masked_sort3A {descending = true} : (vector<16xf32>, vector<16xi32>, vector<16xi1>) -> (vector<16xi1>, vector<16xf32>, vector<16xi32>)
          %gt3A_629 = arith.cmpf ogt, %masked_sort3A_627, %while3A_606 : vector<16xf32>
          %select_n3A_630 = arith.select %gt3A_629, %masked_sort3A_627, %while3A_606 : vector<16xi1>, vector<16xf32>
          %select_n3A_631 = arith.select %gt3A_629, %masked_sort3A_628, %while3A_607 : vector<16xi1>, vector<16xi32>
          %masked_sort3A_632 = arith.constant dense<true> : vector<16xi1>
          %masked_sort3A_633, %masked_sort3A_634, %masked_sort3A_635 = tpu.sort %select_n3A_630, %select_n3A_631 masked %masked_sort3A_632 : (vector<16xf32>, vector<16xi32>, vector<16xi1>) -> (vector<16xi1>, vector<16xf32>, vector<16xi32>)
          scf.yield %masked_sort3A_634, %masked_sort3A_635 : vector<16xf32>, vector<16xi32>
        }
        %sub3A_517 = arith.subi %parallel_loop3A_177#8, %iota3A : vector<16xi32>
        %reduce_max3A_518 = arith.constant true
        %reduce_max3A_519 = vector.broadcast %reduce_max3A_518 : i1 to vector<16xi1>
        %reduce_max3A_520 = arith.constant -2147483648 : i32
        %reduce_max3A_521 = vector.broadcast %reduce_max3A_520 : i32 to vector<16xi32>
        %reduce_max3A_522 = arith.xori %sub3A_517, %reduce_max3A_521 : vector<16xi32>
        %reduce_max3A_523 = tpu.scan <max>, %reduce_max3A_522 masked %reduce_max3A_519 : vector<16xi32>, vector<16xi1> -> vector<16xi32>
        %reduce_max3A_524 = arith.xori %reduce_max3A_523, %reduce_max3A_521 : vector<16xi32>
        %reduce_max3A_525 = vector.extract %reduce_max3A_524[15] : i32 from vector<16xi32>
        %jit3A_526 = arith.constant 16 : i32
        %div3A_527 = arith.divsi %reduce_max3A_525, %jit3A_526 : i32
        %sign3A_528 = arith.constant 0 : i32
        %sign3A_529 = arith.cmpi sgt, %reduce_max3A_525, %sign3A_528 : i32
        %sign3A_530 = arith.extui %sign3A_529 : i1 to i32
        %sign3A_531 = arith.constant 0 : i32
        %sign3A_532 = arith.cmpi slt, %reduce_max3A_525, %sign3A_531 : i32
        %sign3A_533 = arith.extui %sign3A_532 : i1 to i32
        %sign3A_534 = arith.subi %sign3A_530, %sign3A_533 : i32
        %sign3A_535 = arith.constant 0 : i32
        %sign3A_536 = arith.cmpi sgt, %jit3A_526, %sign3A_535 : i32
        %sign3A_537 = arith.extui %sign3A_536 : i1 to i32
        %sign3A_538 = arith.constant 0 : i32
        %sign3A_539 = arith.cmpi slt, %jit3A_526, %sign3A_538 : i32
        %sign3A_540 = arith.extui %sign3A_539 : i1 to i32
        %sign3A_541 = arith.subi %sign3A_537, %sign3A_540 : i32
        %ne3A_542 = arith.cmpi ne, %sign3A_534, %sign3A_541 : i32
        %rem3A_543 = arith.remsi %reduce_max3A_525, %jit3A_526 : i32
        %ne3A_544 = arith.constant 0 : i32
        %ne3A_545 = arith.cmpi ne, %rem3A_543, %ne3A_544 : i32
        %and3A_546 = arith.andi %ne3A_542, %ne3A_545 : i1
        %sub3A_547 = arith.constant 1 : i32
        %sub3A_548 = arith.subi %div3A_527, %sub3A_547 : i32
        %select_n3A_549 = arith.select %and3A_546, %sub3A_548, %div3A_527 : i32
        %while3A_550 = arith.constant 0 : i32
        %while3A_551 = arith.subi %select_n3A_549, %while3A_550 : i32
        %while3A_552 = arith.addi %while3A_550, %while3A_551 : i32
        %while3A_553 = arith.constant 1 : i32
        %while3A_554 = arith.divsi %while3A_551, %while3A_553 : i32
        %while3A_555 = arith.muli %while3A_554, %while3A_553 : i32
        %while3A_556 = arith.addi %while3A_550, %while3A_555 : i32
        %while3A_557 = arith.constant 1 : i32
        %while3A_558:2 = scf.for %while3A_605 = %while3A_550 to %while3A_556 step %while3A_557 iter_args(%while3A_606 = %while3A_516#0, %while3A_607 = %while3A_516#1) -> (vector<16xf32>, vector<16xi32>)  : i32 {
          %mul3A_608 = arith.constant 16 : i32
          %mul3A_609 = arith.muli %while3A_605, %mul3A_608 : i32
          %add3A_610 = arith.constant 1536 : i32
          %add3A_611 = arith.addi %add3A_610, %mul3A_609 : i32
          %get3A = arith.index_cast %add3A_611 : i32 to index
          %get3A_612 = tpu.vector_load %arg7[%get3A] {strides = array<i32>} : memref<2560xi32, #tpu.memory_space<vmem>>, vector<16xi32>,
          %sub3A_613 = arith.subi %parallel_loop3A_177#8, %iota3A : vector<16xi32>
          %mul3A_614 = arith.constant 16 : i32
          %mul3A_615 = arith.muli %while3A_605, %mul3A_614 : i32
          %gt3A_616 = vector.broadcast %mul3A_615 : i32 to vector<16xi32>
          %gt3A_617 = arith.cmpi sgt, %sub3A_613, %gt3A_616 : vector<16xi32>
          %gather3A_618 = tpu.vector_load_idx %arg5[%get3A_612] : memref<48000xf32, #tpu.memory_space<vmem>>[vector<16xi32>], vector<16xf32>,
          %ne3A_619 = arith.constant 1 : i32
          %ne3A_620 = vector.broadcast %ne3A_619 : i32 to vector<16xi32>
          %ne3A_621 = arith.cmpi ne, %get3A_612, %ne3A_620 : vector<16xi32>
          %and3A_622 = arith.andi %gt3A_617, %ne3A_621 : vector<16xi1>
          %jit3A_623 = arith.constant 0xFF800000 : f32
          %broadcast_in_dim3A_624 = vector.broadcast %jit3A_623 : f32 to vector<16xf32>
          %select_n3A_625 = arith.select %and3A_622, %gather3A_618, %broadcast_in_dim3A_624 : vector<16xi1>, vector<16xf32>
          %masked_sort3A = arith.constant dense<true> : vector<16xi1>
          %masked_sort3A_626, %masked_sort3A_627, %masked_sort3A_628 = tpu.sort %select_n3A_625, %get3A_612 masked %masked_sort3A {descending = true} : (vector<16xf32>, vector<16xi32>, vector<16xi1>) -> (vector<16xi1>, vector<16xf32>, vector<16xi32>)
          %gt3A_629 = arith.cmpf ogt, %masked_sort3A_627, %while3A_606 : vector<16xf32>
          %select_n3A_630 = arith.select %gt3A_629, %masked_sort3A_627, %while3A_606 : vector<16xi1>, vector<16xf32>
          %select_n3A_631 = arith.select %gt3A_629, %masked_sort3A_628, %while3A_607 : vector<16xi1>, vector<16xi32>
          %masked_sort3A_632 = arith.constant dense<true> : vector<16xi1>
          %masked_sort3A_633, %masked_sort3A_634, %masked_sort3A_635 = tpu.sort %select_n3A_630, %select_n3A_631 masked %masked_sort3A_632 : (vector<16xf32>, vector<16xi32>, vector<16xi1>) -> (vector<16xi1>, vector<16xf32>, vector<16xi32>)
          scf.yield %masked_sort3A_634, %masked_sort3A_635 : vector<16xf32>, vector<16xi32>
        }
        %while3A_559 = arith.constant 1 : i32
        %while3A_560:2 = scf.for %while3A_605 = %while3A_556 to %while3A_552 step %while3A_559 iter_args(%while3A_606 = %while3A_558#0, %while3A_607 = %while3A_558#1) -> (vector<16xf32>, vector<16xi32>)  : i32 {
          %mul3A_608 = arith.constant 16 : i32
          %mul3A_609 = arith.muli %while3A_605, %mul3A_608 : i32
          %add3A_610 = arith.constant 1536 : i32
          %add3A_611 = arith.addi %add3A_610, %mul3A_609 : i32
          %get3A = arith.index_cast %add3A_611 : i32 to index
          %get3A_612 = tpu.vector_load %arg7[%get3A] {strides = array<i32>} : memref<2560xi32, #tpu.memory_space<vmem>>, vector<16xi32>,
          %sub3A_613 = arith.subi %parallel_loop3A_177#8, %iota3A : vector<16xi32>
          %mul3A_614 = arith.constant 16 : i32
          %mul3A_615 = arith.muli %while3A_605, %mul3A_614 : i32
          %gt3A_616 = vector.broadcast %mul3A_615 : i32 to vector<16xi32>
          %gt3A_617 = arith.cmpi sgt, %sub3A_613, %gt3A_616 : vector<16xi32>
          %gather3A_618 = tpu.vector_load_idx %arg5[%get3A_612] : memref<48000xf32, #tpu.memory_space<vmem>>[vector<16xi32>], vector<16xf32>,
          %ne3A_619 = arith.constant 1 : i32
          %ne3A_620 = vector.broadcast %ne3A_619 : i32 to vector<16xi32>
          %ne3A_621 = arith.cmpi ne, %get3A_612, %ne3A_620 : vector<16xi32>
          %and3A_622 = arith.andi %gt3A_617, %ne3A_621 : vector<16xi1>
          %jit3A_623 = arith.constant 0xFF800000 : f32
          %broadcast_in_dim3A_624 = vector.broadcast %jit3A_623 : f32 to vector<16xf32>
          %select_n3A_625 = arith.select %and3A_622, %gather3A_618, %broadcast_in_dim3A_624 : vector<16xi1>, vector<16xf32>
          %masked_sort3A = arith.constant dense<true> : vector<16xi1>
          %masked_sort3A_626, %masked_sort3A_627, %masked_sort3A_628 = tpu.sort %select_n3A_625, %get3A_612 masked %masked_sort3A {descending = true} : (vector<16xf32>, vector<16xi32>, vector<16xi1>) -> (vector<16xi1>, vector<16xf32>, vector<16xi32>)
          %gt3A_629 = arith.cmpf ogt, %masked_sort3A_627, %while3A_606 : vector<16xf32>
          %select_n3A_630 = arith.select %gt3A_629, %masked_sort3A_627, %while3A_606 : vector<16xi1>, vector<16xf32>
          %select_n3A_631 = arith.select %gt3A_629, %masked_sort3A_628, %while3A_607 : vector<16xi1>, vector<16xi32>
          %masked_sort3A_632 = arith.constant dense<true> : vector<16xi1>
          %masked_sort3A_633, %masked_sort3A_634, %masked_sort3A_635 = tpu.sort %select_n3A_630, %select_n3A_631 masked %masked_sort3A_632 : (vector<16xf32>, vector<16xi32>, vector<16xi1>) -> (vector<16xi1>, vector<16xf32>, vector<16xi32>)
          scf.yield %masked_sort3A_634, %masked_sort3A_635 : vector<16xf32>, vector<16xi32>
        }
        %sub3A_561 = arith.subi %parallel_loop3A_177#9, %iota3A : vector<16xi32>
        %reduce_max3A_562 = arith.constant true
        %reduce_max3A_563 = vector.broadcast %reduce_max3A_562 : i1 to vector<16xi1>
        %reduce_max3A_564 = arith.constant -2147483648 : i32
        %reduce_max3A_565 = vector.broadcast %reduce_max3A_564 : i32 to vector<16xi32>
        %reduce_max3A_566 = arith.xori %sub3A_561, %reduce_max3A_565 : vector<16xi32>
        %reduce_max3A_567 = tpu.scan <max>, %reduce_max3A_566 masked %reduce_max3A_563 : vector<16xi32>, vector<16xi1> -> vector<16xi32>
        %reduce_max3A_568 = arith.xori %reduce_max3A_567, %reduce_max3A_565 : vector<16xi32>
        %reduce_max3A_569 = vector.extract %reduce_max3A_568[15] : i32 from vector<16xi32>
        %jit3A_570 = arith.constant 16 : i32
        %div3A_571 = arith.divsi %reduce_max3A_569, %jit3A_570 : i32
        %sign3A_572 = arith.constant 0 : i32
        %sign3A_573 = arith.cmpi sgt, %reduce_max3A_569, %sign3A_572 : i32
        %sign3A_574 = arith.extui %sign3A_573 : i1 to i32
        %sign3A_575 = arith.constant 0 : i32
        %sign3A_576 = arith.cmpi slt, %reduce_max3A_569, %sign3A_575 : i32
        %sign3A_577 = arith.extui %sign3A_576 : i1 to i32
        %sign3A_578 = arith.subi %sign3A_574, %sign3A_577 : i32
        %sign3A_579 = arith.constant 0 : i32
        %sign3A_580 = arith.cmpi sgt, %jit3A_570, %sign3A_579 : i32
        %sign3A_581 = arith.extui %sign3A_580 : i1 to i32
        %sign3A_582 = arith.constant 0 : i32
        %sign3A_583 = arith.cmpi slt, %jit3A_570, %sign3A_582 : i32
        %sign3A_584 = arith.extui %sign3A_583 : i1 to i32
        %sign3A_585 = arith.subi %sign3A_581, %sign3A_584 : i32
        %ne3A_586 = arith.cmpi ne, %sign3A_578, %sign3A_585 : i32
        %rem3A_587 = arith.remsi %reduce_max3A_569, %jit3A_570 : i32
        %ne3A_588 = arith.constant 0 : i32
        %ne3A_589 = arith.cmpi ne, %rem3A_587, %ne3A_588 : i32
        %and3A_590 = arith.andi %ne3A_586, %ne3A_589 : i1
        %sub3A_591 = arith.constant 1 : i32
        %sub3A_592 = arith.subi %div3A_571, %sub3A_591 : i32
        %select_n3A_593 = arith.select %and3A_590, %sub3A_592, %div3A_571 : i32
        %while3A_594 = arith.constant 0 : i32
        %while3A_595 = arith.subi %select_n3A_593, %while3A_594 : i32
        %while3A_596 = arith.addi %while3A_594, %while3A_595 : i32
        %while3A_597 = arith.constant 1 : i32
        %while3A_598 = arith.divsi %while3A_595, %while3A_597 : i32
        %while3A_599 = arith.muli %while3A_598, %while3A_597 : i32
        %while3A_600 = arith.addi %while3A_594, %while3A_599 : i32
        %while3A_601 = arith.constant 1 : i32
        %while3A_602:2 = scf.for %while3A_605 = %while3A_594 to %while3A_600 step %while3A_601 iter_args(%while3A_606 = %while3A_560#0, %while3A_607 = %while3A_560#1) -> (vector<16xf32>, vector<16xi32>)  : i32 {
          %mul3A_608 = arith.constant 16 : i32
          %mul3A_609 = arith.muli %while3A_605, %mul3A_608 : i32
          %add3A_610 = arith.constant 2048 : i32
          %add3A_611 = arith.addi %add3A_610, %mul3A_609 : i32
          %get3A = arith.index_cast %add3A_611 : i32 to index
          %get3A_612 = tpu.vector_load %arg7[%get3A] {strides = array<i32>} : memref<2560xi32, #tpu.memory_space<vmem>>, vector<16xi32>,
          %sub3A_613 = arith.subi %parallel_loop3A_177#9, %iota3A : vector<16xi32>
          %mul3A_614 = arith.constant 16 : i32
          %mul3A_615 = arith.muli %while3A_605, %mul3A_614 : i32
          %gt3A_616 = vector.broadcast %mul3A_615 : i32 to vector<16xi32>
          %gt3A_617 = arith.cmpi sgt, %sub3A_613, %gt3A_616 : vector<16xi32>
          %gather3A_618 = tpu.vector_load_idx %arg5[%get3A_612] : memref<48000xf32, #tpu.memory_space<vmem>>[vector<16xi32>], vector<16xf32>,
          %ne3A_619 = arith.constant 1 : i32
          %ne3A_620 = vector.broadcast %ne3A_619 : i32 to vector<16xi32>
          %ne3A_621 = arith.cmpi ne, %get3A_612, %ne3A_620 : vector<16xi32>
          %and3A_622 = arith.andi %gt3A_617, %ne3A_621 : vector<16xi1>
          %jit3A_623 = arith.constant 0xFF800000 : f32
          %broadcast_in_dim3A_624 = vector.broadcast %jit3A_623 : f32 to vector<16xf32>
          %select_n3A_625 = arith.select %and3A_622, %gather3A_618, %broadcast_in_dim3A_624 : vector<16xi1>, vector<16xf32>
          %masked_sort3A = arith.constant dense<true> : vector<16xi1>
          %masked_sort3A_626, %masked_sort3A_627, %masked_sort3A_628 = tpu.sort %select_n3A_625, %get3A_612 masked %masked_sort3A {descending = true} : (vector<16xf32>, vector<16xi32>, vector<16xi1>) -> (vector<16xi1>, vector<16xf32>, vector<16xi32>)
          %gt3A_629 = arith.cmpf ogt, %masked_sort3A_627, %while3A_606 : vector<16xf32>
          %select_n3A_630 = arith.select %gt3A_629, %masked_sort3A_627, %while3A_606 : vector<16xi1>, vector<16xf32>
          %select_n3A_631 = arith.select %gt3A_629, %masked_sort3A_628, %while3A_607 : vector<16xi1>, vector<16xi32>
          %masked_sort3A_632 = arith.constant dense<true> : vector<16xi1>
          %masked_sort3A_633, %masked_sort3A_634, %masked_sort3A_635 = tpu.sort %select_n3A_630, %select_n3A_631 masked %masked_sort3A_632 : (vector<16xf32>, vector<16xi32>, vector<16xi1>) -> (vector<16xi1>, vector<16xf32>, vector<16xi32>)
          scf.yield %masked_sort3A_634, %masked_sort3A_635 : vector<16xf32>, vector<16xi32>
        }
        %while3A_603 = arith.constant 1 : i32
        %while3A_604:2 = scf.for %while3A_605 = %while3A_600 to %while3A_596 step %while3A_603 iter_args(%while3A_606 = %while3A_602#0, %while3A_607 = %while3A_602#1) -> (vector<16xf32>, vector<16xi32>)  : i32 {
          %mul3A_608 = arith.constant 16 : i32
          %mul3A_609 = arith.muli %while3A_605, %mul3A_608 : i32
          %add3A_610 = arith.constant 2048 : i32
          %add3A_611 = arith.addi %add3A_610, %mul3A_609 : i32
          %get3A = arith.index_cast %add3A_611 : i32 to index
          %get3A_612 = tpu.vector_load %arg7[%get3A] {strides = array<i32>} : memref<2560xi32, #tpu.memory_space<vmem>>, vector<16xi32>,
          %sub3A_613 = arith.subi %parallel_loop3A_177#9, %iota3A : vector<16xi32>
          %mul3A_614 = arith.constant 16 : i32
          %mul3A_615 = arith.muli %while3A_605, %mul3A_614 : i32
          %gt3A_616 = vector.broadcast %mul3A_615 : i32 to vector<16xi32>
          %gt3A_617 = arith.cmpi sgt, %sub3A_613, %gt3A_616 : vector<16xi32>
          %gather3A_618 = tpu.vector_load_idx %arg5[%get3A_612] : memref<48000xf32, #tpu.memory_space<vmem>>[vector<16xi32>], vector<16xf32>,
          %ne3A_619 = arith.constant 1 : i32
          %ne3A_620 = vector.broadcast %ne3A_619 : i32 to vector<16xi32>
          %ne3A_621 = arith.cmpi ne, %get3A_612, %ne3A_620 : vector<16xi32>
          %and3A_622 = arith.andi %gt3A_617, %ne3A_621 : vector<16xi1>
          %jit3A_623 = arith.constant 0xFF800000 : f32
          %broadcast_in_dim3A_624 = vector.broadcast %jit3A_623 : f32 to vector<16xf32>
          %select_n3A_625 = arith.select %and3A_622, %gather3A_618, %broadcast_in_dim3A_624 : vector<16xi1>, vector<16xf32>
          %masked_sort3A = arith.constant dense<true> : vector<16xi1>
          %masked_sort3A_626, %masked_sort3A_627, %masked_sort3A_628 = tpu.sort %select_n3A_625, %get3A_612 masked %masked_sort3A {descending = true} : (vector<16xf32>, vector<16xi32>, vector<16xi1>) -> (vector<16xi1>, vector<16xf32>, vector<16xi32>)
          %gt3A_629 = arith.cmpf ogt, %masked_sort3A_627, %while3A_606 : vector<16xf32>
          %select_n3A_630 = arith.select %gt3A_629, %masked_sort3A_627, %while3A_606 : vector<16xi1>, vector<16xf32>
          %select_n3A_631 = arith.select %gt3A_629, %masked_sort3A_628, %while3A_607 : vector<16xi1>, vector<16xi32>
          %masked_sort3A_632 = arith.constant dense<true> : vector<16xi1>
          %masked_sort3A_633, %masked_sort3A_634, %masked_sort3A_635 = tpu.sort %select_n3A_630, %select_n3A_631 masked %masked_sort3A_632 : (vector<16xf32>, vector<16xi32>, vector<16xi1>) -> (vector<16xi1>, vector<16xf32>, vector<16xi32>)
          scf.yield %masked_sort3A_634, %masked_sort3A_635 : vector<16xf32>, vector<16xi32>
        }
        scf.yield %while3A_604#0, %while3A_604#1 : vector<16xf32>, vector<16xi32>
      }
      %swap3A = arith.constant 0 : i32
      %swap3A_205 = arith.index_cast %swap3A : i32 to index
      %swap3A_206 = arith.constant 0 : index
      %swap3A_207 = tpu.vector_load %arg8[%swap3A_205, %swap3A_206] {strides = array<i32>} : memref<3x16xf32, #tpu.memory_space<vmem>>, vector<16xf32>,
      tpu.vector_store %arg8[%swap3A_205, %swap3A_206], %max3A {strides = array<i32>} : memref<3x16xf32, #tpu.memory_space<vmem>>, vector<16xf32>,
      %swap3A_208 = arith.constant 1 : i32
      %swap3A_209 = arith.index_cast %swap3A_208 : i32 to index
      %swap3A_210 = arith.constant 0 : index
      %swap3A_211 = tpu.vector_load %arg8[%swap3A_209, %swap3A_210] {strides = array<i32>} : memref<3x16xf32, #tpu.memory_space<vmem>>, vector<16xf32>,
      tpu.vector_store %arg8[%swap3A_209, %swap3A_210], %add3A_181 {strides = array<i32>} : memref<3x16xf32, #tpu.memory_space<vmem>>, vector<16xf32>,
      %swap3A_212 = arith.constant 2 : i32
      %swap3A_213 = arith.index_cast %swap3A_212 : i32 to index
      %swap3A_214 = arith.constant 0 : index
      %swap3A_215 = tpu.vector_load %arg8[%swap3A_213, %swap3A_214] {strides = array<i32>} : memref<3x16xf32, #tpu.memory_space<vmem>>, vector<16xf32>,
      tpu.vector_store %arg8[%swap3A_213, %swap3A_214], %cond3A_204#0 {strides = array<i32>} : memref<3x16xf32, #tpu.memory_space<vmem>>, vector<16xf32>,
      %swap3A_216 = arith.constant 0 : index
      %swap3A_217 = tpu.vector_load %arg9[%swap3A_216] {strides = array<i32>} : memref<16xi32, #tpu.memory_space<vmem>>, vector<16xi32>,
      tpu.vector_store %arg9[%swap3A_216], %cond3A_204#1 {strides = array<i32>} : memref<16xi32, #tpu.memory_space<vmem>>, vector<16xi32>,
      "tpu.region"() ({
        %run_scoped3A = tpu.sem_alloc : memref<!tpu.dma_semaphore, #tpu.memory_space<semaphore_mem>>
        %dma_start3A_387 = arith.constant 0 : i32
        %dma_start3A_388 = arith.constant 0 : i32
        %dma_start3A_389 = tpu.memref_slice %arg3[%add3A_41, %dma_start3A_387, %dma_start3A_388] : memref<1024x3x16xf32, #tpu.memory_space<hbm>> -> memref<1x3x16xf32, #tpu.memory_space<hbm>>
        %dma_start3A_390 = tpu.memref_squeeze %dma_start3A_389 : memref<1x3x16xf32, #tpu.memory_space<hbm>> -> memref<3x16xf32, #tpu.memory_space<hbm>>
        %dma_start3A_391 = arith.constant 0 : i32
        %dma_start3A_392 = arith.constant 0 : i32
        %dma_start3A_393 = tpu.memref_slice %arg3[%add3A_41, %dma_start3A_391, %dma_start3A_392] : memref<1024x3x16xf32, #tpu.memory_space<hbm>> -> memref<1x3x16xf32, #tpu.memory_space<hbm>>
        %dma_start3A_394 = tpu.memref_squeeze %dma_start3A_393 : memref<1x3x16xf32, #tpu.memory_space<hbm>> -> memref<3x16xf32, #tpu.memory_space<hbm>>
        tpu.enqueue_dma source(%arg8 : memref<3x16xf32, #tpu.memory_space<vmem>>) target(%dma_start3A_394 : memref<3x16xf32, #tpu.memory_space<hbm>>) target_semaphore(%run_scoped3A : memref<!tpu.dma_semaphore, #tpu.memory_space<semaphore_mem>>)
        %dma_wait3A_395 = arith.constant 0 : i32
        %dma_wait3A_396 = arith.constant 0 : i32
        %dma_wait3A_397 = tpu.memref_slice %arg3[%add3A_41, %dma_wait3A_395, %dma_wait3A_396] : memref<1024x3x16xf32, #tpu.memory_space<hbm>> -> memref<1x3x16xf32, #tpu.memory_space<hbm>>
        %dma_wait3A_398 = tpu.memref_squeeze %dma_wait3A_397 : memref<1x3x16xf32, #tpu.memory_space<hbm>> -> memref<3x16xf32, #tpu.memory_space<hbm>>
        %dma_wait3A_399 = arith.constant 0 : i32
        %dma_wait3A_400 = arith.constant 0 : i32
        %dma_wait3A_401 = tpu.memref_slice %arg3[%add3A_41, %dma_wait3A_399, %dma_wait3A_400] : memref<1024x3x16xf32, #tpu.memory_space<hbm>> -> memref<1x3x16xf32, #tpu.memory_space<hbm>>
        %dma_wait3A_402 = tpu.memref_squeeze %dma_wait3A_401 : memref<1x3x16xf32, #tpu.memory_space<hbm>> -> memref<3x16xf32, #tpu.memory_space<hbm>>
        tpu.wait_dma2 semaphore(%run_scoped3A : memref<!tpu.dma_semaphore, #tpu.memory_space<semaphore_mem>>) src(%arg8 : memref<3x16xf32, #tpu.memory_space<vmem>>) dst(%dma_wait3A_402 : memref<3x16xf32, #tpu.memory_space<hbm>>)
        tpu.yield
      }) : () -> ()
      "tpu.region"() ({
        %run_scoped3A = tpu.sem_alloc : memref<!tpu.dma_semaphore, #tpu.memory_space<semaphore_mem>>
        %dma_start3A_387 = arith.constant 0 : i32
        %dma_start3A_388 = tpu.memref_slice %arg4[%add3A_41, %dma_start3A_387] : memref<1024x16xi32, #tpu.memory_space<hbm>> -> memref<1x16xi32, #tpu.memory_space<hbm>>
        %dma_start3A_389 = tpu.memref_squeeze %dma_start3A_388 : memref<1x16xi32, #tpu.memory_space<hbm>> -> memref<16xi32, #tpu.memory_space<hbm>>
        %dma_start3A_390 = arith.constant 0 : i32
        %dma_start3A_391 = tpu.memref_slice %arg4[%add3A_41, %dma_start3A_390] : memref<1024x16xi32, #tpu.memory_space<hbm>> -> memref<1x16xi32, #tpu.memory_space<hbm>>
        %dma_start3A_392 = tpu.memref_squeeze %dma_start3A_391 : memref<1x16xi32, #tpu.memory_space<hbm>> -> memref<16xi32, #tpu.memory_space<hbm>>
        tpu.enqueue_dma source(%arg9 : memref<16xi32, #tpu.memory_space<vmem>>) target(%dma_start3A_392 : memref<16xi32, #tpu.memory_space<hbm>>) target_semaphore(%run_scoped3A : memref<!tpu.dma_semaphore, #tpu.memory_space<semaphore_mem>>)
        %dma_wait3A_393 = arith.constant 0 : i32
        %dma_wait3A_394 = tpu.memref_slice %arg4[%add3A_41, %dma_wait3A_393] : memref<1024x16xi32, #tpu.memory_space<hbm>> -> memref<1x16xi32, #tpu.memory_space<hbm>>
        %dma_wait3A_395 = tpu.memref_squeeze %dma_wait3A_394 : memref<1x16xi32, #tpu.memory_space<hbm>> -> memref<16xi32, #tpu.memory_space<hbm>>
        %dma_wait3A_396 = arith.constant 0 : i32
        %dma_wait3A_397 = tpu.memref_slice %arg4[%add3A_41, %dma_wait3A_396] : memref<1024x16xi32, #tpu.memory_space<hbm>> -> memref<1x16xi32, #tpu.memory_space<hbm>>
        %dma_wait3A_398 = tpu.memref_squeeze %dma_wait3A_397 : memref<1x16xi32, #tpu.memory_space<hbm>> -> memref<16xi32, #tpu.memory_space<hbm>>
        tpu.wait_dma2 semaphore(%run_scoped3A : memref<!tpu.dma_semaphore, #tpu.memory_space<semaphore_mem>>) src(%arg9 : memref<16xi32, #tpu.memory_space<vmem>>) dst(%dma_wait3A_398 : memref<16xi32, #tpu.memory_space<hbm>>)
        tpu.yield
      }) : () -> ()
      %lt3A_218 = arith.constant 15 : i32
      %lt3A_219 = arith.cmpi slt, %scan3A_37, %lt3A_218 : i32
      %convert_element_type3A_220 = arith.extui %lt3A_219 : i1 to i32
      %cond3A_221 = arith.constant 0 : i32
      %cond3A_222 = arith.cmpi ne, %convert_element_type3A_220, %cond3A_221 : i32
      scf.if %cond3A_222 {
        %add3A_387 = arith.constant 2 : i32
        %add3A_388 = arith.addi %add3A_41, %add3A_387 : i32
        %jit3A_389 = arith.constant 2 : i32
        %div3A_390 = arith.divsi %add3A_388, %jit3A_389 : i32
        %sign3A_391 = arith.constant 0 : i32
        %sign3A_392 = arith.cmpi sgt, %add3A_388, %sign3A_391 : i32
        %sign3A_393 = arith.extui %sign3A_392 : i1 to i32
        %sign3A_394 = arith.constant 0 : i32
        %sign3A_395 = arith.cmpi slt, %add3A_388, %sign3A_394 : i32
        %sign3A_396 = arith.extui %sign3A_395 : i1 to i32
        %sign3A_397 = arith.subi %sign3A_393, %sign3A_396 : i32
        %sign3A_398 = arith.constant 0 : i32
        %sign3A_399 = arith.cmpi sgt, %jit3A_389, %sign3A_398 : i32
        %sign3A_400 = arith.extui %sign3A_399 : i1 to i32
        %sign3A_401 = arith.constant 0 : i32
        %sign3A_402 = arith.cmpi slt, %jit3A_389, %sign3A_401 : i32
        %sign3A_403 = arith.extui %sign3A_402 : i1 to i32
        %sign3A_404 = arith.subi %sign3A_400, %sign3A_403 : i32
        %ne3A_405 = arith.cmpi ne, %sign3A_397, %sign3A_404 : i32
        %rem3A_406 = arith.remsi %add3A_388, %jit3A_389 : i32
        %ne3A_407 = arith.constant 0 : i32
        %ne3A_408 = arith.cmpi ne, %rem3A_406, %ne3A_407 : i32
        %and3A_409 = arith.andi %ne3A_405, %ne3A_408 : i1
        %sub3A_410 = arith.constant 1 : i32
        %sub3A_411 = arith.subi %div3A_390, %sub3A_410 : i32
        %select_n3A_412 = arith.select %and3A_409, %sub3A_411, %div3A_390 : i32
        %dma_start3A_413 = arith.constant 0 : i32
        %dma_start3A_414 = tpu.memref_slice %arg2[%select_n3A_412, %dma_start3A_413] : memref<512x100000xf32, #tpu.memory_space<hbm>> -> memref<1x48000xf32, #tpu.memory_space<hbm>>
        %dma_start3A_415 = tpu.memref_squeeze %dma_start3A_414 : memref<1x48000xf32, #tpu.memory_space<hbm>> -> memref<48000xf32, #tpu.memory_space<hbm>>
        %dma_start3A_416 = arith.constant 0 : i32
        %dma_start3A_417 = tpu.memref_slice %arg2[%select_n3A_412, %dma_start3A_416] : memref<512x100000xf32, #tpu.memory_space<hbm>> -> memref<1x48000xf32, #tpu.memory_space<hbm>>
        %dma_start3A_418 = tpu.memref_squeeze %dma_start3A_417 : memref<1x48000xf32, #tpu.memory_space<hbm>> -> memref<48000xf32, #tpu.memory_space<hbm>>
        tpu.enqueue_dma source(%dma_start3A_418 : memref<48000xf32, #tpu.memory_space<hbm>>) target(%arg5 : memref<48000xf32, #tpu.memory_space<vmem>>) target_semaphore(%arg10 : memref<!tpu.dma_semaphore, #tpu.memory_space<semaphore_mem>>)
      } else {
      }
      %add3A_223 = arith.constant 1 : i32
      %add3A_224 = arith.addi %add3A_41, %add3A_223 : i32
      %jit3A_225 = arith.constant 2 : i32
      %div3A_226 = arith.divsi %add3A_224, %jit3A_225 : i32
      %sign3A_227 = arith.constant 0 : i32
      %sign3A_228 = arith.cmpi sgt, %add3A_224, %sign3A_227 : i32
      %sign3A_229 = arith.extui %sign3A_228 : i1 to i32
      %sign3A_230 = arith.constant 0 : i32
      %sign3A_231 = arith.cmpi slt, %add3A_224, %sign3A_230 : i32
      %sign3A_232 = arith.extui %sign3A_231 : i1 to i32
      %sign3A_233 = arith.subi %sign3A_229, %sign3A_232 : i32
      %sign3A_234 = arith.constant 0 : i32
      %sign3A_235 = arith.cmpi sgt, %jit3A_225, %sign3A_234 : i32
      %sign3A_236 = arith.extui %sign3A_235 : i1 to i32
      %sign3A_237 = arith.constant 0 : i32
      %sign3A_238 = arith.cmpi slt, %jit3A_225, %sign3A_237 : i32
      %sign3A_239 = arith.extui %sign3A_238 : i1 to i32
      %sign3A_240 = arith.subi %sign3A_236, %sign3A_239 : i32
      %ne3A_241 = arith.cmpi ne, %sign3A_233, %sign3A_240 : i32
      %rem3A_242 = arith.remsi %add3A_224, %jit3A_225 : i32
      %ne3A_243 = arith.constant 0 : i32
      %ne3A_244 = arith.cmpi ne, %rem3A_242, %ne3A_243 : i32
      %and3A_245 = arith.andi %ne3A_241, %ne3A_244 : i1
      %sub3A_246 = arith.constant 1 : i32
      %sub3A_247 = arith.subi %div3A_226, %sub3A_246 : i32
      %select_n3A_248 = arith.select %and3A_245, %sub3A_247, %div3A_226 : i32
      %dma_wait3A_249 = arith.constant 48000 : i32
      %dma_wait3A_250 = tpu.memref_slice %arg2[%select_n3A_248, %dma_wait3A_249] : memref<512x100000xf32, #tpu.memory_space<hbm>> -> memref<1x52000xf32, #tpu.memory_space<hbm>>
      %dma_wait3A_251 = tpu.memref_squeeze %dma_wait3A_250 : memref<1x52000xf32, #tpu.memory_space<hbm>> -> memref<52000xf32, #tpu.memory_space<hbm>>
      %dma_wait3A_252 = arith.constant 48000 : i32
      %dma_wait3A_253 = tpu.memref_slice %arg2[%select_n3A_248, %dma_wait3A_252] : memref<512x100000xf32, #tpu.memory_space<hbm>> -> memref<1x52000xf32, #tpu.memory_space<hbm>>
      %dma_wait3A_254 = tpu.memref_squeeze %dma_wait3A_253 : memref<1x52000xf32, #tpu.memory_space<hbm>> -> memref<52000xf32, #tpu.memory_space<hbm>>
      tpu.wait_dma2 semaphore(%arg11 : memref<!tpu.dma_semaphore, #tpu.memory_space<semaphore_mem>>) src(%dma_wait3A_254 : memref<52000xf32, #tpu.memory_space<hbm>>) dst(%arg6 : memref<52000xf32, #tpu.memory_space<vmem>>)
      %add3A_255 = arith.constant 1 : i32
      %add3A_256 = arith.addi %add3A_41, %add3A_255 : i32
      %broadcast_in_dim3A_257 = arith.constant 0xFF800000 : f32
      %broadcast_in_dim3A_258 = vector.broadcast %broadcast_in_dim3A_257 : f32 to vector<16xf32>
      %parallel_loop3A_259 = arith.constant 0 : i32
      %parallel_loop3A_260 = arith.constant 26000 : i32
      %parallel_loop3A_261 = arith.constant 80 : i32
      %parallel_loop3A_262:2 = scf.for %parallel_loop3A_387 = %parallel_loop3A_259 to %parallel_loop3A_260 step %parallel_loop3A_261 iter_args(%parallel_loop3A_388 = %broadcast_in_dim3A_258, %parallel_loop3A_389 = %broadcast_in_dim3A_258) -> (vector<16xf32>, vector<16xf32>)  : i32 {
        %parallel_loop3A_390 = arith.constant 0 : i32
        %parallel_loop3A_391 = arith.addi %parallel_loop3A_387, %parallel_loop3A_390 : i32
        %parallel_loop3A_392 = arith.index_cast %parallel_loop3A_391 : i32 to index
        %parallel_loop3A_393 = tpu.vector_load %arg6[%parallel_loop3A_392] {strides = array<i32>} : memref<52000xf32, #tpu.memory_space<vmem>>, vector<16xf32>,
        %parallel_loop3A_394 = arith.constant 16 : i32
        %parallel_loop3A_395 = arith.addi %parallel_loop3A_387, %parallel_loop3A_394 : i32
        %parallel_loop3A_396 = arith.index_cast %parallel_loop3A_395 : i32 to index
        %parallel_loop3A_397 = tpu.vector_load %arg6[%parallel_loop3A_396] {strides = array<i32>} : memref<52000xf32, #tpu.memory_space<vmem>>, vector<16xf32>,
        %parallel_loop3A_398 = arith.constant 32 : i32
        %parallel_loop3A_399 = arith.addi %parallel_loop3A_387, %parallel_loop3A_398 : i32
        %parallel_loop3A_400 = arith.index_cast %parallel_loop3A_399 : i32 to index
        %parallel_loop3A_401 = tpu.vector_load %arg6[%parallel_loop3A_400] {strides = array<i32>} : memref<52000xf32, #tpu.memory_space<vmem>>, vector<16xf32>,
        %parallel_loop3A_402 = arith.constant 48 : i32
        %parallel_loop3A_403 = arith.addi %parallel_loop3A_387, %parallel_loop3A_402 : i32
        %parallel_loop3A_404 = arith.index_cast %parallel_loop3A_403 : i32 to index
        %parallel_loop3A_405 = tpu.vector_load %arg6[%parallel_loop3A_404] {strides = array<i32>} : memref<52000xf32, #tpu.memory_space<vmem>>, vector<16xf32>,
        %parallel_loop3A_406 = arith.constant 64 : i32
        %parallel_loop3A_407 = arith.addi %parallel_loop3A_387, %parallel_loop3A_406 : i32
        %parallel_loop3A_408 = arith.index_cast %parallel_loop3A_407 : i32 to index
        %parallel_loop3A_409 = tpu.vector_load %arg6[%parallel_loop3A_408] {strides = array<i32>} : memref<52000xf32, #tpu.memory_space<vmem>>, vector<16xf32>,
        %parallel_loop3A_410 = arith.maximumf %parallel_loop3A_393, %parallel_loop3A_397 : vector<16xf32>
        %parallel_loop3A_411 = arith.maximumf %parallel_loop3A_401, %parallel_loop3A_405 : vector<16xf32>
        %parallel_loop3A_412 = arith.maximumf %parallel_loop3A_410, %parallel_loop3A_411 : vector<16xf32>
        %parallel_loop3A_413 = arith.maximumf %parallel_loop3A_388, %parallel_loop3A_412 : vector<16xf32>
        %parallel_loop3A_414 = arith.maximumf %parallel_loop3A_389, %parallel_loop3A_409 : vector<16xf32>
        scf.yield %parallel_loop3A_413, %parallel_loop3A_414 : vector<16xf32>, vector<16xf32>
      } {sc.loop_unroll_factor = 5 : i64, sc.parallel_access}
      %max3A_263 = arith.maximumf %parallel_loop3A_262#0, %parallel_loop3A_262#1 : vector<16xf32>
      %add3A_264 = arith.constant 8 : i32
      %add3A_265 = vector.broadcast %add3A_264 : i32 to vector<16xi32>
      %add3A_266 = arith.addi %iota3A, %add3A_265 : vector<16xi32>
      %and3A_267 = arith.constant 15 : i32
      %and3A_268 = vector.broadcast %and3A_267 : i32 to vector<16xi32>
      %and3A_269 = arith.andi %add3A_266, %and3A_268 : vector<16xi32>
      %lt3A_270 = arith.constant 0 : i32
      %lt3A_271 = vector.broadcast %lt3A_270 : i32 to vector<16xi32>
      %lt3A_272 = arith.cmpi slt, %and3A_269, %lt3A_271 : vector<16xi32>
      %add3A_273 = arith.constant 16 : i32
      %add3A_274 = vector.broadcast %add3A_273 : i32 to vector<16xi32>
      %add3A_275 = arith.addi %and3A_269, %add3A_274 : vector<16xi32>
      %select_n3A_276 = arith.select %lt3A_272, %add3A_275, %and3A_269 : vector<16xi1>, vector<16xi32>
      %broadcast_in_dim3A_277 = vector.shape_cast %select_n3A_276 : vector<16xi32> to vector<16x1xi32>
      %gather3A_278 = vector.shape_cast %broadcast_in_dim3A_277 : vector<16x1xi32> to vector<16xi32>
      %gather3A_279 = tpu.dynamic_gather %max3A_263[%gather3A_278] in [0] : vector<16xf32>, vector<16xi32> -> vector<16xf32>
      %min3A_280 = arith.minimumf %max3A_263, %gather3A_279 : vector<16xf32>
      %add3A_281 = arith.constant 4 : i32
      %add3A_282 = vector.broadcast %add3A_281 : i32 to vector<16xi32>
      %add3A_283 = arith.addi %iota3A, %add3A_282 : vector<16xi32>
      %and3A_284 = arith.constant 15 : i32
      %and3A_285 = vector.broadcast %and3A_284 : i32 to vector<16xi32>
      %and3A_286 = arith.andi %add3A_283, %and3A_285 : vector<16xi32>
      %lt3A_287 = arith.constant 0 : i32
      %lt3A_288 = vector.broadcast %lt3A_287 : i32 to vector<16xi32>
      %lt3A_289 = arith.cmpi slt, %and3A_286, %lt3A_288 : vector<16xi32>
      %add3A_290 = arith.constant 16 : i32
      %add3A_291 = vector.broadcast %add3A_290 : i32 to vector<16xi32>
      %add3A_292 = arith.addi %and3A_286, %add3A_291 : vector<16xi32>
      %select_n3A_293 = arith.select %lt3A_289, %add3A_292, %and3A_286 : vector<16xi1>, vector<16xi32>
      %broadcast_in_dim3A_294 = vector.shape_cast %select_n3A_293 : vector<16xi32> to vector<16x1xi32>
      %gather3A_295 = vector.shape_cast %broadcast_in_dim3A_294 : vector<16x1xi32> to vector<16xi32>
      %gather3A_296 = tpu.dynamic_gather %min3A_280[%gather3A_295] in [0] : vector<16xf32>, vector<16xi32> -> vector<16xf32>
      %min3A_297 = arith.minimumf %min3A_280, %gather3A_296 : vector<16xf32>
      %add3A_298 = arith.constant 2 : i32
      %add3A_299 = vector.broadcast %add3A_298 : i32 to vector<16xi32>
      %add3A_300 = arith.addi %iota3A, %add3A_299 : vector<16xi32>
      %and3A_301 = arith.constant 15 : i32
      %and3A_302 = vector.broadcast %and3A_301 : i32 to vector<16xi32>
      %and3A_303 = arith.andi %add3A_300, %and3A_302 : vector<16xi32>
      %lt3A_304 = arith.constant 0 : i32
      %lt3A_305 = vector.broadcast %lt3A_304 : i32 to vector<16xi32>
      %lt3A_306 = arith.cmpi slt, %and3A_303, %lt3A_305 : vector<16xi32>
      %add3A_307 = arith.constant 16 : i32
      %add3A_308 = vector.broadcast %add3A_307 : i32 to vector<16xi32>
      %add3A_309 = arith.addi %and3A_303, %add3A_308 : vector<16xi32>
      %select_n3A_310 = arith.select %lt3A_306, %add3A_309, %and3A_303 : vector<16xi1>, vector<16xi32>
      %broadcast_in_dim3A_311 = vector.shape_cast %select_n3A_310 : vector<16xi32> to vector<16x1xi32>
      %gather3A_312 = vector.shape_cast %broadcast_in_dim3A_311 : vector<16x1xi32> to vector<16xi32>
      %gather3A_313 = tpu.dynamic_gather %min3A_297[%gather3A_312] in [0] : vector<16xf32>, vector<16xi32> -> vector<16xf32>
      %min3A_314 = arith.minimumf %min3A_297, %gather3A_313 : vector<16xf32>
      %add3A_315 = arith.constant 1 : i32
      %add3A_316 = vector.broadcast %add3A_315 : i32 to vector<16xi32>
      %add3A_317 = arith.addi %iota3A, %add3A_316 : vector<16xi32>
      %and3A_318 = arith.constant 15 : i32
      %and3A_319 = vector.broadcast %and3A_318 : i32 to vector<16xi32>
      %and3A_320 = arith.andi %add3A_317, %and3A_319 : vector<16xi32>
      %lt3A_321 = arith.constant 0 : i32
      %lt3A_322 = vector.broadcast %lt3A_321 : i32 to vector<16xi32>
      %lt3A_323 = arith.cmpi slt, %and3A_320, %lt3A_322 : vector<16xi32>
      %add3A_324 = arith.constant 16 : i32
      %add3A_325 = vector.broadcast %add3A_324 : i32 to vector<16xi32>
      %add3A_326 = arith.addi %and3A_320, %add3A_325 : vector<16xi32>
      %select_n3A_327 = arith.select %lt3A_323, %add3A_326, %and3A_320 : vector<16xi1>, vector<16xi32>
      %broadcast_in_dim3A_328 = vector.shape_cast %select_n3A_327 : vector<16xi32> to vector<16x1xi32>
      %gather3A_329 = vector.shape_cast %broadcast_in_dim3A_328 : vector<16x1xi32> to vector<16xi32>
      %gather3A_330 = tpu.dynamic_gather %min3A_314[%gather3A_329] in [0] : vector<16xf32>, vector<16xi32> -> vector<16xf32>
      %min3A_331 = arith.minimumf %min3A_314, %gather3A_330 : vector<16xf32>
      %broadcast_in_dim3A_332 = arith.constant 0.000000e+00 : f32
      %broadcast_in_dim3A_333 = vector.broadcast %broadcast_in_dim3A_332 : f32 to vector<16xf32>
      %parallel_loop3A_334 = arith.constant 0 : i32
      %parallel_loop3A_335 = arith.constant 52000 : i32
      %parallel_loop3A_336 = arith.constant 80 : i32
      %parallel_loop3A_337:10 = scf.for %parallel_loop3A_387 = %parallel_loop3A_334 to %parallel_loop3A_335 step %parallel_loop3A_336 iter_args(%parallel_loop3A_388 = %broadcast_in_dim3A_333, %parallel_loop3A_389 = %broadcast_in_dim3A_333, %parallel_loop3A_390 = %broadcast_in_dim3A_333, %parallel_loop3A_391 = %broadcast_in_dim3A_333, %parallel_loop3A_392 = %broadcast_in_dim3A_333, %parallel_loop3A_393 = %iota3A, %parallel_loop3A_394 = %iota3A, %parallel_loop3A_395 = %iota3A, %parallel_loop3A_396 = %iota3A, %parallel_loop3A_397 = %iota3A) -> (vector<16xf32>, vector<16xf32>, vector<16xf32>, vector<16xf32>, vector<16xf32>, vector<16xi32>, vector<16xi32>, vector<16xi32>, vector<16xi32>, vector<16xi32>)  : i32 {
        %parallel_loop3A_398 = arith.constant 0 : i32
        %parallel_loop3A_399 = arith.addi %parallel_loop3A_387, %parallel_loop3A_398 : i32
        %parallel_loop3A_400 = arith.index_cast %parallel_loop3A_399 : i32 to index
        %parallel_loop3A_401 = tpu.vector_load %arg6[%parallel_loop3A_400] {strides = array<i32>} : memref<52000xf32, #tpu.memory_space<vmem>>, vector<16xf32>,
        %parallel_loop3A_402 = arith.subf %parallel_loop3A_401, %max3A_263 : vector<16xf32>
        %parallel_loop3A_403 = math.exp %parallel_loop3A_402 : vector<16xf32>
        %parallel_loop3A_404 = arith.addf %parallel_loop3A_388, %parallel_loop3A_403 : vector<16xf32>
        %parallel_loop3A_405 = arith.cmpf oge, %parallel_loop3A_401, %min3A_331 : vector<16xf32>
        %parallel_loop3A_406 = arith.constant 0 : i32
        %parallel_loop3A_407 = arith.addi %parallel_loop3A_387, %parallel_loop3A_406 : i32
        %parallel_loop3A_408 = vector.broadcast %parallel_loop3A_407 : i32 to vector<16xi32>
        %parallel_loop3A_409 = arith.addi %parallel_loop3A_408, %iota3A : vector<16xi32>
        %parallel_loop3A_410 = arith.constant 511 : i32
        %parallel_loop3A_411 = vector.broadcast %parallel_loop3A_410 : i32 to vector<16xi32>
        %parallel_loop3A_412 = arith.andi %parallel_loop3A_393, %parallel_loop3A_411 : vector<16xi32>
        %parallel_loop3A_413 = arith.constant 0 : i32
        %parallel_loop3A_414 = vector.broadcast %parallel_loop3A_413 : i32 to vector<16xi32>
        %parallel_loop3A_415 = arith.addi %parallel_loop3A_412, %parallel_loop3A_414 : vector<16xi32>
        tpu.vector_store_idx %arg7[%parallel_loop3A_415], %parallel_loop3A_409 masked %parallel_loop3A_405 : memref<2560xi32, #tpu.memory_space<vmem>>[vector<16xi32>], vector<16xi32>, vector<16xi1>
        %parallel_loop3A_416 = arith.constant 16 : i32
        %parallel_loop3A_417 = arith.constant 0 : i32
        %parallel_loop3A_418 = vector.broadcast %parallel_loop3A_416 : i32 to vector<16xi32>
        %parallel_loop3A_419 = vector.broadcast %parallel_loop3A_417 : i32 to vector<16xi32>
        %parallel_loop3A_420 = arith.select %parallel_loop3A_405, %parallel_loop3A_418, %parallel_loop3A_419 : vector<16xi1>, vector<16xi32>
        %parallel_loop3A_421 = arith.addi %parallel_loop3A_393, %parallel_loop3A_420 : vector<16xi32>
        %parallel_loop3A_422 = arith.constant 16 : i32
        %parallel_loop3A_423 = arith.addi %parallel_loop3A_387, %parallel_loop3A_422 : i32
        %parallel_loop3A_424 = arith.index_cast %parallel_loop3A_423 : i32 to index
        %parallel_loop3A_425 = tpu.vector_load %arg6[%parallel_loop3A_424] {strides = array<i32>} : memref<52000xf32, #tpu.memory_space<vmem>>, vector<16xf32>,
        %parallel_loop3A_426 = arith.subf %parallel_loop3A_425, %max3A_263 : vector<16xf32>
        %parallel_loop3A_427 = math.exp %parallel_loop3A_426 : vector<16xf32>
        %parallel_loop3A_428 = arith.addf %parallel_loop3A_389, %parallel_loop3A_427 : vector<16xf32>
        %parallel_loop3A_429 = arith.cmpf oge, %parallel_loop3A_425, %min3A_331 : vector<16xf32>
        %parallel_loop3A_430 = arith.constant 16 : i32
        %parallel_loop3A_431 = arith.addi %parallel_loop3A_387, %parallel_loop3A_430 : i32
        %parallel_loop3A_432 = vector.broadcast %parallel_loop3A_431 : i32 to vector<16xi32>
        %parallel_loop3A_433 = arith.addi %parallel_loop3A_432, %iota3A : vector<16xi32>
        %parallel_loop3A_434 = arith.constant 511 : i32
        %parallel_loop3A_435 = vector.broadcast %parallel_loop3A_434 : i32 to vector<16xi32>
        %parallel_loop3A_436 = arith.andi %parallel_loop3A_394, %parallel_loop3A_435 : vector<16xi32>
        %parallel_loop3A_437 = arith.constant 512 : i32
        %parallel_loop3A_438 = vector.broadcast %parallel_loop3A_437 : i32 to vector<16xi32>
        %parallel_loop3A_439 = arith.addi %parallel_loop3A_436, %parallel_loop3A_438 : vector<16xi32>
        tpu.vector_store_idx %arg7[%parallel_loop3A_439], %parallel_loop3A_433 masked %parallel_loop3A_429 : memref<2560xi32, #tpu.memory_space<vmem>>[vector<16xi32>], vector<16xi32>, vector<16xi1>
        %parallel_loop3A_440 = arith.constant 16 : i32
        %parallel_loop3A_441 = arith.constant 0 : i32
        %parallel_loop3A_442 = vector.broadcast %parallel_loop3A_440 : i32 to vector<16xi32>
        %parallel_loop3A_443 = vector.broadcast %parallel_loop3A_441 : i32 to vector<16xi32>
        %parallel_loop3A_444 = arith.select %parallel_loop3A_429, %parallel_loop3A_442, %parallel_loop3A_443 : vector<16xi1>, vector<16xi32>
        %parallel_loop3A_445 = arith.addi %parallel_loop3A_394, %parallel_loop3A_444 : vector<16xi32>
        %parallel_loop3A_446 = arith.constant 32 : i32
        %parallel_loop3A_447 = arith.addi %parallel_loop3A_387, %parallel_loop3A_446 : i32
        %parallel_loop3A_448 = arith.index_cast %parallel_loop3A_447 : i32 to index
        %parallel_loop3A_449 = tpu.vector_load %arg6[%parallel_loop3A_448] {strides = array<i32>} : memref<52000xf32, #tpu.memory_space<vmem>>, vector<16xf32>,
        %parallel_loop3A_450 = arith.subf %parallel_loop3A_449, %max3A_263 : vector<16xf32>
        %parallel_loop3A_451 = math.exp %parallel_loop3A_450 : vector<16xf32>
        %parallel_loop3A_452 = arith.addf %parallel_loop3A_390, %parallel_loop3A_451 : vector<16xf32>
        %parallel_loop3A_453 = arith.cmpf oge, %parallel_loop3A_449, %min3A_331 : vector<16xf32>
        %parallel_loop3A_454 = arith.constant 32 : i32
        %parallel_loop3A_455 = arith.addi %parallel_loop3A_387, %parallel_loop3A_454 : i32
        %parallel_loop3A_456 = vector.broadcast %parallel_loop3A_455 : i32 to vector<16xi32>
        %parallel_loop3A_457 = arith.addi %parallel_loop3A_456, %iota3A : vector<16xi32>
        %parallel_loop3A_458 = arith.constant 511 : i32
        %parallel_loop3A_459 = vector.broadcast %parallel_loop3A_458 : i32 to vector<16xi32>
        %parallel_loop3A_460 = arith.andi %parallel_loop3A_395, %parallel_loop3A_459 : vector<16xi32>
        %parallel_loop3A_461 = arith.constant 1024 : i32
        %parallel_loop3A_462 = vector.broadcast %parallel_loop3A_461 : i32 to vector<16xi32>
        %parallel_loop3A_463 = arith.addi %parallel_loop3A_460, %parallel_loop3A_462 : vector<16xi32>
        tpu.vector_store_idx %arg7[%parallel_loop3A_463], %parallel_loop3A_457 masked %parallel_loop3A_453 : memref<2560xi32, #tpu.memory_space<vmem>>[vector<16xi32>], vector<16xi32>, vector<16xi1>
        %parallel_loop3A_464 = arith.constant 16 : i32
        %parallel_loop3A_465 = arith.constant 0 : i32
        %parallel_loop3A_466 = vector.broadcast %parallel_loop3A_464 : i32 to vector<16xi32>
        %parallel_loop3A_467 = vector.broadcast %parallel_loop3A_465 : i32 to vector<16xi32>
        %parallel_loop3A_468 = arith.select %parallel_loop3A_453, %parallel_loop3A_466, %parallel_loop3A_467 : vector<16xi1>, vector<16xi32>
        %parallel_loop3A_469 = arith.addi %parallel_loop3A_395, %parallel_loop3A_468 : vector<16xi32>
        %parallel_loop3A_470 = arith.constant 48 : i32
        %parallel_loop3A_471 = arith.addi %parallel_loop3A_387, %parallel_loop3A_470 : i32
        %parallel_loop3A_472 = arith.index_cast %parallel_loop3A_471 : i32 to index
        %parallel_loop3A_473 = tpu.vector_load %arg6[%parallel_loop3A_472] {strides = array<i32>} : memref<52000xf32, #tpu.memory_space<vmem>>, vector<16xf32>,
        %parallel_loop3A_474 = arith.subf %parallel_loop3A_473, %max3A_263 : vector<16xf32>
        %parallel_loop3A_475 = math.exp %parallel_loop3A_474 : vector<16xf32>
        %parallel_loop3A_476 = arith.addf %parallel_loop3A_391, %parallel_loop3A_475 : vector<16xf32>
        %parallel_loop3A_477 = arith.cmpf oge, %parallel_loop3A_473, %min3A_331 : vector<16xf32>
        %parallel_loop3A_478 = arith.constant 48 : i32
        %parallel_loop3A_479 = arith.addi %parallel_loop3A_387, %parallel_loop3A_478 : i32
        %parallel_loop3A_480 = vector.broadcast %parallel_loop3A_479 : i32 to vector<16xi32>
        %parallel_loop3A_481 = arith.addi %parallel_loop3A_480, %iota3A : vector<16xi32>
        %parallel_loop3A_482 = arith.constant 511 : i32
        %parallel_loop3A_483 = vector.broadcast %parallel_loop3A_482 : i32 to vector<16xi32>
        %parallel_loop3A_484 = arith.andi %parallel_loop3A_396, %parallel_loop3A_483 : vector<16xi32>
        %parallel_loop3A_485 = arith.constant 1536 : i32
        %parallel_loop3A_486 = vector.broadcast %parallel_loop3A_485 : i32 to vector<16xi32>
        %parallel_loop3A_487 = arith.addi %parallel_loop3A_484, %parallel_loop3A_486 : vector<16xi32>
        tpu.vector_store_idx %arg7[%parallel_loop3A_487], %parallel_loop3A_481 masked %parallel_loop3A_477 : memref<2560xi32, #tpu.memory_space<vmem>>[vector<16xi32>], vector<16xi32>, vector<16xi1>
        %parallel_loop3A_488 = arith.constant 16 : i32
        %parallel_loop3A_489 = arith.constant 0 : i32
        %parallel_loop3A_490 = vector.broadcast %parallel_loop3A_488 : i32 to vector<16xi32>
        %parallel_loop3A_491 = vector.broadcast %parallel_loop3A_489 : i32 to vector<16xi32>
        %parallel_loop3A_492 = arith.select %parallel_loop3A_477, %parallel_loop3A_490, %parallel_loop3A_491 : vector<16xi1>, vector<16xi32>
        %parallel_loop3A_493 = arith.addi %parallel_loop3A_396, %parallel_loop3A_492 : vector<16xi32>
        %parallel_loop3A_494 = arith.constant 64 : i32
        %parallel_loop3A_495 = arith.addi %parallel_loop3A_387, %parallel_loop3A_494 : i32
        %parallel_loop3A_496 = arith.index_cast %parallel_loop3A_495 : i32 to index
        %parallel_loop3A_497 = tpu.vector_load %arg6[%parallel_loop3A_496] {strides = array<i32>} : memref<52000xf32, #tpu.memory_space<vmem>>, vector<16xf32>,
        %parallel_loop3A_498 = arith.subf %parallel_loop3A_497, %max3A_263 : vector<16xf32>
        %parallel_loop3A_499 = math.exp %parallel_loop3A_498 : vector<16xf32>
        %parallel_loop3A_500 = arith.addf %parallel_loop3A_392, %parallel_loop3A_499 : vector<16xf32>
        %parallel_loop3A_501 = arith.cmpf oge, %parallel_loop3A_497, %min3A_331 : vector<16xf32>
        %parallel_loop3A_502 = arith.constant 64 : i32
        %parallel_loop3A_503 = arith.addi %parallel_loop3A_387, %parallel_loop3A_502 : i32
        %parallel_loop3A_504 = vector.broadcast %parallel_loop3A_503 : i32 to vector<16xi32>
        %parallel_loop3A_505 = arith.addi %parallel_loop3A_504, %iota3A : vector<16xi32>
        %parallel_loop3A_506 = arith.constant 511 : i32
        %parallel_loop3A_507 = vector.broadcast %parallel_loop3A_506 : i32 to vector<16xi32>
        %parallel_loop3A_508 = arith.andi %parallel_loop3A_397, %parallel_loop3A_507 : vector<16xi32>
        %parallel_loop3A_509 = arith.constant 2048 : i32
        %parallel_loop3A_510 = vector.broadcast %parallel_loop3A_509 : i32 to vector<16xi32>
        %parallel_loop3A_511 = arith.addi %parallel_loop3A_508, %parallel_loop3A_510 : vector<16xi32>
        tpu.vector_store_idx %arg7[%parallel_loop3A_511], %parallel_loop3A_505 masked %parallel_loop3A_501 : memref<2560xi32, #tpu.memory_space<vmem>>[vector<16xi32>], vector<16xi32>, vector<16xi1>
        %parallel_loop3A_512 = arith.constant 16 : i32
        %parallel_loop3A_513 = arith.constant 0 : i32
        %parallel_loop3A_514 = vector.broadcast %parallel_loop3A_512 : i32 to vector<16xi32>
        %parallel_loop3A_515 = vector.broadcast %parallel_loop3A_513 : i32 to vector<16xi32>
        %parallel_loop3A_516 = arith.select %parallel_loop3A_501, %parallel_loop3A_514, %parallel_loop3A_515 : vector<16xi1>, vector<16xi32>
        %parallel_loop3A_517 = arith.addi %parallel_loop3A_397, %parallel_loop3A_516 : vector<16xi32>
        scf.yield %parallel_loop3A_404, %parallel_loop3A_428, %parallel_loop3A_452, %parallel_loop3A_476, %parallel_loop3A_500, %parallel_loop3A_421, %parallel_loop3A_445, %parallel_loop3A_469, %parallel_loop3A_493, %parallel_loop3A_517 : vector<16xf32>, vector<16xf32>, vector<16xf32>, vector<16xf32>, vector<16xf32>, vector<16xi32>, vector<16xi32>, vector<16xi32>, vector<16xi32>, vector<16xi32>
      } {sc.loop_unroll_factor = 5 : i64, sc.parallel_access}
      %add3A_338 = arith.addf %parallel_loop3A_337#0, %parallel_loop3A_337#1 : vector<16xf32>
      %add3A_339 = arith.addf %parallel_loop3A_337#2, %parallel_loop3A_337#3 : vector<16xf32>
      %add3A_340 = arith.addf %add3A_338, %add3A_339 : vector<16xf32>
      %add3A_341 = arith.addf %add3A_340, %parallel_loop3A_337#4 : vector<16xf32>
      %max3A_342 = arith.maxsi %parallel_loop3A_337#5, %parallel_loop3A_337#6 : vector<16xi32>
      %max3A_343 = arith.maxsi %max3A_342, %parallel_loop3A_337#7 : vector<16xi32>
      %max3A_344 = arith.maxsi %max3A_343, %parallel_loop3A_337#8 : vector<16xi32>
      %max3A_345 = arith.maxsi %max3A_344, %parallel_loop3A_337#9 : vector<16xi32>
      %sub3A_346 = arith.subi %max3A_345, %iota3A : vector<16xi32>
      %gt3A_347 = arith.constant 511 : i32
      %gt3A_348 = vector.broadcast %gt3A_347 : i32 to vector<16xi32>
      %gt3A_349 = arith.cmpi sgt, %sub3A_346, %gt3A_348 : vector<16xi32>
      %reduce_or3A_350 = arith.constant 1.000000e+00 : f32
      %reduce_or3A_351 = arith.constant 0.000000e+00 : f32
      %reduce_or3A_352 = vector.broadcast %reduce_or3A_350 : f32 to vector<16xf32>
      %reduce_or3A_353 = vector.broadcast %reduce_or3A_351 : f32 to vector<16xf32>
      %reduce_or3A_354 = arith.select %gt3A_349, %reduce_or3A_352, %reduce_or3A_353 : vector<16xi1>, vector<16xf32>
      %reduce_or3A_355 = arith.constant true
      %reduce_or3A_356 = vector.broadcast %reduce_or3A_355 : i1 to vector<16xi1>
      %reduce_or3A_357 = tpu.scan <max>, %reduce_or3A_354 masked %reduce_or3A_356 : vector<16xf32>, vector<16xi1> -> vector<16xf32>
      %reduce_or3A_358 = vector.extract %reduce_or3A_357[15] : f32 from vector<16xf32>
      %reduce_or3A_359 = arith.constant 0.000000e+00 : f32
      %reduce_or3A_360 = arith.cmpf ogt, %reduce_or3A_358, %reduce_or3A_359 : f32
      %broadcast_in_dim3A_361 = arith.constant 0xFF800000 : f32
      %broadcast_in_dim3A_362 = vector.broadcast %broadcast_in_dim3A_361 : f32 to vector<16xf32>
      %broadcast_in_dim3A_363 = arith.constant 0 : i32
      %broadcast_in_dim3A_364 = vector.broadcast %broadcast_in_dim3A_363 : i32 to vector<16xi32>
      %convert_element_type3A_365 = arith.extui %reduce_or3A_360 : i1 to i32
      %cond3A_366 = arith.constant 0 : i32
      %cond3A_367 = arith.cmpi ne, %convert_element_type3A_365, %cond3A_366 : i32
      %cond3A_368:2 = scf.if %cond3A_367 -> (vector<16xf32>, vector<16xi32>) {
        %scan3A_387 = arith.constant 0 : i32
        %scan3A_388 = arith.constant 3250 : i32
        %scan3A_389 = arith.addi %scan3A_387, %scan3A_388 : i32
        %scan3A_390 = arith.constant 1 : i32
        %scan3A_391:2 = scf.for %scan3A_393 = %scan3A_387 to %scan3A_389 step %scan3A_390 iter_args(%scan3A_394 = %broadcast_in_dim3A_362, %scan3A_395 = %broadcast_in_dim3A_364) -> (vector<16xf32>, vector<16xi32>)  : i32 {
          %mul3A_396 = arith.constant 16 : i32
          %mul3A_397 = arith.muli %scan3A_393, %mul3A_396 : i32
          %get3A = arith.index_cast %mul3A_397 : i32 to index
          %get3A_398 = tpu.vector_load %arg6[%get3A] {strides = array<i32>} : memref<52000xf32, #tpu.memory_space<vmem>>, vector<16xf32>,
          %mul3A_399 = arith.constant 16 : i32
          %mul3A_400 = arith.muli %scan3A_393, %mul3A_399 : i32
          %add3A_401 = vector.broadcast %mul3A_400 : i32 to vector<16xi32>
          %add3A_402 = arith.addi %add3A_401, %iota3A : vector<16xi32>
          %eq3A = arith.constant -1 : i32
          %eq3A_403 = vector.broadcast %eq3A : i32 to vector<16xi32>
          %eq3A_404 = arith.cmpi eq, %add3A_402, %eq3A_403 : vector<16xi32>
          %jit3A_405 = arith.constant 0xFF800000 : f32
          %broadcast_in_dim3A_406 = vector.broadcast %jit3A_405 : f32 to vector<16xf32>
          %select_n3A_407 = arith.select %eq3A_404, %broadcast_in_dim3A_406, %get3A_398 : vector<16xi1>, vector<16xf32>
          %masked_sort3A = arith.constant dense<true> : vector<16xi1>
          %masked_sort3A_408, %masked_sort3A_409, %masked_sort3A_410 = tpu.sort %select_n3A_407, %add3A_402 masked %masked_sort3A {descending = true} : (vector<16xf32>, vector<16xi32>, vector<16xi1>) -> (vector<16xi1>, vector<16xf32>, vector<16xi32>)
          %gt3A_411 = arith.cmpf ogt, %masked_sort3A_409, %scan3A_394 : vector<16xf32>
          %select_n3A_412 = arith.select %gt3A_411, %masked_sort3A_409, %scan3A_394 : vector<16xi1>, vector<16xf32>
          %select_n3A_413 = arith.select %gt3A_411, %masked_sort3A_410, %scan3A_395 : vector<16xi1>, vector<16xi32>
          %masked_sort3A_414 = arith.constant dense<true> : vector<16xi1>
          %masked_sort3A_415, %masked_sort3A_416, %masked_sort3A_417 = tpu.sort %select_n3A_412, %select_n3A_413 masked %masked_sort3A_414 : (vector<16xf32>, vector<16xi32>, vector<16xi1>) -> (vector<16xi1>, vector<16xf32>, vector<16xi32>)
          scf.yield %masked_sort3A_416, %masked_sort3A_417 : vector<16xf32>, vector<16xi32>
        }
        %scan3A_392 = arith.constant 3250 : i32
        scf.yield %scan3A_391#0, %scan3A_391#1 : vector<16xf32>, vector<16xi32>
      } else {
        %sub3A_387 = arith.subi %parallel_loop3A_337#5, %iota3A : vector<16xi32>
        %reduce_max3A = arith.constant true
        %reduce_max3A_388 = vector.broadcast %reduce_max3A : i1 to vector<16xi1>
        %reduce_max3A_389 = arith.constant -2147483648 : i32
        %reduce_max3A_390 = vector.broadcast %reduce_max3A_389 : i32 to vector<16xi32>
        %reduce_max3A_391 = arith.xori %sub3A_387, %reduce_max3A_390 : vector<16xi32>
        %reduce_max3A_392 = tpu.scan <max>, %reduce_max3A_391 masked %reduce_max3A_388 : vector<16xi32>, vector<16xi1> -> vector<16xi32>
        %reduce_max3A_393 = arith.xori %reduce_max3A_392, %reduce_max3A_390 : vector<16xi32>
        %reduce_max3A_394 = vector.extract %reduce_max3A_393[15] : i32 from vector<16xi32>
        %jit3A_395 = arith.constant 16 : i32
        %div3A_396 = arith.divsi %reduce_max3A_394, %jit3A_395 : i32
        %sign3A_397 = arith.constant 0 : i32
        %sign3A_398 = arith.cmpi sgt, %reduce_max3A_394, %sign3A_397 : i32
        %sign3A_399 = arith.extui %sign3A_398 : i1 to i32
        %sign3A_400 = arith.constant 0 : i32
        %sign3A_401 = arith.cmpi slt, %reduce_max3A_394, %sign3A_400 : i32
        %sign3A_402 = arith.extui %sign3A_401 : i1 to i32
        %sign3A_403 = arith.subi %sign3A_399, %sign3A_402 : i32
        %sign3A_404 = arith.constant 0 : i32
        %sign3A_405 = arith.cmpi sgt, %jit3A_395, %sign3A_404 : i32
        %sign3A_406 = arith.extui %sign3A_405 : i1 to i32
        %sign3A_407 = arith.constant 0 : i32
        %sign3A_408 = arith.cmpi slt, %jit3A_395, %sign3A_407 : i32
        %sign3A_409 = arith.extui %sign3A_408 : i1 to i32
        %sign3A_410 = arith.subi %sign3A_406, %sign3A_409 : i32
        %ne3A_411 = arith.cmpi ne, %sign3A_403, %sign3A_410 : i32
        %rem3A_412 = arith.remsi %reduce_max3A_394, %jit3A_395 : i32
        %ne3A_413 = arith.constant 0 : i32
        %ne3A_414 = arith.cmpi ne, %rem3A_412, %ne3A_413 : i32
        %and3A_415 = arith.andi %ne3A_411, %ne3A_414 : i1
        %sub3A_416 = arith.constant 1 : i32
        %sub3A_417 = arith.subi %div3A_396, %sub3A_416 : i32
        %select_n3A_418 = arith.select %and3A_415, %sub3A_417, %div3A_396 : i32
        %while3A = arith.constant 0 : i32
        %while3A_419 = arith.subi %select_n3A_418, %while3A : i32
        %while3A_420 = arith.addi %while3A, %while3A_419 : i32
        %while3A_421 = arith.constant 1 : i32
        %while3A_422 = arith.divsi %while3A_419, %while3A_421 : i32
        %while3A_423 = arith.muli %while3A_422, %while3A_421 : i32
        %while3A_424 = arith.addi %while3A, %while3A_423 : i32
        %while3A_425 = arith.constant 1 : i32
        %while3A_426:2 = scf.for %while3A_605 = %while3A to %while3A_424 step %while3A_425 iter_args(%while3A_606 = %broadcast_in_dim3A_362, %while3A_607 = %broadcast_in_dim3A_364) -> (vector<16xf32>, vector<16xi32>)  : i32 {
          %mul3A_608 = arith.constant 16 : i32
          %mul3A_609 = arith.muli %while3A_605, %mul3A_608 : i32
          %add3A_610 = arith.constant 0 : i32
          %add3A_611 = arith.addi %add3A_610, %mul3A_609 : i32
          %get3A = arith.index_cast %add3A_611 : i32 to index
          %get3A_612 = tpu.vector_load %arg7[%get3A] {strides = array<i32>} : memref<2560xi32, #tpu.memory_space<vmem>>, vector<16xi32>,
          %sub3A_613 = arith.subi %parallel_loop3A_337#5, %iota3A : vector<16xi32>
          %mul3A_614 = arith.constant 16 : i32
          %mul3A_615 = arith.muli %while3A_605, %mul3A_614 : i32
          %gt3A_616 = vector.broadcast %mul3A_615 : i32 to vector<16xi32>
          %gt3A_617 = arith.cmpi sgt, %sub3A_613, %gt3A_616 : vector<16xi32>
          %gather3A_618 = tpu.vector_load_idx %arg6[%get3A_612] : memref<52000xf32, #tpu.memory_space<vmem>>[vector<16xi32>], vector<16xf32>,
          %ne3A_619 = arith.constant -1 : i32
          %ne3A_620 = vector.broadcast %ne3A_619 : i32 to vector<16xi32>
          %ne3A_621 = arith.cmpi ne, %get3A_612, %ne3A_620 : vector<16xi32>
          %and3A_622 = arith.andi %gt3A_617, %ne3A_621 : vector<16xi1>
          %jit3A_623 = arith.constant 0xFF800000 : f32
          %broadcast_in_dim3A_624 = vector.broadcast %jit3A_623 : f32 to vector<16xf32>
          %select_n3A_625 = arith.select %and3A_622, %gather3A_618, %broadcast_in_dim3A_624 : vector<16xi1>, vector<16xf32>
          %masked_sort3A = arith.constant dense<true> : vector<16xi1>
          %masked_sort3A_626, %masked_sort3A_627, %masked_sort3A_628 = tpu.sort %select_n3A_625, %get3A_612 masked %masked_sort3A {descending = true} : (vector<16xf32>, vector<16xi32>, vector<16xi1>) -> (vector<16xi1>, vector<16xf32>, vector<16xi32>)
          %gt3A_629 = arith.cmpf ogt, %masked_sort3A_627, %while3A_606 : vector<16xf32>
          %select_n3A_630 = arith.select %gt3A_629, %masked_sort3A_627, %while3A_606 : vector<16xi1>, vector<16xf32>
          %select_n3A_631 = arith.select %gt3A_629, %masked_sort3A_628, %while3A_607 : vector<16xi1>, vector<16xi32>
          %masked_sort3A_632 = arith.constant dense<true> : vector<16xi1>
          %masked_sort3A_633, %masked_sort3A_634, %masked_sort3A_635 = tpu.sort %select_n3A_630, %select_n3A_631 masked %masked_sort3A_632 : (vector<16xf32>, vector<16xi32>, vector<16xi1>) -> (vector<16xi1>, vector<16xf32>, vector<16xi32>)
          scf.yield %masked_sort3A_634, %masked_sort3A_635 : vector<16xf32>, vector<16xi32>
        }
        %while3A_427 = arith.constant 1 : i32
        %while3A_428:2 = scf.for %while3A_605 = %while3A_424 to %while3A_420 step %while3A_427 iter_args(%while3A_606 = %while3A_426#0, %while3A_607 = %while3A_426#1) -> (vector<16xf32>, vector<16xi32>)  : i32 {
          %mul3A_608 = arith.constant 16 : i32
          %mul3A_609 = arith.muli %while3A_605, %mul3A_608 : i32
          %add3A_610 = arith.constant 0 : i32
          %add3A_611 = arith.addi %add3A_610, %mul3A_609 : i32
          %get3A = arith.index_cast %add3A_611 : i32 to index
          %get3A_612 = tpu.vector_load %arg7[%get3A] {strides = array<i32>} : memref<2560xi32, #tpu.memory_space<vmem>>, vector<16xi32>,
          %sub3A_613 = arith.subi %parallel_loop3A_337#5, %iota3A : vector<16xi32>
          %mul3A_614 = arith.constant 16 : i32
          %mul3A_615 = arith.muli %while3A_605, %mul3A_614 : i32
          %gt3A_616 = vector.broadcast %mul3A_615 : i32 to vector<16xi32>
          %gt3A_617 = arith.cmpi sgt, %sub3A_613, %gt3A_616 : vector<16xi32>
          %gather3A_618 = tpu.vector_load_idx %arg6[%get3A_612] : memref<52000xf32, #tpu.memory_space<vmem>>[vector<16xi32>], vector<16xf32>,
          %ne3A_619 = arith.constant -1 : i32
          %ne3A_620 = vector.broadcast %ne3A_619 : i32 to vector<16xi32>
          %ne3A_621 = arith.cmpi ne, %get3A_612, %ne3A_620 : vector<16xi32>
          %and3A_622 = arith.andi %gt3A_617, %ne3A_621 : vector<16xi1>
          %jit3A_623 = arith.constant 0xFF800000 : f32
          %broadcast_in_dim3A_624 = vector.broadcast %jit3A_623 : f32 to vector<16xf32>
          %select_n3A_625 = arith.select %and3A_622, %gather3A_618, %broadcast_in_dim3A_624 : vector<16xi1>, vector<16xf32>
          %masked_sort3A = arith.constant dense<true> : vector<16xi1>
          %masked_sort3A_626, %masked_sort3A_627, %masked_sort3A_628 = tpu.sort %select_n3A_625, %get3A_612 masked %masked_sort3A {descending = true} : (vector<16xf32>, vector<16xi32>, vector<16xi1>) -> (vector<16xi1>, vector<16xf32>, vector<16xi32>)
          %gt3A_629 = arith.cmpf ogt, %masked_sort3A_627, %while3A_606 : vector<16xf32>
          %select_n3A_630 = arith.select %gt3A_629, %masked_sort3A_627, %while3A_606 : vector<16xi1>, vector<16xf32>
          %select_n3A_631 = arith.select %gt3A_629, %masked_sort3A_628, %while3A_607 : vector<16xi1>, vector<16xi32>
          %masked_sort3A_632 = arith.constant dense<true> : vector<16xi1>
          %masked_sort3A_633, %masked_sort3A_634, %masked_sort3A_635 = tpu.sort %select_n3A_630, %select_n3A_631 masked %masked_sort3A_632 : (vector<16xf32>, vector<16xi32>, vector<16xi1>) -> (vector<16xi1>, vector<16xf32>, vector<16xi32>)
          scf.yield %masked_sort3A_634, %masked_sort3A_635 : vector<16xf32>, vector<16xi32>
        }
        %sub3A_429 = arith.subi %parallel_loop3A_337#6, %iota3A : vector<16xi32>
        %reduce_max3A_430 = arith.constant true
        %reduce_max3A_431 = vector.broadcast %reduce_max3A_430 : i1 to vector<16xi1>
        %reduce_max3A_432 = arith.constant -2147483648 : i32
        %reduce_max3A_433 = vector.broadcast %reduce_max3A_432 : i32 to vector<16xi32>
        %reduce_max3A_434 = arith.xori %sub3A_429, %reduce_max3A_433 : vector<16xi32>
        %reduce_max3A_435 = tpu.scan <max>, %reduce_max3A_434 masked %reduce_max3A_431 : vector<16xi32>, vector<16xi1> -> vector<16xi32>
        %reduce_max3A_436 = arith.xori %reduce_max3A_435, %reduce_max3A_433 : vector<16xi32>
        %reduce_max3A_437 = vector.extract %reduce_max3A_436[15] : i32 from vector<16xi32>
        %jit3A_438 = arith.constant 16 : i32
        %div3A_439 = arith.divsi %reduce_max3A_437, %jit3A_438 : i32
        %sign3A_440 = arith.constant 0 : i32
        %sign3A_441 = arith.cmpi sgt, %reduce_max3A_437, %sign3A_440 : i32
        %sign3A_442 = arith.extui %sign3A_441 : i1 to i32
        %sign3A_443 = arith.constant 0 : i32
        %sign3A_444 = arith.cmpi slt, %reduce_max3A_437, %sign3A_443 : i32
        %sign3A_445 = arith.extui %sign3A_444 : i1 to i32
        %sign3A_446 = arith.subi %sign3A_442, %sign3A_445 : i32
        %sign3A_447 = arith.constant 0 : i32
        %sign3A_448 = arith.cmpi sgt, %jit3A_438, %sign3A_447 : i32
        %sign3A_449 = arith.extui %sign3A_448 : i1 to i32
        %sign3A_450 = arith.constant 0 : i32
        %sign3A_451 = arith.cmpi slt, %jit3A_438, %sign3A_450 : i32
        %sign3A_452 = arith.extui %sign3A_451 : i1 to i32
        %sign3A_453 = arith.subi %sign3A_449, %sign3A_452 : i32
        %ne3A_454 = arith.cmpi ne, %sign3A_446, %sign3A_453 : i32
        %rem3A_455 = arith.remsi %reduce_max3A_437, %jit3A_438 : i32
        %ne3A_456 = arith.constant 0 : i32
        %ne3A_457 = arith.cmpi ne, %rem3A_455, %ne3A_456 : i32
        %and3A_458 = arith.andi %ne3A_454, %ne3A_457 : i1
        %sub3A_459 = arith.constant 1 : i32
        %sub3A_460 = arith.subi %div3A_439, %sub3A_459 : i32
        %select_n3A_461 = arith.select %and3A_458, %sub3A_460, %div3A_439 : i32
        %while3A_462 = arith.constant 0 : i32
        %while3A_463 = arith.subi %select_n3A_461, %while3A_462 : i32
        %while3A_464 = arith.addi %while3A_462, %while3A_463 : i32
        %while3A_465 = arith.constant 1 : i32
        %while3A_466 = arith.divsi %while3A_463, %while3A_465 : i32
        %while3A_467 = arith.muli %while3A_466, %while3A_465 : i32
        %while3A_468 = arith.addi %while3A_462, %while3A_467 : i32
        %while3A_469 = arith.constant 1 : i32
        %while3A_470:2 = scf.for %while3A_605 = %while3A_462 to %while3A_468 step %while3A_469 iter_args(%while3A_606 = %while3A_428#0, %while3A_607 = %while3A_428#1) -> (vector<16xf32>, vector<16xi32>)  : i32 {
          %mul3A_608 = arith.constant 16 : i32
          %mul3A_609 = arith.muli %while3A_605, %mul3A_608 : i32
          %add3A_610 = arith.constant 512 : i32
          %add3A_611 = arith.addi %add3A_610, %mul3A_609 : i32
          %get3A = arith.index_cast %add3A_611 : i32 to index
          %get3A_612 = tpu.vector_load %arg7[%get3A] {strides = array<i32>} : memref<2560xi32, #tpu.memory_space<vmem>>, vector<16xi32>,
          %sub3A_613 = arith.subi %parallel_loop3A_337#6, %iota3A : vector<16xi32>
          %mul3A_614 = arith.constant 16 : i32
          %mul3A_615 = arith.muli %while3A_605, %mul3A_614 : i32
          %gt3A_616 = vector.broadcast %mul3A_615 : i32 to vector<16xi32>
          %gt3A_617 = arith.cmpi sgt, %sub3A_613, %gt3A_616 : vector<16xi32>
          %gather3A_618 = tpu.vector_load_idx %arg6[%get3A_612] : memref<52000xf32, #tpu.memory_space<vmem>>[vector<16xi32>], vector<16xf32>,
          %ne3A_619 = arith.constant -1 : i32
          %ne3A_620 = vector.broadcast %ne3A_619 : i32 to vector<16xi32>
          %ne3A_621 = arith.cmpi ne, %get3A_612, %ne3A_620 : vector<16xi32>
          %and3A_622 = arith.andi %gt3A_617, %ne3A_621 : vector<16xi1>
          %jit3A_623 = arith.constant 0xFF800000 : f32
          %broadcast_in_dim3A_624 = vector.broadcast %jit3A_623 : f32 to vector<16xf32>
          %select_n3A_625 = arith.select %and3A_622, %gather3A_618, %broadcast_in_dim3A_624 : vector<16xi1>, vector<16xf32>
          %masked_sort3A = arith.constant dense<true> : vector<16xi1>
          %masked_sort3A_626, %masked_sort3A_627, %masked_sort3A_628 = tpu.sort %select_n3A_625, %get3A_612 masked %masked_sort3A {descending = true} : (vector<16xf32>, vector<16xi32>, vector<16xi1>) -> (vector<16xi1>, vector<16xf32>, vector<16xi32>)
          %gt3A_629 = arith.cmpf ogt, %masked_sort3A_627, %while3A_606 : vector<16xf32>
          %select_n3A_630 = arith.select %gt3A_629, %masked_sort3A_627, %while3A_606 : vector<16xi1>, vector<16xf32>
          %select_n3A_631 = arith.select %gt3A_629, %masked_sort3A_628, %while3A_607 : vector<16xi1>, vector<16xi32>
          %masked_sort3A_632 = arith.constant dense<true> : vector<16xi1>
          %masked_sort3A_633, %masked_sort3A_634, %masked_sort3A_635 = tpu.sort %select_n3A_630, %select_n3A_631 masked %masked_sort3A_632 : (vector<16xf32>, vector<16xi32>, vector<16xi1>) -> (vector<16xi1>, vector<16xf32>, vector<16xi32>)
          scf.yield %masked_sort3A_634, %masked_sort3A_635 : vector<16xf32>, vector<16xi32>
        }
        %while3A_471 = arith.constant 1 : i32
        %while3A_472:2 = scf.for %while3A_605 = %while3A_468 to %while3A_464 step %while3A_471 iter_args(%while3A_606 = %while3A_470#0, %while3A_607 = %while3A_470#1) -> (vector<16xf32>, vector<16xi32>)  : i32 {
          %mul3A_608 = arith.constant 16 : i32
          %mul3A_609 = arith.muli %while3A_605, %mul3A_608 : i32
          %add3A_610 = arith.constant 512 : i32
          %add3A_611 = arith.addi %add3A_610, %mul3A_609 : i32
          %get3A = arith.index_cast %add3A_611 : i32 to index
          %get3A_612 = tpu.vector_load %arg7[%get3A] {strides = array<i32>} : memref<2560xi32, #tpu.memory_space<vmem>>, vector<16xi32>,
          %sub3A_613 = arith.subi %parallel_loop3A_337#6, %iota3A : vector<16xi32>
          %mul3A_614 = arith.constant 16 : i32
          %mul3A_615 = arith.muli %while3A_605, %mul3A_614 : i32
          %gt3A_616 = vector.broadcast %mul3A_615 : i32 to vector<16xi32>
          %gt3A_617 = arith.cmpi sgt, %sub3A_613, %gt3A_616 : vector<16xi32>
          %gather3A_618 = tpu.vector_load_idx %arg6[%get3A_612] : memref<52000xf32, #tpu.memory_space<vmem>>[vector<16xi32>], vector<16xf32>,
          %ne3A_619 = arith.constant -1 : i32
          %ne3A_620 = vector.broadcast %ne3A_619 : i32 to vector<16xi32>
          %ne3A_621 = arith.cmpi ne, %get3A_612, %ne3A_620 : vector<16xi32>
          %and3A_622 = arith.andi %gt3A_617, %ne3A_621 : vector<16xi1>
          %jit3A_623 = arith.constant 0xFF800000 : f32
          %broadcast_in_dim3A_624 = vector.broadcast %jit3A_623 : f32 to vector<16xf32>
          %select_n3A_625 = arith.select %and3A_622, %gather3A_618, %broadcast_in_dim3A_624 : vector<16xi1>, vector<16xf32>
          %masked_sort3A = arith.constant dense<true> : vector<16xi1>
          %masked_sort3A_626, %masked_sort3A_627, %masked_sort3A_628 = tpu.sort %select_n3A_625, %get3A_612 masked %masked_sort3A {descending = true} : (vector<16xf32>, vector<16xi32>, vector<16xi1>) -> (vector<16xi1>, vector<16xf32>, vector<16xi32>)
          %gt3A_629 = arith.cmpf ogt, %masked_sort3A_627, %while3A_606 : vector<16xf32>
          %select_n3A_630 = arith.select %gt3A_629, %masked_sort3A_627, %while3A_606 : vector<16xi1>, vector<16xf32>
          %select_n3A_631 = arith.select %gt3A_629, %masked_sort3A_628, %while3A_607 : vector<16xi1>, vector<16xi32>
          %masked_sort3A_632 = arith.constant dense<true> : vector<16xi1>
          %masked_sort3A_633, %masked_sort3A_634, %masked_sort3A_635 = tpu.sort %select_n3A_630, %select_n3A_631 masked %masked_sort3A_632 : (vector<16xf32>, vector<16xi32>, vector<16xi1>) -> (vector<16xi1>, vector<16xf32>, vector<16xi32>)
          scf.yield %masked_sort3A_634, %masked_sort3A_635 : vector<16xf32>, vector<16xi32>
        }
        %sub3A_473 = arith.subi %parallel_loop3A_337#7, %iota3A : vector<16xi32>
        %reduce_max3A_474 = arith.constant true
        %reduce_max3A_475 = vector.broadcast %reduce_max3A_474 : i1 to vector<16xi1>
        %reduce_max3A_476 = arith.constant -2147483648 : i32
        %reduce_max3A_477 = vector.broadcast %reduce_max3A_476 : i32 to vector<16xi32>
        %reduce_max3A_478 = arith.xori %sub3A_473, %reduce_max3A_477 : vector<16xi32>
        %reduce_max3A_479 = tpu.scan <max>, %reduce_max3A_478 masked %reduce_max3A_475 : vector<16xi32>, vector<16xi1> -> vector<16xi32>
        %reduce_max3A_480 = arith.xori %reduce_max3A_479, %reduce_max3A_477 : vector<16xi32>
        %reduce_max3A_481 = vector.extract %reduce_max3A_480[15] : i32 from vector<16xi32>
        %jit3A_482 = arith.constant 16 : i32
        %div3A_483 = arith.divsi %reduce_max3A_481, %jit3A_482 : i32
        %sign3A_484 = arith.constant 0 : i32
        %sign3A_485 = arith.cmpi sgt, %reduce_max3A_481, %sign3A_484 : i32
        %sign3A_486 = arith.extui %sign3A_485 : i1 to i32
        %sign3A_487 = arith.constant 0 : i32
        %sign3A_488 = arith.cmpi slt, %reduce_max3A_481, %sign3A_487 : i32
        %sign3A_489 = arith.extui %sign3A_488 : i1 to i32
        %sign3A_490 = arith.subi %sign3A_486, %sign3A_489 : i32
        %sign3A_491 = arith.constant 0 : i32
        %sign3A_492 = arith.cmpi sgt, %jit3A_482, %sign3A_491 : i32
        %sign3A_493 = arith.extui %sign3A_492 : i1 to i32
        %sign3A_494 = arith.constant 0 : i32
        %sign3A_495 = arith.cmpi slt, %jit3A_482, %sign3A_494 : i32
        %sign3A_496 = arith.extui %sign3A_495 : i1 to i32
        %sign3A_497 = arith.subi %sign3A_493, %sign3A_496 : i32
        %ne3A_498 = arith.cmpi ne, %sign3A_490, %sign3A_497 : i32
        %rem3A_499 = arith.remsi %reduce_max3A_481, %jit3A_482 : i32
        %ne3A_500 = arith.constant 0 : i32
        %ne3A_501 = arith.cmpi ne, %rem3A_499, %ne3A_500 : i32
        %and3A_502 = arith.andi %ne3A_498, %ne3A_501 : i1
        %sub3A_503 = arith.constant 1 : i32
        %sub3A_504 = arith.subi %div3A_483, %sub3A_503 : i32
        %select_n3A_505 = arith.select %and3A_502, %sub3A_504, %div3A_483 : i32
        %while3A_506 = arith.constant 0 : i32
        %while3A_507 = arith.subi %select_n3A_505, %while3A_506 : i32
        %while3A_508 = arith.addi %while3A_506, %while3A_507 : i32
        %while3A_509 = arith.constant 1 : i32
        %while3A_510 = arith.divsi %while3A_507, %while3A_509 : i32
        %while3A_511 = arith.muli %while3A_510, %while3A_509 : i32
        %while3A_512 = arith.addi %while3A_506, %while3A_511 : i32
        %while3A_513 = arith.constant 1 : i32
        %while3A_514:2 = scf.for %while3A_605 = %while3A_506 to %while3A_512 step %while3A_513 iter_args(%while3A_606 = %while3A_472#0, %while3A_607 = %while3A_472#1) -> (vector<16xf32>, vector<16xi32>)  : i32 {
          %mul3A_608 = arith.constant 16 : i32
          %mul3A_609 = arith.muli %while3A_605, %mul3A_608 : i32
          %add3A_610 = arith.constant 1024 : i32
          %add3A_611 = arith.addi %add3A_610, %mul3A_609 : i32
          %get3A = arith.index_cast %add3A_611 : i32 to index
          %get3A_612 = tpu.vector_load %arg7[%get3A] {strides = array<i32>} : memref<2560xi32, #tpu.memory_space<vmem>>, vector<16xi32>,
          %sub3A_613 = arith.subi %parallel_loop3A_337#7, %iota3A : vector<16xi32>
          %mul3A_614 = arith.constant 16 : i32
          %mul3A_615 = arith.muli %while3A_605, %mul3A_614 : i32
          %gt3A_616 = vector.broadcast %mul3A_615 : i32 to vector<16xi32>
          %gt3A_617 = arith.cmpi sgt, %sub3A_613, %gt3A_616 : vector<16xi32>
          %gather3A_618 = tpu.vector_load_idx %arg6[%get3A_612] : memref<52000xf32, #tpu.memory_space<vmem>>[vector<16xi32>], vector<16xf32>,
          %ne3A_619 = arith.constant -1 : i32
          %ne3A_620 = vector.broadcast %ne3A_619 : i32 to vector<16xi32>
          %ne3A_621 = arith.cmpi ne, %get3A_612, %ne3A_620 : vector<16xi32>
          %and3A_622 = arith.andi %gt3A_617, %ne3A_621 : vector<16xi1>
          %jit3A_623 = arith.constant 0xFF800000 : f32
          %broadcast_in_dim3A_624 = vector.broadcast %jit3A_623 : f32 to vector<16xf32>
          %select_n3A_625 = arith.select %and3A_622, %gather3A_618, %broadcast_in_dim3A_624 : vector<16xi1>, vector<16xf32>
          %masked_sort3A = arith.constant dense<true> : vector<16xi1>
          %masked_sort3A_626, %masked_sort3A_627, %masked_sort3A_628 = tpu.sort %select_n3A_625, %get3A_612 masked %masked_sort3A {descending = true} : (vector<16xf32>, vector<16xi32>, vector<16xi1>) -> (vector<16xi1>, vector<16xf32>, vector<16xi32>)
          %gt3A_629 = arith.cmpf ogt, %masked_sort3A_627, %while3A_606 : vector<16xf32>
          %select_n3A_630 = arith.select %gt3A_629, %masked_sort3A_627, %while3A_606 : vector<16xi1>, vector<16xf32>
          %select_n3A_631 = arith.select %gt3A_629, %masked_sort3A_628, %while3A_607 : vector<16xi1>, vector<16xi32>
          %masked_sort3A_632 = arith.constant dense<true> : vector<16xi1>
          %masked_sort3A_633, %masked_sort3A_634, %masked_sort3A_635 = tpu.sort %select_n3A_630, %select_n3A_631 masked %masked_sort3A_632 : (vector<16xf32>, vector<16xi32>, vector<16xi1>) -> (vector<16xi1>, vector<16xf32>, vector<16xi32>)
          scf.yield %masked_sort3A_634, %masked_sort3A_635 : vector<16xf32>, vector<16xi32>
        }
        %while3A_515 = arith.constant 1 : i32
        %while3A_516:2 = scf.for %while3A_605 = %while3A_512 to %while3A_508 step %while3A_515 iter_args(%while3A_606 = %while3A_514#0, %while3A_607 = %while3A_514#1) -> (vector<16xf32>, vector<16xi32>)  : i32 {
          %mul3A_608 = arith.constant 16 : i32
          %mul3A_609 = arith.muli %while3A_605, %mul3A_608 : i32
          %add3A_610 = arith.constant 1024 : i32
          %add3A_611 = arith.addi %add3A_610, %mul3A_609 : i32
          %get3A = arith.index_cast %add3A_611 : i32 to index
          %get3A_612 = tpu.vector_load %arg7[%get3A] {strides = array<i32>} : memref<2560xi32, #tpu.memory_space<vmem>>, vector<16xi32>,
          %sub3A_613 = arith.subi %parallel_loop3A_337#7, %iota3A : vector<16xi32>
          %mul3A_614 = arith.constant 16 : i32
          %mul3A_615 = arith.muli %while3A_605, %mul3A_614 : i32
          %gt3A_616 = vector.broadcast %mul3A_615 : i32 to vector<16xi32>
          %gt3A_617 = arith.cmpi sgt, %sub3A_613, %gt3A_616 : vector<16xi32>
          %gather3A_618 = tpu.vector_load_idx %arg6[%get3A_612] : memref<52000xf32, #tpu.memory_space<vmem>>[vector<16xi32>], vector<16xf32>,
          %ne3A_619 = arith.constant -1 : i32
          %ne3A_620 = vector.broadcast %ne3A_619 : i32 to vector<16xi32>
          %ne3A_621 = arith.cmpi ne, %get3A_612, %ne3A_620 : vector<16xi32>
          %and3A_622 = arith.andi %gt3A_617, %ne3A_621 : vector<16xi1>
          %jit3A_623 = arith.constant 0xFF800000 : f32
          %broadcast_in_dim3A_624 = vector.broadcast %jit3A_623 : f32 to vector<16xf32>
          %select_n3A_625 = arith.select %and3A_622, %gather3A_618, %broadcast_in_dim3A_624 : vector<16xi1>, vector<16xf32>
          %masked_sort3A = arith.constant dense<true> : vector<16xi1>
          %masked_sort3A_626, %masked_sort3A_627, %masked_sort3A_628 = tpu.sort %select_n3A_625, %get3A_612 masked %masked_sort3A {descending = true} : (vector<16xf32>, vector<16xi32>, vector<16xi1>) -> (vector<16xi1>, vector<16xf32>, vector<16xi32>)
          %gt3A_629 = arith.cmpf ogt, %masked_sort3A_627, %while3A_606 : vector<16xf32>
          %select_n3A_630 = arith.select %gt3A_629, %masked_sort3A_627, %while3A_606 : vector<16xi1>, vector<16xf32>
          %select_n3A_631 = arith.select %gt3A_629, %masked_sort3A_628, %while3A_607 : vector<16xi1>, vector<16xi32>
          %masked_sort3A_632 = arith.constant dense<true> : vector<16xi1>
          %masked_sort3A_633, %masked_sort3A_634, %masked_sort3A_635 = tpu.sort %select_n3A_630, %select_n3A_631 masked %masked_sort3A_632 : (vector<16xf32>, vector<16xi32>, vector<16xi1>) -> (vector<16xi1>, vector<16xf32>, vector<16xi32>)
          scf.yield %masked_sort3A_634, %masked_sort3A_635 : vector<16xf32>, vector<16xi32>
        }
        %sub3A_517 = arith.subi %parallel_loop3A_337#8, %iota3A : vector<16xi32>
        %reduce_max3A_518 = arith.constant true
        %reduce_max3A_519 = vector.broadcast %reduce_max3A_518 : i1 to vector<16xi1>
        %reduce_max3A_520 = arith.constant -2147483648 : i32
        %reduce_max3A_521 = vector.broadcast %reduce_max3A_520 : i32 to vector<16xi32>
        %reduce_max3A_522 = arith.xori %sub3A_517, %reduce_max3A_521 : vector<16xi32>
        %reduce_max3A_523 = tpu.scan <max>, %reduce_max3A_522 masked %reduce_max3A_519 : vector<16xi32>, vector<16xi1> -> vector<16xi32>
        %reduce_max3A_524 = arith.xori %reduce_max3A_523, %reduce_max3A_521 : vector<16xi32>
        %reduce_max3A_525 = vector.extract %reduce_max3A_524[15] : i32 from vector<16xi32>
        %jit3A_526 = arith.constant 16 : i32
        %div3A_527 = arith.divsi %reduce_max3A_525, %jit3A_526 : i32
        %sign3A_528 = arith.constant 0 : i32
        %sign3A_529 = arith.cmpi sgt, %reduce_max3A_525, %sign3A_528 : i32
        %sign3A_530 = arith.extui %sign3A_529 : i1 to i32
        %sign3A_531 = arith.constant 0 : i32
        %sign3A_532 = arith.cmpi slt, %reduce_max3A_525, %sign3A_531 : i32
        %sign3A_533 = arith.extui %sign3A_532 : i1 to i32
        %sign3A_534 = arith.subi %sign3A_530, %sign3A_533 : i32
        %sign3A_535 = arith.constant 0 : i32
        %sign3A_536 = arith.cmpi sgt, %jit3A_526, %sign3A_535 : i32
        %sign3A_537 = arith.extui %sign3A_536 : i1 to i32
        %sign3A_538 = arith.constant 0 : i32
        %sign3A_539 = arith.cmpi slt, %jit3A_526, %sign3A_538 : i32
        %sign3A_540 = arith.extui %sign3A_539 : i1 to i32
        %sign3A_541 = arith.subi %sign3A_537, %sign3A_540 : i32
        %ne3A_542 = arith.cmpi ne, %sign3A_534, %sign3A_541 : i32
        %rem3A_543 = arith.remsi %reduce_max3A_525, %jit3A_526 : i32
        %ne3A_544 = arith.constant 0 : i32
        %ne3A_545 = arith.cmpi ne, %rem3A_543, %ne3A_544 : i32
        %and3A_546 = arith.andi %ne3A_542, %ne3A_545 : i1
        %sub3A_547 = arith.constant 1 : i32
        %sub3A_548 = arith.subi %div3A_527, %sub3A_547 : i32
        %select_n3A_549 = arith.select %and3A_546, %sub3A_548, %div3A_527 : i32
        %while3A_550 = arith.constant 0 : i32
        %while3A_551 = arith.subi %select_n3A_549, %while3A_550 : i32
        %while3A_552 = arith.addi %while3A_550, %while3A_551 : i32
        %while3A_553 = arith.constant 1 : i32
        %while3A_554 = arith.divsi %while3A_551, %while3A_553 : i32
        %while3A_555 = arith.muli %while3A_554, %while3A_553 : i32
        %while3A_556 = arith.addi %while3A_550, %while3A_555 : i32
        %while3A_557 = arith.constant 1 : i32
        %while3A_558:2 = scf.for %while3A_605 = %while3A_550 to %while3A_556 step %while3A_557 iter_args(%while3A_606 = %while3A_516#0, %while3A_607 = %while3A_516#1) -> (vector<16xf32>, vector<16xi32>)  : i32 {
          %mul3A_608 = arith.constant 16 : i32
          %mul3A_609 = arith.muli %while3A_605, %mul3A_608 : i32
          %add3A_610 = arith.constant 1536 : i32
          %add3A_611 = arith.addi %add3A_610, %mul3A_609 : i32
          %get3A = arith.index_cast %add3A_611 : i32 to index
          %get3A_612 = tpu.vector_load %arg7[%get3A] {strides = array<i32>} : memref<2560xi32, #tpu.memory_space<vmem>>, vector<16xi32>,
          %sub3A_613 = arith.subi %parallel_loop3A_337#8, %iota3A : vector<16xi32>
          %mul3A_614 = arith.constant 16 : i32
          %mul3A_615 = arith.muli %while3A_605, %mul3A_614 : i32
          %gt3A_616 = vector.broadcast %mul3A_615 : i32 to vector<16xi32>
          %gt3A_617 = arith.cmpi sgt, %sub3A_613, %gt3A_616 : vector<16xi32>
          %gather3A_618 = tpu.vector_load_idx %arg6[%get3A_612] : memref<52000xf32, #tpu.memory_space<vmem>>[vector<16xi32>], vector<16xf32>,
          %ne3A_619 = arith.constant -1 : i32
          %ne3A_620 = vector.broadcast %ne3A_619 : i32 to vector<16xi32>
          %ne3A_621 = arith.cmpi ne, %get3A_612, %ne3A_620 : vector<16xi32>
          %and3A_622 = arith.andi %gt3A_617, %ne3A_621 : vector<16xi1>
          %jit3A_623 = arith.constant 0xFF800000 : f32
          %broadcast_in_dim3A_624 = vector.broadcast %jit3A_623 : f32 to vector<16xf32>
          %select_n3A_625 = arith.select %and3A_622, %gather3A_618, %broadcast_in_dim3A_624 : vector<16xi1>, vector<16xf32>
          %masked_sort3A = arith.constant dense<true> : vector<16xi1>
          %masked_sort3A_626, %masked_sort3A_627, %masked_sort3A_628 = tpu.sort %select_n3A_625, %get3A_612 masked %masked_sort3A {descending = true} : (vector<16xf32>, vector<16xi32>, vector<16xi1>) -> (vector<16xi1>, vector<16xf32>, vector<16xi32>)
          %gt3A_629 = arith.cmpf ogt, %masked_sort3A_627, %while3A_606 : vector<16xf32>
          %select_n3A_630 = arith.select %gt3A_629, %masked_sort3A_627, %while3A_606 : vector<16xi1>, vector<16xf32>
          %select_n3A_631 = arith.select %gt3A_629, %masked_sort3A_628, %while3A_607 : vector<16xi1>, vector<16xi32>
          %masked_sort3A_632 = arith.constant dense<true> : vector<16xi1>
          %masked_sort3A_633, %masked_sort3A_634, %masked_sort3A_635 = tpu.sort %select_n3A_630, %select_n3A_631 masked %masked_sort3A_632 : (vector<16xf32>, vector<16xi32>, vector<16xi1>) -> (vector<16xi1>, vector<16xf32>, vector<16xi32>)
          scf.yield %masked_sort3A_634, %masked_sort3A_635 : vector<16xf32>, vector<16xi32>
        }
        %while3A_559 = arith.constant 1 : i32
        %while3A_560:2 = scf.for %while3A_605 = %while3A_556 to %while3A_552 step %while3A_559 iter_args(%while3A_606 = %while3A_558#0, %while3A_607 = %while3A_558#1) -> (vector<16xf32>, vector<16xi32>)  : i32 {
          %mul3A_608 = arith.constant 16 : i32
          %mul3A_609 = arith.muli %while3A_605, %mul3A_608 : i32
          %add3A_610 = arith.constant 1536 : i32
          %add3A_611 = arith.addi %add3A_610, %mul3A_609 : i32
          %get3A = arith.index_cast %add3A_611 : i32 to index
          %get3A_612 = tpu.vector_load %arg7[%get3A] {strides = array<i32>} : memref<2560xi32, #tpu.memory_space<vmem>>, vector<16xi32>,
          %sub3A_613 = arith.subi %parallel_loop3A_337#8, %iota3A : vector<16xi32>
          %mul3A_614 = arith.constant 16 : i32
          %mul3A_615 = arith.muli %while3A_605, %mul3A_614 : i32
          %gt3A_616 = vector.broadcast %mul3A_615 : i32 to vector<16xi32>
          %gt3A_617 = arith.cmpi sgt, %sub3A_613, %gt3A_616 : vector<16xi32>
          %gather3A_618 = tpu.vector_load_idx %arg6[%get3A_612] : memref<52000xf32, #tpu.memory_space<vmem>>[vector<16xi32>], vector<16xf32>,
          %ne3A_619 = arith.constant -1 : i32
          %ne3A_620 = vector.broadcast %ne3A_619 : i32 to vector<16xi32>
          %ne3A_621 = arith.cmpi ne, %get3A_612, %ne3A_620 : vector<16xi32>
          %and3A_622 = arith.andi %gt3A_617, %ne3A_621 : vector<16xi1>
          %jit3A_623 = arith.constant 0xFF800000 : f32
          %broadcast_in_dim3A_624 = vector.broadcast %jit3A_623 : f32 to vector<16xf32>
          %select_n3A_625 = arith.select %and3A_622, %gather3A_618, %broadcast_in_dim3A_624 : vector<16xi1>, vector<16xf32>
          %masked_sort3A = arith.constant dense<true> : vector<16xi1>
          %masked_sort3A_626, %masked_sort3A_627, %masked_sort3A_628 = tpu.sort %select_n3A_625, %get3A_612 masked %masked_sort3A {descending = true} : (vector<16xf32>, vector<16xi32>, vector<16xi1>) -> (vector<16xi1>, vector<16xf32>, vector<16xi32>)
          %gt3A_629 = arith.cmpf ogt, %masked_sort3A_627, %while3A_606 : vector<16xf32>
          %select_n3A_630 = arith.select %gt3A_629, %masked_sort3A_627, %while3A_606 : vector<16xi1>, vector<16xf32>
          %select_n3A_631 = arith.select %gt3A_629, %masked_sort3A_628, %while3A_607 : vector<16xi1>, vector<16xi32>
          %masked_sort3A_632 = arith.constant dense<true> : vector<16xi1>
          %masked_sort3A_633, %masked_sort3A_634, %masked_sort3A_635 = tpu.sort %select_n3A_630, %select_n3A_631 masked %masked_sort3A_632 : (vector<16xf32>, vector<16xi32>, vector<16xi1>) -> (vector<16xi1>, vector<16xf32>, vector<16xi32>)
          scf.yield %masked_sort3A_634, %masked_sort3A_635 : vector<16xf32>, vector<16xi32>
        }
        %sub3A_561 = arith.subi %parallel_loop3A_337#9, %iota3A : vector<16xi32>
        %reduce_max3A_562 = arith.constant true
        %reduce_max3A_563 = vector.broadcast %reduce_max3A_562 : i1 to vector<16xi1>
        %reduce_max3A_564 = arith.constant -2147483648 : i32
        %reduce_max3A_565 = vector.broadcast %reduce_max3A_564 : i32 to vector<16xi32>
        %reduce_max3A_566 = arith.xori %sub3A_561, %reduce_max3A_565 : vector<16xi32>
        %reduce_max3A_567 = tpu.scan <max>, %reduce_max3A_566 masked %reduce_max3A_563 : vector<16xi32>, vector<16xi1> -> vector<16xi32>
        %reduce_max3A_568 = arith.xori %reduce_max3A_567, %reduce_max3A_565 : vector<16xi32>
        %reduce_max3A_569 = vector.extract %reduce_max3A_568[15] : i32 from vector<16xi32>
        %jit3A_570 = arith.constant 16 : i32
        %div3A_571 = arith.divsi %reduce_max3A_569, %jit3A_570 : i32
        %sign3A_572 = arith.constant 0 : i32
        %sign3A_573 = arith.cmpi sgt, %reduce_max3A_569, %sign3A_572 : i32
        %sign3A_574 = arith.extui %sign3A_573 : i1 to i32
        %sign3A_575 = arith.constant 0 : i32
        %sign3A_576 = arith.cmpi slt, %reduce_max3A_569, %sign3A_575 : i32
        %sign3A_577 = arith.extui %sign3A_576 : i1 to i32
        %sign3A_578 = arith.subi %sign3A_574, %sign3A_577 : i32
        %sign3A_579 = arith.constant 0 : i32
        %sign3A_580 = arith.cmpi sgt, %jit3A_570, %sign3A_579 : i32
        %sign3A_581 = arith.extui %sign3A_580 : i1 to i32
        %sign3A_582 = arith.constant 0 : i32
        %sign3A_583 = arith.cmpi slt, %jit3A_570, %sign3A_582 : i32
        %sign3A_584 = arith.extui %sign3A_583 : i1 to i32
        %sign3A_585 = arith.subi %sign3A_581, %sign3A_584 : i32
        %ne3A_586 = arith.cmpi ne, %sign3A_578, %sign3A_585 : i32
        %rem3A_587 = arith.remsi %reduce_max3A_569, %jit3A_570 : i32
        %ne3A_588 = arith.constant 0 : i32
        %ne3A_589 = arith.cmpi ne, %rem3A_587, %ne3A_588 : i32
        %and3A_590 = arith.andi %ne3A_586, %ne3A_589 : i1
        %sub3A_591 = arith.constant 1 : i32
        %sub3A_592 = arith.subi %div3A_571, %sub3A_591 : i32
        %select_n3A_593 = arith.select %and3A_590, %sub3A_592, %div3A_571 : i32
        %while3A_594 = arith.constant 0 : i32
        %while3A_595 = arith.subi %select_n3A_593, %while3A_594 : i32
        %while3A_596 = arith.addi %while3A_594, %while3A_595 : i32
        %while3A_597 = arith.constant 1 : i32
        %while3A_598 = arith.divsi %while3A_595, %while3A_597 : i32
        %while3A_599 = arith.muli %while3A_598, %while3A_597 : i32
        %while3A_600 = arith.addi %while3A_594, %while3A_599 : i32
        %while3A_601 = arith.constant 1 : i32
        %while3A_602:2 = scf.for %while3A_605 = %while3A_594 to %while3A_600 step %while3A_601 iter_args(%while3A_606 = %while3A_560#0, %while3A_607 = %while3A_560#1) -> (vector<16xf32>, vector<16xi32>)  : i32 {
          %mul3A_608 = arith.constant 16 : i32
          %mul3A_609 = arith.muli %while3A_605, %mul3A_608 : i32
          %add3A_610 = arith.constant 2048 : i32
          %add3A_611 = arith.addi %add3A_610, %mul3A_609 : i32
          %get3A = arith.index_cast %add3A_611 : i32 to index
          %get3A_612 = tpu.vector_load %arg7[%get3A] {strides = array<i32>} : memref<2560xi32, #tpu.memory_space<vmem>>, vector<16xi32>,
          %sub3A_613 = arith.subi %parallel_loop3A_337#9, %iota3A : vector<16xi32>
          %mul3A_614 = arith.constant 16 : i32
          %mul3A_615 = arith.muli %while3A_605, %mul3A_614 : i32
          %gt3A_616 = vector.broadcast %mul3A_615 : i32 to vector<16xi32>
          %gt3A_617 = arith.cmpi sgt, %sub3A_613, %gt3A_616 : vector<16xi32>
          %gather3A_618 = tpu.vector_load_idx %arg6[%get3A_612] : memref<52000xf32, #tpu.memory_space<vmem>>[vector<16xi32>], vector<16xf32>,
          %ne3A_619 = arith.constant -1 : i32
          %ne3A_620 = vector.broadcast %ne3A_619 : i32 to vector<16xi32>
          %ne3A_621 = arith.cmpi ne, %get3A_612, %ne3A_620 : vector<16xi32>
          %and3A_622 = arith.andi %gt3A_617, %ne3A_621 : vector<16xi1>
          %jit3A_623 = arith.constant 0xFF800000 : f32
          %broadcast_in_dim3A_624 = vector.broadcast %jit3A_623 : f32 to vector<16xf32>
          %select_n3A_625 = arith.select %and3A_622, %gather3A_618, %broadcast_in_dim3A_624 : vector<16xi1>, vector<16xf32>
          %masked_sort3A = arith.constant dense<true> : vector<16xi1>
          %masked_sort3A_626, %masked_sort3A_627, %masked_sort3A_628 = tpu.sort %select_n3A_625, %get3A_612 masked %masked_sort3A {descending = true} : (vector<16xf32>, vector<16xi32>, vector<16xi1>) -> (vector<16xi1>, vector<16xf32>, vector<16xi32>)
          %gt3A_629 = arith.cmpf ogt, %masked_sort3A_627, %while3A_606 : vector<16xf32>
          %select_n3A_630 = arith.select %gt3A_629, %masked_sort3A_627, %while3A_606 : vector<16xi1>, vector<16xf32>
          %select_n3A_631 = arith.select %gt3A_629, %masked_sort3A_628, %while3A_607 : vector<16xi1>, vector<16xi32>
          %masked_sort3A_632 = arith.constant dense<true> : vector<16xi1>
          %masked_sort3A_633, %masked_sort3A_634, %masked_sort3A_635 = tpu.sort %select_n3A_630, %select_n3A_631 masked %masked_sort3A_632 : (vector<16xf32>, vector<16xi32>, vector<16xi1>) -> (vector<16xi1>, vector<16xf32>, vector<16xi32>)
          scf.yield %masked_sort3A_634, %masked_sort3A_635 : vector<16xf32>, vector<16xi32>
        }
        %while3A_603 = arith.constant 1 : i32
        %while3A_604:2 = scf.for %while3A_605 = %while3A_600 to %while3A_596 step %while3A_603 iter_args(%while3A_606 = %while3A_602#0, %while3A_607 = %while3A_602#1) -> (vector<16xf32>, vector<16xi32>)  : i32 {
          %mul3A_608 = arith.constant 16 : i32
          %mul3A_609 = arith.muli %while3A_605, %mul3A_608 : i32
          %add3A_610 = arith.constant 2048 : i32
          %add3A_611 = arith.addi %add3A_610, %mul3A_609 : i32
          %get3A = arith.index_cast %add3A_611 : i32 to index
          %get3A_612 = tpu.vector_load %arg7[%get3A] {strides = array<i32>} : memref<2560xi32, #tpu.memory_space<vmem>>, vector<16xi32>,
          %sub3A_613 = arith.subi %parallel_loop3A_337#9, %iota3A : vector<16xi32>
          %mul3A_614 = arith.constant 16 : i32
          %mul3A_615 = arith.muli %while3A_605, %mul3A_614 : i32
          %gt3A_616 = vector.broadcast %mul3A_615 : i32 to vector<16xi32>
          %gt3A_617 = arith.cmpi sgt, %sub3A_613, %gt3A_616 : vector<16xi32>
          %gather3A_618 = tpu.vector_load_idx %arg6[%get3A_612] : memref<52000xf32, #tpu.memory_space<vmem>>[vector<16xi32>], vector<16xf32>,
          %ne3A_619 = arith.constant -1 : i32
          %ne3A_620 = vector.broadcast %ne3A_619 : i32 to vector<16xi32>
          %ne3A_621 = arith.cmpi ne, %get3A_612, %ne3A_620 : vector<16xi32>
          %and3A_622 = arith.andi %gt3A_617, %ne3A_621 : vector<16xi1>
          %jit3A_623 = arith.constant 0xFF800000 : f32
          %broadcast_in_dim3A_624 = vector.broadcast %jit3A_623 : f32 to vector<16xf32>
          %select_n3A_625 = arith.select %and3A_622, %gather3A_618, %broadcast_in_dim3A_624 : vector<16xi1>, vector<16xf32>
          %masked_sort3A = arith.constant dense<true> : vector<16xi1>
          %masked_sort3A_626, %masked_sort3A_627, %masked_sort3A_628 = tpu.sort %select_n3A_625, %get3A_612 masked %masked_sort3A {descending = true} : (vector<16xf32>, vector<16xi32>, vector<16xi1>) -> (vector<16xi1>, vector<16xf32>, vector<16xi32>)
          %gt3A_629 = arith.cmpf ogt, %masked_sort3A_627, %while3A_606 : vector<16xf32>
          %select_n3A_630 = arith.select %gt3A_629, %masked_sort3A_627, %while3A_606 : vector<16xi1>, vector<16xf32>
          %select_n3A_631 = arith.select %gt3A_629, %masked_sort3A_628, %while3A_607 : vector<16xi1>, vector<16xi32>
          %masked_sort3A_632 = arith.constant dense<true> : vector<16xi1>
          %masked_sort3A_633, %masked_sort3A_634, %masked_sort3A_635 = tpu.sort %select_n3A_630, %select_n3A_631 masked %masked_sort3A_632 : (vector<16xf32>, vector<16xi32>, vector<16xi1>) -> (vector<16xi1>, vector<16xf32>, vector<16xi32>)
          scf.yield %masked_sort3A_634, %masked_sort3A_635 : vector<16xf32>, vector<16xi32>
        }
        scf.yield %while3A_604#0, %while3A_604#1 : vector<16xf32>, vector<16xi32>
      }
      %swap3A_369 = arith.constant 0 : i32
      %swap3A_370 = arith.index_cast %swap3A_369 : i32 to index
      %swap3A_371 = arith.constant 0 : index
      %swap3A_372 = tpu.vector_load %arg8[%swap3A_370, %swap3A_371] {strides = array<i32>} : memref<3x16xf32, #tpu.memory_space<vmem>>, vector<16xf32>,
      tpu.vector_store %arg8[%swap3A_370, %swap3A_371], %max3A_263 {strides = array<i32>} : memref<3x16xf32, #tpu.memory_space<vmem>>, vector<16xf32>,
      %swap3A_373 = arith.constant 1 : i32
      %swap3A_374 = arith.index_cast %swap3A_373 : i32 to index
      %swap3A_375 = arith.constant 0 : index
      %swap3A_376 = tpu.vector_load %arg8[%swap3A_374, %swap3A_375] {strides = array<i32>} : memref<3x16xf32, #tpu.memory_space<vmem>>, vector<16xf32>,
      tpu.vector_store %arg8[%swap3A_374, %swap3A_375], %add3A_341 {strides = array<i32>} : memref<3x16xf32, #tpu.memory_space<vmem>>, vector<16xf32>,
      %swap3A_377 = arith.constant 2 : i32
      %swap3A_378 = arith.index_cast %swap3A_377 : i32 to index
      %swap3A_379 = arith.constant 0 : index
      %swap3A_380 = tpu.vector_load %arg8[%swap3A_378, %swap3A_379] {strides = array<i32>} : memref<3x16xf32, #tpu.memory_space<vmem>>, vector<16xf32>,
      tpu.vector_store %arg8[%swap3A_378, %swap3A_379], %cond3A_368#0 {strides = array<i32>} : memref<3x16xf32, #tpu.memory_space<vmem>>, vector<16xf32>,
      %add3A_381 = arith.constant 48000 : i32
      %add3A_382 = vector.broadcast %add3A_381 : i32 to vector<16xi32>
      %add3A_383 = arith.addi %cond3A_368#1, %add3A_382 : vector<16xi32>
      %swap3A_384 = arith.constant 0 : index
      %swap3A_385 = tpu.vector_load %arg9[%swap3A_384] {strides = array<i32>} : memref<16xi32, #tpu.memory_space<vmem>>, vector<16xi32>,
      tpu.vector_store %arg9[%swap3A_384], %add3A_383 {strides = array<i32>} : memref<16xi32, #tpu.memory_space<vmem>>, vector<16xi32>,
      "tpu.region"() ({
        %run_scoped3A = tpu.sem_alloc : memref<!tpu.dma_semaphore, #tpu.memory_space<semaphore_mem>>
        %dma_start3A_387 = arith.constant 0 : i32
        %dma_start3A_388 = arith.constant 0 : i32
        %dma_start3A_389 = tpu.memref_slice %arg3[%add3A_256, %dma_start3A_387, %dma_start3A_388] : memref<1024x3x16xf32, #tpu.memory_space<hbm>> -> memref<1x3x16xf32, #tpu.memory_space<hbm>>
        %dma_start3A_390 = tpu.memref_squeeze %dma_start3A_389 : memref<1x3x16xf32, #tpu.memory_space<hbm>> -> memref<3x16xf32, #tpu.memory_space<hbm>>
        %dma_start3A_391 = arith.constant 0 : i32
        %dma_start3A_392 = arith.constant 0 : i32
        %dma_start3A_393 = tpu.memref_slice %arg3[%add3A_256, %dma_start3A_391, %dma_start3A_392] : memref<1024x3x16xf32, #tpu.memory_space<hbm>> -> memref<1x3x16xf32, #tpu.memory_space<hbm>>
        %dma_start3A_394 = tpu.memref_squeeze %dma_start3A_393 : memref<1x3x16xf32, #tpu.memory_space<hbm>> -> memref<3x16xf32, #tpu.memory_space<hbm>>
        tpu.enqueue_dma source(%arg8 : memref<3x16xf32, #tpu.memory_space<vmem>>) target(%dma_start3A_394 : memref<3x16xf32, #tpu.memory_space<hbm>>) target_semaphore(%run_scoped3A : memref<!tpu.dma_semaphore, #tpu.memory_space<semaphore_mem>>)
        %dma_wait3A_395 = arith.constant 0 : i32
        %dma_wait3A_396 = arith.constant 0 : i32
        %dma_wait3A_397 = tpu.memref_slice %arg3[%add3A_256, %dma_wait3A_395, %dma_wait3A_396] : memref<1024x3x16xf32, #tpu.memory_space<hbm>> -> memref<1x3x16xf32, #tpu.memory_space<hbm>>
        %dma_wait3A_398 = tpu.memref_squeeze %dma_wait3A_397 : memref<1x3x16xf32, #tpu.memory_space<hbm>> -> memref<3x16xf32, #tpu.memory_space<hbm>>
        %dma_wait3A_399 = arith.constant 0 : i32
        %dma_wait3A_400 = arith.constant 0 : i32
        %dma_wait3A_401 = tpu.memref_slice %arg3[%add3A_256, %dma_wait3A_399, %dma_wait3A_400] : memref<1024x3x16xf32, #tpu.memory_space<hbm>> -> memref<1x3x16xf32, #tpu.memory_space<hbm>>
        %dma_wait3A_402 = tpu.memref_squeeze %dma_wait3A_401 : memref<1x3x16xf32, #tpu.memory_space<hbm>> -> memref<3x16xf32, #tpu.memory_space<hbm>>
        tpu.wait_dma2 semaphore(%run_scoped3A : memref<!tpu.dma_semaphore, #tpu.memory_space<semaphore_mem>>) src(%arg8 : memref<3x16xf32, #tpu.memory_space<vmem>>) dst(%dma_wait3A_402 : memref<3x16xf32, #tpu.memory_space<hbm>>)
        tpu.yield
      }) : () -> ()
      "tpu.region"() ({
        %run_scoped3A = tpu.sem_alloc : memref<!tpu.dma_semaphore, #tpu.memory_space<semaphore_mem>>
        %dma_start3A_387 = arith.constant 0 : i32
        %dma_start3A_388 = tpu.memref_slice %arg4[%add3A_256, %dma_start3A_387] : memref<1024x16xi32, #tpu.memory_space<hbm>> -> memref<1x16xi32, #tpu.memory_space<hbm>>
        %dma_start3A_389 = tpu.memref_squeeze %dma_start3A_388 : memref<1x16xi32, #tpu.memory_space<hbm>> -> memref<16xi32, #tpu.memory_space<hbm>>
        %dma_start3A_390 = arith.constant 0 : i32
        %dma_start3A_391 = tpu.memref_slice %arg4[%add3A_256, %dma_start3A_390] : memref<1024x16xi32, #tpu.memory_space<hbm>> -> memref<1x16xi32, #tpu.memory_space<hbm>>
        %dma_start3A_392 = tpu.memref_squeeze %dma_start3A_391 : memref<1x16xi32, #tpu.memory_space<hbm>> -> memref<16xi32, #tpu.memory_space<hbm>>
        tpu.enqueue_dma source(%arg9 : memref<16xi32, #tpu.memory_space<vmem>>) target(%dma_start3A_392 : memref<16xi32, #tpu.memory_space<hbm>>) target_semaphore(%run_scoped3A : memref<!tpu.dma_semaphore, #tpu.memory_space<semaphore_mem>>)
        %dma_wait3A_393 = arith.constant 0 : i32
        %dma_wait3A_394 = tpu.memref_slice %arg4[%add3A_256, %dma_wait3A_393] : memref<1024x16xi32, #tpu.memory_space<hbm>> -> memref<1x16xi32, #tpu.memory_space<hbm>>
        %dma_wait3A_395 = tpu.memref_squeeze %dma_wait3A_394 : memref<1x16xi32, #tpu.memory_space<hbm>> -> memref<16xi32, #tpu.memory_space<hbm>>
        %dma_wait3A_396 = arith.constant 0 : i32
        %dma_wait3A_397 = tpu.memref_slice %arg4[%add3A_256, %dma_wait3A_396] : memref<1024x16xi32, #tpu.memory_space<hbm>> -> memref<1x16xi32, #tpu.memory_space<hbm>>
        %dma_wait3A_398 = tpu.memref_squeeze %dma_wait3A_397 : memref<1x16xi32, #tpu.memory_space<hbm>> -> memref<16xi32, #tpu.memory_space<hbm>>
        tpu.wait_dma2 semaphore(%run_scoped3A : memref<!tpu.dma_semaphore, #tpu.memory_space<semaphore_mem>>) src(%arg9 : memref<16xi32, #tpu.memory_space<vmem>>) dst(%dma_wait3A_398 : memref<16xi32, #tpu.memory_space<hbm>>)
        tpu.yield
      }) : () -> ()
      %scan3A_386 = arith.constant 0 : i32
      scf.yield %scan3A_386 : i32
    }
    %scan3A_36 = arith.constant 16 : i32
    return
  }
}

module attributes {stable_mosaic.version = 14 : i64} {
  func.func @_tc_merge_body(%arg0: memref<128x128xf32, #tpu.memory_space<vmem>>, %arg1: memref<128x128xf32, #tpu.memory_space<vmem>>, %arg2: memref<128x128xf32, #tpu.memory_space<vmem>>, %arg3: memref<128x128xi32, #tpu.memory_space<vmem>>, %arg4: memref<128x4xf32, #tpu.memory_space<vmem>>, %arg5: memref<128x8xf32, #tpu.memory_space<vmem>>, %arg6: memref<128x8xi32, #tpu.memory_space<vmem>>, %arg7: memref<128x8xi32, #tpu.memory_space<vmem>>) attributes {dimension_semantics = [], scalar_prefetch = 0 : i64, scratch_operands = 0 : i64, tpu.core_type = #tpu.core_type<tc>} {
    %get3A = arith.constant 0 : index
    %get3A_0 = arith.constant 0 : index
    %get3A_1 = vector.load %arg0[%get3A, %get3A_0] : memref<128x128xf32, #tpu.memory_space<vmem>>, vector<128x128xf32>
    %get3A_2 = arith.constant 0 : index
    %get3A_3 = arith.constant 0 : index
    %get3A_4 = vector.load %arg1[%get3A_2, %get3A_3] : memref<128x128xf32, #tpu.memory_space<vmem>>, vector<128x128xf32>
    %get3A_5 = arith.constant 0 : index
    %get3A_6 = arith.constant 0 : index
    %get3A_7 = vector.load %arg2[%get3A_5, %get3A_6] : memref<128x128xf32, #tpu.memory_space<vmem>>, vector<128x128xf32>
    %get3A_8 = arith.constant 0 : index
    %get3A_9 = arith.constant 0 : index
    %get3A_10 = vector.load %arg3[%get3A_8, %get3A_9] : memref<128x128xi32, #tpu.memory_space<vmem>>, vector<128x128xi32>
    %get3A_11 = arith.constant 0 : index
    %get3A_12 = arith.constant 0 : index
    %get3A_13 = vector.load %arg4[%get3A_11, %get3A_12] : memref<128x4xf32, #tpu.memory_space<vmem>>, vector<128x4xf32>
    %iota3A = tpu.iota {dimensions = array<i32: 1>} : vector<128x128xi32>
    %jit3A = arith.constant 32 : i32
    %div3A = vector.broadcast %jit3A : i32 to vector<128x128xi32>
    %div3A_14 = arith.divsi %iota3A, %div3A : vector<128x128xi32>
    %sign3A = arith.constant 0 : i32
    %sign3A_15 = vector.broadcast %sign3A : i32 to vector<128x128xi32>
    %sign3A_16 = arith.cmpi sgt, %iota3A, %sign3A_15 : vector<128x128xi32>
    %sign3A_17 = arith.extui %sign3A_16 : vector<128x128xi1> to vector<128x128xi32>
    %sign3A_18 = arith.constant 0 : i32
    %sign3A_19 = vector.broadcast %sign3A_18 : i32 to vector<128x128xi32>
    %sign3A_20 = arith.cmpi slt, %iota3A, %sign3A_19 : vector<128x128xi32>
    %sign3A_21 = arith.extui %sign3A_20 : vector<128x128xi1> to vector<128x128xi32>
    %sign3A_22 = arith.subi %sign3A_17, %sign3A_21 : vector<128x128xi32>
    %sign3A_23 = arith.constant 0 : i32
    %sign3A_24 = arith.cmpi sgt, %jit3A, %sign3A_23 : i32
    %sign3A_25 = arith.extui %sign3A_24 : i1 to i32
    %sign3A_26 = arith.constant 0 : i32
    %sign3A_27 = arith.cmpi slt, %jit3A, %sign3A_26 : i32
    %sign3A_28 = arith.extui %sign3A_27 : i1 to i32
    %sign3A_29 = arith.subi %sign3A_25, %sign3A_28 : i32
    %ne3A = vector.broadcast %sign3A_29 : i32 to vector<128x128xi32>
    %ne3A_30 = arith.cmpi ne, %sign3A_22, %ne3A : vector<128x128xi32>
    %rem3A = vector.broadcast %jit3A : i32 to vector<128x128xi32>
    %rem3A_31 = arith.remsi %iota3A, %rem3A : vector<128x128xi32>
    %ne3A_32 = arith.constant 0 : i32
    %ne3A_33 = vector.broadcast %ne3A_32 : i32 to vector<128x128xi32>
    %ne3A_34 = arith.cmpi ne, %rem3A_31, %ne3A_33 : vector<128x128xi32>
    %and3A = arith.andi %ne3A_30, %ne3A_34 : vector<128x128xi1>
    %sub3A = arith.constant 1 : i32
    %sub3A_35 = vector.broadcast %sub3A : i32 to vector<128x128xi32>
    %sub3A_36 = arith.subi %div3A_14, %sub3A_35 : vector<128x128xi32>
    %select_n3A = arith.select %and3A, %sub3A_36, %div3A_14 : vector<128x128xi1>, vector<128x128xi32>
    %broadcast_in_dim3A = arith.constant 0.000000e+00 : f32
    %broadcast_in_dim3A_37 = vector.broadcast %broadcast_in_dim3A : f32 to vector<128x128xf32>
    %eq3A = arith.constant 0 : i32
    %eq3A_38 = vector.broadcast %eq3A : i32 to vector<128x128xi32>
    %eq3A_39 = arith.cmpi eq, %select_n3A, %eq3A_38 : vector<128x128xi32>
    %jit3A_40 = arith.constant 0xFF800000 : f32
    %broadcast_in_dim3A_41 = vector.broadcast %jit3A_40 : f32 to vector<128x128xf32>
    %select_n3A_42 = arith.select %eq3A_39, %get3A_1, %broadcast_in_dim3A_41 : vector<128x128xi1>, vector<128x128xf32>
    %reduce_max3A = arith.constant dense<0xFF800000> : vector<128xf32>
    %reduce_max3A_43 = vector.multi_reduction <maximumf>, %select_n3A_42, %reduce_max3A [1] : vector<128x128xf32> to vector<128xf32>
    %broadcast_in_dim3A_44 = vector.shape_cast %reduce_max3A_43 : vector<128xf32> to vector<128x1xf32>
    %sub3A_45 = vector.broadcast %broadcast_in_dim3A_44 : vector<128x1xf32> to vector<128x128xf32>
    %sub3A_46 = arith.subf %get3A_1, %sub3A_45 : vector<128x128xf32>
    %exp3A = math.exp %sub3A_46 : vector<128x128xf32>
    %mul3A = arith.mulf %get3A_4, %exp3A : vector<128x128xf32>
    %jit3A_47 = arith.constant 0.000000e+00 : f32
    %broadcast_in_dim3A_48 = vector.broadcast %jit3A_47 : f32 to vector<128x128xf32>
    %select_n3A_49 = arith.select %eq3A_39, %mul3A, %broadcast_in_dim3A_48 : vector<128x128xi1>, vector<128x128xf32>
    %reduce_sum3A = arith.constant dense<0.000000e+00> : vector<128xf32>
    %reduce_sum3A_50 = vector.multi_reduction <add>, %select_n3A_49, %reduce_sum3A [1] : vector<128x128xf32> to vector<128xf32>
    %broadcast_in_dim3A_51 = vector.shape_cast %reduce_sum3A_50 : vector<128xf32> to vector<128x1xf32>
    %slice3A = vector.extract_strided_slice %get3A_13 {offsets = [0, 0], sizes = [128, 1], strides = [1, 1]} : vector<128x4xf32> to vector<128x1xf32>
    %log3A = math.log %broadcast_in_dim3A_51 : vector<128x1xf32>
    %add3A = arith.addf %broadcast_in_dim3A_44, %log3A : vector<128x1xf32>
    %sub3A_52 = arith.subf %slice3A, %add3A : vector<128x1xf32>
    %broadcast_in_dim3A_53 = vector.shape_cast %sub3A_52 : vector<128x1xf32> to vector<128x1xf32>
    %broadcast_in_dim3A_54 = vector.broadcast %broadcast_in_dim3A_53 : vector<128x1xf32> to vector<128x128xf32>
    %select_n3A_55 = arith.select %eq3A_39, %broadcast_in_dim3A_54, %broadcast_in_dim3A_37 : vector<128x128xi1>, vector<128x128xf32>
    %eq3A_56 = arith.constant 1 : i32
    %eq3A_57 = vector.broadcast %eq3A_56 : i32 to vector<128x128xi32>
    %eq3A_58 = arith.cmpi eq, %select_n3A, %eq3A_57 : vector<128x128xi32>
    %jit3A_59 = arith.constant 0xFF800000 : f32
    %broadcast_in_dim3A_60 = vector.broadcast %jit3A_59 : f32 to vector<128x128xf32>
    %select_n3A_61 = arith.select %eq3A_58, %get3A_1, %broadcast_in_dim3A_60 : vector<128x128xi1>, vector<128x128xf32>
    %reduce_max3A_62 = arith.constant dense<0xFF800000> : vector<128xf32>
    %reduce_max3A_63 = vector.multi_reduction <maximumf>, %select_n3A_61, %reduce_max3A_62 [1] : vector<128x128xf32> to vector<128xf32>
    %broadcast_in_dim3A_64 = vector.shape_cast %reduce_max3A_63 : vector<128xf32> to vector<128x1xf32>
    %sub3A_65 = vector.broadcast %broadcast_in_dim3A_64 : vector<128x1xf32> to vector<128x128xf32>
    %sub3A_66 = arith.subf %get3A_1, %sub3A_65 : vector<128x128xf32>
    %exp3A_67 = math.exp %sub3A_66 : vector<128x128xf32>
    %mul3A_68 = arith.mulf %get3A_4, %exp3A_67 : vector<128x128xf32>
    %jit3A_69 = arith.constant 0.000000e+00 : f32
    %broadcast_in_dim3A_70 = vector.broadcast %jit3A_69 : f32 to vector<128x128xf32>
    %select_n3A_71 = arith.select %eq3A_58, %mul3A_68, %broadcast_in_dim3A_70 : vector<128x128xi1>, vector<128x128xf32>
    %reduce_sum3A_72 = arith.constant dense<0.000000e+00> : vector<128xf32>
    %reduce_sum3A_73 = vector.multi_reduction <add>, %select_n3A_71, %reduce_sum3A_72 [1] : vector<128x128xf32> to vector<128xf32>
    %broadcast_in_dim3A_74 = vector.shape_cast %reduce_sum3A_73 : vector<128xf32> to vector<128x1xf32>
    %slice3A_75 = vector.extract_strided_slice %get3A_13 {offsets = [0, 1], sizes = [128, 1], strides = [1, 1]} : vector<128x4xf32> to vector<128x1xf32>
    %log3A_76 = math.log %broadcast_in_dim3A_74 : vector<128x1xf32>
    %add3A_77 = arith.addf %broadcast_in_dim3A_64, %log3A_76 : vector<128x1xf32>
    %sub3A_78 = arith.subf %slice3A_75, %add3A_77 : vector<128x1xf32>
    %broadcast_in_dim3A_79 = vector.shape_cast %sub3A_78 : vector<128x1xf32> to vector<128x1xf32>
    %broadcast_in_dim3A_80 = vector.broadcast %broadcast_in_dim3A_79 : vector<128x1xf32> to vector<128x128xf32>
    %select_n3A_81 = arith.select %eq3A_58, %broadcast_in_dim3A_80, %select_n3A_55 : vector<128x128xi1>, vector<128x128xf32>
    %eq3A_82 = arith.constant 2 : i32
    %eq3A_83 = vector.broadcast %eq3A_82 : i32 to vector<128x128xi32>
    %eq3A_84 = arith.cmpi eq, %select_n3A, %eq3A_83 : vector<128x128xi32>
    %jit3A_85 = arith.constant 0xFF800000 : f32
    %broadcast_in_dim3A_86 = vector.broadcast %jit3A_85 : f32 to vector<128x128xf32>
    %select_n3A_87 = arith.select %eq3A_84, %get3A_1, %broadcast_in_dim3A_86 : vector<128x128xi1>, vector<128x128xf32>
    %reduce_max3A_88 = arith.constant dense<0xFF800000> : vector<128xf32>
    %reduce_max3A_89 = vector.multi_reduction <maximumf>, %select_n3A_87, %reduce_max3A_88 [1] : vector<128x128xf32> to vector<128xf32>
    %broadcast_in_dim3A_90 = vector.shape_cast %reduce_max3A_89 : vector<128xf32> to vector<128x1xf32>
    %sub3A_91 = vector.broadcast %broadcast_in_dim3A_90 : vector<128x1xf32> to vector<128x128xf32>
    %sub3A_92 = arith.subf %get3A_1, %sub3A_91 : vector<128x128xf32>
    %exp3A_93 = math.exp %sub3A_92 : vector<128x128xf32>
    %mul3A_94 = arith.mulf %get3A_4, %exp3A_93 : vector<128x128xf32>
    %jit3A_95 = arith.constant 0.000000e+00 : f32
    %broadcast_in_dim3A_96 = vector.broadcast %jit3A_95 : f32 to vector<128x128xf32>
    %select_n3A_97 = arith.select %eq3A_84, %mul3A_94, %broadcast_in_dim3A_96 : vector<128x128xi1>, vector<128x128xf32>
    %reduce_sum3A_98 = arith.constant dense<0.000000e+00> : vector<128xf32>
    %reduce_sum3A_99 = vector.multi_reduction <add>, %select_n3A_97, %reduce_sum3A_98 [1] : vector<128x128xf32> to vector<128xf32>
    %broadcast_in_dim3A_100 = vector.shape_cast %reduce_sum3A_99 : vector<128xf32> to vector<128x1xf32>
    %slice3A_101 = vector.extract_strided_slice %get3A_13 {offsets = [0, 2], sizes = [128, 1], strides = [1, 1]} : vector<128x4xf32> to vector<128x1xf32>
    %log3A_102 = math.log %broadcast_in_dim3A_100 : vector<128x1xf32>
    %add3A_103 = arith.addf %broadcast_in_dim3A_90, %log3A_102 : vector<128x1xf32>
    %sub3A_104 = arith.subf %slice3A_101, %add3A_103 : vector<128x1xf32>
    %broadcast_in_dim3A_105 = vector.shape_cast %sub3A_104 : vector<128x1xf32> to vector<128x1xf32>
    %broadcast_in_dim3A_106 = vector.broadcast %broadcast_in_dim3A_105 : vector<128x1xf32> to vector<128x128xf32>
    %select_n3A_107 = arith.select %eq3A_84, %broadcast_in_dim3A_106, %select_n3A_81 : vector<128x128xi1>, vector<128x128xf32>
    %eq3A_108 = arith.constant 3 : i32
    %eq3A_109 = vector.broadcast %eq3A_108 : i32 to vector<128x128xi32>
    %eq3A_110 = arith.cmpi eq, %select_n3A, %eq3A_109 : vector<128x128xi32>
    %jit3A_111 = arith.constant 0xFF800000 : f32
    %broadcast_in_dim3A_112 = vector.broadcast %jit3A_111 : f32 to vector<128x128xf32>
    %select_n3A_113 = arith.select %eq3A_110, %get3A_1, %broadcast_in_dim3A_112 : vector<128x128xi1>, vector<128x128xf32>
    %reduce_max3A_114 = arith.constant dense<0xFF800000> : vector<128xf32>
    %reduce_max3A_115 = vector.multi_reduction <maximumf>, %select_n3A_113, %reduce_max3A_114 [1] : vector<128x128xf32> to vector<128xf32>
    %broadcast_in_dim3A_116 = vector.shape_cast %reduce_max3A_115 : vector<128xf32> to vector<128x1xf32>
    %sub3A_117 = vector.broadcast %broadcast_in_dim3A_116 : vector<128x1xf32> to vector<128x128xf32>
    %sub3A_118 = arith.subf %get3A_1, %sub3A_117 : vector<128x128xf32>
    %exp3A_119 = math.exp %sub3A_118 : vector<128x128xf32>
    %mul3A_120 = arith.mulf %get3A_4, %exp3A_119 : vector<128x128xf32>
    %jit3A_121 = arith.constant 0.000000e+00 : f32
    %broadcast_in_dim3A_122 = vector.broadcast %jit3A_121 : f32 to vector<128x128xf32>
    %select_n3A_123 = arith.select %eq3A_110, %mul3A_120, %broadcast_in_dim3A_122 : vector<128x128xi1>, vector<128x128xf32>
    %reduce_sum3A_124 = arith.constant dense<0.000000e+00> : vector<128xf32>
    %reduce_sum3A_125 = vector.multi_reduction <add>, %select_n3A_123, %reduce_sum3A_124 [1] : vector<128x128xf32> to vector<128xf32>
    %broadcast_in_dim3A_126 = vector.shape_cast %reduce_sum3A_125 : vector<128xf32> to vector<128x1xf32>
    %slice3A_127 = vector.extract_strided_slice %get3A_13 {offsets = [0, 3], sizes = [128, 1], strides = [1, 1]} : vector<128x4xf32> to vector<128x1xf32>
    %log3A_128 = math.log %broadcast_in_dim3A_126 : vector<128x1xf32>
    %add3A_129 = arith.addf %broadcast_in_dim3A_116, %log3A_128 : vector<128x1xf32>
    %sub3A_130 = arith.subf %slice3A_127, %add3A_129 : vector<128x1xf32>
    %broadcast_in_dim3A_131 = vector.shape_cast %sub3A_130 : vector<128x1xf32> to vector<128x1xf32>
    %broadcast_in_dim3A_132 = vector.broadcast %broadcast_in_dim3A_131 : vector<128x1xf32> to vector<128x128xf32>
    %select_n3A_133 = arith.select %eq3A_110, %broadcast_in_dim3A_132, %select_n3A_107 : vector<128x128xi1>, vector<128x128xf32>
    %add3A_134 = arith.addf %get3A_7, %select_n3A_133 : vector<128x128xf32>
    %mul3A_135 = arith.constant 100000 : i32
    %mul3A_136 = vector.broadcast %mul3A_135 : i32 to vector<128x128xi32>
    %mul3A_137 = arith.muli %select_n3A, %mul3A_136 : vector<128x128xi32>
    %add3A_138 = arith.addi %get3A_10, %mul3A_137 : vector<128x128xi32>
    %reduce_max3A_139 = arith.constant dense<0xFF800000> : vector<128xf32>
    %reduce_max3A_140 = vector.multi_reduction <maximumf>, %add3A_134, %reduce_max3A_139 [1] : vector<128x128xf32> to vector<128xf32>
    %broadcast_in_dim3A_141 = vector.shape_cast %reduce_max3A_140 : vector<128xf32> to vector<128x1xf32>
    %eq3A_142 = vector.broadcast %broadcast_in_dim3A_141 : vector<128x1xf32> to vector<128x128xf32>
    %eq3A_143 = arith.cmpf oeq, %add3A_134, %eq3A_142 : vector<128x128xf32>
    %jit3A_144 = arith.constant 2147483647 : i32
    %broadcast_in_dim3A_145 = vector.broadcast %jit3A_144 : i32 to vector<128x128xi32>
    %select_n3A_146 = arith.select %eq3A_143, %add3A_138, %broadcast_in_dim3A_145 : vector<128x128xi1>, vector<128x128xi32>
    %reduce_min3A = arith.constant dense<2147483647> : vector<128xi32>
    %reduce_min3A_147 = vector.multi_reduction <minsi>, %select_n3A_146, %reduce_min3A [1] : vector<128x128xi32> to vector<128xi32>
    %broadcast_in_dim3A_148 = vector.shape_cast %reduce_min3A_147 : vector<128xi32> to vector<128x1xi32>
    %eq3A_149 = vector.broadcast %broadcast_in_dim3A_148 : vector<128x1xi32> to vector<128x128xi32>
    %eq3A_150 = arith.cmpi eq, %add3A_138, %eq3A_149 : vector<128x128xi32>
    %jit3A_151 = arith.constant 0xFF800000 : f32
    %broadcast_in_dim3A_152 = vector.broadcast %jit3A_151 : f32 to vector<128x128xf32>
    %select_n3A_153 = arith.select %eq3A_150, %broadcast_in_dim3A_152, %add3A_134 : vector<128x128xi1>, vector<128x128xf32>
    %reduce_max3A_154 = arith.constant dense<0xFF800000> : vector<128xf32>
    %reduce_max3A_155 = vector.multi_reduction <maximumf>, %select_n3A_153, %reduce_max3A_154 [1] : vector<128x128xf32> to vector<128xf32>
    %broadcast_in_dim3A_156 = vector.shape_cast %reduce_max3A_155 : vector<128xf32> to vector<128x1xf32>
    %eq3A_157 = vector.broadcast %broadcast_in_dim3A_156 : vector<128x1xf32> to vector<128x128xf32>
    %eq3A_158 = arith.cmpf oeq, %select_n3A_153, %eq3A_157 : vector<128x128xf32>
    %jit3A_159 = arith.constant 2147483647 : i32
    %broadcast_in_dim3A_160 = vector.broadcast %jit3A_159 : i32 to vector<128x128xi32>
    %select_n3A_161 = arith.select %eq3A_158, %add3A_138, %broadcast_in_dim3A_160 : vector<128x128xi1>, vector<128x128xi32>
    %reduce_min3A_162 = arith.constant dense<2147483647> : vector<128xi32>
    %reduce_min3A_163 = vector.multi_reduction <minsi>, %select_n3A_161, %reduce_min3A_162 [1] : vector<128x128xi32> to vector<128xi32>
    %broadcast_in_dim3A_164 = vector.shape_cast %reduce_min3A_163 : vector<128xi32> to vector<128x1xi32>
    %eq3A_165 = vector.broadcast %broadcast_in_dim3A_164 : vector<128x1xi32> to vector<128x128xi32>
    %eq3A_166 = arith.cmpi eq, %add3A_138, %eq3A_165 : vector<128x128xi32>
    %jit3A_167 = arith.constant 0xFF800000 : f32
    %broadcast_in_dim3A_168 = vector.broadcast %jit3A_167 : f32 to vector<128x128xf32>
    %select_n3A_169 = arith.select %eq3A_166, %broadcast_in_dim3A_168, %select_n3A_153 : vector<128x128xi1>, vector<128x128xf32>
    %reduce_max3A_170 = arith.constant dense<0xFF800000> : vector<128xf32>
    %reduce_max3A_171 = vector.multi_reduction <maximumf>, %select_n3A_169, %reduce_max3A_170 [1] : vector<128x128xf32> to vector<128xf32>
    %broadcast_in_dim3A_172 = vector.shape_cast %reduce_max3A_171 : vector<128xf32> to vector<128x1xf32>
    %eq3A_173 = vector.broadcast %broadcast_in_dim3A_172 : vector<128x1xf32> to vector<128x128xf32>
    %eq3A_174 = arith.cmpf oeq, %select_n3A_169, %eq3A_173 : vector<128x128xf32>
    %jit3A_175 = arith.constant 2147483647 : i32
    %broadcast_in_dim3A_176 = vector.broadcast %jit3A_175 : i32 to vector<128x128xi32>
    %select_n3A_177 = arith.select %eq3A_174, %add3A_138, %broadcast_in_dim3A_176 : vector<128x128xi1>, vector<128x128xi32>
    %reduce_min3A_178 = arith.constant dense<2147483647> : vector<128xi32>
    %reduce_min3A_179 = vector.multi_reduction <minsi>, %select_n3A_177, %reduce_min3A_178 [1] : vector<128x128xi32> to vector<128xi32>
    %broadcast_in_dim3A_180 = vector.shape_cast %reduce_min3A_179 : vector<128xi32> to vector<128x1xi32>
    %eq3A_181 = vector.broadcast %broadcast_in_dim3A_180 : vector<128x1xi32> to vector<128x128xi32>
    %eq3A_182 = arith.cmpi eq, %add3A_138, %eq3A_181 : vector<128x128xi32>
    %jit3A_183 = arith.constant 0xFF800000 : f32
    %broadcast_in_dim3A_184 = vector.broadcast %jit3A_183 : f32 to vector<128x128xf32>
    %select_n3A_185 = arith.select %eq3A_182, %broadcast_in_dim3A_184, %select_n3A_169 : vector<128x128xi1>, vector<128x128xf32>
    %reduce_max3A_186 = arith.constant dense<0xFF800000> : vector<128xf32>
    %reduce_max3A_187 = vector.multi_reduction <maximumf>, %select_n3A_185, %reduce_max3A_186 [1] : vector<128x128xf32> to vector<128xf32>
    %broadcast_in_dim3A_188 = vector.shape_cast %reduce_max3A_187 : vector<128xf32> to vector<128x1xf32>
    %eq3A_189 = vector.broadcast %broadcast_in_dim3A_188 : vector<128x1xf32> to vector<128x128xf32>
    %eq3A_190 = arith.cmpf oeq, %select_n3A_185, %eq3A_189 : vector<128x128xf32>
    %jit3A_191 = arith.constant 2147483647 : i32
    %broadcast_in_dim3A_192 = vector.broadcast %jit3A_191 : i32 to vector<128x128xi32>
    %select_n3A_193 = arith.select %eq3A_190, %add3A_138, %broadcast_in_dim3A_192 : vector<128x128xi1>, vector<128x128xi32>
    %reduce_min3A_194 = arith.constant dense<2147483647> : vector<128xi32>
    %reduce_min3A_195 = vector.multi_reduction <minsi>, %select_n3A_193, %reduce_min3A_194 [1] : vector<128x128xi32> to vector<128xi32>
    %broadcast_in_dim3A_196 = vector.shape_cast %reduce_min3A_195 : vector<128xi32> to vector<128x1xi32>
    %eq3A_197 = vector.broadcast %broadcast_in_dim3A_196 : vector<128x1xi32> to vector<128x128xi32>
    %eq3A_198 = arith.cmpi eq, %add3A_138, %eq3A_197 : vector<128x128xi32>
    %jit3A_199 = arith.constant 0xFF800000 : f32
    %broadcast_in_dim3A_200 = vector.broadcast %jit3A_199 : f32 to vector<128x128xf32>
    %select_n3A_201 = arith.select %eq3A_198, %broadcast_in_dim3A_200, %select_n3A_185 : vector<128x128xi1>, vector<128x128xf32>
    %reduce_max3A_202 = arith.constant dense<0xFF800000> : vector<128xf32>
    %reduce_max3A_203 = vector.multi_reduction <maximumf>, %select_n3A_201, %reduce_max3A_202 [1] : vector<128x128xf32> to vector<128xf32>
    %broadcast_in_dim3A_204 = vector.shape_cast %reduce_max3A_203 : vector<128xf32> to vector<128x1xf32>
    %eq3A_205 = vector.broadcast %broadcast_in_dim3A_204 : vector<128x1xf32> to vector<128x128xf32>
    %eq3A_206 = arith.cmpf oeq, %select_n3A_201, %eq3A_205 : vector<128x128xf32>
    %jit3A_207 = arith.constant 2147483647 : i32
    %broadcast_in_dim3A_208 = vector.broadcast %jit3A_207 : i32 to vector<128x128xi32>
    %select_n3A_209 = arith.select %eq3A_206, %add3A_138, %broadcast_in_dim3A_208 : vector<128x128xi1>, vector<128x128xi32>
    %reduce_min3A_210 = arith.constant dense<2147483647> : vector<128xi32>
    %reduce_min3A_211 = vector.multi_reduction <minsi>, %select_n3A_209, %reduce_min3A_210 [1] : vector<128x128xi32> to vector<128xi32>
    %broadcast_in_dim3A_212 = vector.shape_cast %reduce_min3A_211 : vector<128xi32> to vector<128x1xi32>
    %eq3A_213 = vector.broadcast %broadcast_in_dim3A_212 : vector<128x1xi32> to vector<128x128xi32>
    %eq3A_214 = arith.cmpi eq, %add3A_138, %eq3A_213 : vector<128x128xi32>
    %jit3A_215 = arith.constant 0xFF800000 : f32
    %broadcast_in_dim3A_216 = vector.broadcast %jit3A_215 : f32 to vector<128x128xf32>
    %select_n3A_217 = arith.select %eq3A_214, %broadcast_in_dim3A_216, %select_n3A_201 : vector<128x128xi1>, vector<128x128xf32>
    %reduce_max3A_218 = arith.constant dense<0xFF800000> : vector<128xf32>
    %reduce_max3A_219 = vector.multi_reduction <maximumf>, %select_n3A_217, %reduce_max3A_218 [1] : vector<128x128xf32> to vector<128xf32>
    %broadcast_in_dim3A_220 = vector.shape_cast %reduce_max3A_219 : vector<128xf32> to vector<128x1xf32>
    %eq3A_221 = vector.broadcast %broadcast_in_dim3A_220 : vector<128x1xf32> to vector<128x128xf32>
    %eq3A_222 = arith.cmpf oeq, %select_n3A_217, %eq3A_221 : vector<128x128xf32>
    %jit3A_223 = arith.constant 2147483647 : i32
    %broadcast_in_dim3A_224 = vector.broadcast %jit3A_223 : i32 to vector<128x128xi32>
    %select_n3A_225 = arith.select %eq3A_222, %add3A_138, %broadcast_in_dim3A_224 : vector<128x128xi1>, vector<128x128xi32>
    %reduce_min3A_226 = arith.constant dense<2147483647> : vector<128xi32>
    %reduce_min3A_227 = vector.multi_reduction <minsi>, %select_n3A_225, %reduce_min3A_226 [1] : vector<128x128xi32> to vector<128xi32>
    %broadcast_in_dim3A_228 = vector.shape_cast %reduce_min3A_227 : vector<128xi32> to vector<128x1xi32>
    %eq3A_229 = vector.broadcast %broadcast_in_dim3A_228 : vector<128x1xi32> to vector<128x128xi32>
    %eq3A_230 = arith.cmpi eq, %add3A_138, %eq3A_229 : vector<128x128xi32>
    %jit3A_231 = arith.constant 0xFF800000 : f32
    %broadcast_in_dim3A_232 = vector.broadcast %jit3A_231 : f32 to vector<128x128xf32>
    %select_n3A_233 = arith.select %eq3A_230, %broadcast_in_dim3A_232, %select_n3A_217 : vector<128x128xi1>, vector<128x128xf32>
    %reduce_max3A_234 = arith.constant dense<0xFF800000> : vector<128xf32>
    %reduce_max3A_235 = vector.multi_reduction <maximumf>, %select_n3A_233, %reduce_max3A_234 [1] : vector<128x128xf32> to vector<128xf32>
    %broadcast_in_dim3A_236 = vector.shape_cast %reduce_max3A_235 : vector<128xf32> to vector<128x1xf32>
    %eq3A_237 = vector.broadcast %broadcast_in_dim3A_236 : vector<128x1xf32> to vector<128x128xf32>
    %eq3A_238 = arith.cmpf oeq, %select_n3A_233, %eq3A_237 : vector<128x128xf32>
    %jit3A_239 = arith.constant 2147483647 : i32
    %broadcast_in_dim3A_240 = vector.broadcast %jit3A_239 : i32 to vector<128x128xi32>
    %select_n3A_241 = arith.select %eq3A_238, %add3A_138, %broadcast_in_dim3A_240 : vector<128x128xi1>, vector<128x128xi32>
    %reduce_min3A_242 = arith.constant dense<2147483647> : vector<128xi32>
    %reduce_min3A_243 = vector.multi_reduction <minsi>, %select_n3A_241, %reduce_min3A_242 [1] : vector<128x128xi32> to vector<128xi32>
    %broadcast_in_dim3A_244 = vector.shape_cast %reduce_min3A_243 : vector<128xi32> to vector<128x1xi32>
    %eq3A_245 = vector.broadcast %broadcast_in_dim3A_244 : vector<128x1xi32> to vector<128x128xi32>
    %eq3A_246 = arith.cmpi eq, %add3A_138, %eq3A_245 : vector<128x128xi32>
    %jit3A_247 = arith.constant 0xFF800000 : f32
    %broadcast_in_dim3A_248 = vector.broadcast %jit3A_247 : f32 to vector<128x128xf32>
    %select_n3A_249 = arith.select %eq3A_246, %broadcast_in_dim3A_248, %select_n3A_233 : vector<128x128xi1>, vector<128x128xf32>
    %reduce_max3A_250 = arith.constant dense<0xFF800000> : vector<128xf32>
    %reduce_max3A_251 = vector.multi_reduction <maximumf>, %select_n3A_249, %reduce_max3A_250 [1] : vector<128x128xf32> to vector<128xf32>
    %broadcast_in_dim3A_252 = vector.shape_cast %reduce_max3A_251 : vector<128xf32> to vector<128x1xf32>
    %eq3A_253 = vector.broadcast %broadcast_in_dim3A_252 : vector<128x1xf32> to vector<128x128xf32>
    %eq3A_254 = arith.cmpf oeq, %select_n3A_249, %eq3A_253 : vector<128x128xf32>
    %jit3A_255 = arith.constant 2147483647 : i32
    %broadcast_in_dim3A_256 = vector.broadcast %jit3A_255 : i32 to vector<128x128xi32>
    %select_n3A_257 = arith.select %eq3A_254, %add3A_138, %broadcast_in_dim3A_256 : vector<128x128xi1>, vector<128x128xi32>
    %reduce_min3A_258 = arith.constant dense<2147483647> : vector<128xi32>
    %reduce_min3A_259 = vector.multi_reduction <minsi>, %select_n3A_257, %reduce_min3A_258 [1] : vector<128x128xi32> to vector<128xi32>
    %broadcast_in_dim3A_260 = vector.shape_cast %reduce_min3A_259 : vector<128xi32> to vector<128x1xi32>
    %concatenate3A = tpu.concatenate %broadcast_in_dim3A_141, %broadcast_in_dim3A_156, %broadcast_in_dim3A_172, %broadcast_in_dim3A_188, %broadcast_in_dim3A_204, %broadcast_in_dim3A_220, %broadcast_in_dim3A_236, %broadcast_in_dim3A_252 in 1 : vector<128x1xf32>, vector<128x1xf32>, vector<128x1xf32>, vector<128x1xf32>, vector<128x1xf32>, vector<128x1xf32>, vector<128x1xf32>, vector<128x1xf32> -> vector<128x8xf32>
    %concatenate3A_261 = tpu.concatenate %broadcast_in_dim3A_148, %broadcast_in_dim3A_164, %broadcast_in_dim3A_180, %broadcast_in_dim3A_196, %broadcast_in_dim3A_212, %broadcast_in_dim3A_228, %broadcast_in_dim3A_244, %broadcast_in_dim3A_260 in 1 : vector<128x1xi32>, vector<128x1xi32>, vector<128x1xi32>, vector<128x1xi32>, vector<128x1xi32>, vector<128x1xi32>, vector<128x1xi32>, vector<128x1xi32> -> vector<128x8xi32>
    %swap3A = arith.constant 0 : index
    %swap3A_262 = arith.constant 0 : index
    %swap3A_263 = vector.load %arg5[%swap3A, %swap3A_262] : memref<128x8xf32, #tpu.memory_space<vmem>>, vector<128x8xf32>
    tpu.vector_store %arg5[%swap3A, %swap3A_262], %concatenate3A {strides = array<i32>} : memref<128x8xf32, #tpu.memory_space<vmem>>, vector<128x8xf32>,
    %jit3A_264 = arith.constant 100000 : i32
    %eq3A_265 = arith.constant 0 : i32
    %eq3A_266 = arith.cmpi eq, %jit3A_264, %eq3A_265 : i32
    %jit3A_267 = arith.constant 1 : i32
    %select_n3A_268 = arith.select %eq3A_266, %jit3A_267, %jit3A_264 : i32
    %rem3A_269 = vector.broadcast %select_n3A_268 : i32 to vector<128x8xi32>
    %rem3A_270 = arith.remsi %concatenate3A_261, %rem3A_269 : vector<128x8xi32>
    %ne3A_271 = arith.constant 0 : i32
    %ne3A_272 = vector.broadcast %ne3A_271 : i32 to vector<128x8xi32>
    %ne3A_273 = arith.cmpi ne, %rem3A_270, %ne3A_272 : vector<128x8xi32>
    %lt3A = arith.constant 0 : i32
    %lt3A_274 = vector.broadcast %lt3A : i32 to vector<128x8xi32>
    %lt3A_275 = arith.cmpi slt, %rem3A_270, %lt3A_274 : vector<128x8xi32>
    %lt3A_276 = arith.constant 0 : i32
    %lt3A_277 = arith.cmpi slt, %select_n3A_268, %lt3A_276 : i32
    %ne3A_278 = vector.broadcast %lt3A_277 : i1 to vector<128x8xi1>
    %ne3A_279 = vector.broadcast %ne3A_278 : vector<128x8xi1> to vector<128x8xi1>
    %ne3A_280 = arith.xori %lt3A_275, %ne3A_279 : vector<128x8xi1>
    %and3A_281 = arith.andi %ne3A_280, %ne3A_273 : vector<128x8xi1>
    %add3A_282 = vector.broadcast %select_n3A_268 : i32 to vector<128x8xi32>
    %add3A_283 = arith.addi %rem3A_270, %add3A_282 : vector<128x8xi32>
    %select_n3A_284 = arith.select %and3A_281, %add3A_283, %rem3A_270 : vector<128x8xi1>, vector<128x8xi32>
    %swap3A_285 = arith.constant 0 : index
    %swap3A_286 = arith.constant 0 : index
    %swap3A_287 = vector.load %arg6[%swap3A_285, %swap3A_286] : memref<128x8xi32, #tpu.memory_space<vmem>>, vector<128x8xi32>
    tpu.vector_store %arg6[%swap3A_285, %swap3A_286], %select_n3A_284 {strides = array<i32>} : memref<128x8xi32, #tpu.memory_space<vmem>>, vector<128x8xi32>,
    %jit3A_288 = arith.constant 100000 : i32
    %div3A_289 = vector.broadcast %jit3A_288 : i32 to vector<128x8xi32>
    %div3A_290 = arith.divsi %concatenate3A_261, %div3A_289 : vector<128x8xi32>
    %sign3A_291 = arith.constant 0 : i32
    %sign3A_292 = vector.broadcast %sign3A_291 : i32 to vector<128x8xi32>
    %sign3A_293 = arith.cmpi sgt, %concatenate3A_261, %sign3A_292 : vector<128x8xi32>
    %sign3A_294 = arith.extui %sign3A_293 : vector<128x8xi1> to vector<128x8xi32>
    %sign3A_295 = arith.constant 0 : i32
    %sign3A_296 = vector.broadcast %sign3A_295 : i32 to vector<128x8xi32>
    %sign3A_297 = arith.cmpi slt, %concatenate3A_261, %sign3A_296 : vector<128x8xi32>
    %sign3A_298 = arith.extui %sign3A_297 : vector<128x8xi1> to vector<128x8xi32>
    %sign3A_299 = arith.subi %sign3A_294, %sign3A_298 : vector<128x8xi32>
    %sign3A_300 = arith.constant 0 : i32
    %sign3A_301 = arith.cmpi sgt, %jit3A_288, %sign3A_300 : i32
    %sign3A_302 = arith.extui %sign3A_301 : i1 to i32
    %sign3A_303 = arith.constant 0 : i32
    %sign3A_304 = arith.cmpi slt, %jit3A_288, %sign3A_303 : i32
    %sign3A_305 = arith.extui %sign3A_304 : i1 to i32
    %sign3A_306 = arith.subi %sign3A_302, %sign3A_305 : i32
    %ne3A_307 = vector.broadcast %sign3A_306 : i32 to vector<128x8xi32>
    %ne3A_308 = arith.cmpi ne, %sign3A_299, %ne3A_307 : vector<128x8xi32>
    %rem3A_309 = vector.broadcast %jit3A_288 : i32 to vector<128x8xi32>
    %rem3A_310 = arith.remsi %concatenate3A_261, %rem3A_309 : vector<128x8xi32>
    %ne3A_311 = arith.constant 0 : i32
    %ne3A_312 = vector.broadcast %ne3A_311 : i32 to vector<128x8xi32>
    %ne3A_313 = arith.cmpi ne, %rem3A_310, %ne3A_312 : vector<128x8xi32>
    %and3A_314 = arith.andi %ne3A_308, %ne3A_313 : vector<128x8xi1>
    %sub3A_315 = arith.constant 1 : i32
    %sub3A_316 = vector.broadcast %sub3A_315 : i32 to vector<128x8xi32>
    %sub3A_317 = arith.subi %div3A_290, %sub3A_316 : vector<128x8xi32>
    %select_n3A_318 = arith.select %and3A_314, %sub3A_317, %div3A_290 : vector<128x8xi1>, vector<128x8xi32>
    %swap3A_319 = arith.constant 0 : index
    %swap3A_320 = arith.constant 0 : index
    %swap3A_321 = vector.load %arg7[%swap3A_319, %swap3A_320] : memref<128x8xi32, #tpu.memory_space<vmem>>, vector<128x8xi32>
    tpu.vector_store %arg7[%swap3A_319, %swap3A_320], %select_n3A_318 {strides = array<i32>} : memref<128x8xi32, #tpu.memory_space<vmem>>, vector<128x8xi32>,
    return
  }
}

</mosaic_0001>

<sc_bundles>
// kernel: kernel.4.cloned.1.call-start
scs
__scs_entry_jumppad:
0x0: {  	(pc) =	sbr.rel $0x88, $3  }
0x1: {  	(tag) =	ssettag $0x0;
	lr =	simm.s32 $0x1  }
0x2: {  	[smem:$0x3F9F] =	sst lr;
	_ =	strace $0xD0000000  }
0x3: {  	_ = 	snop  }
0x4: {  	_ = 	snop  }
0x5: {  	_ = 	snop  }
0x6: {  	_ = 	snop  }
0x7: {  	_ = 	snop  }
__scs_overlays_trampoline_lowered:
0x8: {  	[smem:$0x3FAE] =	sst s0  }
0x9: {  	[smem:$0x3FAF] =	sst s1  }
0xa: {  	[smem:$0x3FB0] =	sst s2  }
0xb: {  	[smem:$0x3FB1] =	sst s3  }
0xc: {  	[smem:$0x3FB2] =	sst s4  }
0xd: {  	[smem:$0x3FB3] =	sst s5  }
0xe: {  	[smem:$0x3FB4] =	sst s6  }
0xf: {  	[smem:$0x3FB5] =	sst s7  }
0x10: {  	[smem:$0x3FB6] =	sst s8  }
0x11: {  	[smem:$0x3FB7] =	sst s9;
	s0 =	simm.s32 @!p0 $0x0  }
0x12: {  	s1 =	sld [smem:$0x3F9D];
	s0 =	simm.s32 @p0 $0x1  }
0x13: {  	[smem:$0x3FB8] =	sst s0;
	s0 =	simm.s32 @!p1 $0x0  }
0x14: {  	s2 =	sld [smem:$0x3F9C];
	s0 =	simm.s32 @p1 $0x1  }
0x15: {  	[smem:$0x3FB9] =	sst s0;
	s0 =	simm.s32 @!p2 $0x0  }
0x16: {  	s3 =	sld [smem:$0x3FDB];
	s0 =	simm.s32 @p2 $0x1  }
0x17: {  	s4 =	simm.s32 $0x1BF5;
	[smem:$0x3FBB] =	sst s0  }
0x18: {  	s0 =	sld [smem:$0x3F9E];
	_ =	swait.ge [sflag:s4], $0x0  }
0x19: {  	s7 =	sld [smem:$0x3F9F]  }
0x1a: {  	s8 =	sadd.s32 $0xFFFFE003, lr  }
0x1b: {  	s9 =	sadd.s32 $0xFFFFFEF7, lr;
	s5 =	simm.s32 $0xFFFFFFFF;
	p2 =	slt.u32 s8, $0xFFFFF086  }
0x1c: {  	p1 =	slt.u32 s9, $0xF7A;
	s5 =	simm.s32 @!p2 $0x0  }
0x1d: {  	s5 =	simm.s32 @p1 $0x1;
	p0 =	seq.s32 s7, s2  }
0x1e: {  	s7 =	smul.u32 @!p0 $0xF7A, s2;
	p2 =	seq.s32 @!p0 s5, $0x0  }
0x1f: {  	s9 =	smul.u32 $0xF7A, s1;
	s8 =	simm.s32 @!p0 $0x1BF5;
	p2 =	por !p2, p0  }
0x20: {  	[sflag:s8] =	ssyncset.s32 @!p0 $0xFFFFF086;
	s6 =	sadd.s32 @!p0 s3, s7;
	s7 =	simm.s32 @!p0 $0x108  }
0x21: {  	s3 =	sadd.s32 s3, s9;
	s6 =	sadd.s32 @!p0 $0x88, s6;
	s7 =	simm.s32 @p2 $0x1082  }
0x22: {  	[simem:s7], [sflag:s8] =	dma.local @!p0 [hbm:s6], $0xF7A  }
0x23: {  	s9 =	sor.u32 $0xD0000000, s2;
	s6 =	simm.s32 $0x108;
	_ =	swait.ge @!p0 [sflag:s8], $0x0  }
0x24: {  	s3 =	sadd.s32 $0x88, s3;
	s6 =	simm.s32 @!p1 $0x1082;
	[sflag:s4] =	ssyncset.s32 $0xFFFFF086  }
0x25: {  	[simem:s6], [sflag:s4] =	dma.local [hbm:s3], $0xF7A  }
0x26: {  	[smem:$0x3F9F] =	sst s1;
	(tag) =	ssettag s2;
	_ =	strace s9  }
0x27: {  	s1 =	sld [smem:$0x3FAF]  }
0x28: {  	s2 =	sld [smem:$0x3FB0]  }
0x29: {  	s4 =	sld [smem:$0x3FB2]  }
0x2a: {  	p0 =	seq.s32 s5, $0x0;
	s5 =	sld [smem:$0x3FB3]  }
0x2b: {  	s6 =	sld [smem:$0x3FB4]  }
0x2c: {  	s7 =	sld [smem:$0x3FB5]  }
0x2d: {  	s3 =	simm.s32 $0x108;
	s8 =	sld [smem:$0x3FB6]  }
0x2e: {  	s3 =	simm.s32 @!p0 $0x1082;
	s9 =	sld [smem:$0x3FB7]  }
0x2f: {  	lr =	sadd.s32 s0, s3;
	s0 =	sld [smem:$0x3FAE]  }
0x30: {  	s3 =	sld [smem:$0x3FB1]  }
0x31: {  	[smem:$0x3FBA] =	sst s10  }
0x32: {  	s10 =	sld [smem:$0x3FB8];
	_ =	sdelay $0x3  }
0x33: {  	p0 =	seq.s32 s10, $0x1;
	s10 =	sld [smem:$0x3FBA];
	_ =	sdelay $0x3  }
0x34: {  	[smem:$0x3FBA] =	sst s10  }
0x35: {  	s10 =	sld [smem:$0x3FB9];
	_ =	sdelay $0x3  }
0x36: {  	p1 =	seq.s32 s10, $0x1;
	s10 =	sld [smem:$0x3FBA];
	_ =	sdelay $0x3  }
0x37: {  	[smem:$0x3FBA] =	sst s10  }
0x38: {  	s10 =	sld [smem:$0x3FBB]  }
0x39: {  	_ = 	snop;
	(pc) =	sbr.ind lr, $3  }
0x3a: {  	_ = 	snop  }
0x3b: {  	_ = 	snop  }
0x3c: {  	p2 =	seq.s32 s10, $0x1;
	s10 =	sld [smem:$0x3FBA]  }
0x3d: {  	_ =	shalt  }
0x3e: {  	_ =	shalt  }
0x3f: {  	_ =	shalt  }
0x40: {  	_ =	shalt  }
0x41: {  	_ =	shalt  }
0x42: {  	_ =	shalt  }
0x43: {  	_ =	shalt  }
0x44: {  	_ =	shalt  }
0x45: {  	_ =	shalt  }
0x46: {  	_ =	shalt  }
0x47: {  	_ =	shalt  }
0x48: {  	_ =	shalt  }
0x49: {  	_ =	shalt  }
0x4a: {  	_ =	shalt  }
0x4b: {  	_ =	shalt  }
0x4c: {  	_ =	shalt  }
0x4d: {  	_ =	shalt  }
0x4e: {  	_ =	shalt  }
0x4f: {  	_ =	shalt  }
0x50: {  	_ =	shalt  }
0x51: {  	_ =	shalt  }
0x52: {  	_ =	shalt  }
0x53: {  	_ =	shalt  }
0x54: {  	_ =	shalt  }
0x55: {  	_ =	shalt  }
0x56: {  	_ =	shalt  }
0x57: {  	_ =	shalt  }
0x58: {  	_ =	shalt  }
0x59: {  	_ =	shalt  }
0x5a: {  	_ =	shalt  }
0x5b: {  	_ =	shalt  }
0x5c: {  	_ =	shalt  }
0x5d: {  	_ =	shalt  }
0x5e: {  	_ =	shalt  }
0x5f: {  	_ =	shalt  }
0x60: {  	_ =	shalt  }
0x61: {  	_ =	shalt  }
0x62: {  	_ =	shalt  }
0x63: {  	_ =	shalt  }
0x64: {  	_ =	shalt  }
0x65: {  	_ =	shalt  }
0x66: {  	_ =	shalt  }
0x67: {  	_ =	shalt  }
0x68: {  	_ =	shalt  }
0x69: {  	_ =	shalt  }
0x6a: {  	_ =	shalt  }
0x6b: {  	_ =	shalt  }
0x6c: {  	_ =	shalt  }
0x6d: {  	_ =	shalt  }
0x6e: {  	_ =	shalt  }
0x6f: {  	_ =	shalt  }
0x70: {  	_ =	shalt  }
0x71: {  	_ =	shalt  }
0x72: {  	_ =	shalt  }
0x73: {  	_ =	shalt  }
0x74: {  	_ =	shalt  }
0x75: {  	_ =	shalt  }
0x76: {  	_ =	shalt  }
0x77: {  	_ =	shalt  }
0x78: {  	_ =	shalt  }
0x79: {  	_ =	shalt  }
0x7a: {  	_ =	shalt  }
0x7b: {  	_ =	shalt  }
0x7c: {  	_ =	shalt  }
0x7d: {  	_ =	shalt  }
0x7e: {  	_ =	shalt  }
0x7f: {  	_ =	shalt  }
0x80: {  	_ =	shalt  }
0x81: {  	_ =	shalt  }
0x82: {  	_ =	shalt  }
0x83: {  	_ =	shalt  }
0x84: {  	_ =	shalt  }
0x85: {  	_ =	shalt  }
0x86: {  	_ =	shalt  }
0x87: {  	_ =	shalt  }
.Lfunc_end0:
.L_simem_size_0:
called_computation_lowered:
.L_overlay_start_0:
0x88: {  	s2 =	sld [smem:$0x3FD9]  }
0x89: {  	s3 =	sld [smem:$0x3FFE];
	_ =	sdelay $0x1  }
0x8a: {  	s1 =	srdreg.scid  }
0x8b: {  	s0 =	sand.u32 $0x1, s1  }
0x8c: {  	s16 =	sshll.u32 s0, $0xA;
	s2 =	sadd.s32 s3, s2  }
0x8d: {  	s2 =	sadd.s32 s2, s16  }
0x8e: {  	[smem:$0x3FC6] =	sst s2  }
0x8f: {  	_ = 	snop  }
0x90: {  	(tm) =	ssettm $0x1  }
0x91: {  	s17 =	sld [smem:$0x3FFB];
	_ =	sdelay $0x3  }
0x92: {  	_ =	strace s17  }
0x93: {  	s2 =	sld [smem:$0x3FFC];
	_ =	sdelay $0x3  }
0x94: {  	_ =	strace s2  }
0x95: {  	s2 =	sld [smem:$0x3FFD];
	_ =	sdelay $0x3  }
0x96: {  	_ =	strace s2  }
0x97: {  	_ =	strace $0x8FFFFFFF  }
0x98: {  	s18 =	sld [smem:$0x3FDB];
	_ =	sdelay $0x1  }
0x99: {  	s19 =	simm.s32 $_scs_section_size  }
0x9a: {  	s4 =	simm.s32 $_size__tile_overlayer_lowered;
	s5 =	simm.s32 $_tile_overlayer_lowered  }
0x9b: {  	s22 =	simm.s32 $0x1BFF;
	s21 =	sshll.u32 s5, $0x1;
	s2 =	sadd.s32 s19, s18  }
0x9c: {  	s6 =	simm.s32 $0x0;
	s20 =	sshll.u32 s4, $0x1;
	s4 =	sadd.s32 s21, s2  }
0x9d: {  	[timem:s6], [sflag:s22] =	dma.local [hbm:s4], s20  }
0x9e: {  	_ =	swait.ge [sflag:s22], s20  }
0x9f: {  	s3 =	ssub.s32 $0x0, s20;
	[sflag:s22] =	ssyncset.done $0x0  }
0xa0: {  	[sflag:s22] =	ssyncadd.s32 s3;
	_ =	sdelay $0x1  }
0xa1: {  	s23 =	simm.s32 $0x1B8B  }
0xa2: {  	_ =	swait.ge [sflag:s23], $0x1  }
0xa3: {  	[sflag:s23] =	ssyncset.done $0x0  }
0xa4: {  	s25 =	simm.s32 $0x1B8E;
	s24 =	sld [smem:$0x3FFE];
	[sflag:s23] =	ssyncadd.s32 $0xFFFFFFFF  }
0xa5: {  	s26 =	simm.s32 $execute0_lowered;
	[smem:$0x3FD2] =	sst s25  }
0xa6: {  	s4 =	sshll.u32 s26, $0x1;
	_ =	strace $0x80000046;
	[dreg:$0x1] =	wrdreg $0xFFFFFFFF  }
0xa7: {  	s28 =	simm.s32 $_size_execute0_lowered;
	s2 =	sadd.s32 s2, s4;
	[dreg:$0x0] =	wrdreg $0x0  }
0xa8: {  	s4 =	sshll.u32 s28, $0x1;
	[dreg:$0x2] =	wrdreg s2  }
0xa9: {  	[dreg:$0x3] =	wrdreg s4  }
0xaa: {  	[dreg:$0x4] =	wrdreg $0xC0  }
0xab: {  	_ =	task [dreg:s6], $0x5FFFF  }
0xac: {  	[dreg:$0x1] =	wrdreg $0xFFFFFFFF  }
0xad: {  	[dreg:$0x0] =	wrdreg $0x60  }
0xae: {  	[dreg:$0x2] =	wrdreg s24  }
0xaf: {  	[dreg:$0x3] =	wrdreg $0x9  }
0xb0: {  	_ =	task.clear_ibuf [dreg:s6], $0x4FFFF;
	_ =	strace $0x90000046  }
0xb1: {  	s29 =	simm.s32 $0x9;
	_ =	strace $0x80000048  }
0xb2: {  	_ =	swait.ge [sflag:s29], $0x1  }
0xb3: {  	[sflag:s29] =	ssyncadd.s32 $0xFFFFFFFF  }
0xb4: {  	_ =	strace $0x90000048  }
0xb5: {  	_ =	sfence  }
0xb6: {  	s30 =	sld [smem:$0x0];
	_ =	sdelay $0x2  }
0xb7: {  	s31 =	sshll.u32 s1, $0xD;
	s1 =	sshrl.u32 s1, $0x2  }
0xb8: {  	s3 =	sand.u32 $0x4000, s31;
	s1 =	sadd.s32 s1, s30  }
0xb9: {  	s0 =	sor.u32 s3, s0;
	s1 =	sshll.u32 s1, $0x11  }
0xba: {  	s0 =	sor.u32 s1, s0  }
0xbb: {  	s0 =	sadd.s32 $0x8F2B, s0  }
0xbc: {  	[sflag:s0] =	ssyncadd.remote.s32 $0x1  }
0xbd: {  	_ =	sfence.sel $0xFFFF  }
0xbe: {  	[dreg:$0x0] =	wrdreg $0xFFFFFFFF;
	(pc) =	sbr.abs _section_cstart, $3  }
0xbf: {  	[dreg:$0x1] =	wrdreg $0xFFFFFFFF  }
0xc0: {  	_ =	task.clear_ibuf [dreg:s6], $0x2FFFF;
	_ =	strace $0x9FFFFFFF  }
0xc1: {  	(tm) =	ssettm $0x7FFFFFFF  }
tec
execute0_lowered:
.L_overlay_start_1:
0x0: {  	(tag) =	ssettag $0x1  }
0x1: {  	v0 =	vimm.s32 $0xFEDCBA98;
	v1 =	vimm.s32 $0x76543210  }
0x2: {  	v2 =	vimm.s32 $0x3210FEDC;
	v3 =	vimm.s32 $0xBA987654;
	v0 =	vunpack.c.l.s4.s8 v0  }
0x3: {  	v4 =	vimm.s32 $0x98765432;
	v5 =	vimm.s32 $0xFEDCBA9;
	v1 =	vunpack.c.l.s4.s8 v1  }
0x4: {  	s1 =	srdreg.scid;
	v6 =	vimm.s32 $0xEFCDAB89;
	v7 =	vimm.s32 $0x67452301;
	v0 =	vunpack.c.0.s8.s32 v0  }
0x5: {  	s0 =	stileid.u32;
	s2 =	rddreg [dreg:$0x0];
	v8 =	vimm.s32 $0x87654321;
	v2 =	vunpack.c.l.s4.s8 v2;
	v1 =	vunpack.c.0.s8.s32 v1  }
0x6: {  	s3 =	simm.s32 $0x0;
	s10 =	simm.s32 $0x400;
	s11 =	simm.s32 $0xBB80;
	v3 =	vunpack.c.l.s4.s8 v3;
	v6 =	vunpack.c.l.s4.s8 v6;
	v0 =	vand.u32 $0xF, v0  }
0x7: {  	s12 =	simm.s32 $0x1;
	s13 =	simm.s32 $0x18700;
	s14 =	simm.s32 $0x19100;
	v0 =	vcombine.low v0, v1;
	v1 =	vunpack.c.0.s8.s32 v2;
	v2 =	vimm.s32 $0x10FEDCBA  }
0x8: {  	s15 =	simm.s32 $0x3;
	s16 =	simm.s32 $0x19300;
	s5 =	sand.u32 $0x1, s1;
	v7 =	vunpack.c.l.s4.s8 v7;
	v4 =	vunpack.c.l.s4.s8 v4;
	v2 =	vunpack.c.l.s4.s8 v2  }
0x9: {  	s17 =	simm.s32 $0x2;
	s4 =	sshll.u32 s0, $0x6;
	v5 =	vunpack.c.l.s4.s8 v5;
	v8 =	vunpack.c.l.s4.s8 v8;
	s6 =	sshll.u32 s5, $0x5;
	v3 =	vunpack.c.0.s8.s32 v3  }
.Ltmp0:
0xa: {  	s18 =	simm.s32 $0x0;
	s4 =	sor.u32 s6, s4;
	v9 =	vunpack.c.0.s8.s32 v2;
	v2 =	vunpack.c.0.s8.s32 v6;
	v6 =	vunpack.c.0.s8.s32 v7;
	(pc) =	sbr.rel .LBB2_1-.Ltmp0, $4  }
0xb: {  	[smem:$0x7FF] =	sst s3;
	s7 =	ssub.s32 $0x2, s5;
	v4 =	vunpack.c.0.s8.s32 v4;
	v5 =	vunpack.c.0.s8.s32 v5;
	s31 =	sshrl.u32 s4, $0x4;
	v7 =	vunpack.c.0.s8.s32 v8  }
0xc: {  	_ =	strace $0x80000047;
	s8 =	sshrl.u32 s7, $0x1;
	s9 =	smul.u32 $0x18700, s31;
	v1 =	vcombine.low v3, v1;
	v8 =	vcombine.low v6, v2  }
0xd: {  	s5 =	sadd.s32 $0x61C000, s2;
	s6 =	sadd.s32 $0x62C000, s2;
	s8 =	ssub.s32 s7, s8;
	v2 =	vimm.s32 $0x0;
	v3 =	vcombine.low v4, v9;
	v4 =	vcombine.low v7, v5  }
0xe: {  	s8 =	smax.u32 s8, $0x1;
	s7 =	sadd.s32 s2, s9;
	s9 =	simm.s32 $0x80;
	v5 =	vlaneseq.u32;
	v6 =	vimm.f32 $0.0e+00;
	v7 =	vand.u32 $0xF, v8  }
.LBB2_101:
0xf: {  	s18 =	sadd.s32 $0x1, s18  }
0x10: {  	p0 =	sne.s32 s18, s8  }
.Ltmp1:
0x11: {  	_ = 	snop;
	(pc) =	sbr.rel @!p0 .LBB2_102-.Ltmp1, $1  }
0x12: {  	_ =	sdelay $0x3  }
.LBB2_1:
0x13: {  	s19 =	simm.s32 $0x40;
	s20 =	simm.s32 $0x0  }
.LBB2_2:
0x14: {  	p0 =	sne.s32 s19, $0x27C0;
	[tilespmem:s20+$0x18700] =	vst v2;
	s20 =	smov.u32 s19;
	s19 =	sadd.s32 $0x40, s19  }
.Ltmp2:
0x15: {  	(pc) =	sbr.rel @p0 .LBB2_2-.Ltmp2, $2  }
0x16: {  	_ =	sdelay $0x2  }
0x17: {  	s20 =	sshra.s32 s20, $0x2  }
.Ltmp3:
0x18: {  	(pc) =	sbr.rel .LBB2_4-.Ltmp3, $3  }
0x19: {  	_ =	sdelay $0x1  }
0x1a: {  	[tilespmem:s20+$0x18700] =	vst v2;
	s19 =	simm.s32 $0x0  }
0x1b: {  	[tilespmem:s19], [sflag:$0x1] =	stream.strided.gather [hbm4b:s7+s9], $0xBB80, s10, s9, $0x38;
	[tilespmem:$0x19380] =	vst v63  }
.LBB2_94:
0x1c: {  	_ = 	snop  }
.LBB2_99:
0x1d: {  	_ =	sdelay $0x3  }
0x1e: {  	v14 =	vld.idx.msk [tilespmem:v13+s11+$0x0], $0xffff;
	_ =	sdelay $0x1  }
0x1f: {  	v19, v20, _ =	vpop @p0 (xrf1)  }
0x20: {  	vm0 =	vgt.s32 v8, s22;
	vm1 =	vne.s32 v13, $0xFFFFFFFF;
	v8, v21, _ =	vpop @p1 (xrf1)  }
0x21: {  	vm0 =	vmand vm0, vm1;
	v8 =	vpsel p1, v8, v18  }
0x22: {  	v14 =	vnsel vm0, $0xFF800000, v14;
	v21 =	vpsel p1, v21, v17;
	vm0 =	vgt.f32 @p0 v19, v8  }
0x23: {  	(xrf1) =	vsort.dscd.msk.f32 $0xffff, v14, v13;
	v8 =	vsel @p0 vm0, v19, v8;
	v13 =	vsel @p0 vm0, v20, v21  }
0x24: {  	(xrf1) =	vsort.ascd.msk.f32 @p0 $0xffff, v8, v13;
	_ =	sdelay $0xc  }
0x25: {  	v8, v13, _ =	vpop (xrf1)  }
0x26: {  	v14, v19, _ =	vpop @p0 (xrf1)  }
0x27: {  	v14 =	vpsel p0, v14, v18  }
0x28: {  	v17 =	vpsel p0, v19, v17;
	vm15 =	vgt.f32 v8, v14  }
0x29: {  	v8 =	vsel vm15, v8, v14;
	v13 =	vsel vm15, v13, v17  }
0x2a: {  	(xrf1) =	vsort.ascd.msk.f32 $0xffff, v8, v13;
	_ =	sdelay $0xd  }
0x2b: {  	v18, v17, _ =	vpop (xrf1)  }
.LBB2_100:
0x2c: {  	v8 =	vadd.f32 v12, v16;
	v10 =	vadd.f32 v10, v11;
	_ =	sdelay $0x1  }
0x2d: {  	v8 =	vadd.f32 v10, v8;
	_ =	sdelay $0x1  }
0x2e: {  	[tilespmem:$0x19100] =	vst v9;
	v8 =	vadd.f32 v8, v15  }
0x2f: {  	s1 =	sshll.u32 s20, $0x6;
	[tilespmem:$0x19200] =	vst v18  }
0x30: {  	s1 =	sand.u32 $0x1FFFFFC0, s1;
	[tilespmem:$0x19180] =	vst v8;
	v8 =	vadd.s32 $0xBB80, v17  }
0x31: {  	s30 =	sshll.u32 s20, $0x4;
	s1 =	sadd.s32 s5, s1;
	[tilespmem:$0x19300] =	vst v8  }
0x32: {  	[hbm4b:s1+s3] =	stream.linear.scatter [tilespmem:s14], [sflag:$0x3], $0x180, $0x38;
	[tilespmem:$0x19380] =	vst v63  }
0x33: {  	s31 =	sadd.s32 s6, s21;
	s19 =	sadd.s32 $0x1, s19;
	_ =	swait.ge [sflag:s15], $0x180  }
0x34: {  	p0 =	sne.s32 s19, $0x10;
	s1 =	sand.u32 $0x70, s30;
	[sflag:s15] =	ssyncset.done $0x0  }
.Ltmp4:
0x35: {  	s1 =	sadd.s32 s1, s31;
	[sflag:s15] =	ssyncadd.s32 $0xFFFFFE80;
	(pc) =	sbr.rel @!p0 .LBB2_101-.Ltmp4, $4  }
0x36: {  	[hbm4b:s1+s3] =	stream.linear.scatter [tilespmem:s16], [sflag:$0x3], $0x80, $0x38;
	[tilespmem:$0x19380] =	vst v63  }
0x37: {  	_ =	swait.ge [sflag:s15], $0x80  }
0x38: {  	[sflag:s15] =	ssyncset.done $0x0  }
0x39: {  	[sflag:s15] =	ssyncadd.s32 $0xFFFFFF80  }
.LBB2_4:
0x3a: {  	s20 =	sshll.u32 s19, $0x1  }
0x3b: {  	s20 =	sadd.s32 s4, s20  }
0x3c: {  	s21 =	sshrl.u32 s20, $0x4  }
0x3d: {  	s22 =	sshll.u32 s19, $0x7;
	s21 =	smul.u32 $0xC3800, s21  }
0x3e: {  	s22 =	sand.u32 $0x380, s22  }
0x3f: {  	s21 =	sor.u32 s22, s21  }
0x40: {  	s21 =	sadd.s32 $0x5DC00, s21  }
0x41: {  	s21 =	sshrl.u32 s21, $0x3  }
0x42: {  	s21 =	sadd.s32 s2, s21  }
0x43: {  	[tilespmem:s11], [sflag:$0x2] =	stream.strided.gather [hbm4b:s21+s9], $0xCB80, s10, s9, $0x38;
	[tilespmem:$0x19380] =	vst v63  }
0x44: {  	_ =	swait.ge [sflag:s12], $0xBB80  }
0x45: {  	[sflag:s12] =	ssyncset.done $0x0  }
0x46: {  	s31 =	simm.s32 $0xC0;
	[sflag:s12] =	ssyncadd.s32 $0xFFFF4480  }
0x47: {  	v11 =	vld [tilespmem:s31+$0x80]  }
0x48: {  	v12 =	vld [tilespmem:s31+$0x90]  }
0x49: {  	v13 =	vld [tilespmem:s31+$0xA0]  }
0x4a: {  	v15 =	vld [tilespmem:s31+$0xB0]  }
0x4b: {  	v8 =	vld [tilespmem:s31+$0xFFFFFFD0]  }
0x4c: {  	v9 =	vld [tilespmem:s31+$0x30]  }
0x4d: {  	v17 =	vld [tilespmem:s31+$0x50]  }
0x4e: {  	v18 =	vld [tilespmem:s31+$0x60]  }
0x4f: {  	v19 =	vld [tilespmem:s31+$0xFFFFFFE0]  }
0x50: {  	v20 =	vld [tilespmem:s31+$0xFFFFFFF0]  }
0x51: {  	v21 =	vld [tilespmem:s31+$0x0]  }
0x52: {  	v22 =	vld [tilespmem:s31+$0x10]  }
0x53: {  	v23 =	vld [tilespmem:s31+$0xFFFFFF90]  }
0x54: {  	v24 =	vld [tilespmem:s31+$0xFFFFFFA0]  }
0x55: {  	v25 =	vld [tilespmem:s31+$0xFFFFFF40]  }
0x56: {  	v26 =	vld [tilespmem:s31+$0xFFFFFF50]  }
0x57: {  	v27 =	vld [tilespmem:s31+$0xFFFFFF60]  }
0x58: {  	s21 =	simm.s32 $0x0;
	v28 =	vld [tilespmem:s31+$0xFFFFFF70]  }
0x59: {  	s23 =	sand.u32 $0x7FF0, s21;
	v29 =	vld [tilespmem:s31+$0xFFFFFFB0]  }
0x5a: {  	v30 =	vld [tilespmem:s23+$0x80]  }
0x5b: {  	v10 =	vimm.f32 $-Inf;
	v16 =	vld [tilespmem:s31+$0xFFFFFF80]  }
0x5c: {  	v14 =	vld [tilespmem:s23+$0x100];
	v11 =	vmax.f32 v11, v12;
	v12 =	vmax.f32 v13, v15;
	v13 =	vmax.f32 v19, v20  }
0x5d: {  	v15 =	vld [tilespmem:s31+$0x20];
	v19 =	vmax.f32 v21, v22;
	v20 =	vmax.f32 v25, v26;
	v22 =	vmax.f32 v27, v28  }
0x5e: {  	v17 =	vmax.f32 v17, v18;
	v21 =	vmax.f32 v23, v24;
	v18 =	vld [tilespmem:s31+$0x70];
	v23 =	vmax.f32 v20, v22  }
0x5f: {  	s22 =	simm.s32 $0x250;
	v22 =	vmax.f32 v29, v30;
	v20 =	vmax.f32 v13, v19;
	v19 =	vld [tilespmem:s23+$0x180];
	v13 =	vimm.f32 $-Inf  }
.LBB2_5:
0x60: {  	v24 =	vld [tilespmem:s22+$0x80];
	v10 =	vmax.f32 v10, v23;
	v13 =	vmax.f32 v13, v16;
	v16 =	vmax.f32 v21, v22  }
0x61: {  	v21 =	vld [tilespmem:s22+$0x90];
	v10 =	vmax.f32 v10, v16;
	v8 =	vmax.f32 v13, v8;
	v9 =	vmax.f32 v9, v14  }
0x62: {  	v22 =	vld [tilespmem:s22+$0xA0];
	v10 =	vmax.f32 v10, v20;
	v8 =	vmax.f32 v8, v15;
	v9 =	vmax.f32 v9, v17  }
0x63: {  	v15 =	vld [tilespmem:s22+$0xB0];
	v9 =	vmax.f32 v10, v9;
	v13 =	vmax.f32 v8, v18;
	v10 =	vmax.f32 v11, v12  }
0x64: {  	v8 =	vld [tilespmem:s22+$0xFFFFFFD0];
	v10 =	vmax.f32 v9, v10;
	v13 =	vmax.f32 v13, v19  }
0x65: {  	v9 =	vld [tilespmem:s22+$0x30]  }
0x66: {  	v17 =	vld [tilespmem:s22+$0x50]  }
0x67: {  	v18 =	vld [tilespmem:s22+$0x60]  }
0x68: {  	v19 =	vld [tilespmem:s22+$0xFFFFFFE0]  }
0x69: {  	v20 =	vld [tilespmem:s22+$0xFFFFFFF0]  }
0x6a: {  	v23 =	vld [tilespmem:s22+$0x0]  }
0x6b: {  	v25 =	vld [tilespmem:s22+$0x10]  }
0x6c: {  	v26 =	vld [tilespmem:s22+$0xFFFFFF90]  }
0x6d: {  	v27 =	vld [tilespmem:s22+$0xFFFFFFA0]  }
0x6e: {  	v28 =	vld [tilespmem:s22+$0xFFFFFFB0]  }
0x6f: {  	v29 =	vld [tilespmem:s22+$0xFFFFFF40]  }
0x70: {  	v30 =	vld [tilespmem:s22+$0xFFFFFF50]  }
0x71: {  	s21 =	sadd.s32 $0x190, s21;
	v31 =	vld [tilespmem:s22+$0xFFFFFF60]  }
0x72: {  	s23 =	sand.u32 $0x7FF0, s21;
	p0 =	slt.u32 s21, $0x5C30;
	v32 =	vld [tilespmem:s22+$0xFFFFFF70]  }
0x73: {  	v33 =	vld [tilespmem:s23+$0x80]  }
.Ltmp5:
0x74: {  	v16 =	vld [tilespmem:s22+$0xFFFFFF80];
	(pc) =	sbr.rel @p0 .LBB2_5-.Ltmp5, $4  }
0x75: {  	v11 =	vmax.f32 v24, v21;
	v12 =	vmax.f32 v22, v15;
	v14 =	vld [tilespmem:s23+$0x100]  }
0x76: {  	v17 =	vmax.f32 v17, v18;
	v19 =	vmax.f32 v19, v20;
	v20 =	vmax.f32 v23, v25;
	v15 =	vld [tilespmem:s22+$0x20]  }
0x77: {  	v21 =	vmax.f32 v26, v27;
	v22 =	vmax.f32 v29, v30;
	v23 =	vmax.f32 v31, v32;
	v18 =	vld [tilespmem:s22+$0x70]  }
0x78: {  	v20 =	vmax.f32 v19, v20;
	s22 =	sadd.s32 $0x190, s22;
	v23 =	vmax.f32 v22, v23;
	v22 =	vmax.f32 v28, v33;
	v19 =	vld [tilespmem:s23+$0x180]  }
0x79: {  	v10 =	vmax.f32 v10, v23;
	v13 =	vmax.f32 v13, v16;
	v16 =	vmax.f32 v21, v22  }
0x7a: {  	v10 =	vmax.f32 v10, v16;
	v8 =	vmax.f32 v13, v8;
	v9 =	vmax.f32 v9, v14  }
0x7b: {  	v10 =	vmax.f32 v10, v20;
	v8 =	vmax.f32 v8, v15;
	v9 =	vmax.f32 v9, v17  }
0x7c: {  	v9 =	vmax.f32 v10, v9;
	v8 =	vmax.f32 v8, v18;
	v10 =	vmax.f32 v11, v12  }
0x7d: {  	v9 =	vmax.f32 v9, v10;
	v8 =	vmax.f32 v8, v19  }
0x7e: {  	v9 =	vmax.f32 v9, v8  }
0x7f: {  	v8 =	vperm.xlane v9, v0;
	_ =	sdelay $0x1  }
0x80: {  	v8 =	vmin.f32 v9, v8  }
0x81: {  	v10 =	vperm.xlane v8, v1;
	_ =	sdelay $0x1  }
0x82: {  	s22 =	simm.s32 $0xC0;
	v8 =	vmin.f32 v8, v10  }
0x83: {  	v17 =	vld [tilespmem:s22+$0xFFFFFF40];
	v10 =	vperm.xlane v8, v3  }
0x84: {  	v18 =	vld [tilespmem:s22+$0xFFFFFFE0]  }
0x85: {  	s28 =	simm.s32 $0x120;
	s31 =	simm.s32 $0xC0;
	v16 =	vimm.f32 $0.0e+00;
	v8 =	vmin.f32 v8, v10  }
0x86: {  	s21 =	simm.s32 $0x130;
	v13 =	vor.u32 s28, v5;
	s28 =	simm.s32 $0x30;
	v28 =	vor.u32 s31, v5;
	s31 =	simm.s32 $0x140;
	v10 =	vperm.xlane v8, v4  }
0x87: {  	s29 =	simm.s32 $0x170;
	v15 =	vor.u32 s21, v5;
	v26 =	vor.u32 s28, v5;
	v56 =	vor.u32 s31, v5;
	v19 =	vld [tilespmem:s22+$0xFFFFFF90]  }
0x88: {  	v11 =	vlaneseq.u32;
	v12 =	vor.u32 s29, v5;
	v8 =	vmin.f32 v8, v10  }
0x89: {  	v20 =	vld [tilespmem:s22+$0x30];
	s28 =	simm.s32 $0x70;
	s29 =	simm.s32 $0x100;
	v14 =	vand.u32 $0x1FF, v11;
	v27 =	vsub.f32 v18, v9;
	vm0 =	vge.f32 v17, v8  }
0x8a: {  	s23 =	simm.s32 $0x40;
	v60 =	vor.u32 s28, v5;
	v35 =	vor.u32 s29, v5;
	v61 =	vor.u32 $0x400, v14  }
0x8b: {  	v27 =	vmul.f32 $1.442695020e+00, v27;
	v10 =	vor.u32 s23, v5;
	v21 =	vsel vm0, $0x10, v2  }
0x8c: {  	vm2 =	vge.f32 v19, v8;
	v17 =	vsub.f32 v17, v9;
	v21 =	vadd.s32 v11, v21  }
0x8d: {  	s23 =	simm.s32 $0x0;
	vm3 =	vge.f32 v18, v8;
	v18 =	vld [tilespmem:s22+$0x80];
	v23 =	vsel vm2, $0x10, v2;
	v22 =	vand.u32 $0x1FF, v21  }
0x8e: {  	v24 =	vor.u32 s23, v5;
	vm1 =	vge.f32 v20, v8;
	v21 =	vadd.s32 v21, v23  }
0x8f: {  	v20 =	vsub.f32 v20, v9;
	v30 =	vmul.f32 $1.442695020e+00, v17;
	[tilespmem:v14+s13+$0x0] =	vst.idx.msk vm0, v24;
	v24 =	vand.u32 $0x1FF, v21  }
0x90: {  	s30 =	simm.s32 $0x50;
	v19 =	vsub.f32 v19, v9;
	v25 =	vsel vm3, $0x10, v2;
	v23 =	vsel vm1, $0x10, v2  }
0x91: {  	(erf) = vpow2.f32 v30;
	v21 =	vadd.s32 v21, v25;
	v25 =	vor.u32 s30, v5;
	v29 =	vld [tilespmem:s22+$0xFFFFFF50]  }
0x92: {  	s24 =	simm.s32 $0xA0;
	s25 =	simm.s32 $0xD0;
	s21 =	simm.s32 $0x80;
	vm0 =	vge.f32 v18, v8;
	v18 =	vsub.f32 v18, v9;
	v31 =	vand.u32 $0x1FF, v21;
	[tilespmem:v22+s13+$0x0] =	vst.idx.msk vm2, v25  }
0x93: {  	s23 =	sand.u32 $0x70, s23;
	s30 =	simm.s32 $0x110;
	v17 =	vadd.s32 v21, v23;
	v25 =	vor.u32 s24, v5;
	v22 =	vor.u32 s25, v5;
	s25 =	sand.u32 $0x1FF80, s29;
	v32 =	vld [tilespmem:s22+$0xFFFFFFA0]  }
0x94: {  	v21 =	vmul.f32 $1.442695020e+00, v19;
	v23 =	vor.u32 s21, v5;
	v37 =	vor.u32 s30, v5;
	s24 =	sor.u32 s23, s25;
	s25 =	simm.s32 $0x60;
	[tilespmem:v24+s13+$0x0] =	vst.idx.msk vm3, v25  }
0x95: {  	s1 =	simm.s32 $0xF0;
	s26 =	simm.s32 $0x160;
	v19 =	vand.u32 $0x1FF, v17;
	v18 =	vmul.f32 $1.442695020e+00, v18;
	v30 =	vor.u32 s25, v5;
	v33 =	vld [tilespmem:s22+$0xFFFFFFF0]  }
0x96: {  	v24 =	vor.u32 s1, v5;
	v25 =	vor.u32 s26, v5;
	vm2 =	vge.f32 v29, v8  }
0x97: {  	s1 =	simm.s32 $0x10;
	[tilespmem:v31+s13+$0x0] =	vst.idx.msk vm1, v24;
	v29 =	vsub.f32 v29, v9;
	v31 =	vor.u32 $0x200, v14;
	v34 =	vsel vm2, $0x10, v2  }
0x98: {  	s26 =	simm.s32 $0xB0;
	v57 =	vor.u32 s1, v5;
	v24 =	vld [tilespmem:s24+$0x0];
	v34 =	vadd.s32 v11, v34;
	vm1 =	vge.f32 v32, v8  }
0x99: {  	v41 =	vor.u32 s26, v5;
	v36 =	vand.u32 $0x1FF, v34;
	v38 =	vsel vm1, $0x10, v2  }
0x9a: {  	v36 =	vor.u32 $0x200, v36;
	v34 =	vadd.s32 v34, v38;
	vm3 =	vge.f32 v33, v8  }
0x9b: {  	[tilespmem:v19+s13+$0x0] =	vst.idx.msk vm0, v56;
	v19 =	vor.u32 $0x800, v14;
	v39 =	vand.u32 $0x1FF, v34;
	v40 =	vsel vm3, $0x10, v2  }
0x9c: {  	v29 =	vmul.f32 $1.442695020e+00, v29;
	v58 =	vld [tilespmem:s22+$0x90];
	v39 =	vor.u32 $0x200, v39;
	[tilespmem:v31+s13+$0x0] =	vst.idx.msk vm2, v57;
	v34 =	vadd.s32 v34, v40  }
0x9d: {  	v32 =	vsub.f32 v32, v9;
	vm2 =	vge.f32 v24, v8;
	v38 =	vld [tilespmem:s22+$0xFFFFFF60];
	v31 =	vand.u32 $0x1FF, v34  }
0x9e: {  	v56 =	vor.u32 $0x600, v14;
	(erf) = vpow2.f32 v29;
	v31 =	vor.u32 $0x200, v31  }
0x9f: {  	v32 =	vmul.f32 $1.442695020e+00, v32;
	(erf) = vpow2.f32 v27;
	v59 =	vsel vm2, $0x10, v2;
	[tilespmem:v36+s13+$0x0] =	vst.idx.msk vm1, v30  }
0xa0: {  	v24 =	vsub.f32 v24, v9;
	v30 =	vsub.f32 v33, v9;
	v33 =	vadd.s32 v34, v59;
	v36 =	vld [tilespmem:s22+$0xFFFFFFB0]  }
0xa1: {  	v49 =	vsub.f32 v58, v9;
	vm1 =	vge.f32 v58, v8;
	v29 =	vand.u32 $0x1FF, v33;
	[tilespmem:v39+s13+$0x0] =	vst.idx.msk vm3, v41  }
0xa2: {  	v29 =	vor.u32 $0x200, v29;
	v27 =	vmul.f32 $1.442695020e+00, v30;
	v41 =	vld [tilespmem:s22+$0x0];
	vm4 =	vge.f32 v38, v8  }
0xa3: {  	s29 =	simm.s32 $0x150;
	v59 =	vmul.f32 $1.442695020e+00, v49;
	v45 =	vsel vm1, $0x10, v2;
	[tilespmem:v31+s13+$0x0] =	vst.idx.msk vm2, v35;
	v31 =	vsel vm4, $0x10, v2  }
0xa4: {  	v30 =	vor.u32 s29, v5;
	(erf) = vpow2.f32 v27;
	v31 =	vadd.s32 v11, v31  }
0xa5: {  	s30 =	simm.s32 $0x20;
	v35 =	vld [tilespmem:s22+$0x50];
	vm2 =	vge.f32 v36, v8;
	v36 =	vsub.f32 v36, v9;
	v42 =	vand.u32 $0x1FF, v31  }
0xa6: {  	v27 =	vor.u32 s30, v5;
	(erf) = vpow2.f32 v32;
	v42 =	vor.u32 $0x400, v42  }
0xa7: {  	v43 =	vsel vm2, $0x10, v2;
	[tilespmem:v29+s13+$0x0] =	vst.idx.msk vm1, v30;
	vm3 =	vge.f32 v41, v8;
	v30 =	vmul.f32 $1.442695020e+00, v36  }
0xa8: {  	v63 =	vld [tilespmem:s22+$0xA0];
	v31 =	vadd.s32 v31, v43;
	v62 =	vsel vm3, $0x10, v2;
	[tilespmem:v61+s13+$0x0] =	vst.idx.msk vm4, v27;
	v27 =	vsub.f32 v41, v9  }
0xa9: {  	v48 =	vld [tilespmem:s22+$0xFFFFFF70];
	(erf) = vpow2.f32 v30;
	v30 =	vadd.s32 v31, v62;
	v31 =	vand.u32 $0x1FF, v31  }
0xaa: {  	s21 =	sand.u32 $0x1FF80, s21;
	v40 =	vpop (erf);
	vm5 =	vge.f32 v35, v8;
	v52 =	vand.u32 $0x1FF, v30;
	v31 =	vor.u32 $0x400, v31  }
0xab: {  	s21 =	sor.u32 s23, s21;
	v54 =	vpop (erf);
	v29 =	vsub.f32 v38, v9;
	v51 =	vsub.f32 v35, v9;
	v35 =	vor.u32 $0x400, v52;
	[tilespmem:v42+s13+$0x0] =	vst.idx.msk vm2, v60  }
0xac: {  	v55 =	vadd.f32 v54, v16;
	v27 =	vmul.f32 $1.442695020e+00, v27;
	v50 =	vsel vm5, $0x10, v2;
	v53 =	vld [tilespmem:s21+$0x0]  }
0xad: {  	v29 =	vmul.f32 $1.442695020e+00, v29;
	vm4 =	vge.f32 v63, v8;
	v30 =	vadd.s32 v30, v50  }
0xae: {  	(erf) = vpow2.f32 v27;
	vm6 =	vge.f32 v48, v8;
	v14 =	vsub.f32 v48, v9  }
0xaf: {  	v34 =	vmul.f32 $1.442695020e+00, v51;
	v38 =	vsub.f32 v63, v9;
	v58 =	vand.u32 $0x1FF, v30;
	[tilespmem:v31+s13+$0x0] =	vst.idx.msk vm3, v28  }
0xb0: {  	v63 =	vsel vm4, $0x10, v2;
	v27 =	vpop (erf);
	v62 =	vor.u32 $0x400, v58;
	[tilespmem:v35+s13+$0x0] =	vst.idx.msk vm5, v37;
	v14 =	vmul.f32 $1.442695020e+00, v14;
	v31 =	vld [tilespmem:s22+$0x10]  }
0xb1: {  	v57 =	vsel vm6, $0x10, v2;
	v44 =	vpop (erf);
	(erf) = vpow2.f32 v29;
	v28 =	vld [tilespmem:s22+$0x60];
	v29 =	vsub.f32 v53, v9  }
0xb2: {  	vm2 =	vge.f32 v53, v8;
	(erf) = vpow2.f32 v14;
	v14 =	vadd.s32 v30, v63  }
0xb3: {  	v30 =	vadd.s32 v11, v57;
	v61 =	vsel vm2, $0x10, v2;
	v29 =	vmul.f32 $1.442695020e+00, v29  }
0xb4: {  	v47 =	vand.u32 $0x1FF, v30;
	[tilespmem:v56+s13+$0x0] =	vst.idx.msk vm6, v26;
	v26 =	vmul.f32 $1.442695020e+00, v20;
	v20 =	vadd.s32 v33, v45  }
0xb5: {  	[tilespmem:v62+s13+$0x0] =	vst.idx.msk vm4, v25;
	v33 =	vor.u32 $0x600, v47;
	vm1 =	vge.f32 v31, v8;
	(erf) = vpow2.f32 v29;
	v29 =	vld [tilespmem:s22+$0xFFFFFF80]  }
0xb6: {  	v60 =	vpop (erf);
	v48 =	vld [tilespmem:s22+$0xB0];
	v46 =	vsub.f32 v28, v9;
	vm5 =	vge.f32 v28, v8;
	(erf) = vpow2.f32 v34  }
0xb7: {  	v28 =	vpop (erf);
	(erf) = vpow2.f32 v26;
	v26 =	vadd.s32 v30, v61;
	v30 =	vsel vm1, $0x10, v2  }
0xb8: {  	v50 =	vand.u32 $0x1FF, v26;
	v26 =	vadd.s32 v26, v30;
	v30 =	vsel vm5, $0x10, v2  }
0xb9: {  	v31 =	vsub.f32 v31, v9;
	v51 =	vand.u32 $0x1FF, v26;
	v26 =	vadd.s32 v26, v30  }
0xba: {  	vm3 =	vge.f32 v29, v8;
	v30 =	vor.u32 $0x600, v51;
	v29 =	vsub.f32 v29, v9  }
0xbb: {  	v32 =	vmul.f32 $1.442695020e+00, v46;
	vm4 =	vge.f32 v48, v8;
	v52 =	vand.u32 $0x1FF, v26  }
0xbc: {  	v36 =	vadd.f32 v60, v55;
	v25 =	vpop (erf);
	v41 =	vor.u32 $0x600, v52;
	v29 =	vmul.f32 $1.442695020e+00, v29  }
0xbd: {  	v31 =	vmul.f32 $1.442695020e+00, v31;
	v49 =	vpop (erf);
	v39 =	vor.u32 $0x600, v50;
	(erf) = vpow2.f32 v32  }
0xbe: {  	v24 =	vmul.f32 $1.442695020e+00, v24;
	v37 =	vadd.f32 v49, v16;
	[tilespmem:v33+s13+$0x0] =	vst.idx.msk vm2, v23;
	(erf) = vpow2.f32 v29  }
0xbf: {  	s21 =	simm.s32 $0x180;
	v38 =	vmul.f32 $1.442695020e+00, v38;
	v36 =	vadd.f32 v44, v36;
	[tilespmem:v30+s13+$0x0] =	vst.idx.msk vm5, v13;
	(erf) = vpow2.f32 v31;
	v31 =	vld [tilespmem:s22+$0xFFFFFFD0]  }
0xc0: {  	s31 =	sand.u32 $0x1FF80, s21;
	v34 =	vsub.f32 v48, v9;
	v53 =	vpop (erf);
	v28 =	vadd.f32 v28, v37;
	v54 =	vsel vm3, $0x10, v2;
	v23 =	vld [tilespmem:s22+$0x70]  }
0xc1: {  	s23 =	sor.u32 s23, s31;
	v42 =	vadd.f32 v53, v16;
	v11 =	vadd.s32 v11, v54;
	v13 =	vsel vm4, $0x10, v2;
	[tilespmem:v41+s13+$0x0] =	vst.idx.msk vm4, v12  }
0xc2: {  	[tilespmem:v39+s13+$0x0] =	vst.idx.msk vm1, v22;
	v30 =	vmul.f32 $1.442695020e+00, v34;
	v13 =	vadd.s32 v26, v13;
	(erf) = vpow2.f32 v21;
	v55 =	vld [tilespmem:s23+$0x0]  }
0xc3: {  	v29 =	vpop (erf);
	v12 =	vadd.f32 v25, v28;
	v25 =	vadd.f32 v40, v16;
	v28 =	vld [tilespmem:s22+$0x20];
	(erf) = vpow2.f32 v59  }
0xc4: {  	v21 =	vsel vm0, $0x10, v2;
	v26 =	vadd.f32 v29, v42;
	(erf) = vpow2.f32 v38  }
0xc5: {  	(erf) = vpow2.f32 v30;
	v29 =	vsub.f32 v31, v9;
	v22 =	vsub.f32 v23, v9  }
0xc6: {  	vm0 =	vge.f32 v31, v8;
	vm1 =	vge.f32 v23, v8;
	v23 =	vpop (erf);
	(erf) = vpow2.f32 v24  }
0xc7: {  	v24 =	vsel vm0, $0x10, v2;
	v30 =	vpop (erf);
	v31 =	vadd.f32 v23, v12;
	v23 =	vsub.f32 v55, v9  }
0xc8: {  	vm2 =	vge.f32 v28, v8;
	v29 =	vmul.f32 $1.442695020e+00, v29;
	v58 =	vadd.s32 v11, v24;
	v56 =	vpop (erf)  }
0xc9: {  	v59 =	vsel vm2, $0x10, v2;
	v12 =	vmul.f32 $1.442695020e+00, v22;
	(erf) = vpow2.f32 v18;
	v22 =	vpop (erf)  }
0xca: {  	v11 =	vand.u32 $0x1FF, v11;
	v18 =	vsub.f32 v28, v9;
	v28 =	vsel vm1, $0x10, v2;
	v57 =	vpop (erf)  }
0xcb: {  	v60 =	vand.u32 $0x1FF, v58;
	v35 =	vadd.s32 v58, v59;
	v24 =	vmul.f32 $1.442695020e+00, v23;
	v23 =	vpop (erf)  }
0xcc: {  	(erf) = vpow2.f32 v29;
	v18 =	vmul.f32 $1.442695020e+00, v18;
	v61 =	vpop (erf);
	v25 =	vadd.f32 v23, v25  }
0xcd: {  	p0 =	por $0x1, $0x1;
	v29 =	vand.u32 $0x1FF, v35;
	v23 =	vadd.s32 v35, v28;
	v28 =	vadd.f32 v57, v26;
	v62 =	vpop (erf)  }
.Ltmp6:
0xce: {  	(erf) = vpow2.f32 v18;
	v26 =	vor.u32 $0x800, v11;
	v63 =	vpop (erf);
	v11 =	vadd.f32 v27, v25;
	(pc) =	sbr.rel @!p0 .LBB2_8-.Ltmp6, $4  }
0xcf: {  	v25 =	vadd.f32 v56, v28;
	v28 =	vor.u32 $0x800, v29;
	v29 =	vand.u32 $0x1FF, v23;
	v27 =	vpop (erf)  }
0xd0: {  	(erf) = vpow2.f32 v12;
	v18 =	vadd.f32 v30, v11;
	v11 =	vadd.f32 v27, v36  }
0xd1: {  	[tilespmem:v19+s13+$0x0] =	vst.idx.msk vm3, v10;
	vm3 =	vge.f32 v55, v8;
	v27 =	vor.u32 $0x800, v60;
	v10 =	vadd.f32 v63, v25  }
0xd2: {  	s22 =	simm.s32 $0x310;
	s23 =	simm.s32 $0x250;
	v25 =	vor.u32 $0x800, v29;
	v29 =	vpop (erf);
	v12 =	vadd.f32 v61, v11;
	v11 =	vadd.f32 v62, v31  }
.LBB2_7:
0xd3: {  	s24 =	sadd.s32 $0xFFFFFE80, s22;
	v30 =	vld [tilespmem:s23+$0xFFFFFF40];
	s25 =	sadd.s32 $0xFFFFFFB0, s22;
	v18 =	vadd.f32 v29, v18;
	v17 =	vadd.s32 v17, v21;
	v19 =	vsel vm3, $0x10, v2  }
0xd4: {  	v16 =	vadd.f32 v22, v16;
	s26 =	sadd.s32 $0xFFFFFF10, s21;
	s28 =	sadd.s32 $0xFFFFFF60, s21;
	v29 =	vld [tilespmem:s23+$0x30];
	p0 =	slt.u32 s24, $0xB9F0;
	[tilespmem:v28+s13+$0x0] =	vst.idx.msk vm1, v15;
	v15 =	vor.u32 s25, v5;
	v19 =	vadd.s32 v23, v19  }
0xd5: {  	s25 =	sadd.s32 $0xFFFFFFA0, s22;
	v31 =	vor.u32 s26, v5;
	v21 =	vor.u32 s28, v5;
	v28 =	vld [tilespmem:s23+$0xFFFFFFE0];
	v22 =	vpop (erf)  }
0xd6: {  	s26 =	sadd.s32 $0xFFFFFEC0, s22;
	v23 =	vor.u32 s25, v5;
	s25 =	sadd.s32 $0xFFFFFFF0, s22;
	v32 =	vld [tilespmem:s23+$0xFFFFFF90];
	v16 =	vadd.f32 v22, v16;
	[tilespmem:v27+s13+$0x0] =	vst.idx.msk vm2, v21;
	v27 =	vor.u32 s21, v5;
	s21 =	smov.u32 s22  }
0xd7: {  	v22 =	vor.u32 s26, v5;
	v21 =	vor.u32 s25, v5;
	v33 =	vpop (erf);
	(erf) = vpow2.f32 v24  }
0xd8: {  	v34 =	vsub.f32 v30, v9;
	vm4 =	vge.f32 v30, v8;
	v16 =	vadd.f32 v33, v16  }
0xd9: {  	v30 =	vand.u32 $0x1FF, v17;
	v24 =	vsel vm4, $0x10, v2;
	vm1 =	vge.f32 v29, v8;
	[tilespmem:v25+s13+$0x0] =	vst.idx.msk vm3, v27;
	v25 =	vpop (erf)  }
0xda: {  	v17 =	vadd.s32 v17, v24;
	vm2 =	vge.f32 v28, v8;
	v16 =	vadd.f32 v25, v16  }
0xdb: {  	v33 =	vsub.f32 v28, v9;
	vm3 =	vge.f32 v32, v8;
	v27 =	vand.u32 $0x1FF, v17  }
0xdc: {  	v25 =	vor.u32 s24, v5;
	v35 =	vsel vm1, $0x10, v2;
	v24 =	vsel vm3, $0x10, v2  }
0xdd: {  	v28 =	vsub.f32 v29, v9;
	v36 =	vsel vm2, $0x10, v2;
	v17 =	vadd.s32 v17, v24;
	v24 =	vld [tilespmem:s23+$0x80]  }
0xde: {  	[tilespmem:v30+s13+$0x0] =	vst.idx.msk vm4, v25;
	v25 =	vsub.f32 v32, v9;
	v29 =	vand.u32 $0x1FF, v17;
	v17 =	vadd.s32 v17, v36  }
0xdf: {  	s25 =	sadd.s32 $0xFFFFFED0, s22;
	v32 =	vmul.f32 $1.442695020e+00, v34;
	v30 =	vld [tilespmem:s23+$0xFFFFFF50];
	v36 =	vand.u32 $0x1FF, v17;
	v17 =	vadd.s32 v17, v35  }
0xe0: {  	s26 =	sadd.s32 $0xFFFFFF50, s22;
	v34 =	vor.u32 s25, v5;
	s25 =	sadd.s32 $0xFFFFFF00, s22;
	v25 =	vmul.f32 $1.442695020e+00, v25;
	v37 =	vand.u32 $0x1FF, v17;
	[tilespmem:v26+s13+$0x0] =	vst.idx.msk vm0, v31;
	v26 =	vpop (erf)  }
0xe1: {  	s29 =	sadd.s32 $0xFFFFFF40, s22;
	s30 =	sadd.s32 $0xFFFFFFE0, s22;
	s28 =	sadd.s32 $0xFFFFFF20, s22;
	v38 =	vand.u32 $0x1FF, v19;
	[tilespmem:v27+s13+$0x0] =	vst.idx.msk vm3, v34;
	v27 =	vor.u32 s25, v5;
	v16 =	vadd.f32 v26, v16  }
0xe2: {  	s31 =	sadd.s32 $0xFFFFFEB0, s22;
	v31 =	vor.u32 s28, v5;
	s28 =	sadd.s32 $0xFFFFFF80, s22;
	v26 =	vor.u32 s26, v5;
	s26 =	sadd.s32 $0xFFFFFF70, s22;
	v39 =	vld [tilespmem:s23+$0xFFFFFFA0];
	vm0 =	vge.f32 v24, v8  }
0xe3: {  	s24 =	sand.u32 $0x70, s24;
	v35 =	vor.u32 s29, v5;
	[tilespmem:v29+s13+$0x0] =	vst.idx.msk vm2, v31;
	v29 =	vor.u32 s26, v5;
	s26 =	sand.u32 $0x1FF80, s28;
	v31 =	vor.u32 s30, v5  }
0xe4: {  	v40 =	vand.u32 $0x1FF, v20;
	s29 =	sadd.s32 $0xFFFFFF90, s22;
	v34 =	vor.u32 s31, v5;
	vm2 =	vge.f32 v30, v8;
	v41 =	vld [tilespmem:s23+$0xFFFFFFF0];
	[tilespmem:v36+s13+$0x0] =	vst.idx.msk vm1, v29;
	s26 =	sor.u32 s24, s26  }
0xe5: {  	v29 =	vsub.f32 v30, v9;
	v36 =	vor.u32 $0x200, v40;
	v40 =	vsel vm2, $0x10, v2;
	v30 =	vld [tilespmem:s26+$0x0]  }
0xe6: {  	v42 =	vor.u32 s28, v5;
	s26 =	sadd.s32 $0xFFFFFFC0, s22;
	v40 =	vadd.s32 v20, v40;
	v20 =	vor.u32 s29, v5  }
0xe7: {  	v43 =	vmul.f32 $1.442695020e+00, v29;
	vm3 =	vge.f32 v39, v8;
	v44 =	vand.u32 $0x1FF, v40  }
0xe8: {  	s28 =	sadd.s32 $0xFFFFFE90, s22;
	v29 =	vor.u32 $0x800, v38;
	v38 =	vor.u32 $0x200, v44;
	v44 =	vsel vm3, $0x10, v2  }
0xe9: {  	v40 =	vadd.s32 v40, v44;
	vm1 =	vge.f32 v41, v8;
	v44 =	vor.u32 s26, v5  }
0xea: {  	v45 =	vand.u32 $0x1FF, v40;
	v46 =	vsel vm1, $0x10, v2;
	[tilespmem:v37+s13+$0x0] =	vst.idx.msk vm0, v44;
	(erf) = vpow2.f32 v32  }
0xeb: {  	s26 =	sadd.s32 $0xFFFFFEE0, s22;
	v32 =	vor.u32 s28, v5;
	v37 =	vor.u32 $0x200, v45;
	v40 =	vadd.s32 v40, v46;
	v44 =	vld [tilespmem:s23+$0x90]  }
0xec: {  	[tilespmem:v36+s13+$0x0] =	vst.idx.msk vm2, v32;
	v32 =	vor.u32 s26, v5;
	vm2 =	vge.f32 v30, v8;
	v36 =	vand.u32 $0x1FF, v40  }
0xed: {  	v39 =	vsub.f32 v39, v9;
	v45 =	vld [tilespmem:s23+$0xFFFFFF60];
	[tilespmem:v38+s13+$0x0] =	vst.idx.msk vm3, v32;
	v32 =	vsub.f32 v41, v9;
	v36 =	vor.u32 $0x200, v36  }
0xee: {  	v33 =	vmul.f32 $1.442695020e+00, v33;
	s28 =	sadd.s32 $0xFFFFFF30, s22;
	s26 =	sadd.s32 $0xFFFFFEF0, s22;
	v41 =	vsel vm2, $0x10, v2;
	v38 =	vld [tilespmem:s23+$0xFFFFFFB0];
	(erf) = vpow2.f32 v43  }
0xef: {  	v46 =	vor.u32 s28, v5;
	v43 =	vor.u32 s26, v5;
	v40 =	vadd.s32 v40, v41  }
0xf0: {  	v41 =	vand.u32 $0x1FF, v14;
	[tilespmem:v37+s13+$0x0] =	vst.idx.msk vm1, v46;
	vm1 =	vge.f32 v44, v8;
	v37 =	vand.u32 $0x1FF, v40  }
0xf1: {  	s26 =	sadd.s32 $0xFFFFFFD0, s22;
	v41 =	vor.u32 $0x400, v41;
	v46 =	vld [tilespmem:s23+$0x0];
	v37 =	vor.u32 $0x200, v37;
	(erf) = vpow2.f32 v33  }
0xf2: {  	v32 =	vmul.f32 $1.442695020e+00, v32;
	vm4 =	vge.f32 v45, v8;
	[tilespmem:v36+s13+$0x0] =	vst.idx.msk vm2, v42;
	v36 =	vor.u32 s26, v5  }
0xf3: {  	v39 =	vmul.f32 $1.442695020e+00, v39;
	v42 =	vsel vm4, $0x10, v2;
	vm2 =	vge.f32 v38, v8;
	v47 =	vld [tilespmem:s23+$0x50];
	v33 =	vpop (erf)  }
0xf4: {  	s26 =	sadd.s32 $0xFFFFFEA0, s22;
	v14 =	vadd.s32 v14, v42;
	v42 =	vand.u32 $0x1FF, v13;
	(erf) = vpow2.f32 v32  }
0xf5: {  	v38 =	vsub.f32 v38, v9;
	v32 =	vor.u32 s26, v5;
	v48 =	vand.u32 $0x1FF, v14  }
0xf6: {  	v49 =	vsel vm2, $0x10, v2;
	v48 =	vor.u32 $0x400, v48;
	vm3 =	vge.f32 v46, v8;
	[tilespmem:v37+s13+$0x0] =	vst.idx.msk vm1, v36  }
0xf7: {  	v36 =	vsub.f32 v45, v9;
	v37 =	vmul.f32 $1.442695020e+00, v38;
	v38 =	vsel vm3, $0x10, v2;
	v45 =	vld [tilespmem:s23+$0xA0];
	v50 =	vpop (erf)  }
0xf8: {  	s25 =	sand.u32 $0x1FF80, s25;
	[tilespmem:v41+s13+$0x0] =	vst.idx.msk vm4, v32;
	v41 =	vsub.f32 v46, v9;
	vm5 =	vge.f32 v47, v8;
	(erf) = vpow2.f32 v39  }
0xf9: {  	s25 =	sor.u32 s24, s25;
	v44 =	vsub.f32 v44, v9;
	v14 =	vadd.s32 v14, v49;
	v39 =	vld [tilespmem:s23+$0xFFFFFF70];
	(erf) = vpow2.f32 v37  }
0xfa: {  	v36 =	vmul.f32 $1.442695020e+00, v36;
	v37 =	vadd.s32 v14, v38;
	v38 =	vsel vm5, $0x10, v2;
	v32 =	vpop (erf)  }
0xfb: {  	v41 =	vmul.f32 $1.442695020e+00, v41;
	v46 =	vand.u32 $0x1FF, v37;
	[tilespmem:v48+s13+$0x0] =	vst.idx.msk vm2, v43;
	v43 =	vsub.f32 v47, v9  }
0xfc: {  	v14 =	vand.u32 $0x1FF, v14;
	v46 =	vor.u32 $0x400, v46;
	v47 =	vld [tilespmem:s25+$0x0];
	vm4 =	vge.f32 v45, v8  }
0xfd: {  	v14 =	vor.u32 $0x400, v14;
	v37 =	vadd.s32 v37, v38;
	v38 =	vpop (erf);
	(erf) = vpow2.f32 v41  }
0xfe: {  	v12 =	vadd.f32 v50, v12;
	v41 =	vor.u32 $0x600, v42;
	vm6 =	vge.f32 v39, v8  }
0xff: {  	v48 =	vand.u32 $0x1FF, v37;
	v39 =	vsub.f32 v39, v9;
	v42 =	vsel vm6, $0x10, v2  }
0x100: {  	v45 =	vsub.f32 v45, v9;
	v43 =	vmul.f32 $1.442695020e+00, v43;
	(erf) = vpow2.f32 v36  }
0x101: {  	v44 =	vmul.f32 $1.442695020e+00, v44;
	v36 =	vsub.f32 v47, v9;
	vm2 =	vge.f32 v47, v8;
	[tilespmem:v46+s13+$0x0] =	vst.idx.msk vm5, v20;
	v20 =	vpop (erf)  }
0x102: {  	v39 =	vmul.f32 $1.442695020e+00, v39;
	v12 =	vadd.f32 v20, v12;
	v46 =	vsel vm2, $0x10, v2;
	[tilespmem:v14+s13+$0x0] =	vst.idx.msk vm3, v35;
	v35 =	vld [tilespmem:s23+$0x60];
	v47 =	vpop (erf)  }
0x103: {  	v48 =	vor.u32 $0x400, v48;
	v45 =	vmul.f32 $1.442695020e+00, v45;
	v20 =	vmul.f32 $1.442695020e+00, v36;
	v36 =	vld [tilespmem:s23+$0x10]  }
0x104: {  	v14 =	vsel vm4, $0x10, v2;
	v12 =	vadd.f32 v38, v12;
	(erf) = vpow2.f32 v39  }
0x105: {  	v14 =	vadd.s32 v37, v14;
	v38 =	vsel vm1, $0x10, v2;
	[tilespmem:v41+s13+$0x0] =	vst.idx.msk vm6, v34;
	(erf) = vpow2.f32 v20  }
0x106: {  	v28 =	vmul.f32 $1.442695020e+00, v28;
	v20 =	vadd.s32 v40, v38;
	v37 =	vld [tilespmem:s23+$0xFFFFFF80];
	v34 =	vpop (erf);
	(erf) = vpow2.f32 v43  }
0x107: {  	v13 =	vadd.s32 v13, v42;
	v38 =	vsub.f32 v35, v9;
	vm3 =	vge.f32 v35, v8  }
0x108: {  	v35 =	vand.u32 $0x1FF, v13;
	vm1 =	vge.f32 v36, v8;
	[tilespmem:v48+s13+$0x0] =	vst.idx.msk vm4, v31;
	(erf) = vpow2.f32 v28  }
0x109: {  	v13 =	vadd.s32 v13, v46;
	v28 =	vsel vm1, $0x10, v2;
	v31 =	vmul.f32 $1.442695020e+00, v38;
	v38 =	vld [tilespmem:s23+$0xB0];
	v39 =	vpop (erf)  }
0x10a: {  	v40 =	vand.u32 $0x1FF, v13;
	v13 =	vadd.s32 v13, v28;
	v28 =	vsel vm3, $0x10, v2  }
0x10b: {  	v11 =	vadd.f32 v39, v11;
	v39 =	vand.u32 $0x1FF, v13;
	v13 =	vadd.s32 v13, v28  }
0x10c: {  	vm4 =	vge.f32 v37, v8;
	v28 =	vor.u32 $0x600, v39;
	v39 =	vand.u32 $0x1FF, v13  }
0x10d: {  	v35 =	vor.u32 $0x600, v35;
	v37 =	vsub.f32 v37, v9;
	v39 =	vor.u32 $0x600, v39;
	v41 =	vpop (erf)  }
0x10e: {  	v36 =	vsub.f32 v36, v9;
	v42 =	vsel vm4, $0x10, v2;
	vm5 =	vge.f32 v38, v8;
	v43 =	vpop (erf)  }
0x10f: {  	v37 =	vmul.f32 $1.442695020e+00, v37;
	v10 =	vadd.f32 v41, v10;
	v38 =	vsub.f32 v38, v9;
	v41 =	vpop (erf)  }
0x110: {  	v40 =	vor.u32 $0x600, v40;
	v36 =	vmul.f32 $1.442695020e+00, v36;
	(erf) = vpow2.f32 v31  }
0x111: {  	v30 =	vsub.f32 v30, v9;
	[tilespmem:v28+s13+$0x0] =	vst.idx.msk vm3, v23;
	v23 =	vmul.f32 $1.442695020e+00, v38;
	(erf) = vpow2.f32 v37;
	v31 =	vpop (erf)  }
0x112: {  	v11 =	vadd.f32 v47, v11;
	v28 =	vsel vm5, $0x10, v2;
	[tilespmem:v35+s13+$0x0] =	vst.idx.msk vm2, v27;
	v27 =	vld [tilespmem:s23+$0x70];
	(erf) = vpow2.f32 v36  }
0x113: {  	s25 =	sand.u32 $0x1FF80, s22;
	v13 =	vadd.s32 v13, v28;
	[tilespmem:v29+s13+$0x0] =	vst.idx.msk vm4, v22;
	v22 =	vld [tilespmem:s23+$0xFFFFFFD0];
	v29 =	vmul.f32 $1.442695020e+00, v30;
	(erf) = vpow2.f32 v25  }
0x114: {  	s24 =	sor.u32 s24, s25;
	v19 =	vadd.s32 v19, v42;
	v10 =	vadd.f32 v43, v10;
	[tilespmem:v39+s13+$0x0] =	vst.idx.msk vm5, v21;
	(erf) = vpow2.f32 v44  }
0x115: {  	v24 =	vsub.f32 v24, v9;
	v11 =	vadd.f32 v34, v11;
	[tilespmem:v40+s13+$0x0] =	vst.idx.msk vm1, v26;
	v30 =	vld [tilespmem:s24+$0x0];
	(erf) = vpow2.f32 v45  }
0x116: {  	v18 =	vadd.f32 v33, v18;
	v21 =	vsel vm0, $0x10, v2;
	v25 =	vld [tilespmem:s23+$0x20];
	(erf) = vpow2.f32 v23  }
0x117: {  	v24 =	vmul.f32 $1.442695020e+00, v24;
	v23 =	vsub.f32 v27, v9;
	vm1 =	vge.f32 v27, v8  }
0x118: {  	v26 =	vsub.f32 v22, v9;
	vm0 =	vge.f32 v22, v8;
	(erf) = vpow2.f32 v29  }
0x119: {  	v11 =	vadd.f32 v41, v11;
	v27 =	vsel vm0, $0x10, v2;
	v29 =	vmul.f32 $1.442695020e+00, v23;
	v28 =	vpop (erf)  }
0x11a: {  	v26 =	vmul.f32 $1.442695020e+00, v26;
	v36 =	vsub.f32 v30, v9;
	v22 =	vpop (erf);
	(erf) = vpow2.f32 v24  }
0x11b: {  	v33 =	vsub.f32 v25, v9;
	vm2 =	vge.f32 v25, v8;
	v25 =	vsel vm1, $0x10, v2;
	v34 =	vpop (erf)  }
0x11c: {  	v27 =	vadd.s32 v19, v27;
	v38 =	vsel vm2, $0x10, v2;
	v24 =	vmul.f32 $1.442695020e+00, v36;
	v23 =	vpop (erf)  }
0x11d: {  	v36 =	vand.u32 $0x1FF, v27;
	v33 =	vmul.f32 $1.442695020e+00, v33;
	v27 =	vadd.s32 v27, v38;
	v35 =	vpop (erf)  }
0x11e: {  	v18 =	vadd.f32 v23, v18;
	v23 =	vadd.s32 v27, v25;
	(erf) = vpow2.f32 v26;
	v37 =	vpop (erf)  }
0x11f: {  	v19 =	vand.u32 $0x1FF, v19;
	v10 =	vadd.f32 v34, v10;
	v27 =	vand.u32 $0x1FF, v27;
	v34 =	vpop (erf)  }
.Ltmp7:
0x120: {  	v26 =	vor.u32 $0x800, v19;
	v18 =	vadd.f32 v32, v18;
	(erf) = vpow2.f32 v33;
	(pc) =	sbr.rel @p0 .LBB2_7-.Ltmp7, $4  }
0x121: {  	v10 =	vadd.f32 v28, v10;
	v28 =	vor.u32 $0x800, v27;
	v19 =	vand.u32 $0x1FF, v23;
	v25 =	vpop (erf)  }
0x122: {  	v18 =	vadd.f32 v31, v18;
	v12 =	vadd.f32 v25, v12;
	(erf) = vpow2.f32 v29  }
0x123: {  	v27 =	vor.u32 $0x800, v36;
	v10 =	vadd.f32 v34, v10;
	v25 =	vor.u32 $0x800, v19;
	v29 =	vpop (erf)  }
0x124: {  	s22 =	sadd.s32 $0x190, s22;
	s23 =	sadd.s32 $0x190, s23;
	vm3 =	vge.f32 v30, v8;
	v11 =	vadd.f32 v37, v11;
	v12 =	vadd.f32 v35, v12  }
.LBB2_8:
0x125: {  	v17 =	vadd.s32 v17, v21  }
0x126: {  	vm4 =	vgt.s32 v17, v20  }
0x127: {  	v8 =	vsel vm4, v17, v20  }
0x128: {  	vm4 =	vgt.s32 v8, v14  }
0x129: {  	v8 =	vsel vm4, v8, v14  }
0x12a: {  	v19 =	vsel vm3, $0x10, v2;
	vm4 =	vgt.s32 v8, v13  }
0x12b: {  	v19 =	vadd.s32 v23, v19;
	v21 =	vsel vm4, v8, v13  }
0x12c: {  	v8 =	vmul.u32 $0xFFFFFFFF, v5;
	vm4 =	vgt.s32 v21, v19  }
0x12d: {  	v21 =	vsel vm4, v21, v19  }
0x12e: {  	v21 =	vadd.s32 v8, v21  }
0x12f: {  	vm15 =	vgt.s32 v21, $0x1FF  }
0x130: {  	v21 =	vsel vm15, $0x3F800000, v6  }
0x131: {  	(xrf0) =	vmax.scan.msk.f32 $0xffff, v21;
	_ =	sdelay $0x5  }
0x132: {  	v21, _, _ =	vpop (xrf0)  }
0x133: {  	(v2sf) =	vpush v21, $0xF;
	_ =	sdelay $0xa  }
0x134: {  	(erf) = vpow2.f32 v24;
	_ =	sdelay $0x1  }
0x135: {  	v16 =	vadd.f32 v22, v16  }
0x136: {  	v21 =	vpop (erf)  }
0x137: {  	s22 =	sadd.s32 $0xFFFFFF60, s21;
	v16 =	vadd.f32 v21, v16;
	s31 =	spop (v2sf)  }
0x138: {  	[tilespmem:v28+s13+$0x0] =	vst.idx.msk vm1, v15;
	v15 =	vor.u32 s22, v5;
	v21 =	vpop (erf);
	p0 =	sgt.f32 s31, $0.0e+00  }
.Ltmp8:
0x139: {  	[tilespmem:v27+s13+$0x0] =	vst.idx.msk vm2, v15;
	v15 =	vor.u32 s21, v5;
	v16 =	vadd.f32 v21, v16;
	(pc) =	sbr.rel @!p0 .LBB2_12-.Ltmp8, $4  }
0x13a: {  	v21 =	vpop (erf)  }
0x13b: {  	s23 =	sadd.s32 $0xFFFFFF10, s21;
	v21 =	vadd.f32 v21, v16  }
0x13c: {  	v22 =	vor.u32 s23, v5;
	[tilespmem:v25+s13+$0x0] =	vst.idx.msk vm3, v15;
	v15 =	vpop (erf)  }
0x13d: {  	[tilespmem:v26+s13+$0x0] =	vst.idx.msk vm0, v22;
	v16 =	vadd.f32 v29, v18;
	v15 =	vadd.f32 v15, v21  }
0x13e: {  	s21 =	simm.s32 $0x0  }
0x13f: {  	v13 =	vld [tilespmem:s21+$0x0];
	_ =	sdelay $0x2  }
0x140: {  	v14 =	vmov s21  }
0x141: {  	vm0 =	veq.s32 v14, v7  }
0x142: {  	v14 =	vor.u32 s21, v5;
	v13 =	vsel vm0, $0xFF800000, v13  }
0x143: {  	(xrf1) =	vsort.dscd.msk.f32 $0xffff, v13, v14;
	_ =	sdelay $0x8  }
0x144: {  	s31 =	simm.s32 $0x10  }
0x145: {  	v13 =	vld [tilespmem:s31+$0x0];
	_ =	sdelay $0x2  }
0x146: {  	v14 =	vmov s31  }
0x147: {  	v17 =	vimm.f32 $-Inf;
	v18 =	vimm.s32 $0x0;
	vm14 =	veq.s32 v14, v7;
	v19, v20, _ =	vpop (xrf1)  }
0x148: {  	v14 =	vor.u32 s31, v5;
	v13 =	vsel vm14, $0xFF800000, v13;
	vm15 =	vgt.f32 v19, v17  }
0x149: {  	(xrf1) =	vsort.dscd.msk.f32 $0xffff, v13, v14;
	v13 =	vsel vm15, v19, v17;
	v14 =	vsel vm15, v20, v18  }
0x14a: {  	(xrf1) =	vsort.ascd.msk.f32 $0xffff, v13, v14;
	_ =	sdelay $0x8  }
0x14b: {  	s21 =	simm.s32 $0x20  }
0x14c: {  	v13 =	vld [tilespmem:s21+$0x0]  }
0x14d: {  	s22 =	simm.s32 $0x30;
	s23 =	simm.s32 $0x20  }
.LBB2_10:
0x14e: {  	p0 =	seq.s32 s22, $0xBB70  }
0x14f: {  	v20 =	vmov s21;
	v17, v18, _ =	vpop (xrf1)  }
0x150: {  	vm0 =	veq.s32 v20, v7;
	v14, v19, _ =	vpop (xrf1)  }
0x151: {  	v20 =	vor.u32 s21, v5;
	s21 =	smov.u32 s22;
	v13 =	vsel vm0, $0xFF800000, v13;
	vm0 =	vgt.f32 v17, v14  }
0x152: {  	(xrf1) =	vsort.dscd.msk.f32 $0xffff, v13, v20;
	v13 =	vsel vm0, v17, v14;
	v14 =	vsel vm0, v18, v19  }
0x153: {  	(xrf1) =	vsort.ascd.msk.f32 $0xffff, v13, v14;
	_ =	sdelay $0x6  }
.Ltmp9:
0x154: {  	(pc) =	sbr.rel @!p0 .LBB2_10-.Ltmp9, $4  }
0x155: {  	_ = 	snop  }
0x156: {  	s23 =	sadd.s32 $0x10, s23  }
0x157: {  	v13 =	vld [tilespmem:s23+$0x0]  }
0x158: {  	s22 =	sadd.s32 $0x10, s22  }
0x159: {  	v14 =	vmov s21;
	_ =	sdelay $0x1  }
0x15a: {  	v17, v18, _ =	vpop (xrf1)  }
0x15b: {  	vm0 =	veq.s32 v14, v7;
	v14, v19, _ =	vpop (xrf1)  }
0x15c: {  	v20 =	vor.u32 s21, v5;
	v13 =	vsel vm0, $0xFF800000, v13;
	vm14 =	vgt.f32 v17, v14  }
0x15d: {  	(xrf1) =	vsort.dscd.msk.f32 $0xffff, v13, v20;
	v13 =	vsel vm14, v17, v14;
	v14 =	vsel vm14, v18, v19  }
0x15e: {  	(xrf1) =	vsort.ascd.msk.f32 $0xffff, v13, v14;
	_ =	sdelay $0xc  }
0x15f: {  	v13, v14, _ =	vpop (xrf1)  }
0x160: {  	v17, v18, _ =	vpop (xrf1)  }
0x161: {  	vm15 =	vgt.f32 v13, v17  }
0x162: {  	v13 =	vsel vm15, v13, v17;
	v14 =	vsel vm15, v14, v18  }
0x163: {  	(xrf1) =	vsort.ascd.msk.f32 $0xffff, v13, v14;
	_ =	sdelay $0x9  }
.Ltmp10:
0x164: {  	_ = 	snop;
	(pc) =	sbr.rel .LBB2_52-.Ltmp10, $2  }
0x165: {  	_ =	sdelay $0x2  }
0x166: {  	v18, v17, _ =	vpop (xrf1)  }
.LBB2_12:
0x167: {  	v21 =	vadd.s32 v8, v17  }
0x168: {  	v17 =	vxor.u32 $0x80000000, v21  }
0x169: {  	(xrf0) =	vmax.scan.msk.u32 $0xffff, v17;
	_ =	sdelay $0x5  }
0x16a: {  	v17, _, _ =	vpop (xrf0)  }
0x16b: {  	(v2sf) =	vpush v17, $0xF;
	_ =	sdelay $0xe  }
0x16c: {  	s21 =	spop (v2sf)  }
0x16d: {  	s22 =	sxor.u32 $0x80000000, s21  }
0x16e: {  	p1 =	sgt.s32 s21, $0xFFFFFFFF;
	s21 =	sand.u32 $0xF, s21;
	p0 =	slt.s32 s22, $0x1  }
0x16f: {  	s23 =	sshra.s32 s22, $0x1F;
	p6 =	sne.s32 s21, $0x0;
	p0 =	por p1, p0  }
0x170: {  	s31 =	sshrl.u32 s23, $0x1C;
	p0 =	por !p6, !p0  }
0x171: {  	s21 =	sadd.s32 s31, s22;
	s22 =	simm.s32 $0x1;
	p0 =	por !p0, !p0  }
0x172: {  	s21 =	sshra.s32 s21, $0x4;
	s22 =	simm.s32 @!p0 $0x0  }
0x173: {  	s22 =	ssub.s32 s21, s22  }
0x174: {  	p0 =	slt.s32 s22, $0x1  }
.Ltmp11:
0x175: {  	_ = 	snop;
	(pc) =	sbr.rel @p0 .LBB2_20-.Ltmp11, $2  }
0x176: {  	_ =	sdelay $0x2  }
0x177: {  	v18 =	vimm.f32 $-Inf;
	v17 =	vimm.s32 $0x0  }
0x178: {  	p2 =	sne.s32 s22, $0x1  }
.Ltmp12:
0x179: {  	_ = 	snop;
	(pc) =	sbr.rel @!p2 .LBB2_14-.Ltmp12, $3  }
0x17a: {  	_ =	sdelay $0x1  }
0x17b: {  	s23 =	simm.s32 $0x18700;
	s21 =	simm.s32 $0x0  }
0x17c: {  	s22 =	sadd.s32 $0xFFFFFFFF, s22;
	p0 =	por $0x0, $0x0;
	p1 =	por $0x0, $0x0;
	v22 =	vld [tilespmem:s23+$0x0]  }
0x17d: {  	_ =	sdelay $0x7  }
0x17e: {  	v23 =	vld.idx.msk [tilespmem:v22+s3+$0x0], $0xffff  }
0x17f: {  	p2 =	sne.s32 s22, $0x1  }
.Ltmp13:
0x180: {  	_ = 	snop;
	(pc) =	sbr.rel @!p2 .LBB2_16-.Ltmp13, $4  }
0x181: {  	vm0 =	vgt.s32 v21, s21;
	vm1 =	vne.s32 v22, $0x1  }
0x182: {  	vm0 =	vmand vm0, vm1  }
0x183: {  	s23 =	simm.s32 $0x18710;
	v23 =	vnsel vm0, $0xFF800000, v23  }
0x184: {  	s24 =	sadd.s32 $0xFFFFFFFF, s22;
	p0 =	por $0x1, $0x1;
	(xrf1) =	vsort.dscd.msk.f32 $0xffff, v23, v22;
	v22 =	vld [tilespmem:s23+$0x0]  }
0x185: {  	_ =	sdelay $0x8  }
0x186: {  	v23 =	vld.idx.msk [tilespmem:v22+s3+$0x0], $0xffff;
	_ =	sdelay $0x1  }
0x187: {  	s22 =	simm.s32 $0x10  }
0x188: {  	vm0 =	vgt.s32 v21, s22;
	vm1 =	vne.s32 v22, $0x1  }
0x189: {  	p2 =	sne.s32 s24, $0x1;
	vm0 =	vmand vm0, vm1;
	v24, v25, _ =	vpop (xrf1)  }
.Ltmp14:
0x18a: {  	v23 =	vnsel vm0, $0xFF800000, v23;
	vm15 =	vgt.f32 v24, v18;
	(pc) =	sbr.rel @!p2 .LBB2_19-.Ltmp14, $4  }
0x18b: {  	(xrf1) =	vsort.dscd.msk.f32 $0xffff, v23, v22;
	v22 =	vsel vm15, v24, v18;
	v23 =	vsel vm15, v25, v17  }
0x18c: {  	s23 =	simm.s32 $0x18720;
	(xrf1) =	vsort.ascd.msk.f32 $0xffff, v22, v23  }
0x18d: {  	v22 =	vld [tilespmem:s23+$0x0]  }
0x18e: {  	s24 =	sadd.s32 $0xFFFFFFFF, s24;
	p1 =	por $0x1, $0x1  }
.LBB2_18:
0x18f: {  	p2 =	sne.s32 s24, $0x1;
	_ =	sdelay $0x5  }
0x190: {  	v23 =	vld.idx.msk [tilespmem:v22+s3+$0x0], $0xffff;
	_ =	sdelay $0x2  }
0x191: {  	s22 =	sadd.s32 $0x10, s22  }
0x192: {  	vm0 =	vgt.s32 v21, s22;
	vm1 =	vne.s32 v22, $0x1;
	v24, v25, _ =	vpop (xrf1)  }
0x193: {  	vm0 =	vmand vm0, vm1;
	v26, v27, _ =	vpop (xrf1)  }
.Ltmp15:
0x194: {  	v23 =	vnsel vm0, $0xFF800000, v23;
	vm0 =	vgt.f32 v24, v26;
	(pc) =	sbr.rel @p2 .LBB2_18-.Ltmp15, $4  }
0x195: {  	(xrf1) =	vsort.dscd.msk.f32 $0xffff, v23, v22;
	v22 =	vsel vm0, v24, v26;
	v23 =	vsel vm0, v25, v27  }
0x196: {  	s23 =	sadd.s32 $0x10, s23;
	(xrf1) =	vsort.ascd.msk.f32 $0xffff, v22, v23  }
0x197: {  	v22 =	vld [tilespmem:s23+$0x0]  }
0x198: {  	s24 =	sadd.s32 $0xFFFFFFFF, s24  }
.LBB2_19:
0x199: {  	_ =	sdelay $0x7  }
0x19a: {  	v23 =	vld.idx.msk [tilespmem:v22+s3+$0x0], $0xffff  }
0x19b: {  	s22 =	sadd.s32 @p0 $0x10, s22  }
0x19c: {  	s21 =	smov.u32 @p0 s22;
	v24, v25, _ =	vpop @p0 (xrf1)  }
0x19d: {  	vm0 =	vgt.s32 v21, s21;
	vm1 =	vne.s32 v22, $0x1;
	v21, v26, _ =	vpop @p1 (xrf1)  }
0x19e: {  	vm0 =	vmand vm0, vm1;
	v21 =	vpsel p1, v21, v18  }
0x19f: {  	v23 =	vnsel vm0, $0xFF800000, v23;
	v26 =	vpsel p1, v26, v17;
	vm0 =	vgt.f32 @p0 v24, v21  }
0x1a0: {  	(xrf1) =	vsort.dscd.msk.f32 $0xffff, v23, v22;
	v21 =	vsel @p0 vm0, v24, v21;
	v22 =	vsel @p0 vm0, v25, v26  }
0x1a1: {  	(xrf1) =	vsort.ascd.msk.f32 @p0 $0xffff, v21, v22;
	_ =	sdelay $0xc  }
0x1a2: {  	v21, v22, _ =	vpop (xrf1)  }
0x1a3: {  	v23, v24, _ =	vpop @p0 (xrf1)  }
0x1a4: {  	v18 =	vpsel p0, v23, v18  }
0x1a5: {  	v17 =	vpsel p0, v24, v17;
	vm15 =	vgt.f32 v21, v18  }
0x1a6: {  	v18 =	vsel vm15, v21, v18;
	v17 =	vsel vm15, v22, v17  }
0x1a7: {  	(xrf1) =	vsort.ascd.msk.f32 $0xffff, v18, v17;
	_ =	sdelay $0xd  }
0x1a8: {  	v18, v17, _ =	vpop (xrf1)  }
.LBB2_20:
0x1a9: {  	v20 =	vadd.s32 v8, v20  }
0x1aa: {  	v21 =	vxor.u32 $0x80000000, v20  }
0x1ab: {  	(xrf0) =	vmax.scan.msk.u32 $0xffff, v21;
	_ =	sdelay $0x5  }
0x1ac: {  	v21, _, _ =	vpop (xrf0)  }
0x1ad: {  	(v2sf) =	vpush v21, $0xF;
	_ =	sdelay $0xe  }
0x1ae: {  	s21 =	spop (v2sf)  }
0x1af: {  	s22 =	sxor.u32 $0x80000000, s21  }
0x1b0: {  	p1 =	sgt.s32 s21, $0xFFFFFFFF;
	s21 =	sand.u32 $0xF, s21;
	p0 =	slt.s32 s22, $0x1  }
0x1b1: {  	s23 =	sshra.s32 s22, $0x1F;
	p6 =	sne.s32 s21, $0x0;
	p0 =	por p1, p0  }
0x1b2: {  	s31 =	sshrl.u32 s23, $0x1C;
	p0 =	por !p6, !p0  }
0x1b3: {  	s21 =	sadd.s32 s31, s22;
	s22 =	simm.s32 $0x1;
	p0 =	por !p0, !p0  }
0x1b4: {  	s21 =	sshra.s32 s21, $0x4;
	s22 =	simm.s32 @!p0 $0x0  }
0x1b5: {  	s22 =	ssub.s32 s21, s22  }
0x1b6: {  	p0 =	slt.s32 s22, $0x1  }
.Ltmp16:
0x1b7: {  	_ = 	snop;
	(pc) =	sbr.rel @p0 .LBB2_28-.Ltmp16, $2  }
0x1b8: {  	_ =	sdelay $0x2  }
0x1b9: {  	s21 =	simm.s32 $0x0  }
0x1ba: {  	p2 =	sne.s32 s22, $0x1  }
.Ltmp17:
0x1bb: {  	_ = 	snop;
	(pc) =	sbr.rel @!p2 .LBB2_22-.Ltmp17, $3  }
0x1bc: {  	_ =	sdelay $0x1  }
0x1bd: {  	s23 =	sand.u32 $0xFFFFFFF0, s21  }
0x1be: {  	s22 =	sadd.s32 $0xFFFFFFFF, s22;
	p0 =	por $0x0, $0x0;
	p1 =	por $0x0, $0x0;
	v21 =	vld [tilespmem:s23+$0x18900]  }
0x1bf: {  	_ =	sdelay $0x7  }
0x1c0: {  	v22 =	vld.idx.msk [tilespmem:v21+s3+$0x0], $0xffff  }
0x1c1: {  	p2 =	sne.s32 s22, $0x1  }
.Ltmp18:
0x1c2: {  	_ = 	snop;
	(pc) =	sbr.rel @!p2 .LBB2_24-.Ltmp18, $4  }
0x1c3: {  	vm0 =	vgt.s32 v20, s21;
	vm1 =	vne.s32 v21, $0x1  }
0x1c4: {  	s21 =	sadd.s32 $0x10, s21;
	vm0 =	vmand vm0, vm1  }
0x1c5: {  	s23 =	sand.u32 $0xFFFFFFF0, s21;
	v22 =	vnsel vm0, $0xFF800000, v22  }
0x1c6: {  	s22 =	sadd.s32 $0xFFFFFFFF, s22;
	p0 =	por $0x1, $0x1;
	(xrf1) =	vsort.dscd.msk.f32 $0xffff, v22, v21;
	v21 =	vld [tilespmem:s23+$0x18900]  }
0x1c7: {  	_ =	sdelay $0x8  }
0x1c8: {  	v22 =	vld.idx.msk [tilespmem:v21+s3+$0x0], $0xffff;
	_ =	sdelay $0x2  }
0x1c9: {  	vm0 =	vgt.s32 v20, s21;
	p2 =	sne.s32 s22, $0x1;
	vm1 =	vne.s32 v21, $0x1  }
.Ltmp19:
0x1ca: {  	vm0 =	vmand vm0, vm1;
	v23, v24, _ =	vpop (xrf1);
	(pc) =	sbr.rel @!p2 .LBB2_27-.Ltmp19, $4  }
0x1cb: {  	v22 =	vnsel vm0, $0xFF800000, v22;
	vm15 =	vgt.f32 v23, v18  }
0x1cc: {  	s21 =	sadd.s32 $0x10, s21;
	(xrf1) =	vsort.dscd.msk.f32 $0xffff, v22, v21;
	v21 =	vsel vm15, v23, v18;
	v22 =	vsel vm15, v24, v17  }
0x1cd: {  	s23 =	sand.u32 $0xFFFFFFF0, s21;
	(xrf1) =	vsort.ascd.msk.f32 $0xffff, v21, v22  }
0x1ce: {  	s22 =	sadd.s32 $0xFFFFFFFF, s22;
	p1 =	por $0x1, $0x1;
	v21 =	vld [tilespmem:s23+$0x18900]  }
.LBB2_26:
0x1cf: {  	p2 =	sne.s32 s22, $0x1;
	_ =	sdelay $0x6  }
0x1d0: {  	v22 =	vld.idx.msk [tilespmem:v21+s3+$0x0], $0xffff;
	_ =	sdelay $0x3  }
0x1d1: {  	vm0 =	vgt.s32 v20, s21;
	vm1 =	vne.s32 v21, $0x1;
	v23, v24, _ =	vpop (xrf1)  }
.Ltmp20:
0x1d2: {  	vm0 =	vmand vm0, vm1;
	v25, v26, _ =	vpop (xrf1);
	(pc) =	sbr.rel @p2 .LBB2_26-.Ltmp20, $4  }
0x1d3: {  	v22 =	vnsel vm0, $0xFF800000, v22;
	vm0 =	vgt.f32 v23, v25  }
0x1d4: {  	s21 =	sadd.s32 $0x10, s21;
	(xrf1) =	vsort.dscd.msk.f32 $0xffff, v22, v21;
	v21 =	vsel vm0, v23, v25;
	v22 =	vsel vm0, v24, v26  }
0x1d5: {  	s23 =	sand.u32 $0xFFFFFFF0, s21;
	(xrf1) =	vsort.ascd.msk.f32 $0xffff, v21, v22  }
0x1d6: {  	s22 =	sadd.s32 $0xFFFFFFFF, s22;
	v21 =	vld [tilespmem:s23+$0x18900]  }
.LBB2_27:
0x1d7: {  	_ =	sdelay $0x8  }
0x1d8: {  	v22 =	vld.idx.msk [tilespmem:v21+s3+$0x0], $0xffff;
	_ =	sdelay $0x1  }
0x1d9: {  	v23, v24, _ =	vpop @p0 (xrf1)  }
0x1da: {  	vm0 =	vgt.s32 v20, s21;
	vm1 =	vne.s32 v21, $0x1;
	v20, v25, _ =	vpop @p1 (xrf1)  }
0x1db: {  	vm0 =	vmand vm0, vm1;
	v20 =	vpsel p1, v20, v18  }
0x1dc: {  	v22 =	vnsel vm0, $0xFF800000, v22;
	v25 =	vpsel p1, v25, v17;
	vm0 =	vgt.f32 @p0 v23, v20  }
0x1dd: {  	(xrf1) =	vsort.dscd.msk.f32 $0xffff, v22, v21;
	v20 =	vsel @p0 vm0, v23, v20;
	v21 =	vsel @p0 vm0, v24, v25  }
0x1de: {  	(xrf1) =	vsort.ascd.msk.f32 @p0 $0xffff, v20, v21;
	_ =	sdelay $0xc  }
0x1df: {  	v20, v21, _ =	vpop (xrf1)  }
0x1e0: {  	v22, v23, _ =	vpop @p0 (xrf1)  }
0x1e1: {  	v18 =	vpsel p0, v22, v18  }
0x1e2: {  	v17 =	vpsel p0, v23, v17;
	vm15 =	vgt.f32 v20, v18  }
0x1e3: {  	v18 =	vsel vm15, v20, v18;
	v17 =	vsel vm15, v21, v17  }
0x1e4: {  	(xrf1) =	vsort.ascd.msk.f32 $0xffff, v18, v17;
	_ =	sdelay $0xd  }
0x1e5: {  	v18, v17, _ =	vpop (xrf1)  }
.LBB2_28:
0x1e6: {  	v14 =	vadd.s32 v8, v14  }
0x1e7: {  	v20 =	vxor.u32 $0x80000000, v14  }
0x1e8: {  	(xrf0) =	vmax.scan.msk.u32 $0xffff, v20;
	_ =	sdelay $0x5  }
0x1e9: {  	v20, _, _ =	vpop (xrf0)  }
0x1ea: {  	(v2sf) =	vpush v20, $0xF;
	_ =	sdelay $0xe  }
0x1eb: {  	s21 =	spop (v2sf)  }
0x1ec: {  	s22 =	sxor.u32 $0x80000000, s21  }
0x1ed: {  	p1 =	sgt.s32 s21, $0xFFFFFFFF;
	s21 =	sand.u32 $0xF, s21;
	p0 =	slt.s32 s22, $0x1  }
0x1ee: {  	s23 =	sshra.s32 s22, $0x1F;
	p6 =	sne.s32 s21, $0x0;
	p0 =	por p1, p0  }
0x1ef: {  	s31 =	sshrl.u32 s23, $0x1C;
	p0 =	por !p6, !p0  }
0x1f0: {  	s21 =	sadd.s32 s31, s22;
	s22 =	simm.s32 $0x1;
	p0 =	por !p0, !p0  }
0x1f1: {  	s21 =	sshra.s32 s21, $0x4;
	s22 =	simm.s32 @!p0 $0x0  }
0x1f2: {  	s22 =	ssub.s32 s21, s22  }
0x1f3: {  	p0 =	slt.s32 s22, $0x1  }
.Ltmp21:
0x1f4: {  	_ = 	snop;
	(pc) =	sbr.rel @p0 .LBB2_36-.Ltmp21, $2  }
0x1f5: {  	_ =	sdelay $0x2  }
0x1f6: {  	s21 =	simm.s32 $0x0  }
0x1f7: {  	p2 =	sne.s32 s22, $0x1  }
.Ltmp22:
0x1f8: {  	_ = 	snop;
	(pc) =	sbr.rel @!p2 .LBB2_30-.Ltmp22, $3  }
0x1f9: {  	_ =	sdelay $0x1  }
0x1fa: {  	s23 =	sand.u32 $0xFFFFFFF0, s21  }
0x1fb: {  	s22 =	sadd.s32 $0xFFFFFFFF, s22;
	p0 =	por $0x0, $0x0;
	p1 =	por $0x0, $0x0;
	v20 =	vld [tilespmem:s23+$0x18B00]  }
0x1fc: {  	_ =	sdelay $0x7  }
0x1fd: {  	v21 =	vld.idx.msk [tilespmem:v20+s3+$0x0], $0xffff  }
0x1fe: {  	p2 =	sne.s32 s22, $0x1  }
.Ltmp23:
0x1ff: {  	_ = 	snop;
	(pc) =	sbr.rel @!p2 .LBB2_32-.Ltmp23, $4  }
0x200: {  	vm0 =	vgt.s32 v14, s21;
	vm1 =	vne.s32 v20, $0x1  }
0x201: {  	s21 =	sadd.s32 $0x10, s21;
	vm0 =	vmand vm0, vm1  }
0x202: {  	s23 =	sand.u32 $0xFFFFFFF0, s21;
	v21 =	vnsel vm0, $0xFF800000, v21  }
0x203: {  	s22 =	sadd.s32 $0xFFFFFFFF, s22;
	p0 =	por $0x1, $0x1;
	(xrf1) =	vsort.dscd.msk.f32 $0xffff, v21, v20;
	v20 =	vld [tilespmem:s23+$0x18B00]  }
0x204: {  	_ =	sdelay $0x8  }
0x205: {  	v21 =	vld.idx.msk [tilespmem:v20+s3+$0x0], $0xffff;
	_ =	sdelay $0x2  }
0x206: {  	vm0 =	vgt.s32 v14, s21;
	p2 =	sne.s32 s22, $0x1;
	vm1 =	vne.s32 v20, $0x1  }
.Ltmp24:
0x207: {  	vm0 =	vmand vm0, vm1;
	v22, v23, _ =	vpop (xrf1);
	(pc) =	sbr.rel @!p2 .LBB2_35-.Ltmp24, $4  }
0x208: {  	v21 =	vnsel vm0, $0xFF800000, v21;
	vm15 =	vgt.f32 v22, v18  }
0x209: {  	s21 =	sadd.s32 $0x10, s21;
	(xrf1) =	vsort.dscd.msk.f32 $0xffff, v21, v20;
	v20 =	vsel vm15, v22, v18;
	v21 =	vsel vm15, v23, v17  }
0x20a: {  	s23 =	sand.u32 $0xFFFFFFF0, s21;
	(xrf1) =	vsort.ascd.msk.f32 $0xffff, v20, v21  }
0x20b: {  	s22 =	sadd.s32 $0xFFFFFFFF, s22;
	p1 =	por $0x1, $0x1;
	v20 =	vld [tilespmem:s23+$0x18B00]  }
.LBB2_34:
0x20c: {  	p2 =	sne.s32 s22, $0x1;
	_ =	sdelay $0x6  }
0x20d: {  	v21 =	vld.idx.msk [tilespmem:v20+s3+$0x0], $0xffff;
	_ =	sdelay $0x3  }
0x20e: {  	vm0 =	vgt.s32 v14, s21;
	vm1 =	vne.s32 v20, $0x1;
	v22, v23, _ =	vpop (xrf1)  }
.Ltmp25:
0x20f: {  	vm0 =	vmand vm0, vm1;
	v24, v25, _ =	vpop (xrf1);
	(pc) =	sbr.rel @p2 .LBB2_34-.Ltmp25, $4  }
0x210: {  	v21 =	vnsel vm0, $0xFF800000, v21;
	vm0 =	vgt.f32 v22, v24  }
0x211: {  	s21 =	sadd.s32 $0x10, s21;
	(xrf1) =	vsort.dscd.msk.f32 $0xffff, v21, v20;
	v20 =	vsel vm0, v22, v24;
	v21 =	vsel vm0, v23, v25  }
0x212: {  	s23 =	sand.u32 $0xFFFFFFF0, s21;
	(xrf1) =	vsort.ascd.msk.f32 $0xffff, v20, v21  }
0x213: {  	s22 =	sadd.s32 $0xFFFFFFFF, s22;
	v20 =	vld [tilespmem:s23+$0x18B00]  }
.LBB2_35:
0x214: {  	_ =	sdelay $0x8  }
0x215: {  	v21 =	vld.idx.msk [tilespmem:v20+s3+$0x0], $0xffff;
	_ =	sdelay $0x1  }
0x216: {  	v22, v23, _ =	vpop @p0 (xrf1)  }
0x217: {  	vm0 =	vgt.s32 v14, s21;
	vm1 =	vne.s32 v20, $0x1;
	v14, v24, _ =	vpop @p1 (xrf1)  }
0x218: {  	vm0 =	vmand vm0, vm1;
	v14 =	vpsel p1, v14, v18  }
0x219: {  	v21 =	vnsel vm0, $0xFF800000, v21;
	v24 =	vpsel p1, v24, v17;
	vm0 =	vgt.f32 @p0 v22, v14  }
0x21a: {  	(xrf1) =	vsort.dscd.msk.f32 $0xffff, v21, v20;
	v14 =	vsel @p0 vm0, v22, v14;
	v20 =	vsel @p0 vm0, v23, v24  }
0x21b: {  	(xrf1) =	vsort.ascd.msk.f32 @p0 $0xffff, v14, v20;
	_ =	sdelay $0xc  }
0x21c: {  	v14, v20, _ =	vpop (xrf1)  }
0x21d: {  	v21, v22, _ =	vpop @p0 (xrf1)  }
0x21e: {  	v18 =	vpsel p0, v21, v18  }
0x21f: {  	v17 =	vpsel p0, v22, v17;
	vm15 =	vgt.f32 v14, v18  }
0x220: {  	v14 =	vsel vm15, v14, v18;
	v17 =	vsel vm15, v20, v17  }
0x221: {  	(xrf1) =	vsort.ascd.msk.f32 $0xffff, v14, v17;
	_ =	sdelay $0xd  }
0x222: {  	v18, v17, _ =	vpop (xrf1)  }
.LBB2_36:
0x223: {  	v13 =	vadd.s32 v8, v13  }
0x224: {  	v14 =	vxor.u32 $0x80000000, v13  }
0x225: {  	(xrf0) =	vmax.scan.msk.u32 $0xffff, v14;
	_ =	sdelay $0x5  }
0x226: {  	v14, _, _ =	vpop (xrf0)  }
0x227: {  	(v2sf) =	vpush v14, $0xF;
	_ =	sdelay $0xe  }
0x228: {  	s21 =	spop (v2sf)  }
0x229: {  	s22 =	sxor.u32 $0x80000000, s21  }
0x22a: {  	p1 =	sgt.s32 s21, $0xFFFFFFFF;
	s21 =	sand.u32 $0xF, s21;
	p0 =	slt.s32 s22, $0x1  }
0x22b: {  	s23 =	sshra.s32 s22, $0x1F;
	p6 =	sne.s32 s21, $0x0;
	p0 =	por p1, p0  }
0x22c: {  	s31 =	sshrl.u32 s23, $0x1C;
	p0 =	por !p6, !p0  }
0x22d: {  	s21 =	sadd.s32 s31, s22;
	s22 =	simm.s32 $0x1;
	p0 =	por !p0, !p0  }
0x22e: {  	s21 =	sshra.s32 s21, $0x4;
	s22 =	simm.s32 @!p0 $0x0  }
0x22f: {  	s22 =	ssub.s32 s21, s22  }
0x230: {  	p0 =	slt.s32 s22, $0x1  }
.Ltmp26:
0x231: {  	_ = 	snop;
	(pc) =	sbr.rel @p0 .LBB2_44-.Ltmp26, $2  }
0x232: {  	_ =	sdelay $0x2  }
0x233: {  	s21 =	simm.s32 $0x0  }
0x234: {  	p2 =	sne.s32 s22, $0x1  }
.Ltmp27:
0x235: {  	_ = 	snop;
	(pc) =	sbr.rel @!p2 .LBB2_38-.Ltmp27, $3  }
0x236: {  	_ =	sdelay $0x1  }
0x237: {  	s23 =	sand.u32 $0xFFFFFFF0, s21  }
0x238: {  	s22 =	sadd.s32 $0xFFFFFFFF, s22;
	p0 =	por $0x0, $0x0;
	p1 =	por $0x0, $0x0;
	v14 =	vld [tilespmem:s23+$0x18D00]  }
0x239: {  	_ =	sdelay $0x7  }
0x23a: {  	v20 =	vld.idx.msk [tilespmem:v14+s3+$0x0], $0xffff  }
0x23b: {  	p2 =	sne.s32 s22, $0x1  }
.Ltmp28:
0x23c: {  	_ = 	snop;
	(pc) =	sbr.rel @!p2 .LBB2_40-.Ltmp28, $4  }
0x23d: {  	vm0 =	vgt.s32 v13, s21;
	vm1 =	vne.s32 v14, $0x1  }
0x23e: {  	s21 =	sadd.s32 $0x10, s21;
	vm0 =	vmand vm0, vm1  }
0x23f: {  	s23 =	sand.u32 $0xFFFFFFF0, s21;
	v20 =	vnsel vm0, $0xFF800000, v20  }
0x240: {  	s22 =	sadd.s32 $0xFFFFFFFF, s22;
	p0 =	por $0x1, $0x1;
	(xrf1) =	vsort.dscd.msk.f32 $0xffff, v20, v14;
	v14 =	vld [tilespmem:s23+$0x18D00]  }
0x241: {  	_ =	sdelay $0x8  }
0x242: {  	v20 =	vld.idx.msk [tilespmem:v14+s3+$0x0], $0xffff;
	_ =	sdelay $0x2  }
0x243: {  	vm0 =	vgt.s32 v13, s21;
	p2 =	sne.s32 s22, $0x1;
	vm1 =	vne.s32 v14, $0x1  }
.Ltmp29:
0x244: {  	vm0 =	vmand vm0, vm1;
	v21, v22, _ =	vpop (xrf1);
	(pc) =	sbr.rel @!p2 .LBB2_43-.Ltmp29, $4  }
0x245: {  	v20 =	vnsel vm0, $0xFF800000, v20;
	vm15 =	vgt.f32 v21, v18  }
0x246: {  	s21 =	sadd.s32 $0x10, s21;
	(xrf1) =	vsort.dscd.msk.f32 $0xffff, v20, v14;
	v14 =	vsel vm15, v21, v18;
	v20 =	vsel vm15, v22, v17  }
0x247: {  	s23 =	sand.u32 $0xFFFFFFF0, s21;
	(xrf1) =	vsort.ascd.msk.f32 $0xffff, v14, v20  }
0x248: {  	s22 =	sadd.s32 $0xFFFFFFFF, s22;
	p1 =	por $0x1, $0x1;
	v14 =	vld [tilespmem:s23+$0x18D00]  }
.LBB2_42:
0x249: {  	p2 =	sne.s32 s22, $0x1;
	_ =	sdelay $0x6  }
0x24a: {  	v20 =	vld.idx.msk [tilespmem:v14+s3+$0x0], $0xffff;
	_ =	sdelay $0x3  }
0x24b: {  	vm0 =	vgt.s32 v13, s21;
	vm1 =	vne.s32 v14, $0x1;
	v21, v22, _ =	vpop (xrf1)  }
.Ltmp30:
0x24c: {  	vm0 =	vmand vm0, vm1;
	v23, v24, _ =	vpop (xrf1);
	(pc) =	sbr.rel @p2 .LBB2_42-.Ltmp30, $4  }
0x24d: {  	v20 =	vnsel vm0, $0xFF800000, v20;
	vm0 =	vgt.f32 v21, v23  }
0x24e: {  	s21 =	sadd.s32 $0x10, s21;
	(xrf1) =	vsort.dscd.msk.f32 $0xffff, v20, v14;
	v14 =	vsel vm0, v21, v23;
	v20 =	vsel vm0, v22, v24  }
0x24f: {  	s23 =	sand.u32 $0xFFFFFFF0, s21;
	(xrf1) =	vsort.ascd.msk.f32 $0xffff, v14, v20  }
0x250: {  	s22 =	sadd.s32 $0xFFFFFFFF, s22;
	v14 =	vld [tilespmem:s23+$0x18D00]  }
.LBB2_43:
0x251: {  	_ =	sdelay $0x8  }
0x252: {  	v20 =	vld.idx.msk [tilespmem:v14+s3+$0x0], $0xffff;
	_ =	sdelay $0x1  }
0x253: {  	v21, v22, _ =	vpop @p0 (xrf1)  }
0x254: {  	vm0 =	vgt.s32 v13, s21;
	vm1 =	vne.s32 v14, $0x1;
	v13, v23, _ =	vpop @p1 (xrf1)  }
0x255: {  	vm0 =	vmand vm0, vm1;
	v13 =	vpsel p1, v13, v18  }
0x256: {  	v20 =	vnsel vm0, $0xFF800000, v20;
	v23 =	vpsel p1, v23, v17;
	vm0 =	vgt.f32 @p0 v21, v13  }
0x257: {  	(xrf1) =	vsort.dscd.msk.f32 $0xffff, v20, v14;
	v13 =	vsel @p0 vm0, v21, v13;
	v14 =	vsel @p0 vm0, v22, v23  }
0x258: {  	(xrf1) =	vsort.ascd.msk.f32 @p0 $0xffff, v13, v14;
	_ =	sdelay $0xc  }
0x259: {  	v13, v14, _ =	vpop (xrf1)  }
0x25a: {  	v20, v21, _ =	vpop @p0 (xrf1)  }
0x25b: {  	v18 =	vpsel p0, v20, v18  }
0x25c: {  	v17 =	vpsel p0, v21, v17;
	vm15 =	vgt.f32 v13, v18  }
0x25d: {  	v13 =	vsel vm15, v13, v18;
	v14 =	vsel vm15, v14, v17  }
0x25e: {  	(xrf1) =	vsort.ascd.msk.f32 $0xffff, v13, v14;
	_ =	sdelay $0xd  }
0x25f: {  	v18, v17, _ =	vpop (xrf1)  }
.LBB2_44:
0x260: {  	v13 =	vadd.s32 v8, v19  }
0x261: {  	v14 =	vxor.u32 $0x80000000, v13  }
0x262: {  	(xrf0) =	vmax.scan.msk.u32 $0xffff, v14;
	_ =	sdelay $0x5  }
0x263: {  	v14, _, _ =	vpop (xrf0)  }
0x264: {  	(v2sf) =	vpush v14, $0xF;
	_ =	sdelay $0xe  }
0x265: {  	s21 =	spop (v2sf)  }
0x266: {  	s22 =	sxor.u32 $0x80000000, s21  }
0x267: {  	p1 =	sgt.s32 s21, $0xFFFFFFFF;
	s21 =	sand.u32 $0xF, s21;
	p0 =	slt.s32 s22, $0x1  }
0x268: {  	s23 =	sshra.s32 s22, $0x1F;
	p6 =	sne.s32 s21, $0x0;
	p0 =	por p1, p0  }
0x269: {  	s31 =	sshrl.u32 s23, $0x1C;
	p0 =	por !p6, !p0  }
0x26a: {  	s21 =	sadd.s32 s31, s22;
	s22 =	simm.s32 $0x1;
	p0 =	por !p0, !p0  }
0x26b: {  	s21 =	sshra.s32 s21, $0x4;
	s22 =	simm.s32 @!p0 $0x0  }
0x26c: {  	s22 =	ssub.s32 s21, s22  }
0x26d: {  	p0 =	slt.s32 s22, $0x1  }
.Ltmp31:
0x26e: {  	_ = 	snop;
	(pc) =	sbr.rel @p0 .LBB2_52-.Ltmp31, $2  }
0x26f: {  	_ =	sdelay $0x2  }
0x270: {  	s21 =	simm.s32 $0x0  }
0x271: {  	p2 =	sne.s32 s22, $0x1  }
.Ltmp32:
0x272: {  	_ = 	snop;
	(pc) =	sbr.rel @!p2 .LBB2_46-.Ltmp32, $3  }
0x273: {  	_ =	sdelay $0x1  }
0x274: {  	s23 =	sand.u32 $0xFFFFFFF0, s21  }
0x275: {  	s22 =	sadd.s32 $0xFFFFFFFF, s22;
	p0 =	por $0x0, $0x0;
	p1 =	por $0x0, $0x0;
	v14 =	vld [tilespmem:s23+$0x18F00]  }
0x276: {  	_ =	sdelay $0x7  }
0x277: {  	v19 =	vld.idx.msk [tilespmem:v14+s3+$0x0], $0xffff  }
0x278: {  	p2 =	sne.s32 s22, $0x1  }
.Ltmp33:
0x279: {  	_ = 	snop;
	(pc) =	sbr.rel @!p2 .LBB2_48-.Ltmp33, $4  }
0x27a: {  	vm0 =	vgt.s32 v13, s21;
	vm1 =	vne.s32 v14, $0x1  }
0x27b: {  	s21 =	sadd.s32 $0x10, s21;
	vm0 =	vmand vm0, vm1  }
0x27c: {  	s23 =	sand.u32 $0xFFFFFFF0, s21;
	v19 =	vnsel vm0, $0xFF800000, v19  }
0x27d: {  	s22 =	sadd.s32 $0xFFFFFFFF, s22;
	p0 =	por $0x1, $0x1;
	(xrf1) =	vsort.dscd.msk.f32 $0xffff, v19, v14;
	v14 =	vld [tilespmem:s23+$0x18F00]  }
0x27e: {  	_ =	sdelay $0x8  }
0x27f: {  	v19 =	vld.idx.msk [tilespmem:v14+s3+$0x0], $0xffff;
	_ =	sdelay $0x2  }
0x280: {  	vm0 =	vgt.s32 v13, s21;
	p2 =	sne.s32 s22, $0x1;
	vm1 =	vne.s32 v14, $0x1  }
.Ltmp34:
0x281: {  	vm0 =	vmand vm0, vm1;
	v20, v21, _ =	vpop (xrf1);
	(pc) =	sbr.rel @!p2 .LBB2_51-.Ltmp34, $4  }
0x282: {  	v19 =	vnsel vm0, $0xFF800000, v19;
	vm15 =	vgt.f32 v20, v18  }
0x283: {  	s21 =	sadd.s32 $0x10, s21;
	(xrf1) =	vsort.dscd.msk.f32 $0xffff, v19, v14;
	v14 =	vsel vm15, v20, v18;
	v19 =	vsel vm15, v21, v17  }
0x284: {  	s23 =	sand.u32 $0xFFFFFFF0, s21;
	(xrf1) =	vsort.ascd.msk.f32 $0xffff, v14, v19  }
0x285: {  	s22 =	sadd.s32 $0xFFFFFFFF, s22;
	p1 =	por $0x1, $0x1;
	v14 =	vld [tilespmem:s23+$0x18F00]  }
.LBB2_50:
0x286: {  	p2 =	sne.s32 s22, $0x1;
	_ =	sdelay $0x6  }
0x287: {  	v19 =	vld.idx.msk [tilespmem:v14+s3+$0x0], $0xffff;
	_ =	sdelay $0x3  }
0x288: {  	vm0 =	vgt.s32 v13, s21;
	vm1 =	vne.s32 v14, $0x1;
	v20, v21, _ =	vpop (xrf1)  }
.Ltmp35:
0x289: {  	vm0 =	vmand vm0, vm1;
	v22, v23, _ =	vpop (xrf1);
	(pc) =	sbr.rel @p2 .LBB2_50-.Ltmp35, $4  }
0x28a: {  	v19 =	vnsel vm0, $0xFF800000, v19;
	vm0 =	vgt.f32 v20, v22  }
0x28b: {  	s21 =	sadd.s32 $0x10, s21;
	(xrf1) =	vsort.dscd.msk.f32 $0xffff, v19, v14;
	v14 =	vsel vm0, v20, v22;
	v19 =	vsel vm0, v21, v23  }
0x28c: {  	s23 =	sand.u32 $0xFFFFFFF0, s21;
	(xrf1) =	vsort.ascd.msk.f32 $0xffff, v14, v19  }
0x28d: {  	s22 =	sadd.s32 $0xFFFFFFFF, s22;
	v14 =	vld [tilespmem:s23+$0x18F00]  }
.LBB2_51:
0x28e: {  	_ =	sdelay $0x8  }
0x28f: {  	v19 =	vld.idx.msk [tilespmem:v14+s3+$0x0], $0xffff;
	_ =	sdelay $0x1  }
0x290: {  	v20, v21, _ =	vpop @p0 (xrf1)  }
0x291: {  	vm0 =	vgt.s32 v13, s21;
	vm1 =	vne.s32 v14, $0x1;
	v13, v22, _ =	vpop @p1 (xrf1)  }
0x292: {  	vm0 =	vmand vm0, vm1;
	v13 =	vpsel p1, v13, v18  }
0x293: {  	v19 =	vnsel vm0, $0xFF800000, v19;
	v22 =	vpsel p1, v22, v17;
	vm0 =	vgt.f32 @p0 v20, v13  }
0x294: {  	(xrf1) =	vsort.dscd.msk.f32 $0xffff, v19, v14;
	v13 =	vsel @p0 vm0, v20, v13;
	v14 =	vsel @p0 vm0, v21, v22  }
0x295: {  	(xrf1) =	vsort.ascd.msk.f32 @p0 $0xffff, v13, v14;
	_ =	sdelay $0xc  }
0x296: {  	v13, v14, _ =	vpop (xrf1)  }
0x297: {  	v19, v20, _ =	vpop @p0 (xrf1)  }
0x298: {  	v18 =	vpsel p0, v19, v18  }
0x299: {  	v17 =	vpsel p0, v20, v17;
	vm15 =	vgt.f32 v13, v18  }
0x29a: {  	v13 =	vsel vm15, v13, v18;
	v14 =	vsel vm15, v14, v17  }
0x29b: {  	(xrf1) =	vsort.ascd.msk.f32 $0xffff, v13, v14;
	_ =	sdelay $0xd  }
0x29c: {  	v18, v17, _ =	vpop (xrf1)  }
.LBB2_52:
0x29d: {  	v12 =	vadd.f32 v12, v16;
	v10 =	vadd.f32 v10, v11;
	_ =	sdelay $0x1  }
0x29e: {  	v10 =	vadd.f32 v10, v12  }
0x29f: {  	[tilespmem:$0x19100] =	vst v9  }
0x2a0: {  	[tilespmem:$0x19200] =	vst v18;
	v10 =	vadd.f32 v10, v15  }
0x2a1: {  	s21 =	sshll.u32 s20, $0x6;
	[tilespmem:$0x19300] =	vst v17  }
0x2a2: {  	s28 =	sshll.u32 s19, $0x5;
	s21 =	sadd.s32 s5, s21;
	[tilespmem:$0x19180] =	vst v10  }
0x2a3: {  	[hbm4b:s21+s3] =	stream.linear.scatter [tilespmem:s14], [sflag:$0x3], $0x180, $0x38;
	[tilespmem:$0x19380] =	vst v63  }
0x2a4: {  	s22 =	sshll.u32 s20, $0x4;
	s23 =	sand.u32 $0x60, s28;
	_ =	swait.ge [sflag:s15], $0x180  }
0x2a5: {  	s29 =	sadd.s32 s6, s23;
	s21 =	sand.u32 $0x3F80, s22;
	[sflag:s15] =	ssyncset.done $0x0  }
0x2a6: {  	p0 =	seq.s32 s19, $0xF;
	s22 =	sadd.s32 s21, s29;
	[sflag:s15] =	ssyncadd.s32 $0xFFFFFE80  }
0x2a7: {  	[hbm4b:s22+s3] =	stream.linear.scatter [tilespmem:s16], [sflag:$0x3], $0x80, $0x38;
	[tilespmem:$0x19380] =	vst v63  }
0x2a8: {  	s22 =	sadd.s32 @!p0 $0x2, s20  }
0x2a9: {  	s23 =	sshrl.u32 @!p0 s22, $0x4  }
0x2aa: {  	s22 =	sshll.u32 @!p0 s22, $0x6;
	s23 =	smul.u32 @!p0 $0xC3800, s23  }
0x2ab: {  	s22 =	sand.u32 @!p0 $0x380, s22  }
0x2ac: {  	s24 =	simm.s32 @!p0 $0x400;
	_ =	swait.ge [sflag:s15], $0x80;
	s22 =	sor.u32 @!p0 s22, s23  }
0x2ad: {  	s25 =	simm.s32 @!p0 $0x0;
	[sflag:s15] =	ssyncset.done $0x0;
	s22 =	sshrl.u32 @!p0 s22, $0x3  }
0x2ae: {  	[sflag:s15] =	ssyncadd.s32 $0xFFFFFF80;
	s23 =	simm.s32 @!p0 $0x80;
	s22 =	sadd.s32 @!p0 s2, s22  }
0x2af: {  	[tilespmem:s25], [sflag:$0x1] =	stream.strided.gather @!p0 [hbm4b:s22+s23], $0xBB80, s24, s23, $0x38;
	[tilespmem:$0x19380] =	vst v63  }
0x2b0: {  	_ =	swait.ge [sflag:s17], $0xCB80  }
0x2b1: {  	[sflag:s17] =	ssyncset.done $0x0  }
0x2b2: {  	s30 =	simm.s32 $0xBC40;
	[sflag:s17] =	ssyncadd.s32 $0xFFFF3480  }
0x2b3: {  	v12 =	vld [tilespmem:s30+$0x80]  }
0x2b4: {  	v13 =	vld [tilespmem:s30+$0x90]  }
0x2b5: {  	v14 =	vld [tilespmem:s30+$0xA0]  }
0x2b6: {  	v16 =	vld [tilespmem:s30+$0xB0]  }
0x2b7: {  	v9 =	vld [tilespmem:s30+$0xFFFFFFD0]  }
0x2b8: {  	v10 =	vld [tilespmem:s30+$0x30]  }
0x2b9: {  	v18 =	vld [tilespmem:s30+$0x50]  }
0x2ba: {  	v19 =	vld [tilespmem:s30+$0x60]  }
0x2bb: {  	v20 =	vld [tilespmem:s30+$0xFFFFFFE0]  }
0x2bc: {  	v21 =	vld [tilespmem:s30+$0xFFFFFFF0]  }
0x2bd: {  	v22 =	vld [tilespmem:s30+$0x0]  }
0x2be: {  	v23 =	vld [tilespmem:s30+$0x10]  }
0x2bf: {  	v24 =	vld [tilespmem:s30+$0xFFFFFF90]  }
0x2c0: {  	v25 =	vld [tilespmem:s30+$0xFFFFFFA0]  }
0x2c1: {  	v26 =	vld [tilespmem:s30+$0xFFFFFF40]  }
0x2c2: {  	v27 =	vld [tilespmem:s30+$0xFFFFFF50]  }
0x2c3: {  	v28 =	vld [tilespmem:s30+$0xFFFFFF60]  }
0x2c4: {  	s22 =	simm.s32 $0x0;
	v29 =	vld [tilespmem:s30+$0xFFFFFF70]  }
0x2c5: {  	s31 =	sand.u32 $0x7FF0, s22;
	v30 =	vld [tilespmem:s30+$0xFFFFFFB0]  }
0x2c6: {  	v31 =	vld [tilespmem:s31+$0xBC00]  }
0x2c7: {  	v11 =	vimm.f32 $-Inf;
	v17 =	vld [tilespmem:s30+$0xFFFFFF80]  }
0x2c8: {  	v15 =	vld [tilespmem:s31+$0xBC80];
	v12 =	vmax.f32 v12, v13;
	v13 =	vmax.f32 v14, v16;
	v14 =	vmax.f32 v20, v21  }
0x2c9: {  	v16 =	vld [tilespmem:s30+$0x20];
	v20 =	vmax.f32 v22, v23;
	v21 =	vmax.f32 v26, v27;
	v23 =	vmax.f32 v28, v29  }
0x2ca: {  	v18 =	vmax.f32 v18, v19;
	v22 =	vmax.f32 v24, v25;
	v19 =	vld [tilespmem:s30+$0x70];
	v24 =	vmax.f32 v21, v23  }
0x2cb: {  	s20 =	sor.u32 $0x1, s20;
	s23 =	simm.s32 $0xBDD0;
	v23 =	vmax.f32 v30, v31;
	v21 =	vmax.f32 v14, v20;
	v20 =	vld [tilespmem:s31+$0xBD00];
	v14 =	vimm.f32 $-Inf  }
.LBB2_53:
0x2cc: {  	v25 =	vld [tilespmem:s23+$0x80];
	v11 =	vmax.f32 v11, v24;
	v14 =	vmax.f32 v14, v17;
	v17 =	vmax.f32 v22, v23  }
0x2cd: {  	v22 =	vld [tilespmem:s23+$0x90];
	v11 =	vmax.f32 v11, v17;
	v9 =	vmax.f32 v14, v9;
	v10 =	vmax.f32 v10, v15  }
0x2ce: {  	v23 =	vld [tilespmem:s23+$0xA0];
	v11 =	vmax.f32 v11, v21;
	v9 =	vmax.f32 v9, v16;
	v10 =	vmax.f32 v10, v18  }
0x2cf: {  	v16 =	vld [tilespmem:s23+$0xB0];
	v10 =	vmax.f32 v11, v10;
	v14 =	vmax.f32 v9, v19;
	v11 =	vmax.f32 v12, v13  }
0x2d0: {  	v9 =	vld [tilespmem:s23+$0xFFFFFFD0];
	v11 =	vmax.f32 v10, v11;
	v14 =	vmax.f32 v14, v20  }
0x2d1: {  	v10 =	vld [tilespmem:s23+$0x30]  }
0x2d2: {  	v18 =	vld [tilespmem:s23+$0x50]  }
0x2d3: {  	v19 =	vld [tilespmem:s23+$0x60]  }
0x2d4: {  	v20 =	vld [tilespmem:s23+$0xFFFFFFE0]  }
0x2d5: {  	v21 =	vld [tilespmem:s23+$0xFFFFFFF0]  }
0x2d6: {  	v24 =	vld [tilespmem:s23+$0x0]  }
0x2d7: {  	v26 =	vld [tilespmem:s23+$0x10]  }
0x2d8: {  	v27 =	vld [tilespmem:s23+$0xFFFFFF90]  }
0x2d9: {  	v28 =	vld [tilespmem:s23+$0xFFFFFFA0]  }
0x2da: {  	v29 =	vld [tilespmem:s23+$0xFFFFFFB0]  }
0x2db: {  	v30 =	vld [tilespmem:s23+$0xFFFFFF40]  }
0x2dc: {  	v31 =	vld [tilespmem:s23+$0xFFFFFF50]  }
0x2dd: {  	s22 =	sadd.s32 $0x190, s22;
	v32 =	vld [tilespmem:s23+$0xFFFFFF60]  }
0x2de: {  	s24 =	sand.u32 $0x7FF0, s22;
	p0 =	slt.u32 s22, $0x6400;
	v33 =	vld [tilespmem:s23+$0xFFFFFF70]  }
0x2df: {  	v34 =	vld [tilespmem:s24+$0xBC00]  }
.Ltmp36:
0x2e0: {  	v17 =	vld [tilespmem:s23+$0xFFFFFF80];
	(pc) =	sbr.rel @p0 .LBB2_53-.Ltmp36, $4  }
0x2e1: {  	v12 =	vmax.f32 v25, v22;
	v13 =	vmax.f32 v23, v16;
	v15 =	vld [tilespmem:s24+$0xBC80]  }
0x2e2: {  	v18 =	vmax.f32 v18, v19;
	v20 =	vmax.f32 v20, v21;
	v21 =	vmax.f32 v24, v26;
	v16 =	vld [tilespmem:s23+$0x20]  }
0x2e3: {  	v22 =	vmax.f32 v27, v28;
	v23 =	vmax.f32 v30, v31;
	v24 =	vmax.f32 v32, v33;
	v19 =	vld [tilespmem:s23+$0x70]  }
0x2e4: {  	v21 =	vmax.f32 v20, v21;
	s23 =	sadd.s32 $0x190, s23;
	v24 =	vmax.f32 v23, v24;
	v23 =	vmax.f32 v29, v34;
	v20 =	vld [tilespmem:s24+$0xBD00]  }
0x2e5: {  	v11 =	vmax.f32 v11, v24;
	v14 =	vmax.f32 v14, v17;
	v17 =	vmax.f32 v22, v23  }
0x2e6: {  	v11 =	vmax.f32 v11, v17;
	v9 =	vmax.f32 v14, v9;
	v10 =	vmax.f32 v10, v15  }
0x2e7: {  	v11 =	vmax.f32 v11, v21;
	v9 =	vmax.f32 v9, v16;
	v10 =	vmax.f32 v10, v18  }
0x2e8: {  	v10 =	vmax.f32 v11, v10;
	v9 =	vmax.f32 v9, v19;
	v11 =	vmax.f32 v12, v13  }
0x2e9: {  	v10 =	vmax.f32 v10, v11;
	v9 =	vmax.f32 v9, v20  }
0x2ea: {  	v9 =	vmax.f32 v10, v9  }
0x2eb: {  	v10 =	vperm.xlane v9, v0;
	_ =	sdelay $0x1  }
0x2ec: {  	v10 =	vmin.f32 v9, v10  }
0x2ed: {  	s23 =	simm.s32 $0xBC40;
	v11 =	vperm.xlane v10, v1  }
0x2ee: {  	v19 =	vld [tilespmem:s23+$0xFFFFFFE0]  }
0x2ef: {  	v10 =	vmin.f32 v10, v11  }
0x2f0: {  	s22 =	simm.s32 $0x130;
	v11 =	vperm.xlane v10, v3  }
0x2f1: {  	s29 =	simm.s32 $0x170;
	s31 =	simm.s32 $0xC0;
	v17 =	vimm.f32 $0.0e+00;
	v15 =	vor.u32 s22, v5;
	v18 =	vld [tilespmem:s23+$0xFFFFFF40]  }
0x2f2: {  	v29 =	vor.u32 s31, v5;
	v21 =	vld [tilespmem:s23+$0xFFFFFF90];
	v12 =	vor.u32 s29, v5;
	s29 =	simm.s32 $0x30;
	v10 =	vmin.f32 v10, v11  }
0x2f3: {  	s28 =	simm.s32 $0x120;
	s31 =	simm.s32 $0x10;
	v27 =	vor.u32 s29, v5;
	s29 =	simm.s32 $0x110;
	v28 =	vsub.f32 v19, v9;
	v11 =	vperm.xlane v10, v4  }
0x2f4: {  	v51 =	vor.u32 s31, v5;
	v13 =	vor.u32 s28, v5;
	v20 =	vld [tilespmem:s23+$0x30];
	v38 =	vor.u32 s29, v5  }
0x2f5: {  	s24 =	simm.s32 $0x40;
	v28 =	vmul.f32 $1.442695020e+00, v28;
	v16 =	vmin.f32 v10, v11;
	v11 =	vlaneseq.u32  }
0x2f6: {  	v10 =	vor.u32 s24, v5;
	vm0 =	vge.f32 v18, v16;
	v14 =	vand.u32 $0x1FF, v11  }
0x2f7: {  	s24 =	simm.s32 $0x0;
	vm2 =	vge.f32 v21, v16;
	v18 =	vsub.f32 v18, v9;
	v22 =	vsel vm0, $0x10, v2  }
0x2f8: {  	vm3 =	vge.f32 v19, v16;
	v25 =	vor.u32 s24, v5;
	v22 =	vadd.s32 v11, v22  }
0x2f9: {  	vm1 =	vge.f32 v20, v16;
	v19 =	vld [tilespmem:s23+$0x80];
	v20 =	vsub.f32 v20, v9;
	v23 =	vand.u32 $0x1FF, v22  }
0x2fa: {  	v21 =	vsub.f32 v21, v9;
	v24 =	vsel vm2, $0x10, v2;
	v26 =	vsel vm3, $0x10, v2  }
0x2fb: {  	v49 =	vor.u32 $0x200, v14;
	v31 =	vmul.f32 $1.442695020e+00, v18;
	v22 =	vadd.s32 v22, v24  }
0x2fc: {  	s30 =	simm.s32 $0x50;
	v56 =	vor.u32 $0x400, v14;
	v24 =	vsel vm1, $0x10, v2;
	[tilespmem:v14+s13+$0x0] =	vst.idx.msk vm0, v25;
	v25 =	vand.u32 $0x1FF, v22  }
0x2fd: {  	(erf) = vpow2.f32 v31;
	v22 =	vadd.s32 v22, v26;
	v26 =	vor.u32 s30, v5;
	v30 =	vld [tilespmem:s23+$0xFFFFFF50]  }
0x2fe: {  	s22 =	simm.s32 $0x80;
	vm0 =	vge.f32 v19, v16;
	v19 =	vsub.f32 v19, v9;
	v32 =	vand.u32 $0x1FF, v22;
	[tilespmem:v23+s13+$0x0] =	vst.idx.msk vm2, v26  }
0x2ff: {  	s25 =	simm.s32 $0xA0;
	s26 =	simm.s32 $0xD0;
	s30 =	simm.s32 $0x100;
	v18 =	vadd.s32 v22, v24;
	v22 =	vmul.f32 $1.442695020e+00, v21;
	v24 =	vor.u32 s22, v5;
	v33 =	vld [tilespmem:s23+$0xFFFFFFA0]  }
0x300: {  	s24 =	sand.u32 $0x70, s24;
	v36 =	vor.u32 s30, v5;
	v26 =	vor.u32 s25, v5;
	v23 =	vor.u32 s26, v5;
	s26 =	sand.u32 $0x1FF80, s30;
	s30 =	simm.s32 $0x140  }
0x301: {  	s1 =	simm.s32 $0xF0;
	v21 =	vand.u32 $0x1FF, v18;
	v19 =	vmul.f32 $1.442695020e+00, v19;
	s25 =	sor.u32 s24, s26;
	v50 =	vor.u32 s30, v5;
	s26 =	simm.s32 $0xB0;
	[tilespmem:v25+s13+$0x0] =	vst.idx.msk vm3, v26  }
0x302: {  	s28 =	simm.s32 $0x160;
	v42 =	vor.u32 s26, v5;
	v25 =	vor.u32 s1, v5;
	vm2 =	vge.f32 v30, v16;
	v34 =	vld [tilespmem:s23+$0xFFFFFFF0]  }
0x303: {  	v26 =	vor.u32 s28, v5;
	s1 =	simm.s32 $0x60;
	v30 =	vsub.f32 v30, v9;
	v35 =	vsel vm2, $0x10, v2  }
0x304: {  	s28 =	simm.s32 $0x70;
	[tilespmem:v32+s13+$0x0] =	vst.idx.msk vm1, v25;
	v31 =	vor.u32 s1, v5;
	v35 =	vadd.s32 v11, v35;
	vm1 =	vge.f32 v33, v16  }
0x305: {  	v55 =	vor.u32 s28, v5;
	v25 =	vld [tilespmem:s25+$0xBB80];
	v37 =	vand.u32 $0x1FF, v35;
	v39 =	vsel vm1, $0x10, v2  }
0x306: {  	[tilespmem:v21+s13+$0x0] =	vst.idx.msk vm0, v50;
	v30 =	vmul.f32 $1.442695020e+00, v30;
	v37 =	vor.u32 $0x200, v37;
	v35 =	vadd.s32 v35, v39  }
0x307: {  	v52 =	vld [tilespmem:s23+$0x90];
	v33 =	vsub.f32 v33, v9;
	vm3 =	vge.f32 v34, v16;
	v40 =	vand.u32 $0x1FF, v35  }
0x308: {  	v21 =	vor.u32 $0x800, v14;
	v41 =	vsel vm3, $0x10, v2;
	v40 =	vor.u32 $0x200, v40;
	[tilespmem:v49+s13+$0x0] =	vst.idx.msk vm2, v51  }
0x309: {  	(erf) = vpow2.f32 v30;
	v33 =	vmul.f32 $1.442695020e+00, v33;
	v35 =	vadd.s32 v35, v41;
	v39 =	vld [tilespmem:s23+$0xFFFFFF60]  }
0x30a: {  	(erf) = vpow2.f32 v28;
	vm2 =	vge.f32 v25, v16;
	v53 =	vand.u32 $0x1FF, v35  }
0x30b: {  	v25 =	vsub.f32 v25, v9;
	v54 =	vsel vm2, $0x10, v2;
	v32 =	vor.u32 $0x200, v53;
	[tilespmem:v37+s13+$0x0] =	vst.idx.msk vm1, v31  }
0x30c: {  	v61 =	vsub.f32 v52, v9;
	v31 =	vsub.f32 v34, v9;
	v34 =	vadd.s32 v35, v54;
	v37 =	vld [tilespmem:s23+$0xFFFFFFB0]  }
0x30d: {  	v25 =	vmul.f32 $1.442695020e+00, v25;
	vm1 =	vge.f32 v52, v16;
	v30 =	vand.u32 $0x1FF, v34;
	[tilespmem:v40+s13+$0x0] =	vst.idx.msk vm3, v42  }
0x30e: {  	s29 =	simm.s32 $0x150;
	v30 =	vor.u32 $0x200, v30;
	v28 =	vmul.f32 $1.442695020e+00, v31;
	v42 =	vld [tilespmem:s23+$0x0];
	vm4 =	vge.f32 v39, v16  }
0x30f: {  	s30 =	simm.s32 $0x20;
	v52 =	vor.u32 $0x600, v14;
	v31 =	vor.u32 s29, v5;
	v57 =	vsel vm4, $0x10, v2  }
0x310: {  	(erf) = vpow2.f32 v28;
	v28 =	vor.u32 s30, v5;
	[tilespmem:v32+s13+$0x0] =	vst.idx.msk vm2, v36;
	v32 =	vadd.s32 v11, v57  }
0x311: {  	v36 =	vld [tilespmem:s23+$0x50];
	vm2 =	vge.f32 v37, v16;
	v37 =	vsub.f32 v37, v9;
	v43 =	vand.u32 $0x1FF, v32  }
0x312: {  	(erf) = vpow2.f32 v33;
	v43 =	vor.u32 $0x400, v43;
	v44 =	vsel vm2, $0x10, v2  }
0x313: {  	[tilespmem:v30+s13+$0x0] =	vst.idx.msk vm1, v31;
	v30 =	vsub.f32 v39, v9;
	vm3 =	vge.f32 v42, v16;
	v31 =	vmul.f32 $1.442695020e+00, v37  }
0x314: {  	v59 =	vld [tilespmem:s23+$0xA0];
	v32 =	vadd.s32 v32, v44;
	v58 =	vsel vm3, $0x10, v2;
	[tilespmem:v56+s13+$0x0] =	vst.idx.msk vm4, v28;
	v28 =	vsub.f32 v42, v9  }
0x315: {  	v41 =	vpop (erf);
	v60 =	vld [tilespmem:s23+$0xFFFFFF70];
	(erf) = vpow2.f32 v31;
	v31 =	vadd.s32 v32, v58;
	v32 =	vand.u32 $0x1FF, v32  }
0x316: {  	s22 =	sand.u32 $0x1FF80, s22;
	v50 =	vpop (erf);
	vm5 =	vge.f32 v36, v16;
	v48 =	vand.u32 $0x1FF, v31;
	v32 =	vor.u32 $0x400, v32  }
0x317: {  	s22 =	sor.u32 s24, s22;
	v51 =	vadd.f32 v50, v17;
	v63 =	vsub.f32 v36, v9;
	[tilespmem:v43+s13+$0x0] =	vst.idx.msk vm2, v55;
	v36 =	vor.u32 $0x400, v48  }
0x318: {  	v30 =	vmul.f32 $1.442695020e+00, v30;
	v28 =	vmul.f32 $1.442695020e+00, v28;
	v62 =	vsel vm5, $0x10, v2;
	v49 =	vld [tilespmem:s22+$0xBB80]  }
0x319: {  	v55 =	vmul.f32 $1.442695020e+00, v61;
	vm4 =	vge.f32 v59, v16;
	v31 =	vadd.s32 v31, v62  }
0x31a: {  	(erf) = vpow2.f32 v28;
	v54 =	vand.u32 $0x1FF, v31;
	v14 =	vsub.f32 v60, v9  }
0x31b: {  	v39 =	vsub.f32 v59, v9;
	vm6 =	vge.f32 v60, v16;
	v58 =	vor.u32 $0x400, v54;
	[tilespmem:v32+s13+$0x0] =	vst.idx.msk vm3, v29  }
0x31c: {  	v35 =	vmul.f32 $1.442695020e+00, v63;
	v59 =	vsel vm4, $0x10, v2;
	v28 =	vpop (erf);
	[tilespmem:v36+s13+$0x0] =	vst.idx.msk vm5, v38;
	v14 =	vmul.f32 $1.442695020e+00, v14;
	v32 =	vld [tilespmem:s23+$0x10]  }
0x31d: {  	v39 =	vmul.f32 $1.442695020e+00, v39;
	v45 =	vpop (erf);
	(erf) = vpow2.f32 v30;
	v30 =	vsub.f32 v49, v9;
	v29 =	vld [tilespmem:s23+$0x60]  }
0x31e: {  	v53 =	vsel vm6, $0x10, v2;
	vm2 =	vge.f32 v49, v16;
	(erf) = vpow2.f32 v14  }
0x31f: {  	v14 =	vadd.s32 v31, v59;
	v31 =	vadd.s32 v11, v53;
	v30 =	vmul.f32 $1.442695020e+00, v30  }
0x320: {  	v60 =	vsel vm1, $0x10, v2;
	v57 =	vsel vm2, $0x10, v2;
	v62 =	vand.u32 $0x1FF, v31;
	[tilespmem:v58+s13+$0x0] =	vst.idx.msk vm4, v26  }
0x321: {  	[tilespmem:v52+s13+$0x0] =	vst.idx.msk vm6, v27;
	v27 =	vmul.f32 $1.442695020e+00, v20;
	(erf) = vpow2.f32 v30;
	vm1 =	vge.f32 v32, v16  }
0x322: {  	v56 =	vpop (erf);
	v63 =	vld [tilespmem:s23+$0xB0];
	(erf) = vpow2.f32 v35;
	v61 =	vsub.f32 v29, v9;
	vm5 =	vge.f32 v29, v16  }
0x323: {  	v30 =	vld [tilespmem:s23+$0xFFFFFF80];
	v29 =	vpop (erf);
	(erf) = vpow2.f32 v27;
	v27 =	vadd.s32 v31, v57;
	v31 =	vsel vm1, $0x10, v2  }
0x324: {  	v20 =	vadd.s32 v34, v60;
	v48 =	vand.u32 $0x1FF, v27;
	v27 =	vadd.s32 v27, v31  }
0x325: {  	v34 =	vor.u32 $0x600, v62;
	v31 =	vsel vm5, $0x10, v2;
	v49 =	vand.u32 $0x1FF, v27  }
0x326: {  	v37 =	vadd.f32 v56, v51;
	v27 =	vadd.s32 v27, v31;
	v31 =	vor.u32 $0x600, v49  }
0x327: {  	v32 =	vsub.f32 v32, v9;
	vm4 =	vge.f32 v63, v16;
	v50 =	vand.u32 $0x1FF, v27  }
0x328: {  	v26 =	vpop (erf);
	vm3 =	vge.f32 v30, v16;
	v30 =	vsub.f32 v30, v9;
	v42 =	vor.u32 $0x600, v50  }
0x329: {  	v37 =	vadd.f32 v45, v37;
	v33 =	vmul.f32 $1.442695020e+00, v61;
	v47 =	vpop (erf);
	v40 =	vor.u32 $0x600, v48  }
0x32a: {  	v32 =	vmul.f32 $1.442695020e+00, v32;
	v38 =	vadd.f32 v47, v17;
	[tilespmem:v34+s13+$0x0] =	vst.idx.msk vm2, v24;
	v30 =	vmul.f32 $1.442695020e+00, v30  }
0x32b: {  	s22 =	simm.s32 $0x180;
	v35 =	vsub.f32 v63, v9;
	(erf) = vpow2.f32 v33;
	v53 =	vld [tilespmem:s23+$0xFFFFFFD0];
	v51 =	vpop (erf);
	v52 =	vsel vm3, $0x10, v2;
	[tilespmem:v31+s13+$0x0] =	vst.idx.msk vm5, v13  }
0x32c: {  	s31 =	sand.u32 $0x1FF80, s22;
	v29 =	vadd.f32 v29, v38;
	v43 =	vadd.f32 v51, v17;
	(erf) = vpow2.f32 v30;
	v24 =	vld [tilespmem:s23+$0x70]  }
0x32d: {  	s24 =	sor.u32 s24, s31;
	v11 =	vadd.s32 v11, v52;
	v13 =	vsel vm4, $0x10, v2;
	(erf) = vpow2.f32 v32;
	[tilespmem:v42+s13+$0x0] =	vst.idx.msk vm4, v12  }
0x32e: {  	[tilespmem:v40+s13+$0x0] =	vst.idx.msk vm1, v23;
	v31 =	vmul.f32 $1.442695020e+00, v35;
	v13 =	vadd.s32 v27, v13;
	(erf) = vpow2.f32 v22;
	v54 =	vld [tilespmem:s24+$0xBB80]  }
0x32f: {  	v12 =	vadd.f32 v26, v29;
	v26 =	vadd.f32 v41, v17;
	v29 =	vld [tilespmem:s23+$0x20];
	(erf) = vpow2.f32 v55  }
0x330: {  	v30 =	vpop (erf);
	v22 =	vsel vm0, $0x10, v2;
	vm0 =	vge.f32 v53, v16;
	(erf) = vpow2.f32 v39  }
0x331: {  	v27 =	vadd.f32 v30, v43;
	(erf) = vpow2.f32 v31;
	v23 =	vsub.f32 v24, v9  }
0x332: {  	v30 =	vsub.f32 v53, v9;
	vm1 =	vge.f32 v24, v16;
	v24 =	vpop (erf);
	(erf) = vpow2.f32 v25  }
0x333: {  	v25 =	vsel vm0, $0x10, v2;
	v31 =	vpop (erf);
	v55 =	vadd.f32 v24, v12;
	v24 =	vsub.f32 v54, v9  }
0x334: {  	v30 =	vmul.f32 $1.442695020e+00, v30;
	vm2 =	vge.f32 v29, v16;
	v58 =	vadd.s32 v11, v25;
	v56 =	vpop (erf)  }
0x335: {  	v59 =	vsel vm2, $0x10, v2;
	v12 =	vmul.f32 $1.442695020e+00, v23;
	(erf) = vpow2.f32 v19;
	v23 =	vpop (erf)  }
0x336: {  	[tilespmem:v21+s13+$0x0] =	vst.idx.msk vm3, v10;
	v11 =	vand.u32 $0x1FF, v11;
	vm3 =	vge.f32 v54, v16;
	v19 =	vsub.f32 v29, v9;
	v57 =	vpop (erf)  }
0x337: {  	v29 =	vsel vm1, $0x10, v2;
	v36 =	vadd.s32 v58, v59;
	v25 =	vmul.f32 $1.442695020e+00, v24;
	v24 =	vpop (erf)  }
0x338: {  	(erf) = vpow2.f32 v30;
	v19 =	vmul.f32 $1.442695020e+00, v19;
	v61 =	vpop (erf);
	v26 =	vadd.f32 v24, v26  }
0x339: {  	p0 =	por $0x1, $0x1;
	v30 =	vand.u32 $0x1FF, v36;
	v24 =	vadd.s32 v36, v29;
	v29 =	vadd.f32 v57, v27;
	v62 =	vpop (erf)  }
.Ltmp37:
0x33a: {  	(erf) = vpow2.f32 v19;
	v27 =	vor.u32 $0x800, v11;
	v63 =	vpop (erf);
	v11 =	vadd.f32 v28, v26;
	(pc) =	sbr.rel @!p0 .LBB2_56-.Ltmp37, $4  }
0x33b: {  	v60 =	vand.u32 $0x1FF, v58;
	v19 =	vadd.f32 v56, v29;
	v29 =	vor.u32 $0x800, v30;
	v28 =	vpop (erf)  }
0x33c: {  	(erf) = vpow2.f32 v12;
	v30 =	vadd.f32 v31, v11;
	v11 =	vadd.f32 v28, v37  }
0x33d: {  	v26 =	vand.u32 $0x1FF, v24;
	v28 =	vor.u32 $0x800, v60;
	v10 =	vadd.f32 v63, v19  }
0x33e: {  	s23 =	simm.s32 $0x310;
	s24 =	simm.s32 $0xBDD0;
	v26 =	vor.u32 $0x800, v26;
	v21 =	vpop (erf);
	v12 =	vadd.f32 v61, v11;
	v11 =	vadd.f32 v62, v55  }
.LBB2_55:
0x33f: {  	s25 =	sadd.s32 $0xFFFFFE80, s23;
	v31 =	vld [tilespmem:s24+$0xFFFFFF40];
	s26 =	sadd.s32 $0xFFFFFFB0, s23;
	v19 =	vadd.f32 v21, v30;
	v18 =	vadd.s32 v18, v22;
	v21 =	vsel vm3, $0x10, v2  }
0x340: {  	v17 =	vadd.f32 v23, v17;
	s28 =	sadd.s32 $0xFFFFFF10, s22;
	s29 =	sadd.s32 $0xFFFFFF60, s22;
	v30 =	vld [tilespmem:s24+$0x30];
	p0 =	slt.u32 s25, $0xC990;
	[tilespmem:v29+s13+$0x0] =	vst.idx.msk vm1, v15;
	v15 =	vor.u32 s26, v5;
	v21 =	vadd.s32 v24, v21  }
0x341: {  	s26 =	sadd.s32 $0xFFFFFFA0, s23;
	v32 =	vor.u32 s28, v5;
	v22 =	vor.u32 s29, v5;
	v29 =	vld [tilespmem:s24+$0xFFFFFFE0];
	v23 =	vpop (erf)  }
0x342: {  	s28 =	sadd.s32 $0xFFFFFEC0, s23;
	v24 =	vor.u32 s26, v5;
	s26 =	sadd.s32 $0xFFFFFFF0, s23;
	v33 =	vld [tilespmem:s24+$0xFFFFFF90];
	v17 =	vadd.f32 v23, v17;
	[tilespmem:v28+s13+$0x0] =	vst.idx.msk vm2, v22;
	v28 =	vor.u32 s22, v5;
	s22 =	smov.u32 s23  }
0x343: {  	v23 =	vor.u32 s28, v5;
	v22 =	vor.u32 s26, v5;
	v34 =	vpop (erf);
	(erf) = vpow2.f32 v25  }
0x344: {  	v35 =	vsub.f32 v31, v9;
	vm4 =	vge.f32 v31, v16;
	v17 =	vadd.f32 v34, v17  }
0x345: {  	v31 =	vand.u32 $0x1FF, v18;
	v25 =	vsel vm4, $0x10, v2;
	vm1 =	vge.f32 v30, v16;
	[tilespmem:v26+s13+$0x0] =	vst.idx.msk vm3, v28;
	v26 =	vpop (erf)  }
0x346: {  	v18 =	vadd.s32 v18, v25;
	vm2 =	vge.f32 v29, v16;
	v17 =	vadd.f32 v26, v17  }
0x347: {  	v34 =	vsub.f32 v29, v9;
	vm3 =	vge.f32 v33, v16;
	v28 =	vand.u32 $0x1FF, v18  }
0x348: {  	v26 =	vor.u32 s25, v5;
	v36 =	vsel vm1, $0x10, v2;
	v25 =	vsel vm3, $0x10, v2  }
0x349: {  	v29 =	vsub.f32 v30, v9;
	v37 =	vsel vm2, $0x10, v2;
	v18 =	vadd.s32 v18, v25;
	v25 =	vld [tilespmem:s24+$0x80]  }
0x34a: {  	[tilespmem:v31+s13+$0x0] =	vst.idx.msk vm4, v26;
	v26 =	vsub.f32 v33, v9;
	v30 =	vand.u32 $0x1FF, v18;
	v18 =	vadd.s32 v18, v37  }
0x34b: {  	s26 =	sadd.s32 $0xFFFFFED0, s23;
	v33 =	vmul.f32 $1.442695020e+00, v35;
	v31 =	vld [tilespmem:s24+$0xFFFFFF50];
	v37 =	vand.u32 $0x1FF, v18;
	v18 =	vadd.s32 v18, v36  }
0x34c: {  	s28 =	sadd.s32 $0xFFFFFF50, s23;
	v35 =	vor.u32 s26, v5;
	s26 =	sadd.s32 $0xFFFFFF00, s23;
	v26 =	vmul.f32 $1.442695020e+00, v26;
	v38 =	vand.u32 $0x1FF, v18;
	[tilespmem:v27+s13+$0x0] =	vst.idx.msk vm0, v32;
	v27 =	vpop (erf)  }
0x34d: {  	s30 =	sadd.s32 $0xFFFFFF40, s23;
	s31 =	sadd.s32 $0xFFFFFFE0, s23;
	s29 =	sadd.s32 $0xFFFFFF20, s23;
	v39 =	vand.u32 $0x1FF, v21;
	[tilespmem:v28+s13+$0x0] =	vst.idx.msk vm3, v35;
	v28 =	vor.u32 s26, v5;
	v17 =	vadd.f32 v27, v17  }
0x34e: {  	s1 =	sadd.s32 $0xFFFFFEB0, s23;
	v32 =	vor.u32 s29, v5;
	s29 =	sadd.s32 $0xFFFFFF80, s23;
	v27 =	vor.u32 s28, v5;
	s28 =	sadd.s32 $0xFFFFFF70, s23;
	v40 =	vld [tilespmem:s24+$0xFFFFFFA0];
	vm0 =	vge.f32 v25, v16  }
0x34f: {  	s25 =	sand.u32 $0x70, s25;
	v36 =	vor.u32 s30, v5;
	[tilespmem:v30+s13+$0x0] =	vst.idx.msk vm2, v32;
	v30 =	vor.u32 s28, v5;
	s28 =	sand.u32 $0x1FF80, s29;
	v32 =	vor.u32 s31, v5  }
0x350: {  	v41 =	vand.u32 $0x1FF, v20;
	v35 =	vor.u32 s1, v5;
	vm2 =	vge.f32 v31, v16;
	v42 =	vld [tilespmem:s24+$0xFFFFFFF0];
	[tilespmem:v37+s13+$0x0] =	vst.idx.msk vm1, v30;
	s1 =	sor.u32 s25, s28;
	s28 =	sadd.s32 $0xFFFFFF90, s23  }
0x351: {  	v30 =	vsub.f32 v31, v9;
	v37 =	vor.u32 $0x200, v41;
	v41 =	vsel vm2, $0x10, v2;
	v31 =	vld [tilespmem:s1+$0xBB80]  }
0x352: {  	v43 =	vor.u32 s29, v5;
	s1 =	sadd.s32 $0xFFFFFFC0, s23;
	v41 =	vadd.s32 v20, v41;
	v20 =	vor.u32 s28, v5  }
0x353: {  	v44 =	vmul.f32 $1.442695020e+00, v30;
	vm3 =	vge.f32 v40, v16;
	v45 =	vand.u32 $0x1FF, v41  }
0x354: {  	s28 =	sadd.s32 $0xFFFFFE90, s23;
	v30 =	vor.u32 $0x800, v39;
	v39 =	vor.u32 $0x200, v45;
	v45 =	vsel vm3, $0x10, v2  }
0x355: {  	v41 =	vadd.s32 v41, v45;
	vm1 =	vge.f32 v42, v16;
	v45 =	vor.u32 s1, v5  }
0x356: {  	v46 =	vand.u32 $0x1FF, v41;
	v47 =	vsel vm1, $0x10, v2;
	[tilespmem:v38+s13+$0x0] =	vst.idx.msk vm0, v45;
	(erf) = vpow2.f32 v33  }
0x357: {  	s1 =	sadd.s32 $0xFFFFFEE0, s23;
	v33 =	vor.u32 s28, v5;
	v38 =	vor.u32 $0x200, v46;
	v41 =	vadd.s32 v41, v47;
	v45 =	vld [tilespmem:s24+$0x90]  }
0x358: {  	[tilespmem:v37+s13+$0x0] =	vst.idx.msk vm2, v33;
	v33 =	vor.u32 s1, v5;
	vm2 =	vge.f32 v31, v16;
	v37 =	vand.u32 $0x1FF, v41  }
0x359: {  	v40 =	vsub.f32 v40, v9;
	v46 =	vld [tilespmem:s24+$0xFFFFFF60];
	[tilespmem:v39+s13+$0x0] =	vst.idx.msk vm3, v33;
	v33 =	vsub.f32 v42, v9;
	v37 =	vor.u32 $0x200, v37  }
0x35a: {  	v34 =	vmul.f32 $1.442695020e+00, v34;
	s28 =	sadd.s32 $0xFFFFFF30, s23;
	s1 =	sadd.s32 $0xFFFFFEF0, s23;
	v42 =	vsel vm2, $0x10, v2;
	v39 =	vld [tilespmem:s24+$0xFFFFFFB0];
	(erf) = vpow2.f32 v44  }
0x35b: {  	v47 =	vor.u32 s28, v5;
	v44 =	vor.u32 s1, v5;
	v41 =	vadd.s32 v41, v42  }
0x35c: {  	v42 =	vand.u32 $0x1FF, v14;
	[tilespmem:v38+s13+$0x0] =	vst.idx.msk vm1, v47;
	vm1 =	vge.f32 v45, v16;
	v38 =	vand.u32 $0x1FF, v41  }
0x35d: {  	s1 =	sadd.s32 $0xFFFFFFD0, s23;
	v42 =	vor.u32 $0x400, v42;
	v47 =	vld [tilespmem:s24+$0x0];
	v38 =	vor.u32 $0x200, v38;
	(erf) = vpow2.f32 v34  }
0x35e: {  	v33 =	vmul.f32 $1.442695020e+00, v33;
	vm4 =	vge.f32 v46, v16;
	[tilespmem:v37+s13+$0x0] =	vst.idx.msk vm2, v43;
	v37 =	vor.u32 s1, v5  }
0x35f: {  	v40 =	vmul.f32 $1.442695020e+00, v40;
	v43 =	vsel vm4, $0x10, v2;
	vm2 =	vge.f32 v39, v16;
	v48 =	vld [tilespmem:s24+$0x50];
	v34 =	vpop (erf)  }
0x360: {  	s1 =	sadd.s32 $0xFFFFFEA0, s23;
	v14 =	vadd.s32 v14, v43;
	v43 =	vand.u32 $0x1FF, v13;
	(erf) = vpow2.f32 v33  }
0x361: {  	v39 =	vsub.f32 v39, v9;
	v33 =	vor.u32 s1, v5;
	v49 =	vand.u32 $0x1FF, v14  }
0x362: {  	v50 =	vsel vm2, $0x10, v2;
	v49 =	vor.u32 $0x400, v49;
	vm3 =	vge.f32 v47, v16;
	[tilespmem:v38+s13+$0x0] =	vst.idx.msk vm1, v37  }
0x363: {  	v37 =	vsub.f32 v46, v9;
	v38 =	vmul.f32 $1.442695020e+00, v39;
	v39 =	vsel vm3, $0x10, v2;
	v46 =	vld [tilespmem:s24+$0xA0];
	v51 =	vpop (erf)  }
0x364: {  	s1 =	sand.u32 $0x1FF80, s26;
	[tilespmem:v42+s13+$0x0] =	vst.idx.msk vm4, v33;
	v42 =	vsub.f32 v47, v9;
	vm5 =	vge.f32 v48, v16;
	(erf) = vpow2.f32 v40  }
0x365: {  	v45 =	vsub.f32 v45, v9;
	v14 =	vadd.s32 v14, v50;
	s1 =	sor.u32 s25, s1;
	v40 =	vld [tilespmem:s24+$0xFFFFFF70];
	(erf) = vpow2.f32 v38  }
0x366: {  	v37 =	vmul.f32 $1.442695020e+00, v37;
	v38 =	vadd.s32 v14, v39;
	v39 =	vsel vm5, $0x10, v2;
	v33 =	vpop (erf)  }
0x367: {  	v42 =	vmul.f32 $1.442695020e+00, v42;
	v47 =	vand.u32 $0x1FF, v38;
	[tilespmem:v49+s13+$0x0] =	vst.idx.msk vm2, v44;
	v44 =	vsub.f32 v48, v9  }
0x368: {  	v14 =	vand.u32 $0x1FF, v14;
	v47 =	vor.u32 $0x400, v47;
	v48 =	vld [tilespmem:s1+$0xBB80];
	vm4 =	vge.f32 v46, v16  }
0x369: {  	v14 =	vor.u32 $0x400, v14;
	v38 =	vadd.s32 v38, v39;
	v39 =	vpop (erf);
	(erf) = vpow2.f32 v42  }
0x36a: {  	v12 =	vadd.f32 v51, v12;
	v42 =	vor.u32 $0x600, v43;
	vm6 =	vge.f32 v40, v16  }
0x36b: {  	v49 =	vand.u32 $0x1FF, v38;
	v40 =	vsub.f32 v40, v9;
	v43 =	vsel vm6, $0x10, v2  }
0x36c: {  	v46 =	vsub.f32 v46, v9;
	v44 =	vmul.f32 $1.442695020e+00, v44;
	(erf) = vpow2.f32 v37  }
0x36d: {  	v45 =	vmul.f32 $1.442695020e+00, v45;
	v37 =	vsub.f32 v48, v9;
	vm2 =	vge.f32 v48, v16;
	[tilespmem:v47+s13+$0x0] =	vst.idx.msk vm5, v20;
	v20 =	vpop (erf)  }
0x36e: {  	v40 =	vmul.f32 $1.442695020e+00, v40;
	v12 =	vadd.f32 v20, v12;
	v47 =	vsel vm2, $0x10, v2;
	[tilespmem:v14+s13+$0x0] =	vst.idx.msk vm3, v36;
	v36 =	vld [tilespmem:s24+$0x60];
	v48 =	vpop (erf)  }
0x36f: {  	v49 =	vor.u32 $0x400, v49;
	v46 =	vmul.f32 $1.442695020e+00, v46;
	v20 =	vmul.f32 $1.442695020e+00, v37;
	v37 =	vld [tilespmem:s24+$0x10]  }
0x370: {  	v14 =	vsel vm4, $0x10, v2;
	v12 =	vadd.f32 v39, v12;
	(erf) = vpow2.f32 v40  }
0x371: {  	v14 =	vadd.s32 v38, v14;
	v39 =	vsel vm1, $0x10, v2;
	[tilespmem:v42+s13+$0x0] =	vst.idx.msk vm6, v35;
	(erf) = vpow2.f32 v20  }
0x372: {  	v29 =	vmul.f32 $1.442695020e+00, v29;
	v20 =	vadd.s32 v41, v39;
	v38 =	vld [tilespmem:s24+$0xFFFFFF80];
	v35 =	vpop (erf);
	(erf) = vpow2.f32 v44  }
0x373: {  	v13 =	vadd.s32 v13, v43;
	v39 =	vsub.f32 v36, v9;
	vm3 =	vge.f32 v36, v16  }
0x374: {  	v36 =	vand.u32 $0x1FF, v13;
	vm1 =	vge.f32 v37, v16;
	[tilespmem:v49+s13+$0x0] =	vst.idx.msk vm4, v32;
	(erf) = vpow2.f32 v29  }
0x375: {  	v13 =	vadd.s32 v13, v47;
	v29 =	vsel vm1, $0x10, v2;
	v32 =	vmul.f32 $1.442695020e+00, v39;
	v39 =	vld [tilespmem:s24+$0xB0];
	v40 =	vpop (erf)  }
0x376: {  	v41 =	vand.u32 $0x1FF, v13;
	v13 =	vadd.s32 v13, v29;
	v29 =	vsel vm3, $0x10, v2  }
0x377: {  	v11 =	vadd.f32 v40, v11;
	v40 =	vand.u32 $0x1FF, v13;
	v13 =	vadd.s32 v13, v29  }
0x378: {  	vm4 =	vge.f32 v38, v16;
	v29 =	vor.u32 $0x600, v40;
	v40 =	vand.u32 $0x1FF, v13  }
0x379: {  	v36 =	vor.u32 $0x600, v36;
	v38 =	vsub.f32 v38, v9;
	v40 =	vor.u32 $0x600, v40;
	v42 =	vpop (erf)  }
0x37a: {  	v37 =	vsub.f32 v37, v9;
	v43 =	vsel vm4, $0x10, v2;
	vm5 =	vge.f32 v39, v16;
	v44 =	vpop (erf)  }
0x37b: {  	v38 =	vmul.f32 $1.442695020e+00, v38;
	v10 =	vadd.f32 v42, v10;
	v39 =	vsub.f32 v39, v9;
	v42 =	vpop (erf)  }
0x37c: {  	v41 =	vor.u32 $0x600, v41;
	v37 =	vmul.f32 $1.442695020e+00, v37;
	(erf) = vpow2.f32 v32  }
0x37d: {  	v31 =	vsub.f32 v31, v9;
	[tilespmem:v29+s13+$0x0] =	vst.idx.msk vm3, v24;
	v24 =	vmul.f32 $1.442695020e+00, v39;
	(erf) = vpow2.f32 v38;
	v32 =	vpop (erf)  }
0x37e: {  	v11 =	vadd.f32 v48, v11;
	v29 =	vsel vm5, $0x10, v2;
	[tilespmem:v36+s13+$0x0] =	vst.idx.msk vm2, v28;
	v28 =	vld [tilespmem:s24+$0x70];
	(erf) = vpow2.f32 v37  }
0x37f: {  	s1 =	sand.u32 $0x1FF80, s23;
	v13 =	vadd.s32 v13, v29;
	[tilespmem:v30+s13+$0x0] =	vst.idx.msk vm4, v23;
	v23 =	vld [tilespmem:s24+$0xFFFFFFD0];
	v30 =	vmul.f32 $1.442695020e+00, v31;
	(erf) = vpow2.f32 v26  }
0x380: {  	s1 =	sor.u32 s25, s1;
	v21 =	vadd.s32 v21, v43;
	v10 =	vadd.f32 v44, v10;
	[tilespmem:v40+s13+$0x0] =	vst.idx.msk vm5, v22;
	(erf) = vpow2.f32 v45  }
0x381: {  	v25 =	vsub.f32 v25, v9;
	v11 =	vadd.f32 v35, v11;
	[tilespmem:v41+s13+$0x0] =	vst.idx.msk vm1, v27;
	v31 =	vld [tilespmem:s1+$0xBB80];
	(erf) = vpow2.f32 v46  }
0x382: {  	v19 =	vadd.f32 v34, v19;
	v22 =	vsel vm0, $0x10, v2;
	v26 =	vld [tilespmem:s24+$0x20];
	(erf) = vpow2.f32 v24  }
0x383: {  	v25 =	vmul.f32 $1.442695020e+00, v25;
	v24 =	vsub.f32 v28, v9;
	vm1 =	vge.f32 v28, v16  }
0x384: {  	v27 =	vsub.f32 v23, v9;
	vm0 =	vge.f32 v23, v16;
	(erf) = vpow2.f32 v30  }
0x385: {  	v11 =	vadd.f32 v42, v11;
	v28 =	vsel vm0, $0x10, v2;
	v34 =	vmul.f32 $1.442695020e+00, v24;
	v29 =	vpop (erf)  }
0x386: {  	v27 =	vmul.f32 $1.442695020e+00, v27;
	v37 =	vsub.f32 v31, v9;
	v23 =	vpop (erf);
	(erf) = vpow2.f32 v25  }
0x387: {  	v30 =	vsub.f32 v26, v9;
	vm2 =	vge.f32 v26, v16;
	v26 =	vsel vm1, $0x10, v2;
	v35 =	vpop (erf)  }
0x388: {  	v28 =	vadd.s32 v21, v28;
	v39 =	vsel vm2, $0x10, v2;
	v25 =	vmul.f32 $1.442695020e+00, v37;
	v24 =	vpop (erf)  }
0x389: {  	v37 =	vand.u32 $0x1FF, v28;
	v30 =	vmul.f32 $1.442695020e+00, v30;
	v28 =	vadd.s32 v28, v39;
	v36 =	vpop (erf)  }
0x38a: {  	v19 =	vadd.f32 v24, v19;
	v24 =	vadd.s32 v28, v26;
	(erf) = vpow2.f32 v27;
	v38 =	vpop (erf)  }
0x38b: {  	v21 =	vand.u32 $0x1FF, v21;
	v10 =	vadd.f32 v35, v10;
	v28 =	vand.u32 $0x1FF, v28;
	v35 =	vpop (erf)  }
.Ltmp38:
0x38c: {  	v27 =	vor.u32 $0x800, v21;
	v19 =	vadd.f32 v33, v19;
	(erf) = vpow2.f32 v30;
	(pc) =	sbr.rel @p0 .LBB2_55-.Ltmp38, $4  }
0x38d: {  	v10 =	vadd.f32 v29, v10;
	v29 =	vor.u32 $0x800, v28;
	v33 =	vand.u32 $0x1FF, v24;
	v26 =	vpop (erf)  }
0x38e: {  	v30 =	vadd.f32 v32, v19;
	v12 =	vadd.f32 v26, v12;
	(erf) = vpow2.f32 v34  }
0x38f: {  	v28 =	vor.u32 $0x800, v37;
	v10 =	vadd.f32 v35, v10;
	v26 =	vor.u32 $0x800, v33;
	v21 =	vpop (erf)  }
0x390: {  	s23 =	sadd.s32 $0x190, s23;
	s24 =	sadd.s32 $0x190, s24;
	vm3 =	vge.f32 v31, v16;
	v11 =	vadd.f32 v38, v11;
	v12 =	vadd.f32 v36, v12  }
.LBB2_56:
0x391: {  	v18 =	vadd.s32 v18, v22  }
0x392: {  	vm4 =	vgt.s32 v18, v20  }
0x393: {  	v16 =	vsel vm4, v18, v20  }
0x394: {  	vm4 =	vgt.s32 v16, v14  }
0x395: {  	v16 =	vsel vm4, v16, v14  }
0x396: {  	v19 =	vsel vm3, $0x10, v2;
	vm4 =	vgt.s32 v16, v13  }
0x397: {  	v19 =	vadd.s32 v24, v19;
	v16 =	vsel vm4, v16, v13  }
0x398: {  	vm4 =	vgt.s32 v16, v19  }
0x399: {  	v16 =	vsel vm4, v16, v19  }
0x39a: {  	v16 =	vadd.s32 v8, v16  }
0x39b: {  	vm15 =	vgt.s32 v16, $0x1FF  }
0x39c: {  	v16 =	vsel vm15, $0x3F800000, v6  }
0x39d: {  	(xrf0) =	vmax.scan.msk.f32 $0xffff, v16;
	_ =	sdelay $0x5  }
0x39e: {  	v16, _, _ =	vpop (xrf0)  }
0x39f: {  	(v2sf) =	vpush v16, $0xF;
	_ =	sdelay $0xa  }
0x3a0: {  	(erf) = vpow2.f32 v25;
	_ =	sdelay $0x1  }
0x3a1: {  	v16 =	vadd.f32 v23, v17  }
0x3a2: {  	v17 =	vpop (erf)  }
0x3a3: {  	s1 =	sadd.s32 $0xFFFFFF60, s22;
	v16 =	vadd.f32 v17, v16;
	s31 =	spop (v2sf)  }
0x3a4: {  	[tilespmem:v29+s13+$0x0] =	vst.idx.msk vm1, v15;
	v15 =	vor.u32 s1, v5;
	v17 =	vpop (erf);
	p0 =	sgt.f32 s31, $0.0e+00  }
.Ltmp39:
0x3a5: {  	[tilespmem:v28+s13+$0x0] =	vst.idx.msk vm2, v15;
	v15 =	vor.u32 s22, v5;
	v16 =	vadd.f32 v17, v16;
	(pc) =	sbr.rel @!p0 .LBB2_60-.Ltmp39, $4  }
0x3a6: {  	v17 =	vpop (erf)  }
0x3a7: {  	s23 =	sadd.s32 $0xFFFFFF10, s22;
	v17 =	vadd.f32 v17, v16  }
0x3a8: {  	v22 =	vor.u32 s23, v5;
	[tilespmem:v26+s13+$0x0] =	vst.idx.msk vm3, v15;
	v15 =	vpop (erf)  }
0x3a9: {  	[tilespmem:v27+s13+$0x0] =	vst.idx.msk vm0, v22;
	v16 =	vadd.f32 v21, v30;
	v15 =	vadd.f32 v15, v17  }
0x3aa: {  	s1 =	simm.s32 $0xBB80  }
0x3ab: {  	v8 =	vld [tilespmem:s1+$0x0];
	_ =	sdelay $0x2  }
0x3ac: {  	s29 =	simm.s32 $0x0  }
0x3ad: {  	v13 =	vor.u32 s29, v5  }
0x3ae: {  	(xrf1) =	vsort.dscd.msk.f32 $0xffff, v8, v13;
	_ =	sdelay $0x9  }
0x3af: {  	s30 =	simm.s32 $0xBB90  }
0x3b0: {  	v8 =	vld [tilespmem:s30+$0x0];
	_ =	sdelay $0x2  }
0x3b1: {  	s31 =	simm.s32 $0x10;
	v13 =	vimm.f32 $-Inf;
	v14, v17, _ =	vpop (xrf1)  }
0x3b2: {  	v18 =	vimm.s32 $0x0;
	v19 =	vor.u32 s31, v5;
	vm0 =	vgt.f32 v14, v13  }
0x3b3: {  	(xrf1) =	vsort.dscd.msk.f32 $0xffff, v8, v19;
	v8 =	vsel vm0, v14, v13;
	v13 =	vsel vm0, v17, v18  }
0x3b4: {  	(xrf1) =	vsort.ascd.msk.f32 $0xffff, v8, v13;
	_ =	sdelay $0x9  }
0x3b5: {  	s23 =	simm.s32 $0xBBA0  }
0x3b6: {  	v8 =	vld [tilespmem:s23+$0x0]  }
0x3b7: {  	s22 =	simm.s32 $0x20;
	s24 =	simm.s32 $0x30  }
.LBB2_58:
0x3b8: {  	p0 =	seq.s32 s24, $0xCB10;
	v13, v14, _ =	vpop (xrf1)  }
0x3b9: {  	v17, v18, _ =	vpop (xrf1)  }
0x3ba: {  	v19 =	vor.u32 s22, v5;
	s22 =	smov.u32 s24;
	vm0 =	vgt.f32 v13, v17  }
0x3bb: {  	(xrf1) =	vsort.dscd.msk.f32 $0xffff, v8, v19;
	v8 =	vsel vm0, v13, v17;
	v13 =	vsel vm0, v14, v18  }
0x3bc: {  	(xrf1) =	vsort.ascd.msk.f32 $0xffff, v8, v13;
	_ =	sdelay $0x7  }
.Ltmp40:
0x3bd: {  	(pc) =	sbr.rel @!p0 .LBB2_58-.Ltmp40, $4  }
0x3be: {  	_ = 	snop  }
0x3bf: {  	s23 =	sadd.s32 $0x10, s23  }
0x3c0: {  	v8 =	vld [tilespmem:s23+$0x0]  }
0x3c1: {  	s24 =	sadd.s32 $0x10, s24  }
0x3c2: {  	v13, v14, _ =	vpop (xrf1)  }
0x3c3: {  	v17, v18, _ =	vpop (xrf1)  }
0x3c4: {  	v19 =	vor.u32 s22, v5;
	vm0 =	vgt.f32 v13, v17  }
0x3c5: {  	(xrf1) =	vsort.dscd.msk.f32 $0xffff, v8, v19;
	v8 =	vsel vm0, v13, v17;
	v13 =	vsel vm0, v14, v18  }
0x3c6: {  	(xrf1) =	vsort.ascd.msk.f32 $0xffff, v8, v13;
	_ =	sdelay $0xc  }
0x3c7: {  	v8, v13, _ =	vpop (xrf1)  }
0x3c8: {  	v14, v17, _ =	vpop (xrf1)  }
0x3c9: {  	vm15 =	vgt.f32 v8, v14  }
0x3ca: {  	v8 =	vsel vm15, v8, v14;
	v13 =	vsel vm15, v13, v17  }
0x3cb: {  	(xrf1) =	vsort.ascd.msk.f32 $0xffff, v8, v13;
	_ =	sdelay $0x9  }
.Ltmp41:
0x3cc: {  	_ = 	snop;
	(pc) =	sbr.rel .LBB2_100-.Ltmp41, $2  }
0x3cd: {  	_ =	sdelay $0x2  }
0x3ce: {  	v18, v17, _ =	vpop (xrf1)  }
.LBB2_60:
0x3cf: {  	v21 =	vadd.s32 v8, v18  }
0x3d0: {  	v17 =	vxor.u32 $0x80000000, v21  }
0x3d1: {  	(xrf0) =	vmax.scan.msk.u32 $0xffff, v17;
	_ =	sdelay $0x5  }
0x3d2: {  	v17, _, _ =	vpop (xrf0)  }
0x3d3: {  	(v2sf) =	vpush v17, $0xF;
	_ =	sdelay $0xe  }
0x3d4: {  	s1 =	spop (v2sf)  }
0x3d5: {  	s22 =	sxor.u32 $0x80000000, s1  }
0x3d6: {  	p1 =	sgt.s32 s1, $0xFFFFFFFF;
	s1 =	sand.u32 $0xF, s1;
	p0 =	slt.s32 s22, $0x1  }
0x3d7: {  	s23 =	sshra.s32 s22, $0x1F;
	p6 =	sne.s32 s1, $0x0;
	p0 =	por p1, p0  }
0x3d8: {  	s31 =	sshrl.u32 s23, $0x1C;
	p0 =	por !p6, !p0  }
0x3d9: {  	s1 =	sadd.s32 s31, s22;
	s22 =	simm.s32 $0x1;
	p0 =	por !p0, !p0  }
0x3da: {  	s1 =	sshra.s32 s1, $0x4;
	s22 =	simm.s32 @!p0 $0x0  }
0x3db: {  	s23 =	ssub.s32 s1, s22  }
0x3dc: {  	p0 =	slt.s32 s23, $0x1  }
.Ltmp42:
0x3dd: {  	_ = 	snop;
	(pc) =	sbr.rel @p0 .LBB2_68-.Ltmp42, $2  }
0x3de: {  	_ =	sdelay $0x2  }
0x3df: {  	v18 =	vimm.f32 $-Inf;
	v17 =	vimm.s32 $0x0  }
0x3e0: {  	p2 =	sne.s32 s23, $0x1  }
.Ltmp43:
0x3e1: {  	_ = 	snop;
	(pc) =	sbr.rel @!p2 .LBB2_62-.Ltmp43, $3  }
0x3e2: {  	_ =	sdelay $0x1  }
0x3e3: {  	s1 =	simm.s32 $0x18700;
	s22 =	simm.s32 $0x0  }
0x3e4: {  	s23 =	sadd.s32 $0xFFFFFFFF, s23;
	p0 =	por $0x0, $0x0;
	p1 =	por $0x0, $0x0;
	v22 =	vld [tilespmem:s1+$0x0]  }
0x3e5: {  	_ =	sdelay $0x7  }
0x3e6: {  	v23 =	vld.idx.msk [tilespmem:v22+s11+$0x0], $0xffff  }
0x3e7: {  	p2 =	sne.s32 s23, $0x1  }
.Ltmp44:
0x3e8: {  	_ = 	snop;
	(pc) =	sbr.rel @!p2 .LBB2_64-.Ltmp44, $4  }
0x3e9: {  	vm0 =	vgt.s32 v21, s22;
	vm1 =	vne.s32 v22, $0xFFFFFFFF  }
0x3ea: {  	vm0 =	vmand vm0, vm1  }
0x3eb: {  	s1 =	simm.s32 $0x18710;
	v23 =	vnsel vm0, $0xFF800000, v23  }
0x3ec: {  	s25 =	sadd.s32 $0xFFFFFFFF, s23;
	p0 =	por $0x1, $0x1;
	(xrf1) =	vsort.dscd.msk.f32 $0xffff, v23, v22;
	v22 =	vld [tilespmem:s1+$0x0]  }
0x3ed: {  	_ =	sdelay $0x8  }
0x3ee: {  	v23 =	vld.idx.msk [tilespmem:v22+s11+$0x0], $0xffff;
	_ =	sdelay $0x1  }
0x3ef: {  	s23 =	simm.s32 $0x10  }
0x3f0: {  	vm0 =	vgt.s32 v21, s23;
	vm1 =	vne.s32 v22, $0xFFFFFFFF  }
0x3f1: {  	p2 =	sne.s32 s25, $0x1;
	vm0 =	vmand vm0, vm1;
	v24, v25, _ =	vpop (xrf1)  }
.Ltmp45:
0x3f2: {  	v23 =	vnsel vm0, $0xFF800000, v23;
	vm15 =	vgt.f32 v24, v18;
	(pc) =	sbr.rel @!p2 .LBB2_67-.Ltmp45, $4  }
0x3f3: {  	(xrf1) =	vsort.dscd.msk.f32 $0xffff, v23, v22;
	v22 =	vsel vm15, v24, v18;
	v23 =	vsel vm15, v25, v17  }
0x3f4: {  	s24 =	simm.s32 $0x18720;
	(xrf1) =	vsort.ascd.msk.f32 $0xffff, v22, v23  }
0x3f5: {  	v22 =	vld [tilespmem:s24+$0x0]  }
0x3f6: {  	s25 =	sadd.s32 $0xFFFFFFFF, s25;
	p1 =	por $0x1, $0x1  }
.LBB2_66:
0x3f7: {  	p2 =	sne.s32 s25, $0x1;
	_ =	sdelay $0x5  }
0x3f8: {  	v23 =	vld.idx.msk [tilespmem:v22+s11+$0x0], $0xffff;
	_ =	sdelay $0x2  }
0x3f9: {  	s23 =	sadd.s32 $0x10, s23  }
0x3fa: {  	vm0 =	vgt.s32 v21, s23;
	vm1 =	vne.s32 v22, $0xFFFFFFFF;
	v24, v25, _ =	vpop (xrf1)  }
0x3fb: {  	vm0 =	vmand vm0, vm1;
	v26, v27, _ =	vpop (xrf1)  }
.Ltmp46:
0x3fc: {  	v23 =	vnsel vm0, $0xFF800000, v23;
	vm0 =	vgt.f32 v24, v26;
	(pc) =	sbr.rel @p2 .LBB2_66-.Ltmp46, $4  }
0x3fd: {  	(xrf1) =	vsort.dscd.msk.f32 $0xffff, v23, v22;
	v22 =	vsel vm0, v24, v26;
	v23 =	vsel vm0, v25, v27  }
0x3fe: {  	s24 =	sadd.s32 $0x10, s24;
	(xrf1) =	vsort.ascd.msk.f32 $0xffff, v22, v23  }
0x3ff: {  	v22 =	vld [tilespmem:s24+$0x0]  }
0x400: {  	s25 =	sadd.s32 $0xFFFFFFFF, s25  }
.LBB2_67:
0x401: {  	_ =	sdelay $0x7  }
0x402: {  	v23 =	vld.idx.msk [tilespmem:v22+s11+$0x0], $0xffff  }
0x403: {  	s1 =	sadd.s32 @p0 $0x10, s23  }
0x404: {  	s22 =	smov.u32 @p0 s1;
	v24, v25, _ =	vpop @p0 (xrf1)  }
0x405: {  	vm0 =	vgt.s32 v21, s22;
	vm1 =	vne.s32 v22, $0xFFFFFFFF;
	v21, v26, _ =	vpop @p1 (xrf1)  }
0x406: {  	vm0 =	vmand vm0, vm1;
	v21 =	vpsel p1, v21, v18  }
0x407: {  	v23 =	vnsel vm0, $0xFF800000, v23;
	v26 =	vpsel p1, v26, v17;
	vm0 =	vgt.f32 @p0 v24, v21  }
0x408: {  	(xrf1) =	vsort.dscd.msk.f32 $0xffff, v23, v22;
	v21 =	vsel @p0 vm0, v24, v21;
	v22 =	vsel @p0 vm0, v25, v26  }
0x409: {  	(xrf1) =	vsort.ascd.msk.f32 @p0 $0xffff, v21, v22;
	_ =	sdelay $0xc  }
0x40a: {  	v21, v22, _ =	vpop (xrf1)  }
0x40b: {  	v23, v24, _ =	vpop @p0 (xrf1)  }
0x40c: {  	v18 =	vpsel p0, v23, v18  }
0x40d: {  	v17 =	vpsel p0, v24, v17;
	vm15 =	vgt.f32 v21, v18  }
0x40e: {  	v18 =	vsel vm15, v21, v18;
	v17 =	vsel vm15, v22, v17  }
0x40f: {  	(xrf1) =	vsort.ascd.msk.f32 $0xffff, v18, v17;
	_ =	sdelay $0xd  }
0x410: {  	v18, v17, _ =	vpop (xrf1)  }
.LBB2_68:
0x411: {  	v20 =	vadd.s32 v8, v20  }
0x412: {  	v21 =	vxor.u32 $0x80000000, v20  }
0x413: {  	(xrf0) =	vmax.scan.msk.u32 $0xffff, v21;
	_ =	sdelay $0x5  }
0x414: {  	v21, _, _ =	vpop (xrf0)  }
0x415: {  	(v2sf) =	vpush v21, $0xF;
	_ =	sdelay $0xe  }
0x416: {  	s1 =	spop (v2sf)  }
0x417: {  	s22 =	sxor.u32 $0x80000000, s1  }
0x418: {  	p1 =	sgt.s32 s1, $0xFFFFFFFF;
	s1 =	sand.u32 $0xF, s1;
	p0 =	slt.s32 s22, $0x1  }
0x419: {  	s23 =	sshra.s32 s22, $0x1F;
	p6 =	sne.s32 s1, $0x0;
	p0 =	por p1, p0  }
0x41a: {  	s31 =	sshrl.u32 s23, $0x1C;
	p0 =	por !p6, !p0  }
0x41b: {  	s1 =	sadd.s32 s31, s22;
	s22 =	simm.s32 $0x1;
	p0 =	por !p0, !p0  }
0x41c: {  	s1 =	sshra.s32 s1, $0x4;
	s22 =	simm.s32 @!p0 $0x0  }
0x41d: {  	s23 =	ssub.s32 s1, s22  }
0x41e: {  	p0 =	slt.s32 s23, $0x1  }
.Ltmp47:
0x41f: {  	_ = 	snop;
	(pc) =	sbr.rel @p0 .LBB2_76-.Ltmp47, $2  }
0x420: {  	_ =	sdelay $0x2  }
0x421: {  	s22 =	simm.s32 $0x0  }
0x422: {  	p2 =	sne.s32 s23, $0x1  }
.Ltmp48:
0x423: {  	_ = 	snop;
	(pc) =	sbr.rel @!p2 .LBB2_70-.Ltmp48, $3  }
0x424: {  	_ =	sdelay $0x1  }
0x425: {  	s1 =	sand.u32 $0xFFFFFFF0, s22  }
0x426: {  	s23 =	sadd.s32 $0xFFFFFFFF, s23;
	p0 =	por $0x0, $0x0;
	p1 =	por $0x0, $0x0;
	v21 =	vld [tilespmem:s1+$0x18900]  }
0x427: {  	_ =	sdelay $0x7  }
0x428: {  	v22 =	vld.idx.msk [tilespmem:v21+s11+$0x0], $0xffff  }
0x429: {  	p2 =	sne.s32 s23, $0x1  }
.Ltmp49:
0x42a: {  	_ = 	snop;
	(pc) =	sbr.rel @!p2 .LBB2_72-.Ltmp49, $4  }
0x42b: {  	vm0 =	vgt.s32 v20, s22;
	vm1 =	vne.s32 v21, $0xFFFFFFFF  }
0x42c: {  	s22 =	sadd.s32 $0x10, s22;
	vm0 =	vmand vm0, vm1  }
0x42d: {  	s1 =	sand.u32 $0xFFFFFFF0, s22;
	v22 =	vnsel vm0, $0xFF800000, v22  }
0x42e: {  	s23 =	sadd.s32 $0xFFFFFFFF, s23;
	p0 =	por $0x1, $0x1;
	(xrf1) =	vsort.dscd.msk.f32 $0xffff, v22, v21;
	v21 =	vld [tilespmem:s1+$0x18900]  }
0x42f: {  	_ =	sdelay $0x8  }
0x430: {  	v22 =	vld.idx.msk [tilespmem:v21+s11+$0x0], $0xffff;
	_ =	sdelay $0x2  }
0x431: {  	vm0 =	vgt.s32 v20, s22;
	p2 =	sne.s32 s23, $0x1;
	vm1 =	vne.s32 v21, $0xFFFFFFFF  }
.Ltmp50:
0x432: {  	vm0 =	vmand vm0, vm1;
	v23, v24, _ =	vpop (xrf1);
	(pc) =	sbr.rel @!p2 .LBB2_75-.Ltmp50, $4  }
0x433: {  	v22 =	vnsel vm0, $0xFF800000, v22;
	vm15 =	vgt.f32 v23, v18  }
0x434: {  	s22 =	sadd.s32 $0x10, s22;
	(xrf1) =	vsort.dscd.msk.f32 $0xffff, v22, v21;
	v21 =	vsel vm15, v23, v18;
	v22 =	vsel vm15, v24, v17  }
0x435: {  	s1 =	sand.u32 $0xFFFFFFF0, s22;
	(xrf1) =	vsort.ascd.msk.f32 $0xffff, v21, v22  }
0x436: {  	s23 =	sadd.s32 $0xFFFFFFFF, s23;
	p1 =	por $0x1, $0x1;
	v21 =	vld [tilespmem:s1+$0x18900]  }
.LBB2_74:
0x437: {  	p2 =	sne.s32 s23, $0x1;
	_ =	sdelay $0x6  }
0x438: {  	v22 =	vld.idx.msk [tilespmem:v21+s11+$0x0], $0xffff;
	_ =	sdelay $0x3  }
0x439: {  	vm0 =	vgt.s32 v20, s22;
	vm1 =	vne.s32 v21, $0xFFFFFFFF;
	v23, v24, _ =	vpop (xrf1)  }
.Ltmp51:
0x43a: {  	vm0 =	vmand vm0, vm1;
	v25, v26, _ =	vpop (xrf1);
	(pc) =	sbr.rel @p2 .LBB2_74-.Ltmp51, $4  }
0x43b: {  	v22 =	vnsel vm0, $0xFF800000, v22;
	vm0 =	vgt.f32 v23, v25  }
0x43c: {  	s22 =	sadd.s32 $0x10, s22;
	(xrf1) =	vsort.dscd.msk.f32 $0xffff, v22, v21;
	v21 =	vsel vm0, v23, v25;
	v22 =	vsel vm0, v24, v26  }
0x43d: {  	s1 =	sand.u32 $0xFFFFFFF0, s22;
	(xrf1) =	vsort.ascd.msk.f32 $0xffff, v21, v22  }
0x43e: {  	s23 =	sadd.s32 $0xFFFFFFFF, s23;
	v21 =	vld [tilespmem:s1+$0x18900]  }
.LBB2_75:
0x43f: {  	_ =	sdelay $0x8  }
0x440: {  	v22 =	vld.idx.msk [tilespmem:v21+s11+$0x0], $0xffff;
	_ =	sdelay $0x1  }
0x441: {  	v23, v24, _ =	vpop @p0 (xrf1)  }
0x442: {  	vm0 =	vgt.s32 v20, s22;
	vm1 =	vne.s32 v21, $0xFFFFFFFF;
	v20, v25, _ =	vpop @p1 (xrf1)  }
0x443: {  	vm0 =	vmand vm0, vm1;
	v20 =	vpsel p1, v20, v18  }
0x444: {  	v22 =	vnsel vm0, $0xFF800000, v22;
	v25 =	vpsel p1, v25, v17;
	vm0 =	vgt.f32 @p0 v23, v20  }
0x445: {  	(xrf1) =	vsort.dscd.msk.f32 $0xffff, v22, v21;
	v20 =	vsel @p0 vm0, v23, v20;
	v21 =	vsel @p0 vm0, v24, v25  }
0x446: {  	(xrf1) =	vsort.ascd.msk.f32 @p0 $0xffff, v20, v21;
	_ =	sdelay $0xc  }
0x447: {  	v20, v21, _ =	vpop (xrf1)  }
0x448: {  	v22, v23, _ =	vpop @p0 (xrf1)  }
0x449: {  	v18 =	vpsel p0, v22, v18  }
0x44a: {  	v17 =	vpsel p0, v23, v17;
	vm15 =	vgt.f32 v20, v18  }
0x44b: {  	v18 =	vsel vm15, v20, v18;
	v17 =	vsel vm15, v21, v17  }
0x44c: {  	(xrf1) =	vsort.ascd.msk.f32 $0xffff, v18, v17;
	_ =	sdelay $0xd  }
0x44d: {  	v18, v17, _ =	vpop (xrf1)  }
.LBB2_76:
0x44e: {  	v14 =	vadd.s32 v8, v14  }
0x44f: {  	v20 =	vxor.u32 $0x80000000, v14  }
0x450: {  	(xrf0) =	vmax.scan.msk.u32 $0xffff, v20;
	_ =	sdelay $0x5  }
0x451: {  	v20, _, _ =	vpop (xrf0)  }
0x452: {  	(v2sf) =	vpush v20, $0xF;
	_ =	sdelay $0xe  }
0x453: {  	s1 =	spop (v2sf)  }
0x454: {  	s22 =	sxor.u32 $0x80000000, s1  }
0x455: {  	p1 =	sgt.s32 s1, $0xFFFFFFFF;
	s1 =	sand.u32 $0xF, s1;
	p0 =	slt.s32 s22, $0x1  }
0x456: {  	s23 =	sshra.s32 s22, $0x1F;
	p6 =	sne.s32 s1, $0x0;
	p0 =	por p1, p0  }
0x457: {  	s31 =	sshrl.u32 s23, $0x1C;
	p0 =	por !p6, !p0  }
0x458: {  	s1 =	sadd.s32 s31, s22;
	s22 =	simm.s32 $0x1;
	p0 =	por !p0, !p0  }
0x459: {  	s1 =	sshra.s32 s1, $0x4;
	s22 =	simm.s32 @!p0 $0x0  }
0x45a: {  	s23 =	ssub.s32 s1, s22  }
0x45b: {  	p0 =	slt.s32 s23, $0x1  }
.Ltmp52:
0x45c: {  	_ = 	snop;
	(pc) =	sbr.rel @p0 .LBB2_84-.Ltmp52, $2  }
0x45d: {  	_ =	sdelay $0x2  }
0x45e: {  	s22 =	simm.s32 $0x0  }
0x45f: {  	p2 =	sne.s32 s23, $0x1  }
.Ltmp53:
0x460: {  	_ = 	snop;
	(pc) =	sbr.rel @!p2 .LBB2_78-.Ltmp53, $3  }
0x461: {  	_ =	sdelay $0x1  }
0x462: {  	s1 =	sand.u32 $0xFFFFFFF0, s22  }
0x463: {  	s23 =	sadd.s32 $0xFFFFFFFF, s23;
	p0 =	por $0x0, $0x0;
	p1 =	por $0x0, $0x0;
	v20 =	vld [tilespmem:s1+$0x18B00]  }
0x464: {  	_ =	sdelay $0x7  }
0x465: {  	v21 =	vld.idx.msk [tilespmem:v20+s11+$0x0], $0xffff  }
0x466: {  	p2 =	sne.s32 s23, $0x1  }
.Ltmp54:
0x467: {  	_ = 	snop;
	(pc) =	sbr.rel @!p2 .LBB2_80-.Ltmp54, $4  }
0x468: {  	vm0 =	vgt.s32 v14, s22;
	vm1 =	vne.s32 v20, $0xFFFFFFFF  }
0x469: {  	s22 =	sadd.s32 $0x10, s22;
	vm0 =	vmand vm0, vm1  }
0x46a: {  	s1 =	sand.u32 $0xFFFFFFF0, s22;
	v21 =	vnsel vm0, $0xFF800000, v21  }
0x46b: {  	s23 =	sadd.s32 $0xFFFFFFFF, s23;
	p0 =	por $0x1, $0x1;
	(xrf1) =	vsort.dscd.msk.f32 $0xffff, v21, v20;
	v20 =	vld [tilespmem:s1+$0x18B00]  }
0x46c: {  	_ =	sdelay $0x8  }
0x46d: {  	v21 =	vld.idx.msk [tilespmem:v20+s11+$0x0], $0xffff;
	_ =	sdelay $0x2  }
0x46e: {  	vm0 =	vgt.s32 v14, s22;
	p2 =	sne.s32 s23, $0x1;
	vm1 =	vne.s32 v20, $0xFFFFFFFF  }
.Ltmp55:
0x46f: {  	vm0 =	vmand vm0, vm1;
	v22, v23, _ =	vpop (xrf1);
	(pc) =	sbr.rel @!p2 .LBB2_83-.Ltmp55, $4  }
0x470: {  	v21 =	vnsel vm0, $0xFF800000, v21;
	vm15 =	vgt.f32 v22, v18  }
0x471: {  	s22 =	sadd.s32 $0x10, s22;
	(xrf1) =	vsort.dscd.msk.f32 $0xffff, v21, v20;
	v20 =	vsel vm15, v22, v18;
	v21 =	vsel vm15, v23, v17  }
0x472: {  	s1 =	sand.u32 $0xFFFFFFF0, s22;
	(xrf1) =	vsort.ascd.msk.f32 $0xffff, v20, v21  }
0x473: {  	s23 =	sadd.s32 $0xFFFFFFFF, s23;
	p1 =	por $0x1, $0x1;
	v20 =	vld [tilespmem:s1+$0x18B00]  }
.LBB2_82:
0x474: {  	p2 =	sne.s32 s23, $0x1;
	_ =	sdelay $0x6  }
0x475: {  	v21 =	vld.idx.msk [tilespmem:v20+s11+$0x0], $0xffff;
	_ =	sdelay $0x3  }
0x476: {  	vm0 =	vgt.s32 v14, s22;
	vm1 =	vne.s32 v20, $0xFFFFFFFF;
	v22, v23, _ =	vpop (xrf1)  }
.Ltmp56:
0x477: {  	vm0 =	vmand vm0, vm1;
	v24, v25, _ =	vpop (xrf1);
	(pc) =	sbr.rel @p2 .LBB2_82-.Ltmp56, $4  }
0x478: {  	v21 =	vnsel vm0, $0xFF800000, v21;
	vm0 =	vgt.f32 v22, v24  }
0x479: {  	s22 =	sadd.s32 $0x10, s22;
	(xrf1) =	vsort.dscd.msk.f32 $0xffff, v21, v20;
	v20 =	vsel vm0, v22, v24;
	v21 =	vsel vm0, v23, v25  }
0x47a: {  	s1 =	sand.u32 $0xFFFFFFF0, s22;
	(xrf1) =	vsort.ascd.msk.f32 $0xffff, v20, v21  }
0x47b: {  	s23 =	sadd.s32 $0xFFFFFFFF, s23;
	v20 =	vld [tilespmem:s1+$0x18B00]  }
.LBB2_83:
0x47c: {  	_ =	sdelay $0x8  }
0x47d: {  	v21 =	vld.idx.msk [tilespmem:v20+s11+$0x0], $0xffff;
	_ =	sdelay $0x1  }
0x47e: {  	v22, v23, _ =	vpop @p0 (xrf1)  }
0x47f: {  	vm0 =	vgt.s32 v14, s22;
	vm1 =	vne.s32 v20, $0xFFFFFFFF;
	v14, v24, _ =	vpop @p1 (xrf1)  }
0x480: {  	vm0 =	vmand vm0, vm1;
	v14 =	vpsel p1, v14, v18  }
0x481: {  	v21 =	vnsel vm0, $0xFF800000, v21;
	v24 =	vpsel p1, v24, v17;
	vm0 =	vgt.f32 @p0 v22, v14  }
0x482: {  	(xrf1) =	vsort.dscd.msk.f32 $0xffff, v21, v20;
	v14 =	vsel @p0 vm0, v22, v14;
	v20 =	vsel @p0 vm0, v23, v24  }
0x483: {  	(xrf1) =	vsort.ascd.msk.f32 @p0 $0xffff, v14, v20;
	_ =	sdelay $0xc  }
0x484: {  	v14, v20, _ =	vpop (xrf1)  }
0x485: {  	v21, v22, _ =	vpop @p0 (xrf1)  }
0x486: {  	v18 =	vpsel p0, v21, v18  }
0x487: {  	v17 =	vpsel p0, v22, v17;
	vm15 =	vgt.f32 v14, v18  }
0x488: {  	v14 =	vsel vm15, v14, v18;
	v17 =	vsel vm15, v20, v17  }
0x489: {  	(xrf1) =	vsort.ascd.msk.f32 $0xffff, v14, v17;
	_ =	sdelay $0xd  }
0x48a: {  	v18, v17, _ =	vpop (xrf1)  }
.LBB2_84:
0x48b: {  	v13 =	vadd.s32 v8, v13  }
0x48c: {  	v14 =	vxor.u32 $0x80000000, v13  }
0x48d: {  	(xrf0) =	vmax.scan.msk.u32 $0xffff, v14;
	_ =	sdelay $0x5  }
0x48e: {  	v14, _, _ =	vpop (xrf0)  }
0x48f: {  	(v2sf) =	vpush v14, $0xF;
	_ =	sdelay $0xe  }
0x490: {  	s1 =	spop (v2sf)  }
0x491: {  	s22 =	sxor.u32 $0x80000000, s1  }
0x492: {  	p1 =	sgt.s32 s1, $0xFFFFFFFF;
	s1 =	sand.u32 $0xF, s1;
	p0 =	slt.s32 s22, $0x1  }
0x493: {  	s23 =	sshra.s32 s22, $0x1F;
	p6 =	sne.s32 s1, $0x0;
	p0 =	por p1, p0  }
0x494: {  	s31 =	sshrl.u32 s23, $0x1C;
	p0 =	por !p6, !p0  }
0x495: {  	s1 =	sadd.s32 s31, s22;
	s22 =	simm.s32 $0x1;
	p0 =	por !p0, !p0  }
0x496: {  	s1 =	sshra.s32 s1, $0x4;
	s22 =	simm.s32 @!p0 $0x0  }
0x497: {  	s23 =	ssub.s32 s1, s22  }
0x498: {  	p0 =	slt.s32 s23, $0x1  }
.Ltmp57:
0x499: {  	_ = 	snop;
	(pc) =	sbr.rel @p0 .LBB2_92-.Ltmp57, $2  }
0x49a: {  	_ =	sdelay $0x2  }
0x49b: {  	s22 =	simm.s32 $0x0  }
0x49c: {  	p2 =	sne.s32 s23, $0x1  }
.Ltmp58:
0x49d: {  	_ = 	snop;
	(pc) =	sbr.rel @!p2 .LBB2_86-.Ltmp58, $3  }
0x49e: {  	_ =	sdelay $0x1  }
0x49f: {  	s1 =	sand.u32 $0xFFFFFFF0, s22  }
0x4a0: {  	s23 =	sadd.s32 $0xFFFFFFFF, s23;
	p0 =	por $0x0, $0x0;
	p1 =	por $0x0, $0x0;
	v14 =	vld [tilespmem:s1+$0x18D00]  }
0x4a1: {  	_ =	sdelay $0x7  }
0x4a2: {  	v20 =	vld.idx.msk [tilespmem:v14+s11+$0x0], $0xffff  }
0x4a3: {  	p2 =	sne.s32 s23, $0x1  }
.Ltmp59:
0x4a4: {  	_ = 	snop;
	(pc) =	sbr.rel @!p2 .LBB2_88-.Ltmp59, $4  }
0x4a5: {  	vm0 =	vgt.s32 v13, s22;
	vm1 =	vne.s32 v14, $0xFFFFFFFF  }
0x4a6: {  	s22 =	sadd.s32 $0x10, s22;
	vm0 =	vmand vm0, vm1  }
0x4a7: {  	s1 =	sand.u32 $0xFFFFFFF0, s22;
	v20 =	vnsel vm0, $0xFF800000, v20  }
0x4a8: {  	s23 =	sadd.s32 $0xFFFFFFFF, s23;
	p0 =	por $0x1, $0x1;
	(xrf1) =	vsort.dscd.msk.f32 $0xffff, v20, v14;
	v14 =	vld [tilespmem:s1+$0x18D00]  }
0x4a9: {  	_ =	sdelay $0x8  }
0x4aa: {  	v20 =	vld.idx.msk [tilespmem:v14+s11+$0x0], $0xffff;
	_ =	sdelay $0x2  }
0x4ab: {  	vm0 =	vgt.s32 v13, s22;
	p2 =	sne.s32 s23, $0x1;
	vm1 =	vne.s32 v14, $0xFFFFFFFF  }
.Ltmp60:
0x4ac: {  	vm0 =	vmand vm0, vm1;
	v21, v22, _ =	vpop (xrf1);
	(pc) =	sbr.rel @!p2 .LBB2_91-.Ltmp60, $4  }
0x4ad: {  	v20 =	vnsel vm0, $0xFF800000, v20;
	vm15 =	vgt.f32 v21, v18  }
0x4ae: {  	s22 =	sadd.s32 $0x10, s22;
	(xrf1) =	vsort.dscd.msk.f32 $0xffff, v20, v14;
	v14 =	vsel vm15, v21, v18;
	v20 =	vsel vm15, v22, v17  }
0x4af: {  	s1 =	sand.u32 $0xFFFFFFF0, s22;
	(xrf1) =	vsort.ascd.msk.f32 $0xffff, v14, v20  }
0x4b0: {  	s23 =	sadd.s32 $0xFFFFFFFF, s23;
	p1 =	por $0x1, $0x1;
	v14 =	vld [tilespmem:s1+$0x18D00]  }
.LBB2_90:
0x4b1: {  	p2 =	sne.s32 s23, $0x1;
	_ =	sdelay $0x6  }
0x4b2: {  	v20 =	vld.idx.msk [tilespmem:v14+s11+$0x0], $0xffff;
	_ =	sdelay $0x3  }
0x4b3: {  	vm0 =	vgt.s32 v13, s22;
	vm1 =	vne.s32 v14, $0xFFFFFFFF;
	v21, v22, _ =	vpop (xrf1)  }
.Ltmp61:
0x4b4: {  	vm0 =	vmand vm0, vm1;
	v23, v24, _ =	vpop (xrf1);
	(pc) =	sbr.rel @p2 .LBB2_90-.Ltmp61, $4  }
0x4b5: {  	v20 =	vnsel vm0, $0xFF800000, v20;
	vm0 =	vgt.f32 v21, v23  }
0x4b6: {  	s22 =	sadd.s32 $0x10, s22;
	(xrf1) =	vsort.dscd.msk.f32 $0xffff, v20, v14;
	v14 =	vsel vm0, v21, v23;
	v20 =	vsel vm0, v22, v24  }
0x4b7: {  	s1 =	sand.u32 $0xFFFFFFF0, s22;
	(xrf1) =	vsort.ascd.msk.f32 $0xffff, v14, v20  }
0x4b8: {  	s23 =	sadd.s32 $0xFFFFFFFF, s23;
	v14 =	vld [tilespmem:s1+$0x18D00]  }
.LBB2_91:
0x4b9: {  	_ =	sdelay $0x8  }
0x4ba: {  	v20 =	vld.idx.msk [tilespmem:v14+s11+$0x0], $0xffff;
	_ =	sdelay $0x1  }
0x4bb: {  	v21, v22, _ =	vpop @p0 (xrf1)  }
0x4bc: {  	vm0 =	vgt.s32 v13, s22;
	vm1 =	vne.s32 v14, $0xFFFFFFFF;
	v13, v23, _ =	vpop @p1 (xrf1)  }
0x4bd: {  	vm0 =	vmand vm0, vm1;
	v13 =	vpsel p1, v13, v18  }
0x4be: {  	v20 =	vnsel vm0, $0xFF800000, v20;
	v23 =	vpsel p1, v23, v17;
	vm0 =	vgt.f32 @p0 v21, v13  }
0x4bf: {  	(xrf1) =	vsort.dscd.msk.f32 $0xffff, v20, v14;
	v13 =	vsel @p0 vm0, v21, v13;
	v14 =	vsel @p0 vm0, v22, v23  }
0x4c0: {  	(xrf1) =	vsort.ascd.msk.f32 @p0 $0xffff, v13, v14;
	_ =	sdelay $0xc  }
0x4c1: {  	v13, v14, _ =	vpop (xrf1)  }
0x4c2: {  	v20, v21, _ =	vpop @p0 (xrf1)  }
0x4c3: {  	v18 =	vpsel p0, v20, v18  }
0x4c4: {  	v17 =	vpsel p0, v21, v17;
	vm15 =	vgt.f32 v13, v18  }
0x4c5: {  	v13 =	vsel vm15, v13, v18;
	v14 =	vsel vm15, v14, v17  }
0x4c6: {  	(xrf1) =	vsort.ascd.msk.f32 $0xffff, v13, v14;
	_ =	sdelay $0xd  }
0x4c7: {  	v18, v17, _ =	vpop (xrf1)  }
.LBB2_92:
0x4c8: {  	v8 =	vadd.s32 v8, v19  }
0x4c9: {  	v13 =	vxor.u32 $0x80000000, v8  }
0x4ca: {  	(xrf0) =	vmax.scan.msk.u32 $0xffff, v13;
	_ =	sdelay $0x5  }
0x4cb: {  	v13, _, _ =	vpop (xrf0)  }
0x4cc: {  	(v2sf) =	vpush v13, $0xF;
	_ =	sdelay $0xe  }
0x4cd: {  	s1 =	spop (v2sf)  }
0x4ce: {  	s22 =	sxor.u32 $0x80000000, s1  }
0x4cf: {  	p1 =	sgt.s32 s1, $0xFFFFFFFF;
	s1 =	sand.u32 $0xF, s1;
	p0 =	slt.s32 s22, $0x1  }
0x4d0: {  	s23 =	sshra.s32 s22, $0x1F;
	p6 =	sne.s32 s1, $0x0;
	p0 =	por p1, p0  }
0x4d1: {  	s31 =	sshrl.u32 s23, $0x1C;
	p0 =	por !p6, !p0  }
0x4d2: {  	s1 =	sadd.s32 s31, s22;
	s22 =	simm.s32 $0x1;
	p0 =	por !p0, !p0  }
0x4d3: {  	s1 =	sshra.s32 s1, $0x4;
	s22 =	simm.s32 @!p0 $0x0  }
0x4d4: {  	s23 =	ssub.s32 s1, s22  }
0x4d5: {  	p0 =	slt.s32 s23, $0x1  }
.Ltmp62:
0x4d6: {  	_ = 	snop;
	(pc) =	sbr.rel @p0 .LBB2_100-.Ltmp62, $2  }
0x4d7: {  	_ =	sdelay $0x2  }
0x4d8: {  	s22 =	simm.s32 $0x0  }
0x4d9: {  	p2 =	sne.s32 s23, $0x1  }
.Ltmp63:
0x4da: {  	s1 =	sand.u32 $0xFFFFFFF0, s22;
	(pc) =	sbr.rel @!p2 .LBB2_94-.Ltmp63, $2  }
0x4db: {  	v13 =	vld [tilespmem:s1+$0x18F00];
	_ =	sdelay $0x2  }
0x4dc: {  	s23 =	sadd.s32 $0xFFFFFFFF, s23;
	p0 =	por $0x0, $0x0;
	p1 =	por $0x0, $0x0  }
0x4dd: {  	_ =	sdelay $0x4  }
0x4de: {  	v14 =	vld.idx.msk [tilespmem:v13+s11+$0x0], $0xffff;
	_ =	sdelay $0x2  }
0x4df: {  	vm0 =	vgt.s32 v8, s22;
	vm1 =	vne.s32 v13, $0xFFFFFFFF  }
0x4e0: {  	vm0 =	vmand vm0, vm1  }
0x4e1: {  	v14 =	vnsel vm0, $0xFF800000, v14  }
0x4e2: {  	(xrf1) =	vsort.dscd.msk.f32 $0xffff, v14, v13;
	_ =	sdelay $0x1  }
0x4e3: {  	s22 =	sadd.s32 $0x10, s22;
	p2 =	sne.s32 s23, $0x1  }
.Ltmp64:
0x4e4: {  	s1 =	sand.u32 $0xFFFFFFF0, s22;
	(pc) =	sbr.rel @!p2 .LBB2_96-.Ltmp64, $2  }
0x4e5: {  	v13 =	vld [tilespmem:s1+$0x18F00];
	_ =	sdelay $0x2  }
0x4e6: {  	s23 =	sadd.s32 $0xFFFFFFFF, s23;
	p0 =	por $0x1, $0x1  }
0x4e7: {  	_ =	sdelay $0x4  }
0x4e8: {  	v14 =	vld.idx.msk [tilespmem:v13+s11+$0x0], $0xffff;
	_ =	sdelay $0x2  }
0x4e9: {  	vm0 =	vgt.s32 v8, s22;
	vm1 =	vne.s32 v13, $0xFFFFFFFF  }
0x4ea: {  	vm0 =	vmand vm0, vm1;
	v19, v20, _ =	vpop (xrf1)  }
0x4eb: {  	v14 =	vnsel vm0, $0xFF800000, v14;
	vm15 =	vgt.f32 v19, v18  }
0x4ec: {  	(xrf1) =	vsort.dscd.msk.f32 $0xffff, v14, v13;
	v13 =	vsel vm15, v19, v18;
	v14 =	vsel vm15, v20, v17  }
0x4ed: {  	(xrf1) =	vsort.ascd.msk.f32 $0xffff, v13, v14  }
0x4ee: {  	s22 =	sadd.s32 $0x10, s22;
	p2 =	sne.s32 s23, $0x1  }
.Ltmp65:
0x4ef: {  	s1 =	sand.u32 $0xFFFFFFF0, s22;
	(pc) =	sbr.rel @!p2 .LBB2_99-.Ltmp65, $2  }
0x4f0: {  	v13 =	vld [tilespmem:s1+$0x18F00];
	_ =	sdelay $0x2  }
0x4f1: {  	s23 =	sadd.s32 $0xFFFFFFFF, s23;
	p1 =	por $0x1, $0x1  }
.LBB2_98:
0x4f2: {  	p2 =	sne.s32 s23, $0x1;
	_ =	sdelay $0x6  }
0x4f3: {  	v14 =	vld.idx.msk [tilespmem:v13+s11+$0x0], $0xffff;
	_ =	sdelay $0x3  }
0x4f4: {  	vm0 =	vgt.s32 v8, s22;
	vm1 =	vne.s32 v13, $0xFFFFFFFF;
	v19, v20, _ =	vpop (xrf1)  }
.Ltmp66:
0x4f5: {  	vm0 =	vmand vm0, vm1;
	v21, v22, _ =	vpop (xrf1);
	(pc) =	sbr.rel @p2 .LBB2_98-.Ltmp66, $4  }
0x4f6: {  	v14 =	vnsel vm0, $0xFF800000, v14;
	vm0 =	vgt.f32 v19, v21  }
0x4f7: {  	s22 =	sadd.s32 $0x10, s22;
	(xrf1) =	vsort.dscd.msk.f32 $0xffff, v14, v13;
	v13 =	vsel vm0, v19, v21;
	v14 =	vsel vm0, v20, v22  }
0x4f8: {  	s1 =	sand.u32 $0xFFFFFFF0, s22;
	(xrf1) =	vsort.ascd.msk.f32 $0xffff, v13, v14  }
0x4f9: {  	s23 =	sadd.s32 $0xFFFFFFFF, s23;
	v13 =	vld [tilespmem:s1+$0x18F00]  }
.Ltmp67:
0x4fa: {  	_ = 	snop;
	(pc) =	sbr.rel .LBB2_99-.Ltmp67, $1  }
0x4fb: {  	_ =	sdelay $0x3  }
.LBB2_14:
.Ltmp68:
0x4fc: {  	(pc) =	sbr.rel .LBB2_19-.Ltmp68, $2  }
0x4fd: {  	_ =	sdelay $0x2  }
0x4fe: {  	s22 =	simm.s32 $0x0  }
.LBB2_22:
.Ltmp69:
0x4ff: {  	(pc) =	sbr.rel .LBB2_27-.Ltmp69, $2  }
0x500: {  	_ =	sdelay $0x2  }
0x501: {  	_ = 	snop  }
.LBB2_30:
.Ltmp70:
0x502: {  	(pc) =	sbr.rel .LBB2_35-.Ltmp70, $2  }
0x503: {  	_ =	sdelay $0x2  }
0x504: {  	_ = 	snop  }
.LBB2_38:
.Ltmp71:
0x505: {  	(pc) =	sbr.rel .LBB2_43-.Ltmp71, $2  }
0x506: {  	_ =	sdelay $0x2  }
0x507: {  	_ = 	snop  }
.LBB2_46:
.Ltmp72:
0x508: {  	(pc) =	sbr.rel .LBB2_51-.Ltmp72, $2  }
0x509: {  	_ =	sdelay $0x2  }
0x50a: {  	_ = 	snop  }
.LBB2_62:
.Ltmp73:
0x50b: {  	(pc) =	sbr.rel .LBB2_67-.Ltmp73, $2  }
0x50c: {  	_ =	sdelay $0x2  }
0x50d: {  	s23 =	simm.s32 $0x0  }
.LBB2_70:
.Ltmp74:
0x50e: {  	(pc) =	sbr.rel .LBB2_75-.Ltmp74, $2  }
0x50f: {  	_ =	sdelay $0x2  }
0x510: {  	_ = 	snop  }
.LBB2_78:
.Ltmp75:
0x511: {  	(pc) =	sbr.rel .LBB2_83-.Ltmp75, $2  }
0x512: {  	_ =	sdelay $0x2  }
0x513: {  	_ = 	snop  }
.LBB2_86:
.Ltmp76:
0x514: {  	(pc) =	sbr.rel .LBB2_91-.Ltmp76, $2  }
0x515: {  	_ =	sdelay $0x2  }
0x516: {  	_ = 	snop  }
.LBB2_16:
.Ltmp77:
0x517: {  	(pc) =	sbr.rel .LBB2_19-.Ltmp77, $2  }
0x518: {  	_ =	sdelay $0x2  }
0x519: {  	s22 =	simm.s32 $0x0  }
.LBB2_24:
.Ltmp78:
0x51a: {  	(pc) =	sbr.rel .LBB2_27-.Ltmp78, $2  }
0x51b: {  	_ =	sdelay $0x2  }
0x51c: {  	_ = 	snop  }
.LBB2_32:
.Ltmp79:
0x51d: {  	(pc) =	sbr.rel .LBB2_35-.Ltmp79, $2  }
0x51e: {  	_ =	sdelay $0x2  }
0x51f: {  	_ = 	snop  }
.LBB2_40:
.Ltmp80:
0x520: {  	(pc) =	sbr.rel .LBB2_43-.Ltmp80, $2  }
0x521: {  	_ =	sdelay $0x2  }
0x522: {  	_ = 	snop  }
.LBB2_48:
.Ltmp81:
0x523: {  	(pc) =	sbr.rel .LBB2_51-.Ltmp81, $2  }
0x524: {  	_ =	sdelay $0x2  }
0x525: {  	_ = 	snop  }
.LBB2_64:
.Ltmp82:
0x526: {  	(pc) =	sbr.rel .LBB2_67-.Ltmp82, $2  }
0x527: {  	_ =	sdelay $0x2  }
0x528: {  	s23 =	simm.s32 $0x0  }
.LBB2_72:
.Ltmp83:
0x529: {  	(pc) =	sbr.rel .LBB2_75-.Ltmp83, $2  }
0x52a: {  	_ =	sdelay $0x2  }
0x52b: {  	_ = 	snop  }
.LBB2_80:
.Ltmp84:
0x52c: {  	(pc) =	sbr.rel .LBB2_83-.Ltmp84, $2  }
0x52d: {  	_ =	sdelay $0x2  }
0x52e: {  	_ = 	snop  }
.LBB2_88:
.Ltmp85:
0x52f: {  	(pc) =	sbr.rel .LBB2_91-.Ltmp85, $2  }
0x530: {  	_ =	sdelay $0x2  }
0x531: {  	_ = 	snop  }
.LBB2_96:
.Ltmp86:
0x532: {  	(pc) =	sbr.rel .LBB2_99-.Ltmp86, $2  }
0x533: {  	_ =	sdelay $0x2  }
0x534: {  	_ = 	snop  }
.LBB2_102:
0x535: {  	_ =	sfence.sel $0x180000  }
0x536: {  	[bflag:$0x0] =	sbarrier.arrive $0xFFFF  }
0x537: {  	_ =	strace $0x90000047  }
0x538: {  	[bflag:$0x2] =	sbarrier.arrive $0xFFFF  }
0x539: {  	p0 =	sne.s32 s0, $0x0;
	s0 =	rddreg [dreg:$0x1]  }
0x53a: {  	s0 =	sadd.s32 @!p0 $0x100000, s0  }
0x53b: {  	[sflag:s0] =	ssyncadd.tile.s32 @!p0 $0x1;
	_ =	shalt  }
.Lfunc_end2:
_tile_overlayer_lowered:
.L_overlay_start_2:
0x53c: {  	(tag) =	ssettag $0x2  }
0x53d: {  	s0 =	rddreg [dreg:$0x0];
	s2 =	stileid.u32  }
0x53e: {  	s1 =	rddreg [dreg:$0x1];
	p0 =	sne.s32 s2, $0x0  }
0x53f: {  	s3 =	rddreg [dreg:$0x2];
	[bflag:$0x3] =	sbarrier.arrive $0xFFFF;
	s2 =	simm.s32 @!p0 $0x1C03  }
0x540: {  	[timem:s3], [sflag:s2] =	dma.local @!p0 [hbm:s0], s1  }
0x541: {  	s0 =	simm.s32 @!p0 $0x3  }
0x542: {  	_ =	swait.ge @!p0 [sflag:s0], s1  }
0x543: {  	s1 =	ssub.s32 @!p0 $0x0, s1;
	[sflag:s0] =	ssyncset.done @!p0 $0x0  }
0x544: {  	[sflag:s0] =	ssyncadd.s32 @!p0 s1  }
0x545: {  	[bflag:$0x3] =	sbarrier.arrive $0xFFFF  }
0x546: {  	_ =	shalt  }

</sc_bundles>
